<compile_context>
chip_gen: v7x
topology: tpu7x:2x2x1
jax: 0.10.2.dev20260603
libtpu: 0.0.44.dev20260713+nightly
codegen_flags: <defaults>
</compile_context>

<pallas_src>
import functools

import jax
import jax.numpy as jnp
import numpy as np
from jax import lax
from jax.experimental import pallas as pl
from jax.experimental.pallas import tpu as pltpu
from jax.experimental.pallas import tpu_sc as plsc

_FILLER = np.float32(10.1)

_B = 16
_N = 2048 * 512
_CH = 8192
_NCHUNK = _N // _CH
_L = 16
_CU = 8
_RW = 4096
_SEG = _N // 16
_NRECT = _SEG // _RW


def _make_compact():
    mesh = plsc.VectorSubcoreMesh(core_axis_name="c", subcore_axis_name="s")

    @functools.partial(
        pl.kernel,
        mesh=mesh,
        out_type=(
            jax.ShapeDtypeStruct((_B, _N), jnp.float32),
            jax.ShapeDtypeStruct((_B * _N,), jnp.float32),
        ),
        compiler_params=pltpu.CompilerParams(needs_layout_passes=False),
        scratch_types=[
            pltpu.VMEM((_CH,), jnp.float32),
            pltpu.VMEM((_CH,), jnp.float32),
            pltpu.VMEM((2 * _CH + 2 * _L,), jnp.float32),
            pltpu.VMEM((8, _RW), jnp.float32),
            pltpu.VMEM((8, _RW), jnp.float32),
            pltpu.VMEM((_L,), jnp.int32),
            pltpu.VMEM((16 * _L,), jnp.int32),
            pltpu.VMEM_SHARED((16 * _L,), jnp.int32),
            pltpu.SemaphoreType.DMA,
            pltpu.SemaphoreType.DMA,
            pltpu.SemaphoreType.DMA,
            pltpu.SemaphoreType.DMA,
            pltpu.SemaphoreType.DMA,
            pltpu.SemaphoreType.DMA,
            pltpu.SemaphoreType.DMA,
            pltpu.SemaphoreType.DMA,
        ],
    )
    def compact(x_hbm, out_hbm, scr_hbm, buf0, buf1, stage,
                rect0, rect1, bounce, allcnt, counts_sh,
                is0, is1, os0, os1, ri0, ri1, ro0, ro1):
        bufs = (buf0, buf1)
        isems = (is0, is1)
        osems = (os0, os1)
        rects = (rect0, rect1)
        risems = (ri0, ri1)
        rosems = (ro0, ro1)
        c = lax.axis_index("c")
        s = lax.axis_index("s")

        rbase = c * 8
        colbase = s * _SEG
        iota16 = lax.iota(jnp.int32, _L)

        def row_off(r, t):
            return pl.multiple_of((rbase + r) * _N + colbase + t * _RW, _RW)

        def rect_in_wait(b):
            for r in range(8):
                pltpu.make_async_copy(scr_hbm.at[pl.ds(0, _RW)],
                                      rects[b].at[r], risems[b]).wait()

        def rect_out(t, b):
            pltpu.async_copy(
                rects[b],
                out_hbm.at[pl.ds(pl.multiple_of(rbase, 8), 8),
                           pl.ds(pl.multiple_of(colbase + t * _RW, _RW),
                                 _RW)],
                rosems[b])

        def rect_out_wait(b):
            pltpu.make_async_copy(
                rects[b],
                out_hbm.at[pl.ds(0, 8), pl.ds(0, _RW)],
                rosems[b]).wait()

        def rect_in_x(t, b):
            for r in range(8):
                pltpu.async_copy(x_hbm.at[pl.ds(row_off(r, t), _RW)],
                                 rects[b].at[r], risems[b])

        def count_rect(rect, accs):
            def cb(j, a):
                a = list(a)
                for r in range(8):
                    v = rect[r, pl.ds(j * _L, _L)]
                    a[r] = a[r] + jnp.where(v != _FILLER, jnp.int32(1),
                                            jnp.int32(0))
                return tuple(a)

            return lax.fori_loop(0, _RW // _L, cb, accs)

        rect_in_x(0, 0)
        zero = jnp.zeros((_L,), jnp.int32)

        @pl.loop(0, _NRECT, step=2, init_carry=tuple(zero for _ in range(8)))
        def accs(t0, accs_c):
            for p in range(2):
                t = t0 + p
                b = p
                nb = 1 - p
                rect_in_wait(b)
                rect_out(t, b)
                accs_c = count_rect(rects[b], accs_c)

                @pl.when(t + 1 < _NRECT)
                def _():
                    @pl.when(t >= 1)
                    def _():
                        rect_out_wait(nb)
                    rect_in_x(t + 1, nb)
            return accs_c

        rect_out_wait(0)
        rect_out_wait(1)

        pack = jnp.zeros((_L,), jnp.int32)
        for r in range(8):
            pack = jnp.where(iota16 == r, jnp.sum(accs[r]), pack)
        bounce[pl.ds(0, _L)] = pack
        pltpu.sync_copy(bounce, counts_sh.at[pl.ds(s * _L, _L)])
        plsc.subcore_barrier()

        pltpu.sync_copy(counts_sh, allcnt)
        total_vec = jnp.zeros((_L,), jnp.int32)
        for i in range(16):
            total_vec = total_vec + allcnt[pl.ds(i * _L, _L)]
        flags = [total_vec[r] == _N for r in range(8)]
        clean = flags[0]
        for r in range(1, 8):
            clean = jnp.logical_and(clean, flags[r])
        any_dirty = jnp.logical_not(clean)

        @pl.when(jnp.logical_and(s < 8, any_dirty))
        def _phaseB():
            row = c * 8 + s
            base = pl.multiple_of(row * _N, _CH)
            dirty_mine = jnp.logical_not(
                jnp.sum(jnp.where(iota16 == s, total_vec, 0)) == _N)

            @pl.when(dirty_mine)
            def _compact_row():
                def in_slice(k):
                    return x_hbm.at[
                        pl.ds(pl.multiple_of(base + k * _CH, _CH), _CH)]

                def out_slice(woff):
                    return scr_hbm.at[
                        pl.ds(pl.multiple_of(base + woff, _CH), _CH)]

                def count_chunk(buf):
                    def cb(j, a4):
                        a4 = list(a4)
                        for u in range(_CU):
                            v = buf[pl.ds((j * _CU + u) * _L, _L)]
                            a4[u % 4] = a4[u % 4] + jnp.where(
                                v != _FILLER, jnp.int32(1), jnp.int32(0))
                        return tuple(a4)

                    a0, a1, a2, a3 = lax.fori_loop(
                        0, _CH // (_CU * _L), cb, (zero, zero, zero, zero))
                    return jnp.sum(a0 + a1 + a2 + a3)

                def make_inner(buf):
                    def inner(j, fill):
                        v = buf[pl.ds(j * _L, _L)]
                        m = v != _FILLER
                        plsc.store_compressed(stage.at[pl.ds(fill, _L)], v,
                                              mask=m)
                        cnt = plsc.all_reduce_population_count(m)[0]
                        return fill + cnt
                    return inner

                pltpu.async_copy(in_slice(0), bufs[0], isems[0])

                def process(k, b, carry):
                    fill, woff, pend = carry
                    nb = 1 - b
                    @pl.when(pend[nb] == 1)
                    def _():
                        pltpu.make_async_copy(bufs[nb], out_slice(0),
                                              osems[nb]).wait()
                    pend = tuple(jnp.int32(0) if i == nb else p
                                 for i, p in enumerate(pend))

                    if b == 1:
                        @pl.when(k + 1 < _NCHUNK)
                        def _():
                            pltpu.async_copy(in_slice(k + 1), bufs[nb],
                                             isems[nb])
                    else:
                        pltpu.async_copy(in_slice(k + 1), bufs[nb],
                                         isems[nb])

                    pltpu.make_async_copy(in_slice(k), bufs[b],
                                          isems[b]).wait()

                    cnt = count_chunk(bufs[b])
                    fast = jnp.logical_and(cnt == _CH, fill == 0)

                    def fast_fn(fill, woff):
                        pltpu.async_copy(bufs[b], out_slice(woff), osems[b])
                        return fill, woff + _CH, jnp.int32(1)

                    def slow_fn(fill, woff):
                        fill = lax.fori_loop(0, _CH // _L,
                                             make_inner(bufs[b]), fill)

                        @pl.when(fill >= _CH)
                        def _flush():
                            pltpu.sync_copy(stage.at[pl.ds(0, _CH)],
                                            out_slice(woff))
                            nmove = (fill - _CH + _L - 1) // _L

                            def mv(j, _):
                                stage[pl.ds(j * _L, _L)] = (
                                    stage[pl.ds(_CH + j * _L, _L)])
                                return 0

                            lax.fori_loop(0, nmove, mv, 0)

                        do = fill >= _CH
                        fill = jnp.where(do, fill - _CH, fill)
                        woff = jnp.where(do, woff + _CH, woff)
                        return fill, woff, jnp.int32(0)

                    fill, woff, pb = lax.cond(fast, fast_fn, slow_fn,
                                              fill, woff)
                    pend = tuple(pb if i == b else p
                                 for i, p in enumerate(pend))
                    return fill, woff, pend

                init = (jnp.int32(0), jnp.int32(0),
                        (jnp.int32(0), jnp.int32(0)))

                @pl.loop(0, _NCHUNK, step=2, init_carry=init)
                def group(k0, carry):
                    for b in range(2):
                        carry = process(k0 + b, b, carry)
                    return carry

                fill, woff, pend = group

                for b in range(2):
                    @pl.when(pend[b] == 1)
                    def _(b=b):
                        pltpu.make_async_copy(bufs[b], out_slice(0),
                                              osems[b]).wait()

                @pl.when(woff < _N)
                def _tail():
                    def pad(j, _):
                        idx = j * _L + iota16
                        v = stage[pl.ds(j * _L, _L)]
                        stage[pl.ds(j * _L, _L)] = jnp.where(
                            idx >= fill, _FILLER, v)
                        return 0

                    lax.fori_loop(0, _CH // _L, pad, 0)
                    pltpu.sync_copy(stage.at[pl.ds(0, _CH)],
                                    out_slice(woff))

                    def fillbuf(j, _):
                        buf0[pl.ds(j * _L, _L)] = jnp.full((_L,), _FILLER)
                        return 0

                    lax.fori_loop(0, _CH // _L, fillbuf, 0)

                    def more(woff2):
                        pltpu.sync_copy(bufs[0], out_slice(woff2))
                        return woff2 + _CH

                    lax.while_loop(lambda w2: w2 < _N, more, woff + _CH)

        @pl.when(any_dirty)
        def _phaseC():
            plsc.subcore_barrier()

            def rect_in_mixed(t, b):
                for r in range(8):
                    @pl.when(flags[r])
                    def _(r=r, b=b, t=t):
                        pltpu.async_copy(
                            x_hbm.at[pl.ds(row_off(r, t), _RW)],
                            rects[b].at[r], risems[b])

                    @pl.when(jnp.logical_not(flags[r]))
                    def _(r=r, b=b, t=t):
                        pltpu.async_copy(
                            scr_hbm.at[pl.ds(row_off(r, t), _RW)],
                            rects[b].at[r], risems[b])

            rect_in_mixed(0, 0)

            @pl.loop(0, _NRECT, step=2)
            def rloop(t0):
                for p in range(2):
                    t = t0 + p
                    b = p
                    nb = 1 - p
                    rect_in_wait(b)
                    rect_out(t, b)

                    @pl.when(t + 1 < _NRECT)
                    def _():
                        @pl.when(t >= 1)
                        def _():
                            rect_out_wait(nb)
                        rect_in_mixed(t + 1, nb)

            rect_out_wait(0)
            rect_out_wait(1)

    return compact


_compact = _make_compact()


def kernel(x1, x2, x3):
    x = x3.reshape(_B * _N)
    out, _scr = _compact(x)
    return out

# --- scband reference (transcript-rebuilt; emitter-appended) ---
"""Pipeline reference for scband-wavelet-parsing-layer-56160992362528 (READ-ONLY COPY).

The authoritative reference and input builder live on the scoring server;
editing this copy changes nothing except your own understanding.
"""

import jax, jax.numpy as jnp
import numpy as np

FILLER_VALUE = 10.1


def setup_inputs(seed: int = 0) -> dict:
    key = jax.random.key(seed)
    k1, k2, k3 = jax.random.split(key, 3)
    x1 = jax.random.normal(k1, (16, 2048, 128), dtype=jnp.float32)
    x2 = jax.random.normal(k2, (16, 1024, 128), dtype=jnp.float32)
    x3 = jax.random.normal(k3, (16, 2048, 512), dtype=jnp.float32)
    return {"x1": x1, "x2": x2, "x3": x3}


def reference(x1, x2, x3):
    # Faithful translation of WaveletParsingLayer.forward: only x3 is consumed.
    batch_size = x3.shape[0]
    x3_flat_with_padding = x3.reshape(batch_size, -1)
    non_filler_mask = jnp.not_equal(x3_flat_with_padding, FILLER_VALUE)
    counts = non_filler_mask.sum(axis=1)
    # masked_select equivalent with fixed shapes: stable partition of kept
    # elements to the front, then a static-width slice per row.
    n_keep = x3_flat_with_padding.shape[1]
    order = jnp.argsort(jnp.logical_not(non_filler_mask), axis=1, stable=True)
    gathered = jnp.take_along_axis(x3_flat_with_padding, order, axis=1)
    out = gathered[:, :n_keep]
    return out

if __name__ == "__main__":
    import jax
    _d = setup_inputs()
    print(jax.jit(kernel)(*tuple(_d.values())))

</pallas_src>

<mosaic_0001>
#map = affine_map<(d0, d1) -> (0)>
#map1 = affine_map<(d0, d1) -> (0, 0)>
module attributes {stable_mosaic.version = 14 : i64} {
  func.func @compact(%arg0: i32, %arg1: i32, %arg2: memref<16777216xf32, #tpu.memory_space<hbm>>, %arg3: memref<16x1048576xf32, #tpu.memory_space<hbm>>, %arg4: memref<16777216xf32, #tpu.memory_space<hbm>>, %arg5: memref<8192xf32, #tpu.memory_space<vmem>>, %arg6: memref<8192xf32, #tpu.memory_space<vmem>>, %arg7: memref<16416xf32, #tpu.memory_space<vmem>>, %arg8: memref<8x4096xf32, #tpu.memory_space<vmem>>, %arg9: memref<8x4096xf32, #tpu.memory_space<vmem>>, %arg10: memref<16xi32, #tpu.memory_space<vmem>>, %arg11: memref<256xi32, #tpu.memory_space<vmem>>, %arg12: memref<256xi32, #tpu.memory_space<vmem_shared>>, %arg13: memref<!tpu.dma_semaphore, #tpu.memory_space<semaphore_mem>>, %arg14: memref<!tpu.dma_semaphore, #tpu.memory_space<semaphore_mem>>, %arg15: memref<!tpu.dma_semaphore, #tpu.memory_space<semaphore_mem>>, %arg16: memref<!tpu.dma_semaphore, #tpu.memory_space<semaphore_mem>>, %arg17: memref<!tpu.dma_semaphore, #tpu.memory_space<semaphore_mem>>, %arg18: memref<!tpu.dma_semaphore, #tpu.memory_space<semaphore_mem>>, %arg19: memref<!tpu.dma_semaphore, #tpu.memory_space<semaphore_mem>>, %arg20: memref<!tpu.dma_semaphore, #tpu.memory_space<semaphore_mem>>) attributes {dimension_semantics = [#tpu.dimension_semantics<core_parallel>, #tpu.dimension_semantics<subcore_parallel>], iteration_bounds = array<i64: 2, 16>, scalar_prefetch = 0 : i64, scratch_operands = 16 : i64, tpu.core_type = #tpu.core_type<sc_vector_subcore>, window_params = [{transform_indices = #map}, {transform_indices = #map1}, {transform_indices = #map}]} {
    %mul3A = arith.constant 8 : i32
    %mul3A_0 = arith.muli %arg0, %mul3A : i32
    %mul3A_1 = arith.constant 65536 : i32
    %mul3A_2 = arith.muli %arg1, %mul3A_1 : i32
    %iota3A = tpu.iota {dimensions = array<i32: 0>} : vector<16xi32>
    %add3A = arith.constant 0 : i32
    %add3A_3 = arith.addi %mul3A_0, %add3A : i32
    %mul3A_4 = arith.constant 1048576 : i32
    %mul3A_5 = arith.muli %add3A_3, %mul3A_4 : i32
    %add3A_6 = arith.addi %mul3A_5, %mul3A_2 : i32
    %add3A_7 = arith.constant 0 : i32
    %add3A_8 = arith.addi %add3A_6, %add3A_7 : i32
    %multiple_of3A = tpu.assume_multiple %add3A_8, 4096 : i32
    %dma_start3A = arith.constant 0 : i32
    %dma_start3A_9 = arith.constant 0 : i32
    %dma_start3A_10 = tpu.memref_slice %arg8[%dma_start3A, %dma_start3A_9] : memref<8x4096xf32, #tpu.memory_space<vmem>> -> memref<1x4096xf32, #tpu.memory_space<vmem>>
    %dma_start3A_11 = tpu.memref_squeeze %dma_start3A_10 : memref<1x4096xf32, #tpu.memory_space<vmem>> -> memref<4096xf32, #tpu.memory_space<vmem>>
    %dma_start3A_12 = tpu.memref_slice %arg2[%multiple_of3A] : memref<16777216xf32, #tpu.memory_space<hbm>> -> memref<4096xf32, #tpu.memory_space<hbm>>
    %dma_start3A_13 = arith.constant 0 : i32
    %dma_start3A_14 = tpu.memref_slice %arg8[%dma_start3A, %dma_start3A_13] : memref<8x4096xf32, #tpu.memory_space<vmem>> -> memref<1x4096xf32, #tpu.memory_space<vmem>>
    %dma_start3A_15 = tpu.memref_squeeze %dma_start3A_14 : memref<1x4096xf32, #tpu.memory_space<vmem>> -> memref<4096xf32, #tpu.memory_space<vmem>>
    %dma_start3A_16 = tpu.memref_slice %arg2[%multiple_of3A] : memref<16777216xf32, #tpu.memory_space<hbm>> -> memref<4096xf32, #tpu.memory_space<hbm>>
    tpu.enqueue_dma source(%dma_start3A_16 : memref<4096xf32, #tpu.memory_space<hbm>>) target(%dma_start3A_15 : memref<4096xf32, #tpu.memory_space<vmem>>) target_semaphore(%arg17 : memref<!tpu.dma_semaphore, #tpu.memory_space<semaphore_mem>>)
    %add3A_17 = arith.constant 1 : i32
    %add3A_18 = arith.addi %mul3A_0, %add3A_17 : i32
    %mul3A_19 = arith.constant 1048576 : i32
    %mul3A_20 = arith.muli %add3A_18, %mul3A_19 : i32
    %add3A_21 = arith.addi %mul3A_20, %mul3A_2 : i32
    %add3A_22 = arith.constant 0 : i32
    %add3A_23 = arith.addi %add3A_21, %add3A_22 : i32
    %multiple_of3A_24 = tpu.assume_multiple %add3A_23, 4096 : i32
    %dma_start3A_25 = arith.constant 1 : i32
    %dma_start3A_26 = arith.constant 0 : i32
    %dma_start3A_27 = tpu.memref_slice %arg8[%dma_start3A_25, %dma_start3A_26] : memref<8x4096xf32, #tpu.memory_space<vmem>> -> memref<1x4096xf32, #tpu.memory_space<vmem>>
    %dma_start3A_28 = tpu.memref_squeeze %dma_start3A_27 : memref<1x4096xf32, #tpu.memory_space<vmem>> -> memref<4096xf32, #tpu.memory_space<vmem>>
    %dma_start3A_29 = tpu.memref_slice %arg2[%multiple_of3A_24] : memref<16777216xf32, #tpu.memory_space<hbm>> -> memref<4096xf32, #tpu.memory_space<hbm>>
    %dma_start3A_30 = arith.constant 0 : i32
    %dma_start3A_31 = tpu.memref_slice %arg8[%dma_start3A_25, %dma_start3A_30] : memref<8x4096xf32, #tpu.memory_space<vmem>> -> memref<1x4096xf32, #tpu.memory_space<vmem>>
    %dma_start3A_32 = tpu.memref_squeeze %dma_start3A_31 : memref<1x4096xf32, #tpu.memory_space<vmem>> -> memref<4096xf32, #tpu.memory_space<vmem>>
    %dma_start3A_33 = tpu.memref_slice %arg2[%multiple_of3A_24] : memref<16777216xf32, #tpu.memory_space<hbm>> -> memref<4096xf32, #tpu.memory_space<hbm>>
    tpu.enqueue_dma source(%dma_start3A_33 : memref<4096xf32, #tpu.memory_space<hbm>>) target(%dma_start3A_32 : memref<4096xf32, #tpu.memory_space<vmem>>) target_semaphore(%arg17 : memref<!tpu.dma_semaphore, #tpu.memory_space<semaphore_mem>>)
    %add3A_34 = arith.constant 2 : i32
    %add3A_35 = arith.addi %mul3A_0, %add3A_34 : i32
    %mul3A_36 = arith.constant 1048576 : i32
    %mul3A_37 = arith.muli %add3A_35, %mul3A_36 : i32
    %add3A_38 = arith.addi %mul3A_37, %mul3A_2 : i32
    %add3A_39 = arith.constant 0 : i32
    %add3A_40 = arith.addi %add3A_38, %add3A_39 : i32
    %multiple_of3A_41 = tpu.assume_multiple %add3A_40, 4096 : i32
    %dma_start3A_42 = arith.constant 2 : i32
    %dma_start3A_43 = arith.constant 0 : i32
    %dma_start3A_44 = tpu.memref_slice %arg8[%dma_start3A_42, %dma_start3A_43] : memref<8x4096xf32, #tpu.memory_space<vmem>> -> memref<1x4096xf32, #tpu.memory_space<vmem>>
    %dma_start3A_45 = tpu.memref_squeeze %dma_start3A_44 : memref<1x4096xf32, #tpu.memory_space<vmem>> -> memref<4096xf32, #tpu.memory_space<vmem>>
    %dma_start3A_46 = tpu.memref_slice %arg2[%multiple_of3A_41] : memref<16777216xf32, #tpu.memory_space<hbm>> -> memref<4096xf32, #tpu.memory_space<hbm>>
    %dma_start3A_47 = arith.constant 0 : i32
    %dma_start3A_48 = tpu.memref_slice %arg8[%dma_start3A_42, %dma_start3A_47] : memref<8x4096xf32, #tpu.memory_space<vmem>> -> memref<1x4096xf32, #tpu.memory_space<vmem>>
    %dma_start3A_49 = tpu.memref_squeeze %dma_start3A_48 : memref<1x4096xf32, #tpu.memory_space<vmem>> -> memref<4096xf32, #tpu.memory_space<vmem>>
    %dma_start3A_50 = tpu.memref_slice %arg2[%multiple_of3A_41] : memref<16777216xf32, #tpu.memory_space<hbm>> -> memref<4096xf32, #tpu.memory_space<hbm>>
    tpu.enqueue_dma source(%dma_start3A_50 : memref<4096xf32, #tpu.memory_space<hbm>>) target(%dma_start3A_49 : memref<4096xf32, #tpu.memory_space<vmem>>) target_semaphore(%arg17 : memref<!tpu.dma_semaphore, #tpu.memory_space<semaphore_mem>>)
    %add3A_51 = arith.constant 3 : i32
    %add3A_52 = arith.addi %mul3A_0, %add3A_51 : i32
    %mul3A_53 = arith.constant 1048576 : i32
    %mul3A_54 = arith.muli %add3A_52, %mul3A_53 : i32
    %add3A_55 = arith.addi %mul3A_54, %mul3A_2 : i32
    %add3A_56 = arith.constant 0 : i32
    %add3A_57 = arith.addi %add3A_55, %add3A_56 : i32
    %multiple_of3A_58 = tpu.assume_multiple %add3A_57, 4096 : i32
    %dma_start3A_59 = arith.constant 3 : i32
    %dma_start3A_60 = arith.constant 0 : i32
    %dma_start3A_61 = tpu.memref_slice %arg8[%dma_start3A_59, %dma_start3A_60] : memref<8x4096xf32, #tpu.memory_space<vmem>> -> memref<1x4096xf32, #tpu.memory_space<vmem>>
    %dma_start3A_62 = tpu.memref_squeeze %dma_start3A_61 : memref<1x4096xf32, #tpu.memory_space<vmem>> -> memref<4096xf32, #tpu.memory_space<vmem>>
    %dma_start3A_63 = tpu.memref_slice %arg2[%multiple_of3A_58] : memref<16777216xf32, #tpu.memory_space<hbm>> -> memref<4096xf32, #tpu.memory_space<hbm>>
    %dma_start3A_64 = arith.constant 0 : i32
    %dma_start3A_65 = tpu.memref_slice %arg8[%dma_start3A_59, %dma_start3A_64] : memref<8x4096xf32, #tpu.memory_space<vmem>> -> memref<1x4096xf32, #tpu.memory_space<vmem>>
    %dma_start3A_66 = tpu.memref_squeeze %dma_start3A_65 : memref<1x4096xf32, #tpu.memory_space<vmem>> -> memref<4096xf32, #tpu.memory_space<vmem>>
    %dma_start3A_67 = tpu.memref_slice %arg2[%multiple_of3A_58] : memref<16777216xf32, #tpu.memory_space<hbm>> -> memref<4096xf32, #tpu.memory_space<hbm>>
    tpu.enqueue_dma source(%dma_start3A_67 : memref<4096xf32, #tpu.memory_space<hbm>>) target(%dma_start3A_66 : memref<4096xf32, #tpu.memory_space<vmem>>) target_semaphore(%arg17 : memref<!tpu.dma_semaphore, #tpu.memory_space<semaphore_mem>>)
    %add3A_68 = arith.constant 4 : i32
    %add3A_69 = arith.addi %mul3A_0, %add3A_68 : i32
    %mul3A_70 = arith.constant 1048576 : i32
    %mul3A_71 = arith.muli %add3A_69, %mul3A_70 : i32
    %add3A_72 = arith.addi %mul3A_71, %mul3A_2 : i32
    %add3A_73 = arith.constant 0 : i32
    %add3A_74 = arith.addi %add3A_72, %add3A_73 : i32
    %multiple_of3A_75 = tpu.assume_multiple %add3A_74, 4096 : i32
    %dma_start3A_76 = arith.constant 4 : i32
    %dma_start3A_77 = arith.constant 0 : i32
    %dma_start3A_78 = tpu.memref_slice %arg8[%dma_start3A_76, %dma_start3A_77] : memref<8x4096xf32, #tpu.memory_space<vmem>> -> memref<1x4096xf32, #tpu.memory_space<vmem>>
    %dma_start3A_79 = tpu.memref_squeeze %dma_start3A_78 : memref<1x4096xf32, #tpu.memory_space<vmem>> -> memref<4096xf32, #tpu.memory_space<vmem>>
    %dma_start3A_80 = tpu.memref_slice %arg2[%multiple_of3A_75] : memref<16777216xf32, #tpu.memory_space<hbm>> -> memref<4096xf32, #tpu.memory_space<hbm>>
    %dma_start3A_81 = arith.constant 0 : i32
    %dma_start3A_82 = tpu.memref_slice %arg8[%dma_start3A_76, %dma_start3A_81] : memref<8x4096xf32, #tpu.memory_space<vmem>> -> memref<1x4096xf32, #tpu.memory_space<vmem>>
    %dma_start3A_83 = tpu.memref_squeeze %dma_start3A_82 : memref<1x4096xf32, #tpu.memory_space<vmem>> -> memref<4096xf32, #tpu.memory_space<vmem>>
    %dma_start3A_84 = tpu.memref_slice %arg2[%multiple_of3A_75] : memref<16777216xf32, #tpu.memory_space<hbm>> -> memref<4096xf32, #tpu.memory_space<hbm>>
    tpu.enqueue_dma source(%dma_start3A_84 : memref<4096xf32, #tpu.memory_space<hbm>>) target(%dma_start3A_83 : memref<4096xf32, #tpu.memory_space<vmem>>) target_semaphore(%arg17 : memref<!tpu.dma_semaphore, #tpu.memory_space<semaphore_mem>>)
    %add3A_85 = arith.constant 5 : i32
    %add3A_86 = arith.addi %mul3A_0, %add3A_85 : i32
    %mul3A_87 = arith.constant 1048576 : i32
    %mul3A_88 = arith.muli %add3A_86, %mul3A_87 : i32
    %add3A_89 = arith.addi %mul3A_88, %mul3A_2 : i32
    %add3A_90 = arith.constant 0 : i32
    %add3A_91 = arith.addi %add3A_89, %add3A_90 : i32
    %multiple_of3A_92 = tpu.assume_multiple %add3A_91, 4096 : i32
    %dma_start3A_93 = arith.constant 5 : i32
    %dma_start3A_94 = arith.constant 0 : i32
    %dma_start3A_95 = tpu.memref_slice %arg8[%dma_start3A_93, %dma_start3A_94] : memref<8x4096xf32, #tpu.memory_space<vmem>> -> memref<1x4096xf32, #tpu.memory_space<vmem>>
    %dma_start3A_96 = tpu.memref_squeeze %dma_start3A_95 : memref<1x4096xf32, #tpu.memory_space<vmem>> -> memref<4096xf32, #tpu.memory_space<vmem>>
    %dma_start3A_97 = tpu.memref_slice %arg2[%multiple_of3A_92] : memref<16777216xf32, #tpu.memory_space<hbm>> -> memref<4096xf32, #tpu.memory_space<hbm>>
    %dma_start3A_98 = arith.constant 0 : i32
    %dma_start3A_99 = tpu.memref_slice %arg8[%dma_start3A_93, %dma_start3A_98] : memref<8x4096xf32, #tpu.memory_space<vmem>> -> memref<1x4096xf32, #tpu.memory_space<vmem>>
    %dma_start3A_100 = tpu.memref_squeeze %dma_start3A_99 : memref<1x4096xf32, #tpu.memory_space<vmem>> -> memref<4096xf32, #tpu.memory_space<vmem>>
    %dma_start3A_101 = tpu.memref_slice %arg2[%multiple_of3A_92] : memref<16777216xf32, #tpu.memory_space<hbm>> -> memref<4096xf32, #tpu.memory_space<hbm>>
    tpu.enqueue_dma source(%dma_start3A_101 : memref<4096xf32, #tpu.memory_space<hbm>>) target(%dma_start3A_100 : memref<4096xf32, #tpu.memory_space<vmem>>) target_semaphore(%arg17 : memref<!tpu.dma_semaphore, #tpu.memory_space<semaphore_mem>>)
    %add3A_102 = arith.constant 6 : i32
    %add3A_103 = arith.addi %mul3A_0, %add3A_102 : i32
    %mul3A_104 = arith.constant 1048576 : i32
    %mul3A_105 = arith.muli %add3A_103, %mul3A_104 : i32
    %add3A_106 = arith.addi %mul3A_105, %mul3A_2 : i32
    %add3A_107 = arith.constant 0 : i32
    %add3A_108 = arith.addi %add3A_106, %add3A_107 : i32
    %multiple_of3A_109 = tpu.assume_multiple %add3A_108, 4096 : i32
    %dma_start3A_110 = arith.constant 6 : i32
    %dma_start3A_111 = arith.constant 0 : i32
    %dma_start3A_112 = tpu.memref_slice %arg8[%dma_start3A_110, %dma_start3A_111] : memref<8x4096xf32, #tpu.memory_space<vmem>> -> memref<1x4096xf32, #tpu.memory_space<vmem>>
    %dma_start3A_113 = tpu.memref_squeeze %dma_start3A_112 : memref<1x4096xf32, #tpu.memory_space<vmem>> -> memref<4096xf32, #tpu.memory_space<vmem>>
    %dma_start3A_114 = tpu.memref_slice %arg2[%multiple_of3A_109] : memref<16777216xf32, #tpu.memory_space<hbm>> -> memref<4096xf32, #tpu.memory_space<hbm>>
    %dma_start3A_115 = arith.constant 0 : i32
    %dma_start3A_116 = tpu.memref_slice %arg8[%dma_start3A_110, %dma_start3A_115] : memref<8x4096xf32, #tpu.memory_space<vmem>> -> memref<1x4096xf32, #tpu.memory_space<vmem>>
    %dma_start3A_117 = tpu.memref_squeeze %dma_start3A_116 : memref<1x4096xf32, #tpu.memory_space<vmem>> -> memref<4096xf32, #tpu.memory_space<vmem>>
    %dma_start3A_118 = tpu.memref_slice %arg2[%multiple_of3A_109] : memref<16777216xf32, #tpu.memory_space<hbm>> -> memref<4096xf32, #tpu.memory_space<hbm>>
    tpu.enqueue_dma source(%dma_start3A_118 : memref<4096xf32, #tpu.memory_space<hbm>>) target(%dma_start3A_117 : memref<4096xf32, #tpu.memory_space<vmem>>) target_semaphore(%arg17 : memref<!tpu.dma_semaphore, #tpu.memory_space<semaphore_mem>>)
    %add3A_119 = arith.constant 7 : i32
    %add3A_120 = arith.addi %mul3A_0, %add3A_119 : i32
    %mul3A_121 = arith.constant 1048576 : i32
    %mul3A_122 = arith.muli %add3A_120, %mul3A_121 : i32
    %add3A_123 = arith.addi %mul3A_122, %mul3A_2 : i32
    %add3A_124 = arith.constant 0 : i32
    %add3A_125 = arith.addi %add3A_123, %add3A_124 : i32
    %multiple_of3A_126 = tpu.assume_multiple %add3A_125, 4096 : i32
    %dma_start3A_127 = arith.constant 7 : i32
    %dma_start3A_128 = arith.constant 0 : i32
    %dma_start3A_129 = tpu.memref_slice %arg8[%dma_start3A_127, %dma_start3A_128] : memref<8x4096xf32, #tpu.memory_space<vmem>> -> memref<1x4096xf32, #tpu.memory_space<vmem>>
    %dma_start3A_130 = tpu.memref_squeeze %dma_start3A_129 : memref<1x4096xf32, #tpu.memory_space<vmem>> -> memref<4096xf32, #tpu.memory_space<vmem>>
    %dma_start3A_131 = tpu.memref_slice %arg2[%multiple_of3A_126] : memref<16777216xf32, #tpu.memory_space<hbm>> -> memref<4096xf32, #tpu.memory_space<hbm>>
    %dma_start3A_132 = arith.constant 0 : i32
    %dma_start3A_133 = tpu.memref_slice %arg8[%dma_start3A_127, %dma_start3A_132] : memref<8x4096xf32, #tpu.memory_space<vmem>> -> memref<1x4096xf32, #tpu.memory_space<vmem>>
    %dma_start3A_134 = tpu.memref_squeeze %dma_start3A_133 : memref<1x4096xf32, #tpu.memory_space<vmem>> -> memref<4096xf32, #tpu.memory_space<vmem>>
    %dma_start3A_135 = tpu.memref_slice %arg2[%multiple_of3A_126] : memref<16777216xf32, #tpu.memory_space<hbm>> -> memref<4096xf32, #tpu.memory_space<hbm>>
    tpu.enqueue_dma source(%dma_start3A_135 : memref<4096xf32, #tpu.memory_space<hbm>>) target(%dma_start3A_134 : memref<4096xf32, #tpu.memory_space<vmem>>) target_semaphore(%arg17 : memref<!tpu.dma_semaphore, #tpu.memory_space<semaphore_mem>>)
    %broadcast_in_dim3A = arith.constant 0 : i32
    %broadcast_in_dim3A_136 = vector.broadcast %broadcast_in_dim3A : i32 to vector<16xi32>
    %scan3A = arith.constant 0 : i32
    %scan3A_137 = arith.constant 8 : i32
    %scan3A_138 = arith.addi %scan3A, %scan3A_137 : i32
    %scan3A_139 = arith.constant 1 : i32
    %scan3A_140:8 = scf.for %scan3A_319 = %scan3A to %scan3A_138 step %scan3A_139 iter_args(%scan3A_320 = %broadcast_in_dim3A_136, %scan3A_321 = %broadcast_in_dim3A_136, %scan3A_322 = %broadcast_in_dim3A_136, %scan3A_323 = %broadcast_in_dim3A_136, %scan3A_324 = %broadcast_in_dim3A_136, %scan3A_325 = %broadcast_in_dim3A_136, %scan3A_326 = %broadcast_in_dim3A_136, %scan3A_327 = %broadcast_in_dim3A_136) -> (vector<16xi32>, vector<16xi32>, vector<16xi32>, vector<16xi32>, vector<16xi32>, vector<16xi32>, vector<16xi32>, vector<16xi32>)  : i32 {
      %mul3A_328 = arith.constant 2 : i32
      %mul3A_329 = arith.muli %scan3A_319, %mul3A_328 : i32
      %add3A_330 = arith.constant 0 : i32
      %add3A_331 = arith.addi %add3A_330, %mul3A_329 : i32
      %add3A_332 = arith.constant 0 : i32
      %add3A_333 = arith.addi %add3A_331, %add3A_332 : i32
      %dma_wait3A_334 = arith.constant 0 : i32
      %dma_wait3A_335 = arith.constant 0 : i32
      %dma_wait3A_336 = tpu.memref_slice %arg8[%dma_wait3A_334, %dma_wait3A_335] : memref<8x4096xf32, #tpu.memory_space<vmem>> -> memref<1x4096xf32, #tpu.memory_space<vmem>>
      %dma_wait3A_337 = tpu.memref_squeeze %dma_wait3A_336 : memref<1x4096xf32, #tpu.memory_space<vmem>> -> memref<4096xf32, #tpu.memory_space<vmem>>
      %dma_wait3A_338 = arith.constant 0 : i32
      %dma_wait3A_339 = tpu.memref_slice %arg4[%dma_wait3A_338] : memref<16777216xf32, #tpu.memory_space<hbm>> -> memref<4096xf32, #tpu.memory_space<hbm>>
      %dma_wait3A_340 = arith.constant 0 : i32
      %dma_wait3A_341 = tpu.memref_slice %arg8[%dma_wait3A_334, %dma_wait3A_340] : memref<8x4096xf32, #tpu.memory_space<vmem>> -> memref<1x4096xf32, #tpu.memory_space<vmem>>
      %dma_wait3A_342 = tpu.memref_squeeze %dma_wait3A_341 : memref<1x4096xf32, #tpu.memory_space<vmem>> -> memref<4096xf32, #tpu.memory_space<vmem>>
      %dma_wait3A_343 = arith.constant 0 : i32
      %dma_wait3A_344 = tpu.memref_slice %arg4[%dma_wait3A_343] : memref<16777216xf32, #tpu.memory_space<hbm>> -> memref<4096xf32, #tpu.memory_space<hbm>>
      tpu.wait_dma2 semaphore(%arg17 : memref<!tpu.dma_semaphore, #tpu.memory_space<semaphore_mem>>) src(%dma_wait3A_344 : memref<4096xf32, #tpu.memory_space<hbm>>) dst(%dma_wait3A_342 : memref<4096xf32, #tpu.memory_space<vmem>>)
      %dma_wait3A_345 = arith.constant 1 : i32
      %dma_wait3A_346 = arith.constant 0 : i32
      %dma_wait3A_347 = tpu.memref_slice %arg8[%dma_wait3A_345, %dma_wait3A_346] : memref<8x4096xf32, #tpu.memory_space<vmem>> -> memref<1x4096xf32, #tpu.memory_space<vmem>>
      %dma_wait3A_348 = tpu.memref_squeeze %dma_wait3A_347 : memref<1x4096xf32, #tpu.memory_space<vmem>> -> memref<4096xf32, #tpu.memory_space<vmem>>
      %dma_wait3A_349 = arith.constant 0 : i32
      %dma_wait3A_350 = tpu.memref_slice %arg4[%dma_wait3A_349] : memref<16777216xf32, #tpu.memory_space<hbm>> -> memref<4096xf32, #tpu.memory_space<hbm>>
      %dma_wait3A_351 = arith.constant 0 : i32
      %dma_wait3A_352 = tpu.memref_slice %arg8[%dma_wait3A_345, %dma_wait3A_351] : memref<8x4096xf32, #tpu.memory_space<vmem>> -> memref<1x4096xf32, #tpu.memory_space<vmem>>
      %dma_wait3A_353 = tpu.memref_squeeze %dma_wait3A_352 : memref<1x4096xf32, #tpu.memory_space<vmem>> -> memref<4096xf32, #tpu.memory_space<vmem>>
      %dma_wait3A_354 = arith.constant 0 : i32
      %dma_wait3A_355 = tpu.memref_slice %arg4[%dma_wait3A_354] : memref<16777216xf32, #tpu.memory_space<hbm>> -> memref<4096xf32, #tpu.memory_space<hbm>>
      tpu.wait_dma2 semaphore(%arg17 : memref<!tpu.dma_semaphore, #tpu.memory_space<semaphore_mem>>) src(%dma_wait3A_355 : memref<4096xf32, #tpu.memory_space<hbm>>) dst(%dma_wait3A_353 : memref<4096xf32, #tpu.memory_space<vmem>>)
      %dma_wait3A_356 = arith.constant 2 : i32
      %dma_wait3A_357 = arith.constant 0 : i32
      %dma_wait3A_358 = tpu.memref_slice %arg8[%dma_wait3A_356, %dma_wait3A_357] : memref<8x4096xf32, #tpu.memory_space<vmem>> -> memref<1x4096xf32, #tpu.memory_space<vmem>>
      %dma_wait3A_359 = tpu.memref_squeeze %dma_wait3A_358 : memref<1x4096xf32, #tpu.memory_space<vmem>> -> memref<4096xf32, #tpu.memory_space<vmem>>
      %dma_wait3A_360 = arith.constant 0 : i32
      %dma_wait3A_361 = tpu.memref_slice %arg4[%dma_wait3A_360] : memref<16777216xf32, #tpu.memory_space<hbm>> -> memref<4096xf32, #tpu.memory_space<hbm>>
      %dma_wait3A_362 = arith.constant 0 : i32
      %dma_wait3A_363 = tpu.memref_slice %arg8[%dma_wait3A_356, %dma_wait3A_362] : memref<8x4096xf32, #tpu.memory_space<vmem>> -> memref<1x4096xf32, #tpu.memory_space<vmem>>
      %dma_wait3A_364 = tpu.memref_squeeze %dma_wait3A_363 : memref<1x4096xf32, #tpu.memory_space<vmem>> -> memref<4096xf32, #tpu.memory_space<vmem>>
      %dma_wait3A_365 = arith.constant 0 : i32
      %dma_wait3A_366 = tpu.memref_slice %arg4[%dma_wait3A_365] : memref<16777216xf32, #tpu.memory_space<hbm>> -> memref<4096xf32, #tpu.memory_space<hbm>>
      tpu.wait_dma2 semaphore(%arg17 : memref<!tpu.dma_semaphore, #tpu.memory_space<semaphore_mem>>) src(%dma_wait3A_366 : memref<4096xf32, #tpu.memory_space<hbm>>) dst(%dma_wait3A_364 : memref<4096xf32, #tpu.memory_space<vmem>>)
      %dma_wait3A_367 = arith.constant 3 : i32
      %dma_wait3A_368 = arith.constant 0 : i32
      %dma_wait3A_369 = tpu.memref_slice %arg8[%dma_wait3A_367, %dma_wait3A_368] : memref<8x4096xf32, #tpu.memory_space<vmem>> -> memref<1x4096xf32, #tpu.memory_space<vmem>>
      %dma_wait3A_370 = tpu.memref_squeeze %dma_wait3A_369 : memref<1x4096xf32, #tpu.memory_space<vmem>> -> memref<4096xf32, #tpu.memory_space<vmem>>
      %dma_wait3A_371 = arith.constant 0 : i32
      %dma_wait3A_372 = tpu.memref_slice %arg4[%dma_wait3A_371] : memref<16777216xf32, #tpu.memory_space<hbm>> -> memref<4096xf32, #tpu.memory_space<hbm>>
      %dma_wait3A_373 = arith.constant 0 : i32
      %dma_wait3A_374 = tpu.memref_slice %arg8[%dma_wait3A_367, %dma_wait3A_373] : memref<8x4096xf32, #tpu.memory_space<vmem>> -> memref<1x4096xf32, #tpu.memory_space<vmem>>
      %dma_wait3A_375 = tpu.memref_squeeze %dma_wait3A_374 : memref<1x4096xf32, #tpu.memory_space<vmem>> -> memref<4096xf32, #tpu.memory_space<vmem>>
      %dma_wait3A_376 = arith.constant 0 : i32
      %dma_wait3A_377 = tpu.memref_slice %arg4[%dma_wait3A_376] : memref<16777216xf32, #tpu.memory_space<hbm>> -> memref<4096xf32, #tpu.memory_space<hbm>>
      tpu.wait_dma2 semaphore(%arg17 : memref<!tpu.dma_semaphore, #tpu.memory_space<semaphore_mem>>) src(%dma_wait3A_377 : memref<4096xf32, #tpu.memory_space<hbm>>) dst(%dma_wait3A_375 : memref<4096xf32, #tpu.memory_space<vmem>>)
      %dma_wait3A_378 = arith.constant 4 : i32
      %dma_wait3A_379 = arith.constant 0 : i32
      %dma_wait3A_380 = tpu.memref_slice %arg8[%dma_wait3A_378, %dma_wait3A_379] : memref<8x4096xf32, #tpu.memory_space<vmem>> -> memref<1x4096xf32, #tpu.memory_space<vmem>>
      %dma_wait3A_381 = tpu.memref_squeeze %dma_wait3A_380 : memref<1x4096xf32, #tpu.memory_space<vmem>> -> memref<4096xf32, #tpu.memory_space<vmem>>
      %dma_wait3A_382 = arith.constant 0 : i32
      %dma_wait3A_383 = tpu.memref_slice %arg4[%dma_wait3A_382] : memref<16777216xf32, #tpu.memory_space<hbm>> -> memref<4096xf32, #tpu.memory_space<hbm>>
      %dma_wait3A_384 = arith.constant 0 : i32
      %dma_wait3A_385 = tpu.memref_slice %arg8[%dma_wait3A_378, %dma_wait3A_384] : memref<8x4096xf32, #tpu.memory_space<vmem>> -> memref<1x4096xf32, #tpu.memory_space<vmem>>
      %dma_wait3A_386 = tpu.memref_squeeze %dma_wait3A_385 : memref<1x4096xf32, #tpu.memory_space<vmem>> -> memref<4096xf32, #tpu.memory_space<vmem>>
      %dma_wait3A_387 = arith.constant 0 : i32
      %dma_wait3A_388 = tpu.memref_slice %arg4[%dma_wait3A_387] : memref<16777216xf32, #tpu.memory_space<hbm>> -> memref<4096xf32, #tpu.memory_space<hbm>>
      tpu.wait_dma2 semaphore(%arg17 : memref<!tpu.dma_semaphore, #tpu.memory_space<semaphore_mem>>) src(%dma_wait3A_388 : memref<4096xf32, #tpu.memory_space<hbm>>) dst(%dma_wait3A_386 : memref<4096xf32, #tpu.memory_space<vmem>>)
      %dma_wait3A_389 = arith.constant 5 : i32
      %dma_wait3A_390 = arith.constant 0 : i32
      %dma_wait3A_391 = tpu.memref_slice %arg8[%dma_wait3A_389, %dma_wait3A_390] : memref<8x4096xf32, #tpu.memory_space<vmem>> -> memref<1x4096xf32, #tpu.memory_space<vmem>>
      %dma_wait3A_392 = tpu.memref_squeeze %dma_wait3A_391 : memref<1x4096xf32, #tpu.memory_space<vmem>> -> memref<4096xf32, #tpu.memory_space<vmem>>
      %dma_wait3A_393 = arith.constant 0 : i32
      %dma_wait3A_394 = tpu.memref_slice %arg4[%dma_wait3A_393] : memref<16777216xf32, #tpu.memory_space<hbm>> -> memref<4096xf32, #tpu.memory_space<hbm>>
      %dma_wait3A_395 = arith.constant 0 : i32
      %dma_wait3A_396 = tpu.memref_slice %arg8[%dma_wait3A_389, %dma_wait3A_395] : memref<8x4096xf32, #tpu.memory_space<vmem>> -> memref<1x4096xf32, #tpu.memory_space<vmem>>
      %dma_wait3A_397 = tpu.memref_squeeze %dma_wait3A_396 : memref<1x4096xf32, #tpu.memory_space<vmem>> -> memref<4096xf32, #tpu.memory_space<vmem>>
      %dma_wait3A_398 = arith.constant 0 : i32
      %dma_wait3A_399 = tpu.memref_slice %arg4[%dma_wait3A_398] : memref<16777216xf32, #tpu.memory_space<hbm>> -> memref<4096xf32, #tpu.memory_space<hbm>>
      tpu.wait_dma2 semaphore(%arg17 : memref<!tpu.dma_semaphore, #tpu.memory_space<semaphore_mem>>) src(%dma_wait3A_399 : memref<4096xf32, #tpu.memory_space<hbm>>) dst(%dma_wait3A_397 : memref<4096xf32, #tpu.memory_space<vmem>>)
      %dma_wait3A_400 = arith.constant 6 : i32
      %dma_wait3A_401 = arith.constant 0 : i32
      %dma_wait3A_402 = tpu.memref_slice %arg8[%dma_wait3A_400, %dma_wait3A_401] : memref<8x4096xf32, #tpu.memory_space<vmem>> -> memref<1x4096xf32, #tpu.memory_space<vmem>>
      %dma_wait3A_403 = tpu.memref_squeeze %dma_wait3A_402 : memref<1x4096xf32, #tpu.memory_space<vmem>> -> memref<4096xf32, #tpu.memory_space<vmem>>
      %dma_wait3A_404 = arith.constant 0 : i32
      %dma_wait3A_405 = tpu.memref_slice %arg4[%dma_wait3A_404] : memref<16777216xf32, #tpu.memory_space<hbm>> -> memref<4096xf32, #tpu.memory_space<hbm>>
      %dma_wait3A_406 = arith.constant 0 : i32
      %dma_wait3A_407 = tpu.memref_slice %arg8[%dma_wait3A_400, %dma_wait3A_406] : memref<8x4096xf32, #tpu.memory_space<vmem>> -> memref<1x4096xf32, #tpu.memory_space<vmem>>
      %dma_wait3A_408 = tpu.memref_squeeze %dma_wait3A_407 : memref<1x4096xf32, #tpu.memory_space<vmem>> -> memref<4096xf32, #tpu.memory_space<vmem>>
      %dma_wait3A_409 = arith.constant 0 : i32
      %dma_wait3A_410 = tpu.memref_slice %arg4[%dma_wait3A_409] : memref<16777216xf32, #tpu.memory_space<hbm>> -> memref<4096xf32, #tpu.memory_space<hbm>>
      tpu.wait_dma2 semaphore(%arg17 : memref<!tpu.dma_semaphore, #tpu.memory_space<semaphore_mem>>) src(%dma_wait3A_410 : memref<4096xf32, #tpu.memory_space<hbm>>) dst(%dma_wait3A_408 : memref<4096xf32, #tpu.memory_space<vmem>>)
      %dma_wait3A_411 = arith.constant 7 : i32
      %dma_wait3A_412 = arith.constant 0 : i32
      %dma_wait3A_413 = tpu.memref_slice %arg8[%dma_wait3A_411, %dma_wait3A_412] : memref<8x4096xf32, #tpu.memory_space<vmem>> -> memref<1x4096xf32, #tpu.memory_space<vmem>>
      %dma_wait3A_414 = tpu.memref_squeeze %dma_wait3A_413 : memref<1x4096xf32, #tpu.memory_space<vmem>> -> memref<4096xf32, #tpu.memory_space<vmem>>
      %dma_wait3A_415 = arith.constant 0 : i32
      %dma_wait3A_416 = tpu.memref_slice %arg4[%dma_wait3A_415] : memref<16777216xf32, #tpu.memory_space<hbm>> -> memref<4096xf32, #tpu.memory_space<hbm>>
      %dma_wait3A_417 = arith.constant 0 : i32
      %dma_wait3A_418 = tpu.memref_slice %arg8[%dma_wait3A_411, %dma_wait3A_417] : memref<8x4096xf32, #tpu.memory_space<vmem>> -> memref<1x4096xf32, #tpu.memory_space<vmem>>
      %dma_wait3A_419 = tpu.memref_squeeze %dma_wait3A_418 : memref<1x4096xf32, #tpu.memory_space<vmem>> -> memref<4096xf32, #tpu.memory_space<vmem>>
      %dma_wait3A_420 = arith.constant 0 : i32
      %dma_wait3A_421 = tpu.memref_slice %arg4[%dma_wait3A_420] : memref<16777216xf32, #tpu.memory_space<hbm>> -> memref<4096xf32, #tpu.memory_space<hbm>>
      tpu.wait_dma2 semaphore(%arg17 : memref<!tpu.dma_semaphore, #tpu.memory_space<semaphore_mem>>) src(%dma_wait3A_421 : memref<4096xf32, #tpu.memory_space<hbm>>) dst(%dma_wait3A_419 : memref<4096xf32, #tpu.memory_space<vmem>>)
      %multiple_of3A_422 = tpu.assume_multiple %mul3A_0, 8 : i32
      %mul3A_423 = arith.constant 4096 : i32
      %mul3A_424 = arith.muli %add3A_333, %mul3A_423 : i32
      %add3A_425 = arith.addi %mul3A_2, %mul3A_424 : i32
      %multiple_of3A_426 = tpu.assume_multiple %add3A_425, 4096 : i32
      %dma_start3A_427 = tpu.memref_slice %arg3[%multiple_of3A_422, %multiple_of3A_426] : memref<16x1048576xf32, #tpu.memory_space<hbm>> -> memref<8x4096xf32, #tpu.memory_space<hbm>>
      %dma_start3A_428 = tpu.memref_slice %arg3[%multiple_of3A_422, %multiple_of3A_426] : memref<16x1048576xf32, #tpu.memory_space<hbm>> -> memref<8x4096xf32, #tpu.memory_space<hbm>>
      tpu.enqueue_dma source(%arg8 : memref<8x4096xf32, #tpu.memory_space<vmem>>) target(%dma_start3A_428 : memref<8x4096xf32, #tpu.memory_space<hbm>>) target_semaphore(%arg19 : memref<!tpu.dma_semaphore, #tpu.memory_space<semaphore_mem>>)
      %scan3A_429 = arith.constant 0 : i32
      %scan3A_430 = arith.constant 256 : i32
      %scan3A_431 = arith.addi %scan3A_429, %scan3A_430 : i32
      %scan3A_432 = arith.constant 1 : i32
      %scan3A_433:8 = scf.for %scan3A_552 = %scan3A_429 to %scan3A_431 step %scan3A_432 iter_args(%scan3A_553 = %scan3A_320, %scan3A_554 = %scan3A_321, %scan3A_555 = %scan3A_322, %scan3A_556 = %scan3A_323, %scan3A_557 = %scan3A_324, %scan3A_558 = %scan3A_325, %scan3A_559 = %scan3A_326, %scan3A_560 = %scan3A_327) -> (vector<16xi32>, vector<16xi32>, vector<16xi32>, vector<16xi32>, vector<16xi32>, vector<16xi32>, vector<16xi32>, vector<16xi32>)  : i32 {
        %mul3A_561 = arith.constant 16 : i32
        %mul3A_562 = arith.muli %scan3A_552, %mul3A_561 : i32
        %get3A_563 = arith.constant 0 : i32
        %get3A_564 = arith.index_cast %get3A_563 : i32 to index
        %get3A_565 = arith.index_cast %mul3A_562 : i32 to index
        %get3A_566 = tpu.vector_load %arg8[%get3A_564, %get3A_565] {strides = array<i32>} : memref<8x4096xf32, #tpu.memory_space<vmem>>, vector<16xf32>,
        %ne3A = arith.constant 1.010000e+01 : f32
        %ne3A_567 = vector.broadcast %ne3A : f32 to vector<16xf32>
        %ne3A_568 = arith.cmpf one, %get3A_566, %ne3A_567 : vector<16xf32>
        %jit3A = arith.constant 1 : i32
        %jit3A_569 = arith.constant 0 : i32
        %broadcast_in_dim3A_570 = vector.broadcast %jit3A : i32 to vector<16xi32>
        %broadcast_in_dim3A_571 = vector.broadcast %jit3A_569 : i32 to vector<16xi32>
        %select_n3A_572 = arith.select %ne3A_568, %broadcast_in_dim3A_570, %broadcast_in_dim3A_571 : vector<16xi1>, vector<16xi32>
        %add3A_573 = arith.addi %scan3A_553, %select_n3A_572 : vector<16xi32>
        %mul3A_574 = arith.constant 16 : i32
        %mul3A_575 = arith.muli %scan3A_552, %mul3A_574 : i32
        %get3A_576 = arith.constant 1 : i32
        %get3A_577 = arith.index_cast %get3A_576 : i32 to index
        %get3A_578 = arith.index_cast %mul3A_575 : i32 to index
        %get3A_579 = tpu.vector_load %arg8[%get3A_577, %get3A_578] {strides = array<i32>} : memref<8x4096xf32, #tpu.memory_space<vmem>>, vector<16xf32>,
        %ne3A_580 = arith.constant 1.010000e+01 : f32
        %ne3A_581 = vector.broadcast %ne3A_580 : f32 to vector<16xf32>
        %ne3A_582 = arith.cmpf one, %get3A_579, %ne3A_581 : vector<16xf32>
        %jit3A_583 = arith.constant 1 : i32
        %jit3A_584 = arith.constant 0 : i32
        %broadcast_in_dim3A_585 = vector.broadcast %jit3A_583 : i32 to vector<16xi32>
        %broadcast_in_dim3A_586 = vector.broadcast %jit3A_584 : i32 to vector<16xi32>
        %select_n3A_587 = arith.select %ne3A_582, %broadcast_in_dim3A_585, %broadcast_in_dim3A_586 : vector<16xi1>, vector<16xi32>
        %add3A_588 = arith.addi %scan3A_554, %select_n3A_587 : vector<16xi32>
        %mul3A_589 = arith.constant 16 : i32
        %mul3A_590 = arith.muli %scan3A_552, %mul3A_589 : i32
        %get3A_591 = arith.constant 2 : i32
        %get3A_592 = arith.index_cast %get3A_591 : i32 to index
        %get3A_593 = arith.index_cast %mul3A_590 : i32 to index
        %get3A_594 = tpu.vector_load %arg8[%get3A_592, %get3A_593] {strides = array<i32>} : memref<8x4096xf32, #tpu.memory_space<vmem>>, vector<16xf32>,
        %ne3A_595 = arith.constant 1.010000e+01 : f32
        %ne3A_596 = vector.broadcast %ne3A_595 : f32 to vector<16xf32>
        %ne3A_597 = arith.cmpf one, %get3A_594, %ne3A_596 : vector<16xf32>
        %jit3A_598 = arith.constant 1 : i32
        %jit3A_599 = arith.constant 0 : i32
        %broadcast_in_dim3A_600 = vector.broadcast %jit3A_598 : i32 to vector<16xi32>
        %broadcast_in_dim3A_601 = vector.broadcast %jit3A_599 : i32 to vector<16xi32>
        %select_n3A_602 = arith.select %ne3A_597, %broadcast_in_dim3A_600, %broadcast_in_dim3A_601 : vector<16xi1>, vector<16xi32>
        %add3A_603 = arith.addi %scan3A_555, %select_n3A_602 : vector<16xi32>
        %mul3A_604 = arith.constant 16 : i32
        %mul3A_605 = arith.muli %scan3A_552, %mul3A_604 : i32
        %get3A_606 = arith.constant 3 : i32
        %get3A_607 = arith.index_cast %get3A_606 : i32 to index
        %get3A_608 = arith.index_cast %mul3A_605 : i32 to index
        %get3A_609 = tpu.vector_load %arg8[%get3A_607, %get3A_608] {strides = array<i32>} : memref<8x4096xf32, #tpu.memory_space<vmem>>, vector<16xf32>,
        %ne3A_610 = arith.constant 1.010000e+01 : f32
        %ne3A_611 = vector.broadcast %ne3A_610 : f32 to vector<16xf32>
        %ne3A_612 = arith.cmpf one, %get3A_609, %ne3A_611 : vector<16xf32>
        %jit3A_613 = arith.constant 1 : i32
        %jit3A_614 = arith.constant 0 : i32
        %broadcast_in_dim3A_615 = vector.broadcast %jit3A_613 : i32 to vector<16xi32>
        %broadcast_in_dim3A_616 = vector.broadcast %jit3A_614 : i32 to vector<16xi32>
        %select_n3A_617 = arith.select %ne3A_612, %broadcast_in_dim3A_615, %broadcast_in_dim3A_616 : vector<16xi1>, vector<16xi32>
        %add3A_618 = arith.addi %scan3A_556, %select_n3A_617 : vector<16xi32>
        %mul3A_619 = arith.constant 16 : i32
        %mul3A_620 = arith.muli %scan3A_552, %mul3A_619 : i32
        %get3A_621 = arith.constant 4 : i32
        %get3A_622 = arith.index_cast %get3A_621 : i32 to index
        %get3A_623 = arith.index_cast %mul3A_620 : i32 to index
        %get3A_624 = tpu.vector_load %arg8[%get3A_622, %get3A_623] {strides = array<i32>} : memref<8x4096xf32, #tpu.memory_space<vmem>>, vector<16xf32>,
        %ne3A_625 = arith.constant 1.010000e+01 : f32
        %ne3A_626 = vector.broadcast %ne3A_625 : f32 to vector<16xf32>
        %ne3A_627 = arith.cmpf one, %get3A_624, %ne3A_626 : vector<16xf32>
        %jit3A_628 = arith.constant 1 : i32
        %jit3A_629 = arith.constant 0 : i32
        %broadcast_in_dim3A_630 = vector.broadcast %jit3A_628 : i32 to vector<16xi32>
        %broadcast_in_dim3A_631 = vector.broadcast %jit3A_629 : i32 to vector<16xi32>
        %select_n3A_632 = arith.select %ne3A_627, %broadcast_in_dim3A_630, %broadcast_in_dim3A_631 : vector<16xi1>, vector<16xi32>
        %add3A_633 = arith.addi %scan3A_557, %select_n3A_632 : vector<16xi32>
        %mul3A_634 = arith.constant 16 : i32
        %mul3A_635 = arith.muli %scan3A_552, %mul3A_634 : i32
        %get3A_636 = arith.constant 5 : i32
        %get3A_637 = arith.index_cast %get3A_636 : i32 to index
        %get3A_638 = arith.index_cast %mul3A_635 : i32 to index
        %get3A_639 = tpu.vector_load %arg8[%get3A_637, %get3A_638] {strides = array<i32>} : memref<8x4096xf32, #tpu.memory_space<vmem>>, vector<16xf32>,
        %ne3A_640 = arith.constant 1.010000e+01 : f32
        %ne3A_641 = vector.broadcast %ne3A_640 : f32 to vector<16xf32>
        %ne3A_642 = arith.cmpf one, %get3A_639, %ne3A_641 : vector<16xf32>
        %jit3A_643 = arith.constant 1 : i32
        %jit3A_644 = arith.constant 0 : i32
        %broadcast_in_dim3A_645 = vector.broadcast %jit3A_643 : i32 to vector<16xi32>
        %broadcast_in_dim3A_646 = vector.broadcast %jit3A_644 : i32 to vector<16xi32>
        %select_n3A_647 = arith.select %ne3A_642, %broadcast_in_dim3A_645, %broadcast_in_dim3A_646 : vector<16xi1>, vector<16xi32>
        %add3A_648 = arith.addi %scan3A_558, %select_n3A_647 : vector<16xi32>
        %mul3A_649 = arith.constant 16 : i32
        %mul3A_650 = arith.muli %scan3A_552, %mul3A_649 : i32
        %get3A_651 = arith.constant 6 : i32
        %get3A_652 = arith.index_cast %get3A_651 : i32 to index
        %get3A_653 = arith.index_cast %mul3A_650 : i32 to index
        %get3A_654 = tpu.vector_load %arg8[%get3A_652, %get3A_653] {strides = array<i32>} : memref<8x4096xf32, #tpu.memory_space<vmem>>, vector<16xf32>,
        %ne3A_655 = arith.constant 1.010000e+01 : f32
        %ne3A_656 = vector.broadcast %ne3A_655 : f32 to vector<16xf32>
        %ne3A_657 = arith.cmpf one, %get3A_654, %ne3A_656 : vector<16xf32>
        %jit3A_658 = arith.constant 1 : i32
        %jit3A_659 = arith.constant 0 : i32
        %broadcast_in_dim3A_660 = vector.broadcast %jit3A_658 : i32 to vector<16xi32>
        %broadcast_in_dim3A_661 = vector.broadcast %jit3A_659 : i32 to vector<16xi32>
        %select_n3A_662 = arith.select %ne3A_657, %broadcast_in_dim3A_660, %broadcast_in_dim3A_661 : vector<16xi1>, vector<16xi32>
        %add3A_663 = arith.addi %scan3A_559, %select_n3A_662 : vector<16xi32>
        %mul3A_664 = arith.constant 16 : i32
        %mul3A_665 = arith.muli %scan3A_552, %mul3A_664 : i32
        %get3A_666 = arith.constant 7 : i32
        %get3A_667 = arith.index_cast %get3A_666 : i32 to index
        %get3A_668 = arith.index_cast %mul3A_665 : i32 to index
        %get3A_669 = tpu.vector_load %arg8[%get3A_667, %get3A_668] {strides = array<i32>} : memref<8x4096xf32, #tpu.memory_space<vmem>>, vector<16xf32>,
        %ne3A_670 = arith.constant 1.010000e+01 : f32
        %ne3A_671 = vector.broadcast %ne3A_670 : f32 to vector<16xf32>
        %ne3A_672 = arith.cmpf one, %get3A_669, %ne3A_671 : vector<16xf32>
        %jit3A_673 = arith.constant 1 : i32
        %jit3A_674 = arith.constant 0 : i32
        %broadcast_in_dim3A_675 = vector.broadcast %jit3A_673 : i32 to vector<16xi32>
        %broadcast_in_dim3A_676 = vector.broadcast %jit3A_674 : i32 to vector<16xi32>
        %select_n3A_677 = arith.select %ne3A_672, %broadcast_in_dim3A_675, %broadcast_in_dim3A_676 : vector<16xi1>, vector<16xi32>
        %add3A_678 = arith.addi %scan3A_560, %select_n3A_677 : vector<16xi32>
        scf.yield %add3A_573, %add3A_588, %add3A_603, %add3A_618, %add3A_633, %add3A_648, %add3A_663, %add3A_678 : vector<16xi32>, vector<16xi32>, vector<16xi32>, vector<16xi32>, vector<16xi32>, vector<16xi32>, vector<16xi32>, vector<16xi32>
      }
      %scan3A_434 = arith.constant 256 : i32
      %add3A_435 = arith.constant 1 : i32
      %add3A_436 = arith.addi %add3A_333, %add3A_435 : i32
      %lt3A_437 = arith.constant 16 : i32
      %lt3A_438 = arith.cmpi slt, %add3A_436, %lt3A_437 : i32
      %convert_element_type3A_439 = arith.extui %lt3A_438 : i1 to i32
      %cond3A_440 = arith.constant 0 : i32
      %cond3A_441 = arith.cmpi ne, %convert_element_type3A_439, %cond3A_440 : i32
      scf.if %cond3A_441 {
        %ge3A = arith.constant 1 : i32
        %ge3A_552 = arith.cmpi sge, %add3A_333, %ge3A : i32
        %convert_element_type3A_553 = arith.extui %ge3A_552 : i1 to i32
        %cond3A_554 = arith.constant 0 : i32
        %cond3A_555 = arith.cmpi ne, %convert_element_type3A_553, %cond3A_554 : i32
        scf.if %cond3A_555 {
          %dma_wait3A_702 = arith.constant 0 : i32
          %dma_wait3A_703 = arith.constant 0 : i32
          %dma_wait3A_704 = tpu.memref_slice %arg3[%dma_wait3A_702, %dma_wait3A_703] : memref<16x1048576xf32, #tpu.memory_space<hbm>> -> memref<8x4096xf32, #tpu.memory_space<hbm>>
          %dma_wait3A_705 = arith.constant 0 : i32
          %dma_wait3A_706 = arith.constant 0 : i32
          %dma_wait3A_707 = tpu.memref_slice %arg3[%dma_wait3A_705, %dma_wait3A_706] : memref<16x1048576xf32, #tpu.memory_space<hbm>> -> memref<8x4096xf32, #tpu.memory_space<hbm>>
          tpu.wait_dma2 semaphore(%arg20 : memref<!tpu.dma_semaphore, #tpu.memory_space<semaphore_mem>>) src(%arg9 : memref<8x4096xf32, #tpu.memory_space<vmem>>) dst(%dma_wait3A_707 : memref<8x4096xf32, #tpu.memory_space<hbm>>)
        } else {
        }
        %add3A_556 = arith.constant 1 : i32
        %add3A_557 = arith.addi %add3A_333, %add3A_556 : i32
        %add3A_558 = arith.constant 0 : i32
        %add3A_559 = arith.addi %mul3A_0, %add3A_558 : i32
        %mul3A_560 = arith.constant 1048576 : i32
        %mul3A_561 = arith.muli %add3A_559, %mul3A_560 : i32
        %add3A_562 = arith.addi %mul3A_561, %mul3A_2 : i32
        %mul3A_563 = arith.constant 4096 : i32
        %mul3A_564 = arith.muli %add3A_557, %mul3A_563 : i32
        %add3A_565 = arith.addi %add3A_562, %mul3A_564 : i32
        %multiple_of3A_566 = tpu.assume_multiple %add3A_565, 4096 : i32
        %dma_start3A_567 = arith.constant 0 : i32
        %dma_start3A_568 = arith.constant 0 : i32
        %dma_start3A_569 = tpu.memref_slice %arg9[%dma_start3A_567, %dma_start3A_568] : memref<8x4096xf32, #tpu.memory_space<vmem>> -> memref<1x4096xf32, #tpu.memory_space<vmem>>
        %dma_start3A_570 = tpu.memref_squeeze %dma_start3A_569 : memref<1x4096xf32, #tpu.memory_space<vmem>> -> memref<4096xf32, #tpu.memory_space<vmem>>
        %dma_start3A_571 = tpu.memref_slice %arg2[%multiple_of3A_566] : memref<16777216xf32, #tpu.memory_space<hbm>> -> memref<4096xf32, #tpu.memory_space<hbm>>
        %dma_start3A_572 = arith.constant 0 : i32
        %dma_start3A_573 = tpu.memref_slice %arg9[%dma_start3A_567, %dma_start3A_572] : memref<8x4096xf32, #tpu.memory_space<vmem>> -> memref<1x4096xf32, #tpu.memory_space<vmem>>
        %dma_start3A_574 = tpu.memref_squeeze %dma_start3A_573 : memref<1x4096xf32, #tpu.memory_space<vmem>> -> memref<4096xf32, #tpu.memory_space<vmem>>
        %dma_start3A_575 = tpu.memref_slice %arg2[%multiple_of3A_566] : memref<16777216xf32, #tpu.memory_space<hbm>> -> memref<4096xf32, #tpu.memory_space<hbm>>
        tpu.enqueue_dma source(%dma_start3A_575 : memref<4096xf32, #tpu.memory_space<hbm>>) target(%dma_start3A_574 : memref<4096xf32, #tpu.memory_space<vmem>>) target_semaphore(%arg18 : memref<!tpu.dma_semaphore, #tpu.memory_space<semaphore_mem>>)
        %add3A_576 = arith.constant 1 : i32
        %add3A_577 = arith.addi %mul3A_0, %add3A_576 : i32
        %mul3A_578 = arith.constant 1048576 : i32
        %mul3A_579 = arith.muli %add3A_577, %mul3A_578 : i32
        %add3A_580 = arith.addi %mul3A_579, %mul3A_2 : i32
        %mul3A_581 = arith.constant 4096 : i32
        %mul3A_582 = arith.muli %add3A_557, %mul3A_581 : i32
        %add3A_583 = arith.addi %add3A_580, %mul3A_582 : i32
        %multiple_of3A_584 = tpu.assume_multiple %add3A_583, 4096 : i32
        %dma_start3A_585 = arith.constant 1 : i32
        %dma_start3A_586 = arith.constant 0 : i32
        %dma_start3A_587 = tpu.memref_slice %arg9[%dma_start3A_585, %dma_start3A_586] : memref<8x4096xf32, #tpu.memory_space<vmem>> -> memref<1x4096xf32, #tpu.memory_space<vmem>>
        %dma_start3A_588 = tpu.memref_squeeze %dma_start3A_587 : memref<1x4096xf32, #tpu.memory_space<vmem>> -> memref<4096xf32, #tpu.memory_space<vmem>>
        %dma_start3A_589 = tpu.memref_slice %arg2[%multiple_of3A_584] : memref<16777216xf32, #tpu.memory_space<hbm>> -> memref<4096xf32, #tpu.memory_space<hbm>>
        %dma_start3A_590 = arith.constant 0 : i32
        %dma_start3A_591 = tpu.memref_slice %arg9[%dma_start3A_585, %dma_start3A_590] : memref<8x4096xf32, #tpu.memory_space<vmem>> -> memref<1x4096xf32, #tpu.memory_space<vmem>>
        %dma_start3A_592 = tpu.memref_squeeze %dma_start3A_591 : memref<1x4096xf32, #tpu.memory_space<vmem>> -> memref<4096xf32, #tpu.memory_space<vmem>>
        %dma_start3A_593 = tpu.memref_slice %arg2[%multiple_of3A_584] : memref<16777216xf32, #tpu.memory_space<hbm>> -> memref<4096xf32, #tpu.memory_space<hbm>>
        tpu.enqueue_dma source(%dma_start3A_593 : memref<4096xf32, #tpu.memory_space<hbm>>) target(%dma_start3A_592 : memref<4096xf32, #tpu.memory_space<vmem>>) target_semaphore(%arg18 : memref<!tpu.dma_semaphore, #tpu.memory_space<semaphore_mem>>)
        %add3A_594 = arith.constant 2 : i32
        %add3A_595 = arith.addi %mul3A_0, %add3A_594 : i32
        %mul3A_596 = arith.constant 1048576 : i32
        %mul3A_597 = arith.muli %add3A_595, %mul3A_596 : i32
        %add3A_598 = arith.addi %mul3A_597, %mul3A_2 : i32
        %mul3A_599 = arith.constant 4096 : i32
        %mul3A_600 = arith.muli %add3A_557, %mul3A_599 : i32
        %add3A_601 = arith.addi %add3A_598, %mul3A_600 : i32
        %multiple_of3A_602 = tpu.assume_multiple %add3A_601, 4096 : i32
        %dma_start3A_603 = arith.constant 2 : i32
        %dma_start3A_604 = arith.constant 0 : i32
        %dma_start3A_605 = tpu.memref_slice %arg9[%dma_start3A_603, %dma_start3A_604] : memref<8x4096xf32, #tpu.memory_space<vmem>> -> memref<1x4096xf32, #tpu.memory_space<vmem>>
        %dma_start3A_606 = tpu.memref_squeeze %dma_start3A_605 : memref<1x4096xf32, #tpu.memory_space<vmem>> -> memref<4096xf32, #tpu.memory_space<vmem>>
        %dma_start3A_607 = tpu.memref_slice %arg2[%multiple_of3A_602] : memref<16777216xf32, #tpu.memory_space<hbm>> -> memref<4096xf32, #tpu.memory_space<hbm>>
        %dma_start3A_608 = arith.constant 0 : i32
        %dma_start3A_609 = tpu.memref_slice %arg9[%dma_start3A_603, %dma_start3A_608] : memref<8x4096xf32, #tpu.memory_space<vmem>> -> memref<1x4096xf32, #tpu.memory_space<vmem>>
        %dma_start3A_610 = tpu.memref_squeeze %dma_start3A_609 : memref<1x4096xf32, #tpu.memory_space<vmem>> -> memref<4096xf32, #tpu.memory_space<vmem>>
        %dma_start3A_611 = tpu.memref_slice %arg2[%multiple_of3A_602] : memref<16777216xf32, #tpu.memory_space<hbm>> -> memref<4096xf32, #tpu.memory_space<hbm>>
        tpu.enqueue_dma source(%dma_start3A_611 : memref<4096xf32, #tpu.memory_space<hbm>>) target(%dma_start3A_610 : memref<4096xf32, #tpu.memory_space<vmem>>) target_semaphore(%arg18 : memref<!tpu.dma_semaphore, #tpu.memory_space<semaphore_mem>>)
        %add3A_612 = arith.constant 3 : i32
        %add3A_613 = arith.addi %mul3A_0, %add3A_612 : i32
        %mul3A_614 = arith.constant 1048576 : i32
        %mul3A_615 = arith.muli %add3A_613, %mul3A_614 : i32
        %add3A_616 = arith.addi %mul3A_615, %mul3A_2 : i32
        %mul3A_617 = arith.constant 4096 : i32
        %mul3A_618 = arith.muli %add3A_557, %mul3A_617 : i32
        %add3A_619 = arith.addi %add3A_616, %mul3A_618 : i32
        %multiple_of3A_620 = tpu.assume_multiple %add3A_619, 4096 : i32
        %dma_start3A_621 = arith.constant 3 : i32
        %dma_start3A_622 = arith.constant 0 : i32
        %dma_start3A_623 = tpu.memref_slice %arg9[%dma_start3A_621, %dma_start3A_622] : memref<8x4096xf32, #tpu.memory_space<vmem>> -> memref<1x4096xf32, #tpu.memory_space<vmem>>
        %dma_start3A_624 = tpu.memref_squeeze %dma_start3A_623 : memref<1x4096xf32, #tpu.memory_space<vmem>> -> memref<4096xf32, #tpu.memory_space<vmem>>
        %dma_start3A_625 = tpu.memref_slice %arg2[%multiple_of3A_620] : memref<16777216xf32, #tpu.memory_space<hbm>> -> memref<4096xf32, #tpu.memory_space<hbm>>
        %dma_start3A_626 = arith.constant 0 : i32
        %dma_start3A_627 = tpu.memref_slice %arg9[%dma_start3A_621, %dma_start3A_626] : memref<8x4096xf32, #tpu.memory_space<vmem>> -> memref<1x4096xf32, #tpu.memory_space<vmem>>
        %dma_start3A_628 = tpu.memref_squeeze %dma_start3A_627 : memref<1x4096xf32, #tpu.memory_space<vmem>> -> memref<4096xf32, #tpu.memory_space<vmem>>
        %dma_start3A_629 = tpu.memref_slice %arg2[%multiple_of3A_620] : memref<16777216xf32, #tpu.memory_space<hbm>> -> memref<4096xf32, #tpu.memory_space<hbm>>
        tpu.enqueue_dma source(%dma_start3A_629 : memref<4096xf32, #tpu.memory_space<hbm>>) target(%dma_start3A_628 : memref<4096xf32, #tpu.memory_space<vmem>>) target_semaphore(%arg18 : memref<!tpu.dma_semaphore, #tpu.memory_space<semaphore_mem>>)
        %add3A_630 = arith.constant 4 : i32
        %add3A_631 = arith.addi %mul3A_0, %add3A_630 : i32
        %mul3A_632 = arith.constant 1048576 : i32
        %mul3A_633 = arith.muli %add3A_631, %mul3A_632 : i32
        %add3A_634 = arith.addi %mul3A_633, %mul3A_2 : i32
        %mul3A_635 = arith.constant 4096 : i32
        %mul3A_636 = arith.muli %add3A_557, %mul3A_635 : i32
        %add3A_637 = arith.addi %add3A_634, %mul3A_636 : i32
        %multiple_of3A_638 = tpu.assume_multiple %add3A_637, 4096 : i32
        %dma_start3A_639 = arith.constant 4 : i32
        %dma_start3A_640 = arith.constant 0 : i32
        %dma_start3A_641 = tpu.memref_slice %arg9[%dma_start3A_639, %dma_start3A_640] : memref<8x4096xf32, #tpu.memory_space<vmem>> -> memref<1x4096xf32, #tpu.memory_space<vmem>>
        %dma_start3A_642 = tpu.memref_squeeze %dma_start3A_641 : memref<1x4096xf32, #tpu.memory_space<vmem>> -> memref<4096xf32, #tpu.memory_space<vmem>>
        %dma_start3A_643 = tpu.memref_slice %arg2[%multiple_of3A_638] : memref<16777216xf32, #tpu.memory_space<hbm>> -> memref<4096xf32, #tpu.memory_space<hbm>>
        %dma_start3A_644 = arith.constant 0 : i32
        %dma_start3A_645 = tpu.memref_slice %arg9[%dma_start3A_639, %dma_start3A_644] : memref<8x4096xf32, #tpu.memory_space<vmem>> -> memref<1x4096xf32, #tpu.memory_space<vmem>>
        %dma_start3A_646 = tpu.memref_squeeze %dma_start3A_645 : memref<1x4096xf32, #tpu.memory_space<vmem>> -> memref<4096xf32, #tpu.memory_space<vmem>>
        %dma_start3A_647 = tpu.memref_slice %arg2[%multiple_of3A_638] : memref<16777216xf32, #tpu.memory_space<hbm>> -> memref<4096xf32, #tpu.memory_space<hbm>>
        tpu.enqueue_dma source(%dma_start3A_647 : memref<4096xf32, #tpu.memory_space<hbm>>) target(%dma_start3A_646 : memref<4096xf32, #tpu.memory_space<vmem>>) target_semaphore(%arg18 : memref<!tpu.dma_semaphore, #tpu.memory_space<semaphore_mem>>)
        %add3A_648 = arith.constant 5 : i32
        %add3A_649 = arith.addi %mul3A_0, %add3A_648 : i32
        %mul3A_650 = arith.constant 1048576 : i32
        %mul3A_651 = arith.muli %add3A_649, %mul3A_650 : i32
        %add3A_652 = arith.addi %mul3A_651, %mul3A_2 : i32
        %mul3A_653 = arith.constant 4096 : i32
        %mul3A_654 = arith.muli %add3A_557, %mul3A_653 : i32
        %add3A_655 = arith.addi %add3A_652, %mul3A_654 : i32
        %multiple_of3A_656 = tpu.assume_multiple %add3A_655, 4096 : i32
        %dma_start3A_657 = arith.constant 5 : i32
        %dma_start3A_658 = arith.constant 0 : i32
        %dma_start3A_659 = tpu.memref_slice %arg9[%dma_start3A_657, %dma_start3A_658] : memref<8x4096xf32, #tpu.memory_space<vmem>> -> memref<1x4096xf32, #tpu.memory_space<vmem>>
        %dma_start3A_660 = tpu.memref_squeeze %dma_start3A_659 : memref<1x4096xf32, #tpu.memory_space<vmem>> -> memref<4096xf32, #tpu.memory_space<vmem>>
        %dma_start3A_661 = tpu.memref_slice %arg2[%multiple_of3A_656] : memref<16777216xf32, #tpu.memory_space<hbm>> -> memref<4096xf32, #tpu.memory_space<hbm>>
        %dma_start3A_662 = arith.constant 0 : i32
        %dma_start3A_663 = tpu.memref_slice %arg9[%dma_start3A_657, %dma_start3A_662] : memref<8x4096xf32, #tpu.memory_space<vmem>> -> memref<1x4096xf32, #tpu.memory_space<vmem>>
        %dma_start3A_664 = tpu.memref_squeeze %dma_start3A_663 : memref<1x4096xf32, #tpu.memory_space<vmem>> -> memref<4096xf32, #tpu.memory_space<vmem>>
        %dma_start3A_665 = tpu.memref_slice %arg2[%multiple_of3A_656] : memref<16777216xf32, #tpu.memory_space<hbm>> -> memref<4096xf32, #tpu.memory_space<hbm>>
        tpu.enqueue_dma source(%dma_start3A_665 : memref<4096xf32, #tpu.memory_space<hbm>>) target(%dma_start3A_664 : memref<4096xf32, #tpu.memory_space<vmem>>) target_semaphore(%arg18 : memref<!tpu.dma_semaphore, #tpu.memory_space<semaphore_mem>>)
        %add3A_666 = arith.constant 6 : i32
        %add3A_667 = arith.addi %mul3A_0, %add3A_666 : i32
        %mul3A_668 = arith.constant 1048576 : i32
        %mul3A_669 = arith.muli %add3A_667, %mul3A_668 : i32
        %add3A_670 = arith.addi %mul3A_669, %mul3A_2 : i32
        %mul3A_671 = arith.constant 4096 : i32
        %mul3A_672 = arith.muli %add3A_557, %mul3A_671 : i32
        %add3A_673 = arith.addi %add3A_670, %mul3A_672 : i32
        %multiple_of3A_674 = tpu.assume_multiple %add3A_673, 4096 : i32
        %dma_start3A_675 = arith.constant 6 : i32
        %dma_start3A_676 = arith.constant 0 : i32
        %dma_start3A_677 = tpu.memref_slice %arg9[%dma_start3A_675, %dma_start3A_676] : memref<8x4096xf32, #tpu.memory_space<vmem>> -> memref<1x4096xf32, #tpu.memory_space<vmem>>
        %dma_start3A_678 = tpu.memref_squeeze %dma_start3A_677 : memref<1x4096xf32, #tpu.memory_space<vmem>> -> memref<4096xf32, #tpu.memory_space<vmem>>
        %dma_start3A_679 = tpu.memref_slice %arg2[%multiple_of3A_674] : memref<16777216xf32, #tpu.memory_space<hbm>> -> memref<4096xf32, #tpu.memory_space<hbm>>
        %dma_start3A_680 = arith.constant 0 : i32
        %dma_start3A_681 = tpu.memref_slice %arg9[%dma_start3A_675, %dma_start3A_680] : memref<8x4096xf32, #tpu.memory_space<vmem>> -> memref<1x4096xf32, #tpu.memory_space<vmem>>
        %dma_start3A_682 = tpu.memref_squeeze %dma_start3A_681 : memref<1x4096xf32, #tpu.memory_space<vmem>> -> memref<4096xf32, #tpu.memory_space<vmem>>
        %dma_start3A_683 = tpu.memref_slice %arg2[%multiple_of3A_674] : memref<16777216xf32, #tpu.memory_space<hbm>> -> memref<4096xf32, #tpu.memory_space<hbm>>
        tpu.enqueue_dma source(%dma_start3A_683 : memref<4096xf32, #tpu.memory_space<hbm>>) target(%dma_start3A_682 : memref<4096xf32, #tpu.memory_space<vmem>>) target_semaphore(%arg18 : memref<!tpu.dma_semaphore, #tpu.memory_space<semaphore_mem>>)
        %add3A_684 = arith.constant 7 : i32
        %add3A_685 = arith.addi %mul3A_0, %add3A_684 : i32
        %mul3A_686 = arith.constant 1048576 : i32
        %mul3A_687 = arith.muli %add3A_685, %mul3A_686 : i32
        %add3A_688 = arith.addi %mul3A_687, %mul3A_2 : i32
        %mul3A_689 = arith.constant 4096 : i32
        %mul3A_690 = arith.muli %add3A_557, %mul3A_689 : i32
        %add3A_691 = arith.addi %add3A_688, %mul3A_690 : i32
        %multiple_of3A_692 = tpu.assume_multiple %add3A_691, 4096 : i32
        %dma_start3A_693 = arith.constant 7 : i32
        %dma_start3A_694 = arith.constant 0 : i32
        %dma_start3A_695 = tpu.memref_slice %arg9[%dma_start3A_693, %dma_start3A_694] : memref<8x4096xf32, #tpu.memory_space<vmem>> -> memref<1x4096xf32, #tpu.memory_space<vmem>>
        %dma_start3A_696 = tpu.memref_squeeze %dma_start3A_695 : memref<1x4096xf32, #tpu.memory_space<vmem>> -> memref<4096xf32, #tpu.memory_space<vmem>>
        %dma_start3A_697 = tpu.memref_slice %arg2[%multiple_of3A_692] : memref<16777216xf32, #tpu.memory_space<hbm>> -> memref<4096xf32, #tpu.memory_space<hbm>>
        %dma_start3A_698 = arith.constant 0 : i32
        %dma_start3A_699 = tpu.memref_slice %arg9[%dma_start3A_693, %dma_start3A_698] : memref<8x4096xf32, #tpu.memory_space<vmem>> -> memref<1x4096xf32, #tpu.memory_space<vmem>>
        %dma_start3A_700 = tpu.memref_squeeze %dma_start3A_699 : memref<1x4096xf32, #tpu.memory_space<vmem>> -> memref<4096xf32, #tpu.memory_space<vmem>>
        %dma_start3A_701 = tpu.memref_slice %arg2[%multiple_of3A_692] : memref<16777216xf32, #tpu.memory_space<hbm>> -> memref<4096xf32, #tpu.memory_space<hbm>>
        tpu.enqueue_dma source(%dma_start3A_701 : memref<4096xf32, #tpu.memory_space<hbm>>) target(%dma_start3A_700 : memref<4096xf32, #tpu.memory_space<vmem>>) target_semaphore(%arg18 : memref<!tpu.dma_semaphore, #tpu.memory_space<semaphore_mem>>)
      } else {
      }
      %add3A_442 = arith.constant 1 : i32
      %add3A_443 = arith.addi %add3A_331, %add3A_442 : i32
      %dma_wait3A_444 = arith.constant 0 : i32
      %dma_wait3A_445 = arith.constant 0 : i32
      %dma_wait3A_446 = tpu.memref_slice %arg9[%dma_wait3A_444, %dma_wait3A_445] : memref<8x4096xf32, #tpu.memory_space<vmem>> -> memref<1x4096xf32, #tpu.memory_space<vmem>>
      %dma_wait3A_447 = tpu.memref_squeeze %dma_wait3A_446 : memref<1x4096xf32, #tpu.memory_space<vmem>> -> memref<4096xf32, #tpu.memory_space<vmem>>
      %dma_wait3A_448 = arith.constant 0 : i32
      %dma_wait3A_449 = tpu.memref_slice %arg4[%dma_wait3A_448] : memref<16777216xf32, #tpu.memory_space<hbm>> -> memref<4096xf32, #tpu.memory_space<hbm>>
      %dma_wait3A_450 = arith.constant 0 : i32
      %dma_wait3A_451 = tpu.memref_slice %arg9[%dma_wait3A_444, %dma_wait3A_450] : memref<8x4096xf32, #tpu.memory_space<vmem>> -> memref<1x4096xf32, #tpu.memory_space<vmem>>
      %dma_wait3A_452 = tpu.memref_squeeze %dma_wait3A_451 : memref<1x4096xf32, #tpu.memory_space<vmem>> -> memref<4096xf32, #tpu.memory_space<vmem>>
      %dma_wait3A_453 = arith.constant 0 : i32
      %dma_wait3A_454 = tpu.memref_slice %arg4[%dma_wait3A_453] : memref<16777216xf32, #tpu.memory_space<hbm>> -> memref<4096xf32, #tpu.memory_space<hbm>>
      tpu.wait_dma2 semaphore(%arg18 : memref<!tpu.dma_semaphore, #tpu.memory_space<semaphore_mem>>) src(%dma_wait3A_454 : memref<4096xf32, #tpu.memory_space<hbm>>) dst(%dma_wait3A_452 : memref<4096xf32, #tpu.memory_space<vmem>>)
      %dma_wait3A_455 = arith.constant 1 : i32
      %dma_wait3A_456 = arith.constant 0 : i32
      %dma_wait3A_457 = tpu.memref_slice %arg9[%dma_wait3A_455, %dma_wait3A_456] : memref<8x4096xf32, #tpu.memory_space<vmem>> -> memref<1x4096xf32, #tpu.memory_space<vmem>>
      %dma_wait3A_458 = tpu.memref_squeeze %dma_wait3A_457 : memref<1x4096xf32, #tpu.memory_space<vmem>> -> memref<4096xf32, #tpu.memory_space<vmem>>
      %dma_wait3A_459 = arith.constant 0 : i32
      %dma_wait3A_460 = tpu.memref_slice %arg4[%dma_wait3A_459] : memref<16777216xf32, #tpu.memory_space<hbm>> -> memref<4096xf32, #tpu.memory_space<hbm>>
      %dma_wait3A_461 = arith.constant 0 : i32
      %dma_wait3A_462 = tpu.memref_slice %arg9[%dma_wait3A_455, %dma_wait3A_461] : memref<8x4096xf32, #tpu.memory_space<vmem>> -> memref<1x4096xf32, #tpu.memory_space<vmem>>
      %dma_wait3A_463 = tpu.memref_squeeze %dma_wait3A_462 : memref<1x4096xf32, #tpu.memory_space<vmem>> -> memref<4096xf32, #tpu.memory_space<vmem>>
      %dma_wait3A_464 = arith.constant 0 : i32
      %dma_wait3A_465 = tpu.memref_slice %arg4[%dma_wait3A_464] : memref<16777216xf32, #tpu.memory_space<hbm>> -> memref<4096xf32, #tpu.memory_space<hbm>>
      tpu.wait_dma2 semaphore(%arg18 : memref<!tpu.dma_semaphore, #tpu.memory_space<semaphore_mem>>) src(%dma_wait3A_465 : memref<4096xf32, #tpu.memory_space<hbm>>) dst(%dma_wait3A_463 : memref<4096xf32, #tpu.memory_space<vmem>>)
      %dma_wait3A_466 = arith.constant 2 : i32
      %dma_wait3A_467 = arith.constant 0 : i32
      %dma_wait3A_468 = tpu.memref_slice %arg9[%dma_wait3A_466, %dma_wait3A_467] : memref<8x4096xf32, #tpu.memory_space<vmem>> -> memref<1x4096xf32, #tpu.memory_space<vmem>>
      %dma_wait3A_469 = tpu.memref_squeeze %dma_wait3A_468 : memref<1x4096xf32, #tpu.memory_space<vmem>> -> memref<4096xf32, #tpu.memory_space<vmem>>
      %dma_wait3A_470 = arith.constant 0 : i32
      %dma_wait3A_471 = tpu.memref_slice %arg4[%dma_wait3A_470] : memref<16777216xf32, #tpu.memory_space<hbm>> -> memref<4096xf32, #tpu.memory_space<hbm>>
      %dma_wait3A_472 = arith.constant 0 : i32
      %dma_wait3A_473 = tpu.memref_slice %arg9[%dma_wait3A_466, %dma_wait3A_472] : memref<8x4096xf32, #tpu.memory_space<vmem>> -> memref<1x4096xf32, #tpu.memory_space<vmem>>
      %dma_wait3A_474 = tpu.memref_squeeze %dma_wait3A_473 : memref<1x4096xf32, #tpu.memory_space<vmem>> -> memref<4096xf32, #tpu.memory_space<vmem>>
      %dma_wait3A_475 = arith.constant 0 : i32
      %dma_wait3A_476 = tpu.memref_slice %arg4[%dma_wait3A_475] : memref<16777216xf32, #tpu.memory_space<hbm>> -> memref<4096xf32, #tpu.memory_space<hbm>>
      tpu.wait_dma2 semaphore(%arg18 : memref<!tpu.dma_semaphore, #tpu.memory_space<semaphore_mem>>) src(%dma_wait3A_476 : memref<4096xf32, #tpu.memory_space<hbm>>) dst(%dma_wait3A_474 : memref<4096xf32, #tpu.memory_space<vmem>>)
      %dma_wait3A_477 = arith.constant 3 : i32
      %dma_wait3A_478 = arith.constant 0 : i32
      %dma_wait3A_479 = tpu.memref_slice %arg9[%dma_wait3A_477, %dma_wait3A_478] : memref<8x4096xf32, #tpu.memory_space<vmem>> -> memref<1x4096xf32, #tpu.memory_space<vmem>>
      %dma_wait3A_480 = tpu.memref_squeeze %dma_wait3A_479 : memref<1x4096xf32, #tpu.memory_space<vmem>> -> memref<4096xf32, #tpu.memory_space<vmem>>
      %dma_wait3A_481 = arith.constant 0 : i32
      %dma_wait3A_482 = tpu.memref_slice %arg4[%dma_wait3A_481] : memref<16777216xf32, #tpu.memory_space<hbm>> -> memref<4096xf32, #tpu.memory_space<hbm>>
      %dma_wait3A_483 = arith.constant 0 : i32
      %dma_wait3A_484 = tpu.memref_slice %arg9[%dma_wait3A_477, %dma_wait3A_483] : memref<8x4096xf32, #tpu.memory_space<vmem>> -> memref<1x4096xf32, #tpu.memory_space<vmem>>
      %dma_wait3A_485 = tpu.memref_squeeze %dma_wait3A_484 : memref<1x4096xf32, #tpu.memory_space<vmem>> -> memref<4096xf32, #tpu.memory_space<vmem>>
      %dma_wait3A_486 = arith.constant 0 : i32
      %dma_wait3A_487 = tpu.memref_slice %arg4[%dma_wait3A_486] : memref<16777216xf32, #tpu.memory_space<hbm>> -> memref<4096xf32, #tpu.memory_space<hbm>>
      tpu.wait_dma2 semaphore(%arg18 : memref<!tpu.dma_semaphore, #tpu.memory_space<semaphore_mem>>) src(%dma_wait3A_487 : memref<4096xf32, #tpu.memory_space<hbm>>) dst(%dma_wait3A_485 : memref<4096xf32, #tpu.memory_space<vmem>>)
      %dma_wait3A_488 = arith.constant 4 : i32
      %dma_wait3A_489 = arith.constant 0 : i32
      %dma_wait3A_490 = tpu.memref_slice %arg9[%dma_wait3A_488, %dma_wait3A_489] : memref<8x4096xf32, #tpu.memory_space<vmem>> -> memref<1x4096xf32, #tpu.memory_space<vmem>>
      %dma_wait3A_491 = tpu.memref_squeeze %dma_wait3A_490 : memref<1x4096xf32, #tpu.memory_space<vmem>> -> memref<4096xf32, #tpu.memory_space<vmem>>
      %dma_wait3A_492 = arith.constant 0 : i32
      %dma_wait3A_493 = tpu.memref_slice %arg4[%dma_wait3A_492] : memref<16777216xf32, #tpu.memory_space<hbm>> -> memref<4096xf32, #tpu.memory_space<hbm>>
      %dma_wait3A_494 = arith.constant 0 : i32
      %dma_wait3A_495 = tpu.memref_slice %arg9[%dma_wait3A_488, %dma_wait3A_494] : memref<8x4096xf32, #tpu.memory_space<vmem>> -> memref<1x4096xf32, #tpu.memory_space<vmem>>
      %dma_wait3A_496 = tpu.memref_squeeze %dma_wait3A_495 : memref<1x4096xf32, #tpu.memory_space<vmem>> -> memref<4096xf32, #tpu.memory_space<vmem>>
      %dma_wait3A_497 = arith.constant 0 : i32
      %dma_wait3A_498 = tpu.memref_slice %arg4[%dma_wait3A_497] : memref<16777216xf32, #tpu.memory_space<hbm>> -> memref<4096xf32, #tpu.memory_space<hbm>>
      tpu.wait_dma2 semaphore(%arg18 : memref<!tpu.dma_semaphore, #tpu.memory_space<semaphore_mem>>) src(%dma_wait3A_498 : memref<4096xf32, #tpu.memory_space<hbm>>) dst(%dma_wait3A_496 : memref<4096xf32, #tpu.memory_space<vmem>>)
      %dma_wait3A_499 = arith.constant 5 : i32
      %dma_wait3A_500 = arith.constant 0 : i32
      %dma_wait3A_501 = tpu.memref_slice %arg9[%dma_wait3A_499, %dma_wait3A_500] : memref<8x4096xf32, #tpu.memory_space<vmem>> -> memref<1x4096xf32, #tpu.memory_space<vmem>>
      %dma_wait3A_502 = tpu.memref_squeeze %dma_wait3A_501 : memref<1x4096xf32, #tpu.memory_space<vmem>> -> memref<4096xf32, #tpu.memory_space<vmem>>
      %dma_wait3A_503 = arith.constant 0 : i32
      %dma_wait3A_504 = tpu.memref_slice %arg4[%dma_wait3A_503] : memref<16777216xf32, #tpu.memory_space<hbm>> -> memref<4096xf32, #tpu.memory_space<hbm>>
      %dma_wait3A_505 = arith.constant 0 : i32
      %dma_wait3A_506 = tpu.memref_slice %arg9[%dma_wait3A_499, %dma_wait3A_505] : memref<8x4096xf32, #tpu.memory_space<vmem>> -> memref<1x4096xf32, #tpu.memory_space<vmem>>
      %dma_wait3A_507 = tpu.memref_squeeze %dma_wait3A_506 : memref<1x4096xf32, #tpu.memory_space<vmem>> -> memref<4096xf32, #tpu.memory_space<vmem>>
      %dma_wait3A_508 = arith.constant 0 : i32
      %dma_wait3A_509 = tpu.memref_slice %arg4[%dma_wait3A_508] : memref<16777216xf32, #tpu.memory_space<hbm>> -> memref<4096xf32, #tpu.memory_space<hbm>>
      tpu.wait_dma2 semaphore(%arg18 : memref<!tpu.dma_semaphore, #tpu.memory_space<semaphore_mem>>) src(%dma_wait3A_509 : memref<4096xf32, #tpu.memory_space<hbm>>) dst(%dma_wait3A_507 : memref<4096xf32, #tpu.memory_space<vmem>>)
      %dma_wait3A_510 = arith.constant 6 : i32
      %dma_wait3A_511 = arith.constant 0 : i32
      %dma_wait3A_512 = tpu.memref_slice %arg9[%dma_wait3A_510, %dma_wait3A_511] : memref<8x4096xf32, #tpu.memory_space<vmem>> -> memref<1x4096xf32, #tpu.memory_space<vmem>>
      %dma_wait3A_513 = tpu.memref_squeeze %dma_wait3A_512 : memref<1x4096xf32, #tpu.memory_space<vmem>> -> memref<4096xf32, #tpu.memory_space<vmem>>
      %dma_wait3A_514 = arith.constant 0 : i32
      %dma_wait3A_515 = tpu.memref_slice %arg4[%dma_wait3A_514] : memref<16777216xf32, #tpu.memory_space<hbm>> -> memref<4096xf32, #tpu.memory_space<hbm>>
      %dma_wait3A_516 = arith.constant 0 : i32
      %dma_wait3A_517 = tpu.memref_slice %arg9[%dma_wait3A_510, %dma_wait3A_516] : memref<8x4096xf32, #tpu.memory_space<vmem>> -> memref<1x4096xf32, #tpu.memory_space<vmem>>
      %dma_wait3A_518 = tpu.memref_squeeze %dma_wait3A_517 : memref<1x4096xf32, #tpu.memory_space<vmem>> -> memref<4096xf32, #tpu.memory_space<vmem>>
      %dma_wait3A_519 = arith.constant 0 : i32
      %dma_wait3A_520 = tpu.memref_slice %arg4[%dma_wait3A_519] : memref<16777216xf32, #tpu.memory_space<hbm>> -> memref<4096xf32, #tpu.memory_space<hbm>>
      tpu.wait_dma2 semaphore(%arg18 : memref<!tpu.dma_semaphore, #tpu.memory_space<semaphore_mem>>) src(%dma_wait3A_520 : memref<4096xf32, #tpu.memory_space<hbm>>) dst(%dma_wait3A_518 : memref<4096xf32, #tpu.memory_space<vmem>>)
      %dma_wait3A_521 = arith.constant 7 : i32
      %dma_wait3A_522 = arith.constant 0 : i32
      %dma_wait3A_523 = tpu.memref_slice %arg9[%dma_wait3A_521, %dma_wait3A_522] : memref<8x4096xf32, #tpu.memory_space<vmem>> -> memref<1x4096xf32, #tpu.memory_space<vmem>>
      %dma_wait3A_524 = tpu.memref_squeeze %dma_wait3A_523 : memref<1x4096xf32, #tpu.memory_space<vmem>> -> memref<4096xf32, #tpu.memory_space<vmem>>
      %dma_wait3A_525 = arith.constant 0 : i32
      %dma_wait3A_526 = tpu.memref_slice %arg4[%dma_wait3A_525] : memref<16777216xf32, #tpu.memory_space<hbm>> -> memref<4096xf32, #tpu.memory_space<hbm>>
      %dma_wait3A_527 = arith.constant 0 : i32
      %dma_wait3A_528 = tpu.memref_slice %arg9[%dma_wait3A_521, %dma_wait3A_527] : memref<8x4096xf32, #tpu.memory_space<vmem>> -> memref<1x4096xf32, #tpu.memory_space<vmem>>
      %dma_wait3A_529 = tpu.memref_squeeze %dma_wait3A_528 : memref<1x4096xf32, #tpu.memory_space<vmem>> -> memref<4096xf32, #tpu.memory_space<vmem>>
      %dma_wait3A_530 = arith.constant 0 : i32
      %dma_wait3A_531 = tpu.memref_slice %arg4[%dma_wait3A_530] : memref<16777216xf32, #tpu.memory_space<hbm>> -> memref<4096xf32, #tpu.memory_space<hbm>>
      tpu.wait_dma2 semaphore(%arg18 : memref<!tpu.dma_semaphore, #tpu.memory_space<semaphore_mem>>) src(%dma_wait3A_531 : memref<4096xf32, #tpu.memory_space<hbm>>) dst(%dma_wait3A_529 : memref<4096xf32, #tpu.memory_space<vmem>>)
      %multiple_of3A_532 = tpu.assume_multiple %mul3A_0, 8 : i32
      %mul3A_533 = arith.constant 4096 : i32
      %mul3A_534 = arith.muli %add3A_443, %mul3A_533 : i32
      %add3A_535 = arith.addi %mul3A_2, %mul3A_534 : i32
      %multiple_of3A_536 = tpu.assume_multiple %add3A_535, 4096 : i32
      %dma_start3A_537 = tpu.memref_slice %arg3[%multiple_of3A_532, %multiple_of3A_536] : memref<16x1048576xf32, #tpu.memory_space<hbm>> -> memref<8x4096xf32, #tpu.memory_space<hbm>>
      %dma_start3A_538 = tpu.memref_slice %arg3[%multiple_of3A_532, %multiple_of3A_536] : memref<16x1048576xf32, #tpu.memory_space<hbm>> -> memref<8x4096xf32, #tpu.memory_space<hbm>>
      tpu.enqueue_dma source(%arg9 : memref<8x4096xf32, #tpu.memory_space<vmem>>) target(%dma_start3A_538 : memref<8x4096xf32, #tpu.memory_space<hbm>>) target_semaphore(%arg20 : memref<!tpu.dma_semaphore, #tpu.memory_space<semaphore_mem>>)
      %scan3A_539 = arith.constant 0 : i32
      %scan3A_540 = arith.constant 256 : i32
      %scan3A_541 = arith.addi %scan3A_539, %scan3A_540 : i32
      %scan3A_542 = arith.constant 1 : i32
      %scan3A_543:8 = scf.for %scan3A_552 = %scan3A_539 to %scan3A_541 step %scan3A_542 iter_args(%scan3A_553 = %scan3A_433#0, %scan3A_554 = %scan3A_433#1, %scan3A_555 = %scan3A_433#2, %scan3A_556 = %scan3A_433#3, %scan3A_557 = %scan3A_433#4, %scan3A_558 = %scan3A_433#5, %scan3A_559 = %scan3A_433#6, %scan3A_560 = %scan3A_433#7) -> (vector<16xi32>, vector<16xi32>, vector<16xi32>, vector<16xi32>, vector<16xi32>, vector<16xi32>, vector<16xi32>, vector<16xi32>)  : i32 {
        %mul3A_561 = arith.constant 16 : i32
        %mul3A_562 = arith.muli %scan3A_552, %mul3A_561 : i32
        %get3A_563 = arith.constant 0 : i32
        %get3A_564 = arith.index_cast %get3A_563 : i32 to index
        %get3A_565 = arith.index_cast %mul3A_562 : i32 to index
        %get3A_566 = tpu.vector_load %arg9[%get3A_564, %get3A_565] {strides = array<i32>} : memref<8x4096xf32, #tpu.memory_space<vmem>>, vector<16xf32>,
        %ne3A = arith.constant 1.010000e+01 : f32
        %ne3A_567 = vector.broadcast %ne3A : f32 to vector<16xf32>
        %ne3A_568 = arith.cmpf one, %get3A_566, %ne3A_567 : vector<16xf32>
        %jit3A = arith.constant 1 : i32
        %jit3A_569 = arith.constant 0 : i32
        %broadcast_in_dim3A_570 = vector.broadcast %jit3A : i32 to vector<16xi32>
        %broadcast_in_dim3A_571 = vector.broadcast %jit3A_569 : i32 to vector<16xi32>
        %select_n3A_572 = arith.select %ne3A_568, %broadcast_in_dim3A_570, %broadcast_in_dim3A_571 : vector<16xi1>, vector<16xi32>
        %add3A_573 = arith.addi %scan3A_553, %select_n3A_572 : vector<16xi32>
        %mul3A_574 = arith.constant 16 : i32
        %mul3A_575 = arith.muli %scan3A_552, %mul3A_574 : i32
        %get3A_576 = arith.constant 1 : i32
        %get3A_577 = arith.index_cast %get3A_576 : i32 to index
        %get3A_578 = arith.index_cast %mul3A_575 : i32 to index
        %get3A_579 = tpu.vector_load %arg9[%get3A_577, %get3A_578] {strides = array<i32>} : memref<8x4096xf32, #tpu.memory_space<vmem>>, vector<16xf32>,
        %ne3A_580 = arith.constant 1.010000e+01 : f32
        %ne3A_581 = vector.broadcast %ne3A_580 : f32 to vector<16xf32>
        %ne3A_582 = arith.cmpf one, %get3A_579, %ne3A_581 : vector<16xf32>
        %jit3A_583 = arith.constant 1 : i32
        %jit3A_584 = arith.constant 0 : i32
        %broadcast_in_dim3A_585 = vector.broadcast %jit3A_583 : i32 to vector<16xi32>
        %broadcast_in_dim3A_586 = vector.broadcast %jit3A_584 : i32 to vector<16xi32>
        %select_n3A_587 = arith.select %ne3A_582, %broadcast_in_dim3A_585, %broadcast_in_dim3A_586 : vector<16xi1>, vector<16xi32>
        %add3A_588 = arith.addi %scan3A_554, %select_n3A_587 : vector<16xi32>
        %mul3A_589 = arith.constant 16 : i32
        %mul3A_590 = arith.muli %scan3A_552, %mul3A_589 : i32
        %get3A_591 = arith.constant 2 : i32
        %get3A_592 = arith.index_cast %get3A_591 : i32 to index
        %get3A_593 = arith.index_cast %mul3A_590 : i32 to index
        %get3A_594 = tpu.vector_load %arg9[%get3A_592, %get3A_593] {strides = array<i32>} : memref<8x4096xf32, #tpu.memory_space<vmem>>, vector<16xf32>,
        %ne3A_595 = arith.constant 1.010000e+01 : f32
        %ne3A_596 = vector.broadcast %ne3A_595 : f32 to vector<16xf32>
        %ne3A_597 = arith.cmpf one, %get3A_594, %ne3A_596 : vector<16xf32>
        %jit3A_598 = arith.constant 1 : i32
        %jit3A_599 = arith.constant 0 : i32
        %broadcast_in_dim3A_600 = vector.broadcast %jit3A_598 : i32 to vector<16xi32>
        %broadcast_in_dim3A_601 = vector.broadcast %jit3A_599 : i32 to vector<16xi32>
        %select_n3A_602 = arith.select %ne3A_597, %broadcast_in_dim3A_600, %broadcast_in_dim3A_601 : vector<16xi1>, vector<16xi32>
        %add3A_603 = arith.addi %scan3A_555, %select_n3A_602 : vector<16xi32>
        %mul3A_604 = arith.constant 16 : i32
        %mul3A_605 = arith.muli %scan3A_552, %mul3A_604 : i32
        %get3A_606 = arith.constant 3 : i32
        %get3A_607 = arith.index_cast %get3A_606 : i32 to index
        %get3A_608 = arith.index_cast %mul3A_605 : i32 to index
        %get3A_609 = tpu.vector_load %arg9[%get3A_607, %get3A_608] {strides = array<i32>} : memref<8x4096xf32, #tpu.memory_space<vmem>>, vector<16xf32>,
        %ne3A_610 = arith.constant 1.010000e+01 : f32
        %ne3A_611 = vector.broadcast %ne3A_610 : f32 to vector<16xf32>
        %ne3A_612 = arith.cmpf one, %get3A_609, %ne3A_611 : vector<16xf32>
        %jit3A_613 = arith.constant 1 : i32
        %jit3A_614 = arith.constant 0 : i32
        %broadcast_in_dim3A_615 = vector.broadcast %jit3A_613 : i32 to vector<16xi32>
        %broadcast_in_dim3A_616 = vector.broadcast %jit3A_614 : i32 to vector<16xi32>
        %select_n3A_617 = arith.select %ne3A_612, %broadcast_in_dim3A_615, %broadcast_in_dim3A_616 : vector<16xi1>, vector<16xi32>
        %add3A_618 = arith.addi %scan3A_556, %select_n3A_617 : vector<16xi32>
        %mul3A_619 = arith.constant 16 : i32
        %mul3A_620 = arith.muli %scan3A_552, %mul3A_619 : i32
        %get3A_621 = arith.constant 4 : i32
        %get3A_622 = arith.index_cast %get3A_621 : i32 to index
        %get3A_623 = arith.index_cast %mul3A_620 : i32 to index
        %get3A_624 = tpu.vector_load %arg9[%get3A_622, %get3A_623] {strides = array<i32>} : memref<8x4096xf32, #tpu.memory_space<vmem>>, vector<16xf32>,
        %ne3A_625 = arith.constant 1.010000e+01 : f32
        %ne3A_626 = vector.broadcast %ne3A_625 : f32 to vector<16xf32>
        %ne3A_627 = arith.cmpf one, %get3A_624, %ne3A_626 : vector<16xf32>
        %jit3A_628 = arith.constant 1 : i32
        %jit3A_629 = arith.constant 0 : i32
        %broadcast_in_dim3A_630 = vector.broadcast %jit3A_628 : i32 to vector<16xi32>
        %broadcast_in_dim3A_631 = vector.broadcast %jit3A_629 : i32 to vector<16xi32>
        %select_n3A_632 = arith.select %ne3A_627, %broadcast_in_dim3A_630, %broadcast_in_dim3A_631 : vector<16xi1>, vector<16xi32>
        %add3A_633 = arith.addi %scan3A_557, %select_n3A_632 : vector<16xi32>
        %mul3A_634 = arith.constant 16 : i32
        %mul3A_635 = arith.muli %scan3A_552, %mul3A_634 : i32
        %get3A_636 = arith.constant 5 : i32
        %get3A_637 = arith.index_cast %get3A_636 : i32 to index
        %get3A_638 = arith.index_cast %mul3A_635 : i32 to index
        %get3A_639 = tpu.vector_load %arg9[%get3A_637, %get3A_638] {strides = array<i32>} : memref<8x4096xf32, #tpu.memory_space<vmem>>, vector<16xf32>,
        %ne3A_640 = arith.constant 1.010000e+01 : f32
        %ne3A_641 = vector.broadcast %ne3A_640 : f32 to vector<16xf32>
        %ne3A_642 = arith.cmpf one, %get3A_639, %ne3A_641 : vector<16xf32>
        %jit3A_643 = arith.constant 1 : i32
        %jit3A_644 = arith.constant 0 : i32
        %broadcast_in_dim3A_645 = vector.broadcast %jit3A_643 : i32 to vector<16xi32>
        %broadcast_in_dim3A_646 = vector.broadcast %jit3A_644 : i32 to vector<16xi32>
        %select_n3A_647 = arith.select %ne3A_642, %broadcast_in_dim3A_645, %broadcast_in_dim3A_646 : vector<16xi1>, vector<16xi32>
        %add3A_648 = arith.addi %scan3A_558, %select_n3A_647 : vector<16xi32>
        %mul3A_649 = arith.constant 16 : i32
        %mul3A_650 = arith.muli %scan3A_552, %mul3A_649 : i32
        %get3A_651 = arith.constant 6 : i32
        %get3A_652 = arith.index_cast %get3A_651 : i32 to index
        %get3A_653 = arith.index_cast %mul3A_650 : i32 to index
        %get3A_654 = tpu.vector_load %arg9[%get3A_652, %get3A_653] {strides = array<i32>} : memref<8x4096xf32, #tpu.memory_space<vmem>>, vector<16xf32>,
        %ne3A_655 = arith.constant 1.010000e+01 : f32
        %ne3A_656 = vector.broadcast %ne3A_655 : f32 to vector<16xf32>
        %ne3A_657 = arith.cmpf one, %get3A_654, %ne3A_656 : vector<16xf32>
        %jit3A_658 = arith.constant 1 : i32
        %jit3A_659 = arith.constant 0 : i32
        %broadcast_in_dim3A_660 = vector.broadcast %jit3A_658 : i32 to vector<16xi32>
        %broadcast_in_dim3A_661 = vector.broadcast %jit3A_659 : i32 to vector<16xi32>
        %select_n3A_662 = arith.select %ne3A_657, %broadcast_in_dim3A_660, %broadcast_in_dim3A_661 : vector<16xi1>, vector<16xi32>
        %add3A_663 = arith.addi %scan3A_559, %select_n3A_662 : vector<16xi32>
        %mul3A_664 = arith.constant 16 : i32
        %mul3A_665 = arith.muli %scan3A_552, %mul3A_664 : i32
        %get3A_666 = arith.constant 7 : i32
        %get3A_667 = arith.index_cast %get3A_666 : i32 to index
        %get3A_668 = arith.index_cast %mul3A_665 : i32 to index
        %get3A_669 = tpu.vector_load %arg9[%get3A_667, %get3A_668] {strides = array<i32>} : memref<8x4096xf32, #tpu.memory_space<vmem>>, vector<16xf32>,
        %ne3A_670 = arith.constant 1.010000e+01 : f32
        %ne3A_671 = vector.broadcast %ne3A_670 : f32 to vector<16xf32>
        %ne3A_672 = arith.cmpf one, %get3A_669, %ne3A_671 : vector<16xf32>
        %jit3A_673 = arith.constant 1 : i32
        %jit3A_674 = arith.constant 0 : i32
        %broadcast_in_dim3A_675 = vector.broadcast %jit3A_673 : i32 to vector<16xi32>
        %broadcast_in_dim3A_676 = vector.broadcast %jit3A_674 : i32 to vector<16xi32>
        %select_n3A_677 = arith.select %ne3A_672, %broadcast_in_dim3A_675, %broadcast_in_dim3A_676 : vector<16xi1>, vector<16xi32>
        %add3A_678 = arith.addi %scan3A_560, %select_n3A_677 : vector<16xi32>
        scf.yield %add3A_573, %add3A_588, %add3A_603, %add3A_618, %add3A_633, %add3A_648, %add3A_663, %add3A_678 : vector<16xi32>, vector<16xi32>, vector<16xi32>, vector<16xi32>, vector<16xi32>, vector<16xi32>, vector<16xi32>, vector<16xi32>
      }
      %scan3A_544 = arith.constant 256 : i32
      %add3A_545 = arith.constant 1 : i32
      %add3A_546 = arith.addi %add3A_443, %add3A_545 : i32
      %lt3A_547 = arith.constant 16 : i32
      %lt3A_548 = arith.cmpi slt, %add3A_546, %lt3A_547 : i32
      %convert_element_type3A_549 = arith.extui %lt3A_548 : i1 to i32
      %cond3A_550 = arith.constant 0 : i32
      %cond3A_551 = arith.cmpi ne, %convert_element_type3A_549, %cond3A_550 : i32
      scf.if %cond3A_551 {
        %ge3A = arith.constant 1 : i32
        %ge3A_552 = arith.cmpi sge, %add3A_443, %ge3A : i32
        %convert_element_type3A_553 = arith.extui %ge3A_552 : i1 to i32
        %cond3A_554 = arith.constant 0 : i32
        %cond3A_555 = arith.cmpi ne, %convert_element_type3A_553, %cond3A_554 : i32
        scf.if %cond3A_555 {
          %dma_wait3A_702 = arith.constant 0 : i32
          %dma_wait3A_703 = arith.constant 0 : i32
          %dma_wait3A_704 = tpu.memref_slice %arg3[%dma_wait3A_702, %dma_wait3A_703] : memref<16x1048576xf32, #tpu.memory_space<hbm>> -> memref<8x4096xf32, #tpu.memory_space<hbm>>
          %dma_wait3A_705 = arith.constant 0 : i32
          %dma_wait3A_706 = arith.constant 0 : i32
          %dma_wait3A_707 = tpu.memref_slice %arg3[%dma_wait3A_705, %dma_wait3A_706] : memref<16x1048576xf32, #tpu.memory_space<hbm>> -> memref<8x4096xf32, #tpu.memory_space<hbm>>
          tpu.wait_dma2 semaphore(%arg19 : memref<!tpu.dma_semaphore, #tpu.memory_space<semaphore_mem>>) src(%arg8 : memref<8x4096xf32, #tpu.memory_space<vmem>>) dst(%dma_wait3A_707 : memref<8x4096xf32, #tpu.memory_space<hbm>>)
        } else {
        }
        %add3A_556 = arith.constant 1 : i32
        %add3A_557 = arith.addi %add3A_443, %add3A_556 : i32
        %add3A_558 = arith.constant 0 : i32
        %add3A_559 = arith.addi %mul3A_0, %add3A_558 : i32
        %mul3A_560 = arith.constant 1048576 : i32
        %mul3A_561 = arith.muli %add3A_559, %mul3A_560 : i32
        %add3A_562 = arith.addi %mul3A_561, %mul3A_2 : i32
        %mul3A_563 = arith.constant 4096 : i32
        %mul3A_564 = arith.muli %add3A_557, %mul3A_563 : i32
        %add3A_565 = arith.addi %add3A_562, %mul3A_564 : i32
        %multiple_of3A_566 = tpu.assume_multiple %add3A_565, 4096 : i32
        %dma_start3A_567 = arith.constant 0 : i32
        %dma_start3A_568 = arith.constant 0 : i32
        %dma_start3A_569 = tpu.memref_slice %arg8[%dma_start3A_567, %dma_start3A_568] : memref<8x4096xf32, #tpu.memory_space<vmem>> -> memref<1x4096xf32, #tpu.memory_space<vmem>>
        %dma_start3A_570 = tpu.memref_squeeze %dma_start3A_569 : memref<1x4096xf32, #tpu.memory_space<vmem>> -> memref<4096xf32, #tpu.memory_space<vmem>>
        %dma_start3A_571 = tpu.memref_slice %arg2[%multiple_of3A_566] : memref<16777216xf32, #tpu.memory_space<hbm>> -> memref<4096xf32, #tpu.memory_space<hbm>>
        %dma_start3A_572 = arith.constant 0 : i32
        %dma_start3A_573 = tpu.memref_slice %arg8[%dma_start3A_567, %dma_start3A_572] : memref<8x4096xf32, #tpu.memory_space<vmem>> -> memref<1x4096xf32, #tpu.memory_space<vmem>>
        %dma_start3A_574 = tpu.memref_squeeze %dma_start3A_573 : memref<1x4096xf32, #tpu.memory_space<vmem>> -> memref<4096xf32, #tpu.memory_space<vmem>>
        %dma_start3A_575 = tpu.memref_slice %arg2[%multiple_of3A_566] : memref<16777216xf32, #tpu.memory_space<hbm>> -> memref<4096xf32, #tpu.memory_space<hbm>>
        tpu.enqueue_dma source(%dma_start3A_575 : memref<4096xf32, #tpu.memory_space<hbm>>) target(%dma_start3A_574 : memref<4096xf32, #tpu.memory_space<vmem>>) target_semaphore(%arg17 : memref<!tpu.dma_semaphore, #tpu.memory_space<semaphore_mem>>)
        %add3A_576 = arith.constant 1 : i32
        %add3A_577 = arith.addi %mul3A_0, %add3A_576 : i32
        %mul3A_578 = arith.constant 1048576 : i32
        %mul3A_579 = arith.muli %add3A_577, %mul3A_578 : i32
        %add3A_580 = arith.addi %mul3A_579, %mul3A_2 : i32
        %mul3A_581 = arith.constant 4096 : i32
        %mul3A_582 = arith.muli %add3A_557, %mul3A_581 : i32
        %add3A_583 = arith.addi %add3A_580, %mul3A_582 : i32
        %multiple_of3A_584 = tpu.assume_multiple %add3A_583, 4096 : i32
        %dma_start3A_585 = arith.constant 1 : i32
        %dma_start3A_586 = arith.constant 0 : i32
        %dma_start3A_587 = tpu.memref_slice %arg8[%dma_start3A_585, %dma_start3A_586] : memref<8x4096xf32, #tpu.memory_space<vmem>> -> memref<1x4096xf32, #tpu.memory_space<vmem>>
        %dma_start3A_588 = tpu.memref_squeeze %dma_start3A_587 : memref<1x4096xf32, #tpu.memory_space<vmem>> -> memref<4096xf32, #tpu.memory_space<vmem>>
        %dma_start3A_589 = tpu.memref_slice %arg2[%multiple_of3A_584] : memref<16777216xf32, #tpu.memory_space<hbm>> -> memref<4096xf32, #tpu.memory_space<hbm>>
        %dma_start3A_590 = arith.constant 0 : i32
        %dma_start3A_591 = tpu.memref_slice %arg8[%dma_start3A_585, %dma_start3A_590] : memref<8x4096xf32, #tpu.memory_space<vmem>> -> memref<1x4096xf32, #tpu.memory_space<vmem>>
        %dma_start3A_592 = tpu.memref_squeeze %dma_start3A_591 : memref<1x4096xf32, #tpu.memory_space<vmem>> -> memref<4096xf32, #tpu.memory_space<vmem>>
        %dma_start3A_593 = tpu.memref_slice %arg2[%multiple_of3A_584] : memref<16777216xf32, #tpu.memory_space<hbm>> -> memref<4096xf32, #tpu.memory_space<hbm>>
        tpu.enqueue_dma source(%dma_start3A_593 : memref<4096xf32, #tpu.memory_space<hbm>>) target(%dma_start3A_592 : memref<4096xf32, #tpu.memory_space<vmem>>) target_semaphore(%arg17 : memref<!tpu.dma_semaphore, #tpu.memory_space<semaphore_mem>>)
        %add3A_594 = arith.constant 2 : i32
        %add3A_595 = arith.addi %mul3A_0, %add3A_594 : i32
        %mul3A_596 = arith.constant 1048576 : i32
        %mul3A_597 = arith.muli %add3A_595, %mul3A_596 : i32
        %add3A_598 = arith.addi %mul3A_597, %mul3A_2 : i32
        %mul3A_599 = arith.constant 4096 : i32
        %mul3A_600 = arith.muli %add3A_557, %mul3A_599 : i32
        %add3A_601 = arith.addi %add3A_598, %mul3A_600 : i32
        %multiple_of3A_602 = tpu.assume_multiple %add3A_601, 4096 : i32
        %dma_start3A_603 = arith.constant 2 : i32
        %dma_start3A_604 = arith.constant 0 : i32
        %dma_start3A_605 = tpu.memref_slice %arg8[%dma_start3A_603, %dma_start3A_604] : memref<8x4096xf32, #tpu.memory_space<vmem>> -> memref<1x4096xf32, #tpu.memory_space<vmem>>
        %dma_start3A_606 = tpu.memref_squeeze %dma_start3A_605 : memref<1x4096xf32, #tpu.memory_space<vmem>> -> memref<4096xf32, #tpu.memory_space<vmem>>
        %dma_start3A_607 = tpu.memref_slice %arg2[%multiple_of3A_602] : memref<16777216xf32, #tpu.memory_space<hbm>> -> memref<4096xf32, #tpu.memory_space<hbm>>
        %dma_start3A_608 = arith.constant 0 : i32
        %dma_start3A_609 = tpu.memref_slice %arg8[%dma_start3A_603, %dma_start3A_608] : memref<8x4096xf32, #tpu.memory_space<vmem>> -> memref<1x4096xf32, #tpu.memory_space<vmem>>
        %dma_start3A_610 = tpu.memref_squeeze %dma_start3A_609 : memref<1x4096xf32, #tpu.memory_space<vmem>> -> memref<4096xf32, #tpu.memory_space<vmem>>
        %dma_start3A_611 = tpu.memref_slice %arg2[%multiple_of3A_602] : memref<16777216xf32, #tpu.memory_space<hbm>> -> memref<4096xf32, #tpu.memory_space<hbm>>
        tpu.enqueue_dma source(%dma_start3A_611 : memref<4096xf32, #tpu.memory_space<hbm>>) target(%dma_start3A_610 : memref<4096xf32, #tpu.memory_space<vmem>>) target_semaphore(%arg17 : memref<!tpu.dma_semaphore, #tpu.memory_space<semaphore_mem>>)
        %add3A_612 = arith.constant 3 : i32
        %add3A_613 = arith.addi %mul3A_0, %add3A_612 : i32
        %mul3A_614 = arith.constant 1048576 : i32
        %mul3A_615 = arith.muli %add3A_613, %mul3A_614 : i32
        %add3A_616 = arith.addi %mul3A_615, %mul3A_2 : i32
        %mul3A_617 = arith.constant 4096 : i32
        %mul3A_618 = arith.muli %add3A_557, %mul3A_617 : i32
        %add3A_619 = arith.addi %add3A_616, %mul3A_618 : i32
        %multiple_of3A_620 = tpu.assume_multiple %add3A_619, 4096 : i32
        %dma_start3A_621 = arith.constant 3 : i32
        %dma_start3A_622 = arith.constant 0 : i32
        %dma_start3A_623 = tpu.memref_slice %arg8[%dma_start3A_621, %dma_start3A_622] : memref<8x4096xf32, #tpu.memory_space<vmem>> -> memref<1x4096xf32, #tpu.memory_space<vmem>>
        %dma_start3A_624 = tpu.memref_squeeze %dma_start3A_623 : memref<1x4096xf32, #tpu.memory_space<vmem>> -> memref<4096xf32, #tpu.memory_space<vmem>>
        %dma_start3A_625 = tpu.memref_slice %arg2[%multiple_of3A_620] : memref<16777216xf32, #tpu.memory_space<hbm>> -> memref<4096xf32, #tpu.memory_space<hbm>>
        %dma_start3A_626 = arith.constant 0 : i32
        %dma_start3A_627 = tpu.memref_slice %arg8[%dma_start3A_621, %dma_start3A_626] : memref<8x4096xf32, #tpu.memory_space<vmem>> -> memref<1x4096xf32, #tpu.memory_space<vmem>>
        %dma_start3A_628 = tpu.memref_squeeze %dma_start3A_627 : memref<1x4096xf32, #tpu.memory_space<vmem>> -> memref<4096xf32, #tpu.memory_space<vmem>>
        %dma_start3A_629 = tpu.memref_slice %arg2[%multiple_of3A_620] : memref<16777216xf32, #tpu.memory_space<hbm>> -> memref<4096xf32, #tpu.memory_space<hbm>>
        tpu.enqueue_dma source(%dma_start3A_629 : memref<4096xf32, #tpu.memory_space<hbm>>) target(%dma_start3A_628 : memref<4096xf32, #tpu.memory_space<vmem>>) target_semaphore(%arg17 : memref<!tpu.dma_semaphore, #tpu.memory_space<semaphore_mem>>)
        %add3A_630 = arith.constant 4 : i32
        %add3A_631 = arith.addi %mul3A_0, %add3A_630 : i32
        %mul3A_632 = arith.constant 1048576 : i32
        %mul3A_633 = arith.muli %add3A_631, %mul3A_632 : i32
        %add3A_634 = arith.addi %mul3A_633, %mul3A_2 : i32
        %mul3A_635 = arith.constant 4096 : i32
        %mul3A_636 = arith.muli %add3A_557, %mul3A_635 : i32
        %add3A_637 = arith.addi %add3A_634, %mul3A_636 : i32
        %multiple_of3A_638 = tpu.assume_multiple %add3A_637, 4096 : i32
        %dma_start3A_639 = arith.constant 4 : i32
        %dma_start3A_640 = arith.constant 0 : i32
        %dma_start3A_641 = tpu.memref_slice %arg8[%dma_start3A_639, %dma_start3A_640] : memref<8x4096xf32, #tpu.memory_space<vmem>> -> memref<1x4096xf32, #tpu.memory_space<vmem>>
        %dma_start3A_642 = tpu.memref_squeeze %dma_start3A_641 : memref<1x4096xf32, #tpu.memory_space<vmem>> -> memref<4096xf32, #tpu.memory_space<vmem>>
        %dma_start3A_643 = tpu.memref_slice %arg2[%multiple_of3A_638] : memref<16777216xf32, #tpu.memory_space<hbm>> -> memref<4096xf32, #tpu.memory_space<hbm>>
        %dma_start3A_644 = arith.constant 0 : i32
        %dma_start3A_645 = tpu.memref_slice %arg8[%dma_start3A_639, %dma_start3A_644] : memref<8x4096xf32, #tpu.memory_space<vmem>> -> memref<1x4096xf32, #tpu.memory_space<vmem>>
        %dma_start3A_646 = tpu.memref_squeeze %dma_start3A_645 : memref<1x4096xf32, #tpu.memory_space<vmem>> -> memref<4096xf32, #tpu.memory_space<vmem>>
        %dma_start3A_647 = tpu.memref_slice %arg2[%multiple_of3A_638] : memref<16777216xf32, #tpu.memory_space<hbm>> -> memref<4096xf32, #tpu.memory_space<hbm>>
        tpu.enqueue_dma source(%dma_start3A_647 : memref<4096xf32, #tpu.memory_space<hbm>>) target(%dma_start3A_646 : memref<4096xf32, #tpu.memory_space<vmem>>) target_semaphore(%arg17 : memref<!tpu.dma_semaphore, #tpu.memory_space<semaphore_mem>>)
        %add3A_648 = arith.constant 5 : i32
        %add3A_649 = arith.addi %mul3A_0, %add3A_648 : i32
        %mul3A_650 = arith.constant 1048576 : i32
        %mul3A_651 = arith.muli %add3A_649, %mul3A_650 : i32
        %add3A_652 = arith.addi %mul3A_651, %mul3A_2 : i32
        %mul3A_653 = arith.constant 4096 : i32
        %mul3A_654 = arith.muli %add3A_557, %mul3A_653 : i32
        %add3A_655 = arith.addi %add3A_652, %mul3A_654 : i32
        %multiple_of3A_656 = tpu.assume_multiple %add3A_655, 4096 : i32
        %dma_start3A_657 = arith.constant 5 : i32
        %dma_start3A_658 = arith.constant 0 : i32
        %dma_start3A_659 = tpu.memref_slice %arg8[%dma_start3A_657, %dma_start3A_658] : memref<8x4096xf32, #tpu.memory_space<vmem>> -> memref<1x4096xf32, #tpu.memory_space<vmem>>
        %dma_start3A_660 = tpu.memref_squeeze %dma_start3A_659 : memref<1x4096xf32, #tpu.memory_space<vmem>> -> memref<4096xf32, #tpu.memory_space<vmem>>
        %dma_start3A_661 = tpu.memref_slice %arg2[%multiple_of3A_656] : memref<16777216xf32, #tpu.memory_space<hbm>> -> memref<4096xf32, #tpu.memory_space<hbm>>
        %dma_start3A_662 = arith.constant 0 : i32
        %dma_start3A_663 = tpu.memref_slice %arg8[%dma_start3A_657, %dma_start3A_662] : memref<8x4096xf32, #tpu.memory_space<vmem>> -> memref<1x4096xf32, #tpu.memory_space<vmem>>
        %dma_start3A_664 = tpu.memref_squeeze %dma_start3A_663 : memref<1x4096xf32, #tpu.memory_space<vmem>> -> memref<4096xf32, #tpu.memory_space<vmem>>
        %dma_start3A_665 = tpu.memref_slice %arg2[%multiple_of3A_656] : memref<16777216xf32, #tpu.memory_space<hbm>> -> memref<4096xf32, #tpu.memory_space<hbm>>
        tpu.enqueue_dma source(%dma_start3A_665 : memref<4096xf32, #tpu.memory_space<hbm>>) target(%dma_start3A_664 : memref<4096xf32, #tpu.memory_space<vmem>>) target_semaphore(%arg17 : memref<!tpu.dma_semaphore, #tpu.memory_space<semaphore_mem>>)
        %add3A_666 = arith.constant 6 : i32
        %add3A_667 = arith.addi %mul3A_0, %add3A_666 : i32
        %mul3A_668 = arith.constant 1048576 : i32
        %mul3A_669 = arith.muli %add3A_667, %mul3A_668 : i32
        %add3A_670 = arith.addi %mul3A_669, %mul3A_2 : i32
        %mul3A_671 = arith.constant 4096 : i32
        %mul3A_672 = arith.muli %add3A_557, %mul3A_671 : i32
        %add3A_673 = arith.addi %add3A_670, %mul3A_672 : i32
        %multiple_of3A_674 = tpu.assume_multiple %add3A_673, 4096 : i32
        %dma_start3A_675 = arith.constant 6 : i32
        %dma_start3A_676 = arith.constant 0 : i32
        %dma_start3A_677 = tpu.memref_slice %arg8[%dma_start3A_675, %dma_start3A_676] : memref<8x4096xf32, #tpu.memory_space<vmem>> -> memref<1x4096xf32, #tpu.memory_space<vmem>>
        %dma_start3A_678 = tpu.memref_squeeze %dma_start3A_677 : memref<1x4096xf32, #tpu.memory_space<vmem>> -> memref<4096xf32, #tpu.memory_space<vmem>>
        %dma_start3A_679 = tpu.memref_slice %arg2[%multiple_of3A_674] : memref<16777216xf32, #tpu.memory_space<hbm>> -> memref<4096xf32, #tpu.memory_space<hbm>>
        %dma_start3A_680 = arith.constant 0 : i32
        %dma_start3A_681 = tpu.memref_slice %arg8[%dma_start3A_675, %dma_start3A_680] : memref<8x4096xf32, #tpu.memory_space<vmem>> -> memref<1x4096xf32, #tpu.memory_space<vmem>>
        %dma_start3A_682 = tpu.memref_squeeze %dma_start3A_681 : memref<1x4096xf32, #tpu.memory_space<vmem>> -> memref<4096xf32, #tpu.memory_space<vmem>>
        %dma_start3A_683 = tpu.memref_slice %arg2[%multiple_of3A_674] : memref<16777216xf32, #tpu.memory_space<hbm>> -> memref<4096xf32, #tpu.memory_space<hbm>>
        tpu.enqueue_dma source(%dma_start3A_683 : memref<4096xf32, #tpu.memory_space<hbm>>) target(%dma_start3A_682 : memref<4096xf32, #tpu.memory_space<vmem>>) target_semaphore(%arg17 : memref<!tpu.dma_semaphore, #tpu.memory_space<semaphore_mem>>)
        %add3A_684 = arith.constant 7 : i32
        %add3A_685 = arith.addi %mul3A_0, %add3A_684 : i32
        %mul3A_686 = arith.constant 1048576 : i32
        %mul3A_687 = arith.muli %add3A_685, %mul3A_686 : i32
        %add3A_688 = arith.addi %mul3A_687, %mul3A_2 : i32
        %mul3A_689 = arith.constant 4096 : i32
        %mul3A_690 = arith.muli %add3A_557, %mul3A_689 : i32
        %add3A_691 = arith.addi %add3A_688, %mul3A_690 : i32
        %multiple_of3A_692 = tpu.assume_multiple %add3A_691, 4096 : i32
        %dma_start3A_693 = arith.constant 7 : i32
        %dma_start3A_694 = arith.constant 0 : i32
        %dma_start3A_695 = tpu.memref_slice %arg8[%dma_start3A_693, %dma_start3A_694] : memref<8x4096xf32, #tpu.memory_space<vmem>> -> memref<1x4096xf32, #tpu.memory_space<vmem>>
        %dma_start3A_696 = tpu.memref_squeeze %dma_start3A_695 : memref<1x4096xf32, #tpu.memory_space<vmem>> -> memref<4096xf32, #tpu.memory_space<vmem>>
        %dma_start3A_697 = tpu.memref_slice %arg2[%multiple_of3A_692] : memref<16777216xf32, #tpu.memory_space<hbm>> -> memref<4096xf32, #tpu.memory_space<hbm>>
        %dma_start3A_698 = arith.constant 0 : i32
        %dma_start3A_699 = tpu.memref_slice %arg8[%dma_start3A_693, %dma_start3A_698] : memref<8x4096xf32, #tpu.memory_space<vmem>> -> memref<1x4096xf32, #tpu.memory_space<vmem>>
        %dma_start3A_700 = tpu.memref_squeeze %dma_start3A_699 : memref<1x4096xf32, #tpu.memory_space<vmem>> -> memref<4096xf32, #tpu.memory_space<vmem>>
        %dma_start3A_701 = tpu.memref_slice %arg2[%multiple_of3A_692] : memref<16777216xf32, #tpu.memory_space<hbm>> -> memref<4096xf32, #tpu.memory_space<hbm>>
        tpu.enqueue_dma source(%dma_start3A_701 : memref<4096xf32, #tpu.memory_space<hbm>>) target(%dma_start3A_700 : memref<4096xf32, #tpu.memory_space<vmem>>) target_semaphore(%arg17 : memref<!tpu.dma_semaphore, #tpu.memory_space<semaphore_mem>>)
      } else {
      }
      scf.yield %scan3A_543#0, %scan3A_543#1, %scan3A_543#2, %scan3A_543#3, %scan3A_543#4, %scan3A_543#5, %scan3A_543#6, %scan3A_543#7 : vector<16xi32>, vector<16xi32>, vector<16xi32>, vector<16xi32>, vector<16xi32>, vector<16xi32>, vector<16xi32>, vector<16xi32>
    }
    %scan3A_141 = arith.constant 8 : i32
    %dma_wait3A = arith.constant 0 : i32
    %dma_wait3A_142 = arith.constant 0 : i32
    %dma_wait3A_143 = tpu.memref_slice %arg3[%dma_wait3A, %dma_wait3A_142] : memref<16x1048576xf32, #tpu.memory_space<hbm>> -> memref<8x4096xf32, #tpu.memory_space<hbm>>
    %dma_wait3A_144 = arith.constant 0 : i32
    %dma_wait3A_145 = arith.constant 0 : i32
    %dma_wait3A_146 = tpu.memref_slice %arg3[%dma_wait3A_144, %dma_wait3A_145] : memref<16x1048576xf32, #tpu.memory_space<hbm>> -> memref<8x4096xf32, #tpu.memory_space<hbm>>
    tpu.wait_dma2 semaphore(%arg19 : memref<!tpu.dma_semaphore, #tpu.memory_space<semaphore_mem>>) src(%arg8 : memref<8x4096xf32, #tpu.memory_space<vmem>>) dst(%dma_wait3A_146 : memref<8x4096xf32, #tpu.memory_space<hbm>>)
    %dma_wait3A_147 = arith.constant 0 : i32
    %dma_wait3A_148 = arith.constant 0 : i32
    %dma_wait3A_149 = tpu.memref_slice %arg3[%dma_wait3A_147, %dma_wait3A_148] : memref<16x1048576xf32, #tpu.memory_space<hbm>> -> memref<8x4096xf32, #tpu.memory_space<hbm>>
    %dma_wait3A_150 = arith.constant 0 : i32
    %dma_wait3A_151 = arith.constant 0 : i32
    %dma_wait3A_152 = tpu.memref_slice %arg3[%dma_wait3A_150, %dma_wait3A_151] : memref<16x1048576xf32, #tpu.memory_space<hbm>> -> memref<8x4096xf32, #tpu.memory_space<hbm>>
    tpu.wait_dma2 semaphore(%arg20 : memref<!tpu.dma_semaphore, #tpu.memory_space<semaphore_mem>>) src(%arg9 : memref<8x4096xf32, #tpu.memory_space<vmem>>) dst(%dma_wait3A_152 : memref<8x4096xf32, #tpu.memory_space<hbm>>)
    %broadcast_in_dim3A_153 = arith.constant 0 : i32
    %broadcast_in_dim3A_154 = vector.broadcast %broadcast_in_dim3A_153 : i32 to vector<16xi32>
    %eq3A = arith.constant 0 : i32
    %eq3A_155 = vector.broadcast %eq3A : i32 to vector<16xi32>
    %eq3A_156 = arith.cmpi eq, %iota3A, %eq3A_155 : vector<16xi32>
    %reduce_sum3A = arith.constant true
    %reduce_sum3A_157 = vector.broadcast %reduce_sum3A : i1 to vector<16xi1>
    %reduce_sum3A_158 = tpu.scan <sum>, %scan3A_140#0 masked %reduce_sum3A_157 : vector<16xi32>, vector<16xi1> -> vector<16xi32>
    %reduce_sum3A_159 = vector.extract %reduce_sum3A_158[15] : i32 from vector<16xi32>
    %broadcast_in_dim3A_160 = vector.broadcast %reduce_sum3A_159 : i32 to vector<16xi32>
    %select_n3A = arith.select %eq3A_156, %broadcast_in_dim3A_160, %broadcast_in_dim3A_154 : vector<16xi1>, vector<16xi32>
    %eq3A_161 = arith.constant 1 : i32
    %eq3A_162 = vector.broadcast %eq3A_161 : i32 to vector<16xi32>
    %eq3A_163 = arith.cmpi eq, %iota3A, %eq3A_162 : vector<16xi32>
    %reduce_sum3A_164 = arith.constant true
    %reduce_sum3A_165 = vector.broadcast %reduce_sum3A_164 : i1 to vector<16xi1>
    %reduce_sum3A_166 = tpu.scan <sum>, %scan3A_140#1 masked %reduce_sum3A_165 : vector<16xi32>, vector<16xi1> -> vector<16xi32>
    %reduce_sum3A_167 = vector.extract %reduce_sum3A_166[15] : i32 from vector<16xi32>
    %broadcast_in_dim3A_168 = vector.broadcast %reduce_sum3A_167 : i32 to vector<16xi32>
    %select_n3A_169 = arith.select %eq3A_163, %broadcast_in_dim3A_168, %select_n3A : vector<16xi1>, vector<16xi32>
    %eq3A_170 = arith.constant 2 : i32
    %eq3A_171 = vector.broadcast %eq3A_170 : i32 to vector<16xi32>
    %eq3A_172 = arith.cmpi eq, %iota3A, %eq3A_171 : vector<16xi32>
    %reduce_sum3A_173 = arith.constant true
    %reduce_sum3A_174 = vector.broadcast %reduce_sum3A_173 : i1 to vector<16xi1>
    %reduce_sum3A_175 = tpu.scan <sum>, %scan3A_140#2 masked %reduce_sum3A_174 : vector<16xi32>, vector<16xi1> -> vector<16xi32>
    %reduce_sum3A_176 = vector.extract %reduce_sum3A_175[15] : i32 from vector<16xi32>
    %broadcast_in_dim3A_177 = vector.broadcast %reduce_sum3A_176 : i32 to vector<16xi32>
    %select_n3A_178 = arith.select %eq3A_172, %broadcast_in_dim3A_177, %select_n3A_169 : vector<16xi1>, vector<16xi32>
    %eq3A_179 = arith.constant 3 : i32
    %eq3A_180 = vector.broadcast %eq3A_179 : i32 to vector<16xi32>
    %eq3A_181 = arith.cmpi eq, %iota3A, %eq3A_180 : vector<16xi32>
    %reduce_sum3A_182 = arith.constant true
    %reduce_sum3A_183 = vector.broadcast %reduce_sum3A_182 : i1 to vector<16xi1>
    %reduce_sum3A_184 = tpu.scan <sum>, %scan3A_140#3 masked %reduce_sum3A_183 : vector<16xi32>, vector<16xi1> -> vector<16xi32>
    %reduce_sum3A_185 = vector.extract %reduce_sum3A_184[15] : i32 from vector<16xi32>
    %broadcast_in_dim3A_186 = vector.broadcast %reduce_sum3A_185 : i32 to vector<16xi32>
    %select_n3A_187 = arith.select %eq3A_181, %broadcast_in_dim3A_186, %select_n3A_178 : vector<16xi1>, vector<16xi32>
    %eq3A_188 = arith.constant 4 : i32
    %eq3A_189 = vector.broadcast %eq3A_188 : i32 to vector<16xi32>
    %eq3A_190 = arith.cmpi eq, %iota3A, %eq3A_189 : vector<16xi32>
    %reduce_sum3A_191 = arith.constant true
    %reduce_sum3A_192 = vector.broadcast %reduce_sum3A_191 : i1 to vector<16xi1>
    %reduce_sum3A_193 = tpu.scan <sum>, %scan3A_140#4 masked %reduce_sum3A_192 : vector<16xi32>, vector<16xi1> -> vector<16xi32>
    %reduce_sum3A_194 = vector.extract %reduce_sum3A_193[15] : i32 from vector<16xi32>
    %broadcast_in_dim3A_195 = vector.broadcast %reduce_sum3A_194 : i32 to vector<16xi32>
    %select_n3A_196 = arith.select %eq3A_190, %broadcast_in_dim3A_195, %select_n3A_187 : vector<16xi1>, vector<16xi32>
    %eq3A_197 = arith.constant 5 : i32
    %eq3A_198 = vector.broadcast %eq3A_197 : i32 to vector<16xi32>
    %eq3A_199 = arith.cmpi eq, %iota3A, %eq3A_198 : vector<16xi32>
    %reduce_sum3A_200 = arith.constant true
    %reduce_sum3A_201 = vector.broadcast %reduce_sum3A_200 : i1 to vector<16xi1>
    %reduce_sum3A_202 = tpu.scan <sum>, %scan3A_140#5 masked %reduce_sum3A_201 : vector<16xi32>, vector<16xi1> -> vector<16xi32>
    %reduce_sum3A_203 = vector.extract %reduce_sum3A_202[15] : i32 from vector<16xi32>
    %broadcast_in_dim3A_204 = vector.broadcast %reduce_sum3A_203 : i32 to vector<16xi32>
    %select_n3A_205 = arith.select %eq3A_199, %broadcast_in_dim3A_204, %select_n3A_196 : vector<16xi1>, vector<16xi32>
    %eq3A_206 = arith.constant 6 : i32
    %eq3A_207 = vector.broadcast %eq3A_206 : i32 to vector<16xi32>
    %eq3A_208 = arith.cmpi eq, %iota3A, %eq3A_207 : vector<16xi32>
    %reduce_sum3A_209 = arith.constant true
    %reduce_sum3A_210 = vector.broadcast %reduce_sum3A_209 : i1 to vector<16xi1>
    %reduce_sum3A_211 = tpu.scan <sum>, %scan3A_140#6 masked %reduce_sum3A_210 : vector<16xi32>, vector<16xi1> -> vector<16xi32>
    %reduce_sum3A_212 = vector.extract %reduce_sum3A_211[15] : i32 from vector<16xi32>
    %broadcast_in_dim3A_213 = vector.broadcast %reduce_sum3A_212 : i32 to vector<16xi32>
    %select_n3A_214 = arith.select %eq3A_208, %broadcast_in_dim3A_213, %select_n3A_205 : vector<16xi1>, vector<16xi32>
    %eq3A_215 = arith.constant 7 : i32
    %eq3A_216 = vector.broadcast %eq3A_215 : i32 to vector<16xi32>
    %eq3A_217 = arith.cmpi eq, %iota3A, %eq3A_216 : vector<16xi32>
    %reduce_sum3A_218 = arith.constant true
    %reduce_sum3A_219 = vector.broadcast %reduce_sum3A_218 : i1 to vector<16xi1>
    %reduce_sum3A_220 = tpu.scan <sum>, %scan3A_140#7 masked %reduce_sum3A_219 : vector<16xi32>, vector<16xi1> -> vector<16xi32>
    %reduce_sum3A_221 = vector.extract %reduce_sum3A_220[15] : i32 from vector<16xi32>
    %broadcast_in_dim3A_222 = vector.broadcast %reduce_sum3A_221 : i32 to vector<16xi32>
    %select_n3A_223 = arith.select %eq3A_217, %broadcast_in_dim3A_222, %select_n3A_214 : vector<16xi1>, vector<16xi32>
    %swap3A = arith.constant 0 : index
    %swap3A_224 = tpu.vector_load %arg10[%swap3A] {strides = array<i32>} : memref<16xi32, #tpu.memory_space<vmem>>, vector<16xi32>,
    tpu.vector_store %arg10[%swap3A], %select_n3A_223 {strides = array<i32>} : memref<16xi32, #tpu.memory_space<vmem>>, vector<16xi32>,
    %mul3A_225 = arith.constant 16 : i32
    %mul3A_226 = arith.muli %arg1, %mul3A_225 : i32
    "tpu.region"() ({
      %run_scoped3A = tpu.sem_alloc : memref<!tpu.dma_semaphore, #tpu.memory_space<semaphore_mem>>
      %dma_start3A_319 = tpu.memref_slice %arg12[%mul3A_226] : memref<256xi32, #tpu.memory_space<vmem_shared>> -> memref<16xi32, #tpu.memory_space<vmem_shared>>
      %dma_start3A_320 = tpu.memref_slice %arg12[%mul3A_226] : memref<256xi32, #tpu.memory_space<vmem_shared>> -> memref<16xi32, #tpu.memory_space<vmem_shared>>
      tpu.enqueue_dma source(%arg10 : memref<16xi32, #tpu.memory_space<vmem>>) target(%dma_start3A_320 : memref<16xi32, #tpu.memory_space<vmem_shared>>) target_semaphore(%run_scoped3A : memref<!tpu.dma_semaphore, #tpu.memory_space<semaphore_mem>>)
      %dma_wait3A_321 = tpu.memref_slice %arg12[%mul3A_226] : memref<256xi32, #tpu.memory_space<vmem_shared>> -> memref<16xi32, #tpu.memory_space<vmem_shared>>
      %dma_wait3A_322 = tpu.memref_slice %arg12[%mul3A_226] : memref<256xi32, #tpu.memory_space<vmem_shared>> -> memref<16xi32, #tpu.memory_space<vmem_shared>>
      tpu.wait_dma2 semaphore(%run_scoped3A : memref<!tpu.dma_semaphore, #tpu.memory_space<semaphore_mem>>) src(%arg10 : memref<16xi32, #tpu.memory_space<vmem>>) dst(%dma_wait3A_322 : memref<16xi32, #tpu.memory_space<vmem_shared>>)
      tpu.yield
    }) : () -> ()
    %barrier3A = arith.constant 0 : index
    tpu.barrier barrier_id(%barrier3A)
    "tpu.region"() ({
      %run_scoped3A = tpu.sem_alloc : memref<!tpu.dma_semaphore, #tpu.memory_space<semaphore_mem>>
      tpu.enqueue_dma source(%arg12 : memref<256xi32, #tpu.memory_space<vmem_shared>>) target(%arg11 : memref<256xi32, #tpu.memory_space<vmem>>) target_semaphore(%run_scoped3A : memref<!tpu.dma_semaphore, #tpu.memory_space<semaphore_mem>>)
      tpu.wait_dma2 semaphore(%run_scoped3A : memref<!tpu.dma_semaphore, #tpu.memory_space<semaphore_mem>>) src(%arg12 : memref<256xi32, #tpu.memory_space<vmem_shared>>) dst(%arg11 : memref<256xi32, #tpu.memory_space<vmem>>)
      tpu.yield
    }) : () -> ()
    %broadcast_in_dim3A_227 = arith.constant 0 : i32
    %broadcast_in_dim3A_228 = vector.broadcast %broadcast_in_dim3A_227 : i32 to vector<16xi32>
    %get3A = arith.constant 0 : index
    %get3A_229 = tpu.vector_load %arg11[%get3A] {strides = array<i32>} : memref<256xi32, #tpu.memory_space<vmem>>, vector<16xi32>,
    %add3A_230 = arith.addi %broadcast_in_dim3A_228, %get3A_229 : vector<16xi32>
    %get3A_231 = arith.constant 16 : index
    %get3A_232 = tpu.vector_load %arg11[%get3A_231] {strides = array<i32>} : memref<256xi32, #tpu.memory_space<vmem>>, vector<16xi32>,
    %add3A_233 = arith.addi %add3A_230, %get3A_232 : vector<16xi32>
    %get3A_234 = arith.constant 32 : index
    %get3A_235 = tpu.vector_load %arg11[%get3A_234] {strides = array<i32>} : memref<256xi32, #tpu.memory_space<vmem>>, vector<16xi32>,
    %add3A_236 = arith.addi %add3A_233, %get3A_235 : vector<16xi32>
    %get3A_237 = arith.constant 48 : index
    %get3A_238 = tpu.vector_load %arg11[%get3A_237] {strides = array<i32>} : memref<256xi32, #tpu.memory_space<vmem>>, vector<16xi32>,
    %add3A_239 = arith.addi %add3A_236, %get3A_238 : vector<16xi32>
    %get3A_240 = arith.constant 64 : index
    %get3A_241 = tpu.vector_load %arg11[%get3A_240] {strides = array<i32>} : memref<256xi32, #tpu.memory_space<vmem>>, vector<16xi32>,
    %add3A_242 = arith.addi %add3A_239, %get3A_241 : vector<16xi32>
    %get3A_243 = arith.constant 80 : index
    %get3A_244 = tpu.vector_load %arg11[%get3A_243] {strides = array<i32>} : memref<256xi32, #tpu.memory_space<vmem>>, vector<16xi32>,
    %add3A_245 = arith.addi %add3A_242, %get3A_244 : vector<16xi32>
    %get3A_246 = arith.constant 96 : index
    %get3A_247 = tpu.vector_load %arg11[%get3A_246] {strides = array<i32>} : memref<256xi32, #tpu.memory_space<vmem>>, vector<16xi32>,
    %add3A_248 = arith.addi %add3A_245, %get3A_247 : vector<16xi32>
    %get3A_249 = arith.constant 112 : index
    %get3A_250 = tpu.vector_load %arg11[%get3A_249] {strides = array<i32>} : memref<256xi32, #tpu.memory_space<vmem>>, vector<16xi32>,
    %add3A_251 = arith.addi %add3A_248, %get3A_250 : vector<16xi32>
    %get3A_252 = arith.constant 128 : index
    %get3A_253 = tpu.vector_load %arg11[%get3A_252] {strides = array<i32>} : memref<256xi32, #tpu.memory_space<vmem>>, vector<16xi32>,
    %add3A_254 = arith.addi %add3A_251, %get3A_253 : vector<16xi32>
    %get3A_255 = arith.constant 144 : index
    %get3A_256 = tpu.vector_load %arg11[%get3A_255] {strides = array<i32>} : memref<256xi32, #tpu.memory_space<vmem>>, vector<16xi32>,
    %add3A_257 = arith.addi %add3A_254, %get3A_256 : vector<16xi32>
    %get3A_258 = arith.constant 160 : index
    %get3A_259 = tpu.vector_load %arg11[%get3A_258] {strides = array<i32>} : memref<256xi32, #tpu.memory_space<vmem>>, vector<16xi32>,
    %add3A_260 = arith.addi %add3A_257, %get3A_259 : vector<16xi32>
    %get3A_261 = arith.constant 176 : index
    %get3A_262 = tpu.vector_load %arg11[%get3A_261] {strides = array<i32>} : memref<256xi32, #tpu.memory_space<vmem>>, vector<16xi32>,
    %add3A_263 = arith.addi %add3A_260, %get3A_262 : vector<16xi32>
    %get3A_264 = arith.constant 192 : index
    %get3A_265 = tpu.vector_load %arg11[%get3A_264] {strides = array<i32>} : memref<256xi32, #tpu.memory_space<vmem>>, vector<16xi32>,
    %add3A_266 = arith.addi %add3A_263, %get3A_265 : vector<16xi32>
    %get3A_267 = arith.constant 208 : index
    %get3A_268 = tpu.vector_load %arg11[%get3A_267] {strides = array<i32>} : memref<256xi32, #tpu.memory_space<vmem>>, vector<16xi32>,
    %add3A_269 = arith.addi %add3A_266, %get3A_268 : vector<16xi32>
    %get3A_270 = arith.constant 224 : index
    %get3A_271 = tpu.vector_load %arg11[%get3A_270] {strides = array<i32>} : memref<256xi32, #tpu.memory_space<vmem>>, vector<16xi32>,
    %add3A_272 = arith.addi %add3A_269, %get3A_271 : vector<16xi32>
    %get3A_273 = arith.constant 240 : index
    %get3A_274 = tpu.vector_load %arg11[%get3A_273] {strides = array<i32>} : memref<256xi32, #tpu.memory_space<vmem>>, vector<16xi32>,
    %add3A_275 = arith.addi %add3A_272, %get3A_274 : vector<16xi32>
    %slice3A = vector.extract_strided_slice %add3A_275 {offsets = [0], sizes = [1], strides = [1]} : vector<16xi32> to vector<1xi32>
    %squeeze3A = vector.extract %slice3A[0] : i32 from vector<1xi32>
    %eq3A_276 = arith.constant 1048576 : i32
    %eq3A_277 = arith.cmpi eq, %squeeze3A, %eq3A_276 : i32
    %slice3A_278 = vector.extract_strided_slice %add3A_275 {offsets = [1], sizes = [1], strides = [1]} : vector<16xi32> to vector<1xi32>
    %squeeze3A_279 = vector.extract %slice3A_278[0] : i32 from vector<1xi32>
    %eq3A_280 = arith.constant 1048576 : i32
    %eq3A_281 = arith.cmpi eq, %squeeze3A_279, %eq3A_280 : i32
    %slice3A_282 = vector.extract_strided_slice %add3A_275 {offsets = [2], sizes = [1], strides = [1]} : vector<16xi32> to vector<1xi32>
    %squeeze3A_283 = vector.extract %slice3A_282[0] : i32 from vector<1xi32>
    %eq3A_284 = arith.constant 1048576 : i32
    %eq3A_285 = arith.cmpi eq, %squeeze3A_283, %eq3A_284 : i32
    %slice3A_286 = vector.extract_strided_slice %add3A_275 {offsets = [3], sizes = [1], strides = [1]} : vector<16xi32> to vector<1xi32>
    %squeeze3A_287 = vector.extract %slice3A_286[0] : i32 from vector<1xi32>
    %eq3A_288 = arith.constant 1048576 : i32
    %eq3A_289 = arith.cmpi eq, %squeeze3A_287, %eq3A_288 : i32
    %slice3A_290 = vector.extract_strided_slice %add3A_275 {offsets = [4], sizes = [1], strides = [1]} : vector<16xi32> to vector<1xi32>
    %squeeze3A_291 = vector.extract %slice3A_290[0] : i32 from vector<1xi32>
    %eq3A_292 = arith.constant 1048576 : i32
    %eq3A_293 = arith.cmpi eq, %squeeze3A_291, %eq3A_292 : i32
    %slice3A_294 = vector.extract_strided_slice %add3A_275 {offsets = [5], sizes = [1], strides = [1]} : vector<16xi32> to vector<1xi32>
    %squeeze3A_295 = vector.extract %slice3A_294[0] : i32 from vector<1xi32>
    %eq3A_296 = arith.constant 1048576 : i32
    %eq3A_297 = arith.cmpi eq, %squeeze3A_295, %eq3A_296 : i32
    %slice3A_298 = vector.extract_strided_slice %add3A_275 {offsets = [6], sizes = [1], strides = [1]} : vector<16xi32> to vector<1xi32>
    %squeeze3A_299 = vector.extract %slice3A_298[0] : i32 from vector<1xi32>
    %eq3A_300 = arith.constant 1048576 : i32
    %eq3A_301 = arith.cmpi eq, %squeeze3A_299, %eq3A_300 : i32
    %slice3A_302 = vector.extract_strided_slice %add3A_275 {offsets = [7], sizes = [1], strides = [1]} : vector<16xi32> to vector<1xi32>
    %squeeze3A_303 = vector.extract %slice3A_302[0] : i32 from vector<1xi32>
    %eq3A_304 = arith.constant 1048576 : i32
    %eq3A_305 = arith.cmpi eq, %squeeze3A_303, %eq3A_304 : i32
    %and3A = arith.andi %eq3A_277, %eq3A_281 : i1
    %and3A_306 = arith.andi %and3A, %eq3A_285 : i1
    %and3A_307 = arith.andi %and3A_306, %eq3A_289 : i1
    %and3A_308 = arith.andi %and3A_307, %eq3A_293 : i1
    %and3A_309 = arith.andi %and3A_308, %eq3A_297 : i1
    %and3A_310 = arith.andi %and3A_309, %eq3A_301 : i1
    %and3A_311 = arith.andi %and3A_310, %eq3A_305 : i1
    %not3A = arith.constant true
    %not3A_312 = arith.xori %and3A_311, %not3A : i1
    %lt3A = arith.constant 8 : i32
    %lt3A_313 = arith.cmpi slt, %arg1, %lt3A : i32
    %and3A_314 = arith.andi %lt3A_313, %not3A_312 : i1
    %convert_element_type3A = arith.extui %and3A_314 : i1 to i32
    %cond3A = arith.constant 0 : i32
    %cond3A_315 = arith.cmpi ne, %convert_element_type3A, %cond3A : i32
    scf.if %cond3A_315 {
      %mul3A_319 = arith.constant 8 : i32
      %mul3A_320 = arith.muli %arg0, %mul3A_319 : i32
      %add3A_321 = arith.addi %mul3A_320, %arg1 : i32
      %mul3A_322 = arith.constant 1048576 : i32
      %mul3A_323 = arith.muli %add3A_321, %mul3A_322 : i32
      %multiple_of3A_324 = tpu.assume_multiple %mul3A_323, 8192 : i32
      %eq3A_325 = vector.broadcast %arg1 : i32 to vector<16xi32>
      %eq3A_326 = arith.cmpi eq, %iota3A, %eq3A_325 : vector<16xi32>
      %jit3A = arith.constant 0 : i32
      %broadcast_in_dim3A_327 = vector.broadcast %jit3A : i32 to vector<16xi32>
      %select_n3A_328 = arith.select %eq3A_326, %add3A_275, %broadcast_in_dim3A_327 : vector<16xi1>, vector<16xi32>
      %reduce_sum3A_329 = arith.constant true
      %reduce_sum3A_330 = vector.broadcast %reduce_sum3A_329 : i1 to vector<16xi1>
      %reduce_sum3A_331 = tpu.scan <sum>, %select_n3A_328 masked %reduce_sum3A_330 : vector<16xi32>, vector<16xi1> -> vector<16xi32>
      %reduce_sum3A_332 = vector.extract %reduce_sum3A_331[15] : i32 from vector<16xi32>
      %eq3A_333 = arith.constant 1048576 : i32
      %eq3A_334 = arith.cmpi eq, %reduce_sum3A_332, %eq3A_333 : i32
      %not3A_335 = arith.constant true
      %not3A_336 = arith.xori %eq3A_334, %not3A_335 : i1
      %convert_element_type3A_337 = arith.extui %not3A_336 : i1 to i32
      %cond3A_338 = arith.constant 0 : i32
      %cond3A_339 = arith.cmpi ne, %convert_element_type3A_337, %cond3A_338 : i32
      scf.if %cond3A_339 {
        %add3A_340 = arith.constant 0 : i32
        %add3A_341 = arith.addi %multiple_of3A_324, %add3A_340 : i32
        %multiple_of3A_342 = tpu.assume_multiple %add3A_341, 8192 : i32
        %dma_start3A_343 = tpu.memref_slice %arg2[%multiple_of3A_342] : memref<16777216xf32, #tpu.memory_space<hbm>> -> memref<8192xf32, #tpu.memory_space<hbm>>
        %dma_start3A_344 = tpu.memref_slice %arg2[%multiple_of3A_342] : memref<16777216xf32, #tpu.memory_space<hbm>> -> memref<8192xf32, #tpu.memory_space<hbm>>
        tpu.enqueue_dma source(%dma_start3A_344 : memref<8192xf32, #tpu.memory_space<hbm>>) target(%arg5 : memref<8192xf32, #tpu.memory_space<vmem>>) target_semaphore(%arg13 : memref<!tpu.dma_semaphore, #tpu.memory_space<semaphore_mem>>)
        %scan3A_345 = arith.constant 0 : i32
        %scan3A_346 = arith.constant 0 : i32
        %scan3A_347 = arith.constant 0 : i32
        %scan3A_348 = arith.constant 0 : i32
        %scan3A_349 = arith.constant 0 : i32
        %scan3A_350 = arith.constant 64 : i32
        %scan3A_351 = arith.addi %scan3A_349, %scan3A_350 : i32
        %scan3A_352 = arith.constant 1 : i32
        %scan3A_353:4 = scf.for %scan3A_370 = %scan3A_349 to %scan3A_351 step %scan3A_352 iter_args(%scan3A_371 = %scan3A_345, %scan3A_372 = %scan3A_346, %scan3A_373 = %scan3A_347, %scan3A_374 = %scan3A_348) -> (i32, i32, i32, i32)  : i32 {
          %mul3A_375 = arith.constant 2 : i32
          %mul3A_376 = arith.muli %scan3A_370, %mul3A_375 : i32
          %add3A_377 = arith.constant 0 : i32
          %add3A_378 = arith.addi %add3A_377, %mul3A_376 : i32
          %add3A_379 = arith.constant 0 : i32
          %add3A_380 = arith.addi %add3A_378, %add3A_379 : i32
          %eq3A_381 = arith.constant 1 : i32
          %eq3A_382 = arith.cmpi eq, %scan3A_374, %eq3A_381 : i32
          %convert_element_type3A_383 = arith.extui %eq3A_382 : i1 to i32
          %cond3A_384 = arith.constant 0 : i32
          %cond3A_385 = arith.cmpi ne, %convert_element_type3A_383, %cond3A_384 : i32
          scf.if %cond3A_385 {
            %add3A_465 = arith.constant 0 : i32
            %add3A_466 = arith.addi %multiple_of3A_324, %add3A_465 : i32
            %multiple_of3A_467 = tpu.assume_multiple %add3A_466, 8192 : i32
            %dma_wait3A_468 = tpu.memref_slice %arg4[%multiple_of3A_467] : memref<16777216xf32, #tpu.memory_space<hbm>> -> memref<8192xf32, #tpu.memory_space<hbm>>
            %dma_wait3A_469 = tpu.memref_slice %arg4[%multiple_of3A_467] : memref<16777216xf32, #tpu.memory_space<hbm>> -> memref<8192xf32, #tpu.memory_space<hbm>>
            tpu.wait_dma2 semaphore(%arg16 : memref<!tpu.dma_semaphore, #tpu.memory_space<semaphore_mem>>) src(%arg6 : memref<8192xf32, #tpu.memory_space<vmem>>) dst(%dma_wait3A_469 : memref<8192xf32, #tpu.memory_space<hbm>>)
          } else {
          }
          %add3A_386 = arith.constant 1 : i32
          %add3A_387 = arith.addi %add3A_380, %add3A_386 : i32
          %mul3A_388 = arith.constant 8192 : i32
          %mul3A_389 = arith.muli %add3A_387, %mul3A_388 : i32
          %add3A_390 = arith.addi %multiple_of3A_324, %mul3A_389 : i32
          %multiple_of3A_391 = tpu.assume_multiple %add3A_390, 8192 : i32
          %dma_start3A_392 = tpu.memref_slice %arg2[%multiple_of3A_391] : memref<16777216xf32, #tpu.memory_space<hbm>> -> memref<8192xf32, #tpu.memory_space<hbm>>
          %dma_start3A_393 = tpu.memref_slice %arg2[%multiple_of3A_391] : memref<16777216xf32, #tpu.memory_space<hbm>> -> memref<8192xf32, #tpu.memory_space<hbm>>
          tpu.enqueue_dma source(%dma_start3A_393 : memref<8192xf32, #tpu.memory_space<hbm>>) target(%arg6 : memref<8192xf32, #tpu.memory_space<vmem>>) target_semaphore(%arg14 : memref<!tpu.dma_semaphore, #tpu.memory_space<semaphore_mem>>)
          %mul3A_394 = arith.constant 8192 : i32
          %mul3A_395 = arith.muli %add3A_380, %mul3A_394 : i32
          %add3A_396 = arith.addi %multiple_of3A_324, %mul3A_395 : i32
          %multiple_of3A_397 = tpu.assume_multiple %add3A_396, 8192 : i32
          %dma_wait3A_398 = tpu.memref_slice %arg2[%multiple_of3A_397] : memref<16777216xf32, #tpu.memory_space<hbm>> -> memref<8192xf32, #tpu.memory_space<hbm>>
          %dma_wait3A_399 = tpu.memref_slice %arg2[%multiple_of3A_397] : memref<16777216xf32, #tpu.memory_space<hbm>> -> memref<8192xf32, #tpu.memory_space<hbm>>
          tpu.wait_dma2 semaphore(%arg13 : memref<!tpu.dma_semaphore, #tpu.memory_space<semaphore_mem>>) src(%dma_wait3A_399 : memref<8192xf32, #tpu.memory_space<hbm>>) dst(%arg5 : memref<8192xf32, #tpu.memory_space<vmem>>)
          %scan3A_400 = arith.constant 0 : i32
          %scan3A_401 = arith.constant 64 : i32
          %scan3A_402 = arith.addi %scan3A_400, %scan3A_401 : i32
          %scan3A_403 = arith.constant 1 : i32
          %scan3A_404:4 = scf.for %scan3A_465 = %scan3A_400 to %scan3A_402 step %scan3A_403 iter_args(%scan3A_466 = %broadcast_in_dim3A_136, %scan3A_467 = %broadcast_in_dim3A_136, %scan3A_468 = %broadcast_in_dim3A_136, %scan3A_469 = %broadcast_in_dim3A_136) -> (vector<16xi32>, vector<16xi32>, vector<16xi32>, vector<16xi32>)  : i32 {
            %mul3A_470 = arith.constant 8 : i32
            %mul3A_471 = arith.muli %scan3A_465, %mul3A_470 : i32
            %add3A_472 = arith.constant 0 : i32
            %add3A_473 = arith.addi %mul3A_471, %add3A_472 : i32
            %mul3A_474 = arith.constant 16 : i32
            %mul3A_475 = arith.muli %add3A_473, %mul3A_474 : i32
            %get3A_476 = arith.index_cast %mul3A_475 : i32 to index
            %get3A_477 = tpu.vector_load %arg5[%get3A_476] {strides = array<i32>} : memref<8192xf32, #tpu.memory_space<vmem>>, vector<16xf32>,
            %ne3A = arith.constant 1.010000e+01 : f32
            %ne3A_478 = vector.broadcast %ne3A : f32 to vector<16xf32>
            %ne3A_479 = arith.cmpf one, %get3A_477, %ne3A_478 : vector<16xf32>
            %jit3A_480 = arith.constant 1 : i32
            %jit3A_481 = arith.constant 0 : i32
            %broadcast_in_dim3A_482 = vector.broadcast %jit3A_480 : i32 to vector<16xi32>
            %broadcast_in_dim3A_483 = vector.broadcast %jit3A_481 : i32 to vector<16xi32>
            %select_n3A_484 = arith.select %ne3A_479, %broadcast_in_dim3A_482, %broadcast_in_dim3A_483 : vector<16xi1>, vector<16xi32>
            %add3A_485 = arith.addi %scan3A_466, %select_n3A_484 : vector<16xi32>
            %mul3A_486 = arith.constant 8 : i32
            %mul3A_487 = arith.muli %scan3A_465, %mul3A_486 : i32
            %add3A_488 = arith.constant 1 : i32
            %add3A_489 = arith.addi %mul3A_487, %add3A_488 : i32
            %mul3A_490 = arith.constant 16 : i32
            %mul3A_491 = arith.muli %add3A_489, %mul3A_490 : i32
            %get3A_492 = arith.index_cast %mul3A_491 : i32 to index
            %get3A_493 = tpu.vector_load %arg5[%get3A_492] {strides = array<i32>} : memref<8192xf32, #tpu.memory_space<vmem>>, vector<16xf32>,
            %ne3A_494 = arith.constant 1.010000e+01 : f32
            %ne3A_495 = vector.broadcast %ne3A_494 : f32 to vector<16xf32>
            %ne3A_496 = arith.cmpf one, %get3A_493, %ne3A_495 : vector<16xf32>
            %jit3A_497 = arith.constant 1 : i32
            %jit3A_498 = arith.constant 0 : i32
            %broadcast_in_dim3A_499 = vector.broadcast %jit3A_497 : i32 to vector<16xi32>
            %broadcast_in_dim3A_500 = vector.broadcast %jit3A_498 : i32 to vector<16xi32>
            %select_n3A_501 = arith.select %ne3A_496, %broadcast_in_dim3A_499, %broadcast_in_dim3A_500 : vector<16xi1>, vector<16xi32>
            %add3A_502 = arith.addi %scan3A_467, %select_n3A_501 : vector<16xi32>
            %mul3A_503 = arith.constant 8 : i32
            %mul3A_504 = arith.muli %scan3A_465, %mul3A_503 : i32
            %add3A_505 = arith.constant 2 : i32
            %add3A_506 = arith.addi %mul3A_504, %add3A_505 : i32
            %mul3A_507 = arith.constant 16 : i32
            %mul3A_508 = arith.muli %add3A_506, %mul3A_507 : i32
            %get3A_509 = arith.index_cast %mul3A_508 : i32 to index
            %get3A_510 = tpu.vector_load %arg5[%get3A_509] {strides = array<i32>} : memref<8192xf32, #tpu.memory_space<vmem>>, vector<16xf32>,
            %ne3A_511 = arith.constant 1.010000e+01 : f32
            %ne3A_512 = vector.broadcast %ne3A_511 : f32 to vector<16xf32>
            %ne3A_513 = arith.cmpf one, %get3A_510, %ne3A_512 : vector<16xf32>
            %jit3A_514 = arith.constant 1 : i32
            %jit3A_515 = arith.constant 0 : i32
            %broadcast_in_dim3A_516 = vector.broadcast %jit3A_514 : i32 to vector<16xi32>
            %broadcast_in_dim3A_517 = vector.broadcast %jit3A_515 : i32 to vector<16xi32>
            %select_n3A_518 = arith.select %ne3A_513, %broadcast_in_dim3A_516, %broadcast_in_dim3A_517 : vector<16xi1>, vector<16xi32>
            %add3A_519 = arith.addi %scan3A_468, %select_n3A_518 : vector<16xi32>
            %mul3A_520 = arith.constant 8 : i32
            %mul3A_521 = arith.muli %scan3A_465, %mul3A_520 : i32
            %add3A_522 = arith.constant 3 : i32
            %add3A_523 = arith.addi %mul3A_521, %add3A_522 : i32
            %mul3A_524 = arith.constant 16 : i32
            %mul3A_525 = arith.muli %add3A_523, %mul3A_524 : i32
            %get3A_526 = arith.index_cast %mul3A_525 : i32 to index
            %get3A_527 = tpu.vector_load %arg5[%get3A_526] {strides = array<i32>} : memref<8192xf32, #tpu.memory_space<vmem>>, vector<16xf32>,
            %ne3A_528 = arith.constant 1.010000e+01 : f32
            %ne3A_529 = vector.broadcast %ne3A_528 : f32 to vector<16xf32>
            %ne3A_530 = arith.cmpf one, %get3A_527, %ne3A_529 : vector<16xf32>
            %jit3A_531 = arith.constant 1 : i32
            %jit3A_532 = arith.constant 0 : i32
            %broadcast_in_dim3A_533 = vector.broadcast %jit3A_531 : i32 to vector<16xi32>
            %broadcast_in_dim3A_534 = vector.broadcast %jit3A_532 : i32 to vector<16xi32>
            %select_n3A_535 = arith.select %ne3A_530, %broadcast_in_dim3A_533, %broadcast_in_dim3A_534 : vector<16xi1>, vector<16xi32>
            %add3A_536 = arith.addi %scan3A_469, %select_n3A_535 : vector<16xi32>
            %mul3A_537 = arith.constant 8 : i32
            %mul3A_538 = arith.muli %scan3A_465, %mul3A_537 : i32
            %add3A_539 = arith.constant 4 : i32
            %add3A_540 = arith.addi %mul3A_538, %add3A_539 : i32
            %mul3A_541 = arith.constant 16 : i32
            %mul3A_542 = arith.muli %add3A_540, %mul3A_541 : i32
            %get3A_543 = arith.index_cast %mul3A_542 : i32 to index
            %get3A_544 = tpu.vector_load %arg5[%get3A_543] {strides = array<i32>} : memref<8192xf32, #tpu.memory_space<vmem>>, vector<16xf32>,
            %ne3A_545 = arith.constant 1.010000e+01 : f32
            %ne3A_546 = vector.broadcast %ne3A_545 : f32 to vector<16xf32>
            %ne3A_547 = arith.cmpf one, %get3A_544, %ne3A_546 : vector<16xf32>
            %jit3A_548 = arith.constant 1 : i32
            %jit3A_549 = arith.constant 0 : i32
            %broadcast_in_dim3A_550 = vector.broadcast %jit3A_548 : i32 to vector<16xi32>
            %broadcast_in_dim3A_551 = vector.broadcast %jit3A_549 : i32 to vector<16xi32>
            %select_n3A_552 = arith.select %ne3A_547, %broadcast_in_dim3A_550, %broadcast_in_dim3A_551 : vector<16xi1>, vector<16xi32>
            %add3A_553 = arith.addi %add3A_485, %select_n3A_552 : vector<16xi32>
            %mul3A_554 = arith.constant 8 : i32
            %mul3A_555 = arith.muli %scan3A_465, %mul3A_554 : i32
            %add3A_556 = arith.constant 5 : i32
            %add3A_557 = arith.addi %mul3A_555, %add3A_556 : i32
            %mul3A_558 = arith.constant 16 : i32
            %mul3A_559 = arith.muli %add3A_557, %mul3A_558 : i32
            %get3A_560 = arith.index_cast %mul3A_559 : i32 to index
            %get3A_561 = tpu.vector_load %arg5[%get3A_560] {strides = array<i32>} : memref<8192xf32, #tpu.memory_space<vmem>>, vector<16xf32>,
            %ne3A_562 = arith.constant 1.010000e+01 : f32
            %ne3A_563 = vector.broadcast %ne3A_562 : f32 to vector<16xf32>
            %ne3A_564 = arith.cmpf one, %get3A_561, %ne3A_563 : vector<16xf32>
            %jit3A_565 = arith.constant 1 : i32
            %jit3A_566 = arith.constant 0 : i32
            %broadcast_in_dim3A_567 = vector.broadcast %jit3A_565 : i32 to vector<16xi32>
            %broadcast_in_dim3A_568 = vector.broadcast %jit3A_566 : i32 to vector<16xi32>
            %select_n3A_569 = arith.select %ne3A_564, %broadcast_in_dim3A_567, %broadcast_in_dim3A_568 : vector<16xi1>, vector<16xi32>
            %add3A_570 = arith.addi %add3A_502, %select_n3A_569 : vector<16xi32>
            %mul3A_571 = arith.constant 8 : i32
            %mul3A_572 = arith.muli %scan3A_465, %mul3A_571 : i32
            %add3A_573 = arith.constant 6 : i32
            %add3A_574 = arith.addi %mul3A_572, %add3A_573 : i32
            %mul3A_575 = arith.constant 16 : i32
            %mul3A_576 = arith.muli %add3A_574, %mul3A_575 : i32
            %get3A_577 = arith.index_cast %mul3A_576 : i32 to index
            %get3A_578 = tpu.vector_load %arg5[%get3A_577] {strides = array<i32>} : memref<8192xf32, #tpu.memory_space<vmem>>, vector<16xf32>,
            %ne3A_579 = arith.constant 1.010000e+01 : f32
            %ne3A_580 = vector.broadcast %ne3A_579 : f32 to vector<16xf32>
            %ne3A_581 = arith.cmpf one, %get3A_578, %ne3A_580 : vector<16xf32>
            %jit3A_582 = arith.constant 1 : i32
            %jit3A_583 = arith.constant 0 : i32
            %broadcast_in_dim3A_584 = vector.broadcast %jit3A_582 : i32 to vector<16xi32>
            %broadcast_in_dim3A_585 = vector.broadcast %jit3A_583 : i32 to vector<16xi32>
            %select_n3A_586 = arith.select %ne3A_581, %broadcast_in_dim3A_584, %broadcast_in_dim3A_585 : vector<16xi1>, vector<16xi32>
            %add3A_587 = arith.addi %add3A_519, %select_n3A_586 : vector<16xi32>
            %mul3A_588 = arith.constant 8 : i32
            %mul3A_589 = arith.muli %scan3A_465, %mul3A_588 : i32
            %add3A_590 = arith.constant 7 : i32
            %add3A_591 = arith.addi %mul3A_589, %add3A_590 : i32
            %mul3A_592 = arith.constant 16 : i32
            %mul3A_593 = arith.muli %add3A_591, %mul3A_592 : i32
            %get3A_594 = arith.index_cast %mul3A_593 : i32 to index
            %get3A_595 = tpu.vector_load %arg5[%get3A_594] {strides = array<i32>} : memref<8192xf32, #tpu.memory_space<vmem>>, vector<16xf32>,
            %ne3A_596 = arith.constant 1.010000e+01 : f32
            %ne3A_597 = vector.broadcast %ne3A_596 : f32 to vector<16xf32>
            %ne3A_598 = arith.cmpf one, %get3A_595, %ne3A_597 : vector<16xf32>
            %jit3A_599 = arith.constant 1 : i32
            %jit3A_600 = arith.constant 0 : i32
            %broadcast_in_dim3A_601 = vector.broadcast %jit3A_599 : i32 to vector<16xi32>
            %broadcast_in_dim3A_602 = vector.broadcast %jit3A_600 : i32 to vector<16xi32>
            %select_n3A_603 = arith.select %ne3A_598, %broadcast_in_dim3A_601, %broadcast_in_dim3A_602 : vector<16xi1>, vector<16xi32>
            %add3A_604 = arith.addi %add3A_536, %select_n3A_603 : vector<16xi32>
            scf.yield %add3A_553, %add3A_570, %add3A_587, %add3A_604 : vector<16xi32>, vector<16xi32>, vector<16xi32>, vector<16xi32>
          }
          %scan3A_405 = arith.constant 64 : i32
          %add3A_406 = arith.addi %scan3A_404#0, %scan3A_404#1 : vector<16xi32>
          %add3A_407 = arith.addi %add3A_406, %scan3A_404#2 : vector<16xi32>
          %add3A_408 = arith.addi %add3A_407, %scan3A_404#3 : vector<16xi32>
          %reduce_sum3A_409 = arith.constant true
          %reduce_sum3A_410 = vector.broadcast %reduce_sum3A_409 : i1 to vector<16xi1>
          %reduce_sum3A_411 = tpu.scan <sum>, %add3A_408 masked %reduce_sum3A_410 : vector<16xi32>, vector<16xi1> -> vector<16xi32>
          %reduce_sum3A_412 = vector.extract %reduce_sum3A_411[15] : i32 from vector<16xi32>
          %eq3A_413 = arith.constant 8192 : i32
          %eq3A_414 = arith.cmpi eq, %reduce_sum3A_412, %eq3A_413 : i32
          %eq3A_415 = arith.constant 0 : i32
          %eq3A_416 = arith.cmpi eq, %scan3A_371, %eq3A_415 : i32
          %and3A_417 = arith.andi %eq3A_414, %eq3A_416 : i1
          %convert_element_type3A_418 = arith.extui %and3A_417 : i1 to i32
          %cond3A_419 = arith.constant 0 : i32
          %cond3A_420 = arith.cmpi ne, %convert_element_type3A_418, %cond3A_419 : i32
          %cond3A_421:3 = scf.if %cond3A_420 -> (i32, i32, i32) {
            %add3A_465 = arith.addi %multiple_of3A_324, %scan3A_372 : i32
            %multiple_of3A_466 = tpu.assume_multiple %add3A_465, 8192 : i32
            %dma_start3A_467 = tpu.memref_slice %arg4[%multiple_of3A_466] : memref<16777216xf32, #tpu.memory_space<hbm>> -> memref<8192xf32, #tpu.memory_space<hbm>>
            %dma_start3A_468 = tpu.memref_slice %arg4[%multiple_of3A_466] : memref<16777216xf32, #tpu.memory_space<hbm>> -> memref<8192xf32, #tpu.memory_space<hbm>>
            tpu.enqueue_dma source(%arg5 : memref<8192xf32, #tpu.memory_space<vmem>>) target(%dma_start3A_468 : memref<8192xf32, #tpu.memory_space<hbm>>) target_semaphore(%arg15 : memref<!tpu.dma_semaphore, #tpu.memory_space<semaphore_mem>>)
            %add3A_469 = arith.constant 8192 : i32
            %add3A_470 = arith.addi %scan3A_372, %add3A_469 : i32
            %cond3A_471 = arith.constant 1 : i32
            scf.yield %scan3A_371, %add3A_470, %cond3A_471 : i32, i32, i32
          } else {
            %scan3A_465 = arith.constant 0 : i32
            %scan3A_466 = arith.constant 512 : i32
            %scan3A_467 = arith.addi %scan3A_465, %scan3A_466 : i32
            %scan3A_468 = arith.constant 1 : i32
            %scan3A_469 = scf.for %scan3A_483 = %scan3A_465 to %scan3A_467 step %scan3A_468 iter_args(%scan3A_484 = %scan3A_371) -> (i32)  : i32 {
              %mul3A_485 = arith.constant 16 : i32
              %mul3A_486 = arith.muli %scan3A_483, %mul3A_485 : i32
              %get3A_487 = arith.index_cast %mul3A_486 : i32 to index
              %get3A_488 = tpu.vector_load %arg5[%get3A_487] {strides = array<i32>} : memref<8192xf32, #tpu.memory_space<vmem>>, vector<16xf32>,
              %ne3A = arith.constant 1.010000e+01 : f32
              %ne3A_489 = vector.broadcast %ne3A : f32 to vector<16xf32>
              %ne3A_490 = arith.cmpf one, %get3A_488, %ne3A_489 : vector<16xf32>
              %swap3A_491 = arith.index_cast %scan3A_484 : i32 to index
              %swap3A_492 = tpu.vector_load %arg7[%swap3A_491] masked %ne3A_490 {strides = array<i32>} : memref<16416xf32, #tpu.memory_space<vmem>>, vector<16xf32>, vector<16xi1>
              tpu.vector_store %arg7[%swap3A_491], %get3A_488 masked %ne3A_490 {strides = array<i32>} : memref<16416xf32, #tpu.memory_space<vmem>>, vector<16xf32>, vector<16xi1>
              %all_reduce_population_count3A = tpu.all_reduce %ne3A_490 {dim = 0 : i64, kind = #tpu.reduction_kind<sum>} : vector<16xi1> -> vector<16xi32>
              %slice3A_493 = vector.extract_strided_slice %all_reduce_population_count3A {offsets = [0], sizes = [1], strides = [1]} : vector<16xi32> to vector<1xi32>
              %squeeze3A_494 = vector.extract %slice3A_493[0] : i32 from vector<1xi32>
              %add3A_495 = arith.addi %scan3A_484, %squeeze3A_494 : i32
              scf.yield %add3A_495 : i32
            }
            %scan3A_470 = arith.constant 512 : i32
            %ge3A = arith.constant 8192 : i32
            %ge3A_471 = arith.cmpi sge, %scan3A_469, %ge3A : i32
            %convert_element_type3A_472 = arith.extui %ge3A_471 : i1 to i32
            %cond3A_473 = arith.constant 0 : i32
            %cond3A_474 = arith.cmpi ne, %convert_element_type3A_472, %cond3A_473 : i32
            scf.if %cond3A_474 {
              %add3A_483 = arith.addi %multiple_of3A_324, %scan3A_372 : i32
              %multiple_of3A_484 = tpu.assume_multiple %add3A_483, 8192 : i32
              "tpu.region"() ({
                %run_scoped3A = tpu.sem_alloc : memref<!tpu.dma_semaphore, #tpu.memory_space<semaphore_mem>>
                %dma_start3A_522 = arith.constant 0 : i32
                %dma_start3A_523 = tpu.memref_slice %arg7[%dma_start3A_522] : memref<16416xf32, #tpu.memory_space<vmem>> -> memref<8192xf32, #tpu.memory_space<vmem>>
                %dma_start3A_524 = tpu.memref_slice %arg4[%multiple_of3A_484] : memref<16777216xf32, #tpu.memory_space<hbm>> -> memref<8192xf32, #tpu.memory_space<hbm>>
                %dma_start3A_525 = tpu.memref_slice %arg4[%multiple_of3A_484] : memref<16777216xf32, #tpu.memory_space<hbm>> -> memref<8192xf32, #tpu.memory_space<hbm>>
                %dma_start3A_526 = arith.constant 0 : i32
                %dma_start3A_527 = tpu.memref_slice %arg7[%dma_start3A_526] : memref<16416xf32, #tpu.memory_space<vmem>> -> memref<8192xf32, #tpu.memory_space<vmem>>
                tpu.enqueue_dma source(%dma_start3A_527 : memref<8192xf32, #tpu.memory_space<vmem>>) target(%dma_start3A_525 : memref<8192xf32, #tpu.memory_space<hbm>>) target_semaphore(%run_scoped3A : memref<!tpu.dma_semaphore, #tpu.memory_space<semaphore_mem>>)
                %dma_wait3A_528 = arith.constant 0 : i32
                %dma_wait3A_529 = tpu.memref_slice %arg7[%dma_wait3A_528] : memref<16416xf32, #tpu.memory_space<vmem>> -> memref<8192xf32, #tpu.memory_space<vmem>>
                %dma_wait3A_530 = tpu.memref_slice %arg4[%multiple_of3A_484] : memref<16777216xf32, #tpu.memory_space<hbm>> -> memref<8192xf32, #tpu.memory_space<hbm>>
                %dma_wait3A_531 = tpu.memref_slice %arg4[%multiple_of3A_484] : memref<16777216xf32, #tpu.memory_space<hbm>> -> memref<8192xf32, #tpu.memory_space<hbm>>
                %dma_wait3A_532 = arith.constant 0 : i32
                %dma_wait3A_533 = tpu.memref_slice %arg7[%dma_wait3A_532] : memref<16416xf32, #tpu.memory_space<vmem>> -> memref<8192xf32, #tpu.memory_space<vmem>>
                tpu.wait_dma2 semaphore(%run_scoped3A : memref<!tpu.dma_semaphore, #tpu.memory_space<semaphore_mem>>) src(%dma_wait3A_533 : memref<8192xf32, #tpu.memory_space<vmem>>) dst(%dma_wait3A_531 : memref<8192xf32, #tpu.memory_space<hbm>>)
                tpu.yield
              }) : () -> ()
              %sub3A_485 = arith.constant 8192 : i32
              %sub3A_486 = arith.subi %scan3A_469, %sub3A_485 : i32
              %add3A_487 = arith.constant 16 : i32
              %add3A_488 = arith.addi %sub3A_486, %add3A_487 : i32
              %sub3A_489 = arith.constant 1 : i32
              %sub3A_490 = arith.subi %add3A_488, %sub3A_489 : i32
              %jit3A_491 = arith.constant 16 : i32
              %div3A = arith.divsi %sub3A_490, %jit3A_491 : i32
              %sign3A = arith.constant 0 : i32
              %sign3A_492 = arith.cmpi sgt, %sub3A_490, %sign3A : i32
              %sign3A_493 = arith.extui %sign3A_492 : i1 to i32
              %sign3A_494 = arith.constant 0 : i32
              %sign3A_495 = arith.cmpi slt, %sub3A_490, %sign3A_494 : i32
              %sign3A_496 = arith.extui %sign3A_495 : i1 to i32
              %sign3A_497 = arith.subi %sign3A_493, %sign3A_496 : i32
              %sign3A_498 = arith.constant 0 : i32
              %sign3A_499 = arith.cmpi sgt, %jit3A_491, %sign3A_498 : i32
              %sign3A_500 = arith.extui %sign3A_499 : i1 to i32
              %sign3A_501 = arith.constant 0 : i32
              %sign3A_502 = arith.cmpi slt, %jit3A_491, %sign3A_501 : i32
              %sign3A_503 = arith.extui %sign3A_502 : i1 to i32
              %sign3A_504 = arith.subi %sign3A_500, %sign3A_503 : i32
              %ne3A = arith.cmpi ne, %sign3A_497, %sign3A_504 : i32
              %rem3A = arith.remsi %sub3A_490, %jit3A_491 : i32
              %ne3A_505 = arith.constant 0 : i32
              %ne3A_506 = arith.cmpi ne, %rem3A, %ne3A_505 : i32
              %and3A_507 = arith.andi %ne3A, %ne3A_506 : i1
              %sub3A_508 = arith.constant 1 : i32
              %sub3A_509 = arith.subi %div3A, %sub3A_508 : i32
              %select_n3A_510 = arith.select %and3A_507, %sub3A_509, %div3A : i32
              %while3A = arith.constant 0 : i32
              %while3A_511 = arith.constant 0 : i32
              %while3A_512 = arith.subi %select_n3A_510, %while3A : i32
              %while3A_513 = arith.addi %while3A, %while3A_512 : i32
              %while3A_514 = arith.constant 1 : i32
              %while3A_515 = arith.divsi %while3A_512, %while3A_514 : i32
              %while3A_516 = arith.muli %while3A_515, %while3A_514 : i32
              %while3A_517 = arith.addi %while3A, %while3A_516 : i32
              %while3A_518 = arith.constant 1 : i32
              %while3A_519 = scf.for %while3A_522 = %while3A to %while3A_517 step %while3A_518 iter_args(%while3A_523 = %while3A_511) -> (i32)  : i32 {
                %mul3A_524 = arith.constant 16 : i32
                %mul3A_525 = arith.muli %while3A_522, %mul3A_524 : i32
                %add3A_526 = arith.constant 8192 : i32
                %add3A_527 = arith.addi %add3A_526, %mul3A_525 : i32
                %get3A_528 = arith.index_cast %add3A_527 : i32 to index
                %get3A_529 = tpu.vector_load %arg7[%get3A_528] {strides = array<i32>} : memref<16416xf32, #tpu.memory_space<vmem>>, vector<16xf32>,
                %mul3A_530 = arith.constant 16 : i32
                %mul3A_531 = arith.muli %while3A_522, %mul3A_530 : i32
                %swap3A_532 = arith.index_cast %mul3A_531 : i32 to index
                %swap3A_533 = tpu.vector_load %arg7[%swap3A_532] {strides = array<i32>} : memref<16416xf32, #tpu.memory_space<vmem>>, vector<16xf32>,
                tpu.vector_store %arg7[%swap3A_532], %get3A_529 {strides = array<i32>} : memref<16416xf32, #tpu.memory_space<vmem>>, vector<16xf32>,
                %while3A_534 = arith.constant 0 : i32
                scf.yield %while3A_534 : i32
              }
              %while3A_520 = arith.constant 1 : i32
              %while3A_521 = scf.for %while3A_522 = %while3A_517 to %while3A_513 step %while3A_520 iter_args(%while3A_523 = %while3A_519) -> (i32)  : i32 {
                %mul3A_524 = arith.constant 16 : i32
                %mul3A_525 = arith.muli %while3A_522, %mul3A_524 : i32
                %add3A_526 = arith.constant 8192 : i32
                %add3A_527 = arith.addi %add3A_526, %mul3A_525 : i32
                %get3A_528 = arith.index_cast %add3A_527 : i32 to index
                %get3A_529 = tpu.vector_load %arg7[%get3A_528] {strides = array<i32>} : memref<16416xf32, #tpu.memory_space<vmem>>, vector<16xf32>,
                %mul3A_530 = arith.constant 16 : i32
                %mul3A_531 = arith.muli %while3A_522, %mul3A_530 : i32
                %swap3A_532 = arith.index_cast %mul3A_531 : i32 to index
                %swap3A_533 = tpu.vector_load %arg7[%swap3A_532] {strides = array<i32>} : memref<16416xf32, #tpu.memory_space<vmem>>, vector<16xf32>,
                tpu.vector_store %arg7[%swap3A_532], %get3A_529 {strides = array<i32>} : memref<16416xf32, #tpu.memory_space<vmem>>, vector<16xf32>,
                %while3A_534 = arith.constant 0 : i32
                scf.yield %while3A_534 : i32
              }
            } else {
            }
            %ge3A_475 = arith.constant 8192 : i32
            %ge3A_476 = arith.cmpi sge, %scan3A_469, %ge3A_475 : i32
            %sub3A = arith.constant 8192 : i32
            %sub3A_477 = arith.subi %scan3A_469, %sub3A : i32
            %select_n3A_478 = arith.select %ge3A_476, %sub3A_477, %scan3A_469 : i32
            %add3A_479 = arith.constant 8192 : i32
            %add3A_480 = arith.addi %scan3A_372, %add3A_479 : i32
            %select_n3A_481 = arith.select %ge3A_476, %add3A_480, %scan3A_372 : i32
            %cond3A_482 = arith.constant 0 : i32
            scf.yield %select_n3A_478, %select_n3A_481, %cond3A_482 : i32, i32, i32
          }
          %add3A_422 = arith.constant 1 : i32
          %add3A_423 = arith.addi %add3A_378, %add3A_422 : i32
          %eq3A_424 = arith.constant 1 : i32
          %eq3A_425 = arith.cmpi eq, %cond3A_421#2, %eq3A_424 : i32
          %convert_element_type3A_426 = arith.extui %eq3A_425 : i1 to i32
          %cond3A_427 = arith.constant 0 : i32
          %cond3A_428 = arith.cmpi ne, %convert_element_type3A_426, %cond3A_427 : i32
          scf.if %cond3A_428 {
            %add3A_465 = arith.constant 0 : i32
            %add3A_466 = arith.addi %multiple_of3A_324, %add3A_465 : i32
            %multiple_of3A_467 = tpu.assume_multiple %add3A_466, 8192 : i32
            %dma_wait3A_468 = tpu.memref_slice %arg4[%multiple_of3A_467] : memref<16777216xf32, #tpu.memory_space<hbm>> -> memref<8192xf32, #tpu.memory_space<hbm>>
            %dma_wait3A_469 = tpu.memref_slice %arg4[%multiple_of3A_467] : memref<16777216xf32, #tpu.memory_space<hbm>> -> memref<8192xf32, #tpu.memory_space<hbm>>
            tpu.wait_dma2 semaphore(%arg15 : memref<!tpu.dma_semaphore, #tpu.memory_space<semaphore_mem>>) src(%arg5 : memref<8192xf32, #tpu.memory_space<vmem>>) dst(%dma_wait3A_469 : memref<8192xf32, #tpu.memory_space<hbm>>)
          } else {
          }
          %add3A_429 = arith.constant 1 : i32
          %add3A_430 = arith.addi %add3A_423, %add3A_429 : i32
          %lt3A_431 = arith.constant 128 : i32
          %lt3A_432 = arith.cmpi slt, %add3A_430, %lt3A_431 : i32
          %convert_element_type3A_433 = arith.extui %lt3A_432 : i1 to i32
          %cond3A_434 = arith.constant 0 : i32
          %cond3A_435 = arith.cmpi ne, %convert_element_type3A_433, %cond3A_434 : i32
          scf.if %cond3A_435 {
            %add3A_465 = arith.constant 1 : i32
            %add3A_466 = arith.addi %add3A_423, %add3A_465 : i32
            %mul3A_467 = arith.constant 8192 : i32
            %mul3A_468 = arith.muli %add3A_466, %mul3A_467 : i32
            %add3A_469 = arith.addi %multiple_of3A_324, %mul3A_468 : i32
            %multiple_of3A_470 = tpu.assume_multiple %add3A_469, 8192 : i32
            %dma_start3A_471 = tpu.memref_slice %arg2[%multiple_of3A_470] : memref<16777216xf32, #tpu.memory_space<hbm>> -> memref<8192xf32, #tpu.memory_space<hbm>>
            %dma_start3A_472 = tpu.memref_slice %arg2[%multiple_of3A_470] : memref<16777216xf32, #tpu.memory_space<hbm>> -> memref<8192xf32, #tpu.memory_space<hbm>>
            tpu.enqueue_dma source(%dma_start3A_472 : memref<8192xf32, #tpu.memory_space<hbm>>) target(%arg5 : memref<8192xf32, #tpu.memory_space<vmem>>) target_semaphore(%arg13 : memref<!tpu.dma_semaphore, #tpu.memory_space<semaphore_mem>>)
          } else {
          }
          %mul3A_436 = arith.constant 8192 : i32
          %mul3A_437 = arith.muli %add3A_423, %mul3A_436 : i32
          %add3A_438 = arith.addi %multiple_of3A_324, %mul3A_437 : i32
          %multiple_of3A_439 = tpu.assume_multiple %add3A_438, 8192 : i32
          %dma_wait3A_440 = tpu.memref_slice %arg2[%multiple_of3A_439] : memref<16777216xf32, #tpu.memory_space<hbm>> -> memref<8192xf32, #tpu.memory_space<hbm>>
          %dma_wait3A_441 = tpu.memref_slice %arg2[%multiple_of3A_439] : memref<16777216xf32, #tpu.memory_space<hbm>> -> memref<8192xf32, #tpu.memory_space<hbm>>
          tpu.wait_dma2 semaphore(%arg14 : memref<!tpu.dma_semaphore, #tpu.memory_space<semaphore_mem>>) src(%dma_wait3A_441 : memref<8192xf32, #tpu.memory_space<hbm>>) dst(%arg6 : memref<8192xf32, #tpu.memory_space<vmem>>)
          %scan3A_442 = arith.constant 0 : i32
          %scan3A_443 = arith.constant 64 : i32
          %scan3A_444 = arith.addi %scan3A_442, %scan3A_443 : i32
          %scan3A_445 = arith.constant 1 : i32
          %scan3A_446:4 = scf.for %scan3A_465 = %scan3A_442 to %scan3A_444 step %scan3A_445 iter_args(%scan3A_466 = %broadcast_in_dim3A_136, %scan3A_467 = %broadcast_in_dim3A_136, %scan3A_468 = %broadcast_in_dim3A_136, %scan3A_469 = %broadcast_in_dim3A_136) -> (vector<16xi32>, vector<16xi32>, vector<16xi32>, vector<16xi32>)  : i32 {
            %mul3A_470 = arith.constant 8 : i32
            %mul3A_471 = arith.muli %scan3A_465, %mul3A_470 : i32
            %add3A_472 = arith.constant 0 : i32
            %add3A_473 = arith.addi %mul3A_471, %add3A_472 : i32
            %mul3A_474 = arith.constant 16 : i32
            %mul3A_475 = arith.muli %add3A_473, %mul3A_474 : i32
            %get3A_476 = arith.index_cast %mul3A_475 : i32 to index
            %get3A_477 = tpu.vector_load %arg6[%get3A_476] {strides = array<i32>} : memref<8192xf32, #tpu.memory_space<vmem>>, vector<16xf32>,
            %ne3A = arith.constant 1.010000e+01 : f32
            %ne3A_478 = vector.broadcast %ne3A : f32 to vector<16xf32>
            %ne3A_479 = arith.cmpf one, %get3A_477, %ne3A_478 : vector<16xf32>
            %jit3A_480 = arith.constant 1 : i32
            %jit3A_481 = arith.constant 0 : i32
            %broadcast_in_dim3A_482 = vector.broadcast %jit3A_480 : i32 to vector<16xi32>
            %broadcast_in_dim3A_483 = vector.broadcast %jit3A_481 : i32 to vector<16xi32>
            %select_n3A_484 = arith.select %ne3A_479, %broadcast_in_dim3A_482, %broadcast_in_dim3A_483 : vector<16xi1>, vector<16xi32>
            %add3A_485 = arith.addi %scan3A_466, %select_n3A_484 : vector<16xi32>
            %mul3A_486 = arith.constant 8 : i32
            %mul3A_487 = arith.muli %scan3A_465, %mul3A_486 : i32
            %add3A_488 = arith.constant 1 : i32
            %add3A_489 = arith.addi %mul3A_487, %add3A_488 : i32
            %mul3A_490 = arith.constant 16 : i32
            %mul3A_491 = arith.muli %add3A_489, %mul3A_490 : i32
            %get3A_492 = arith.index_cast %mul3A_491 : i32 to index
            %get3A_493 = tpu.vector_load %arg6[%get3A_492] {strides = array<i32>} : memref<8192xf32, #tpu.memory_space<vmem>>, vector<16xf32>,
            %ne3A_494 = arith.constant 1.010000e+01 : f32
            %ne3A_495 = vector.broadcast %ne3A_494 : f32 to vector<16xf32>
            %ne3A_496 = arith.cmpf one, %get3A_493, %ne3A_495 : vector<16xf32>
            %jit3A_497 = arith.constant 1 : i32
            %jit3A_498 = arith.constant 0 : i32
            %broadcast_in_dim3A_499 = vector.broadcast %jit3A_497 : i32 to vector<16xi32>
            %broadcast_in_dim3A_500 = vector.broadcast %jit3A_498 : i32 to vector<16xi32>
            %select_n3A_501 = arith.select %ne3A_496, %broadcast_in_dim3A_499, %broadcast_in_dim3A_500 : vector<16xi1>, vector<16xi32>
            %add3A_502 = arith.addi %scan3A_467, %select_n3A_501 : vector<16xi32>
            %mul3A_503 = arith.constant 8 : i32
            %mul3A_504 = arith.muli %scan3A_465, %mul3A_503 : i32
            %add3A_505 = arith.constant 2 : i32
            %add3A_506 = arith.addi %mul3A_504, %add3A_505 : i32
            %mul3A_507 = arith.constant 16 : i32
            %mul3A_508 = arith.muli %add3A_506, %mul3A_507 : i32
            %get3A_509 = arith.index_cast %mul3A_508 : i32 to index
            %get3A_510 = tpu.vector_load %arg6[%get3A_509] {strides = array<i32>} : memref<8192xf32, #tpu.memory_space<vmem>>, vector<16xf32>,
            %ne3A_511 = arith.constant 1.010000e+01 : f32
            %ne3A_512 = vector.broadcast %ne3A_511 : f32 to vector<16xf32>
            %ne3A_513 = arith.cmpf one, %get3A_510, %ne3A_512 : vector<16xf32>
            %jit3A_514 = arith.constant 1 : i32
            %jit3A_515 = arith.constant 0 : i32
            %broadcast_in_dim3A_516 = vector.broadcast %jit3A_514 : i32 to vector<16xi32>
            %broadcast_in_dim3A_517 = vector.broadcast %jit3A_515 : i32 to vector<16xi32>
            %select_n3A_518 = arith.select %ne3A_513, %broadcast_in_dim3A_516, %broadcast_in_dim3A_517 : vector<16xi1>, vector<16xi32>
            %add3A_519 = arith.addi %scan3A_468, %select_n3A_518 : vector<16xi32>
            %mul3A_520 = arith.constant 8 : i32
            %mul3A_521 = arith.muli %scan3A_465, %mul3A_520 : i32
            %add3A_522 = arith.constant 3 : i32
            %add3A_523 = arith.addi %mul3A_521, %add3A_522 : i32
            %mul3A_524 = arith.constant 16 : i32
            %mul3A_525 = arith.muli %add3A_523, %mul3A_524 : i32
            %get3A_526 = arith.index_cast %mul3A_525 : i32 to index
            %get3A_527 = tpu.vector_load %arg6[%get3A_526] {strides = array<i32>} : memref<8192xf32, #tpu.memory_space<vmem>>, vector<16xf32>,
            %ne3A_528 = arith.constant 1.010000e+01 : f32
            %ne3A_529 = vector.broadcast %ne3A_528 : f32 to vector<16xf32>
            %ne3A_530 = arith.cmpf one, %get3A_527, %ne3A_529 : vector<16xf32>
            %jit3A_531 = arith.constant 1 : i32
            %jit3A_532 = arith.constant 0 : i32
            %broadcast_in_dim3A_533 = vector.broadcast %jit3A_531 : i32 to vector<16xi32>
            %broadcast_in_dim3A_534 = vector.broadcast %jit3A_532 : i32 to vector<16xi32>
            %select_n3A_535 = arith.select %ne3A_530, %broadcast_in_dim3A_533, %broadcast_in_dim3A_534 : vector<16xi1>, vector<16xi32>
            %add3A_536 = arith.addi %scan3A_469, %select_n3A_535 : vector<16xi32>
            %mul3A_537 = arith.constant 8 : i32
            %mul3A_538 = arith.muli %scan3A_465, %mul3A_537 : i32
            %add3A_539 = arith.constant 4 : i32
            %add3A_540 = arith.addi %mul3A_538, %add3A_539 : i32
            %mul3A_541 = arith.constant 16 : i32
            %mul3A_542 = arith.muli %add3A_540, %mul3A_541 : i32
            %get3A_543 = arith.index_cast %mul3A_542 : i32 to index
            %get3A_544 = tpu.vector_load %arg6[%get3A_543] {strides = array<i32>} : memref<8192xf32, #tpu.memory_space<vmem>>, vector<16xf32>,
            %ne3A_545 = arith.constant 1.010000e+01 : f32
            %ne3A_546 = vector.broadcast %ne3A_545 : f32 to vector<16xf32>
            %ne3A_547 = arith.cmpf one, %get3A_544, %ne3A_546 : vector<16xf32>
            %jit3A_548 = arith.constant 1 : i32
            %jit3A_549 = arith.constant 0 : i32
            %broadcast_in_dim3A_550 = vector.broadcast %jit3A_548 : i32 to vector<16xi32>
            %broadcast_in_dim3A_551 = vector.broadcast %jit3A_549 : i32 to vector<16xi32>
            %select_n3A_552 = arith.select %ne3A_547, %broadcast_in_dim3A_550, %broadcast_in_dim3A_551 : vector<16xi1>, vector<16xi32>
            %add3A_553 = arith.addi %add3A_485, %select_n3A_552 : vector<16xi32>
            %mul3A_554 = arith.constant 8 : i32
            %mul3A_555 = arith.muli %scan3A_465, %mul3A_554 : i32
            %add3A_556 = arith.constant 5 : i32
            %add3A_557 = arith.addi %mul3A_555, %add3A_556 : i32
            %mul3A_558 = arith.constant 16 : i32
            %mul3A_559 = arith.muli %add3A_557, %mul3A_558 : i32
            %get3A_560 = arith.index_cast %mul3A_559 : i32 to index
            %get3A_561 = tpu.vector_load %arg6[%get3A_560] {strides = array<i32>} : memref<8192xf32, #tpu.memory_space<vmem>>, vector<16xf32>,
            %ne3A_562 = arith.constant 1.010000e+01 : f32
            %ne3A_563 = vector.broadcast %ne3A_562 : f32 to vector<16xf32>
            %ne3A_564 = arith.cmpf one, %get3A_561, %ne3A_563 : vector<16xf32>
            %jit3A_565 = arith.constant 1 : i32
            %jit3A_566 = arith.constant 0 : i32
            %broadcast_in_dim3A_567 = vector.broadcast %jit3A_565 : i32 to vector<16xi32>
            %broadcast_in_dim3A_568 = vector.broadcast %jit3A_566 : i32 to vector<16xi32>
            %select_n3A_569 = arith.select %ne3A_564, %broadcast_in_dim3A_567, %broadcast_in_dim3A_568 : vector<16xi1>, vector<16xi32>
            %add3A_570 = arith.addi %add3A_502, %select_n3A_569 : vector<16xi32>
            %mul3A_571 = arith.constant 8 : i32
            %mul3A_572 = arith.muli %scan3A_465, %mul3A_571 : i32
            %add3A_573 = arith.constant 6 : i32
            %add3A_574 = arith.addi %mul3A_572, %add3A_573 : i32
            %mul3A_575 = arith.constant 16 : i32
            %mul3A_576 = arith.muli %add3A_574, %mul3A_575 : i32
            %get3A_577 = arith.index_cast %mul3A_576 : i32 to index
            %get3A_578 = tpu.vector_load %arg6[%get3A_577] {strides = array<i32>} : memref<8192xf32, #tpu.memory_space<vmem>>, vector<16xf32>,
            %ne3A_579 = arith.constant 1.010000e+01 : f32
            %ne3A_580 = vector.broadcast %ne3A_579 : f32 to vector<16xf32>
            %ne3A_581 = arith.cmpf one, %get3A_578, %ne3A_580 : vector<16xf32>
            %jit3A_582 = arith.constant 1 : i32
            %jit3A_583 = arith.constant 0 : i32
            %broadcast_in_dim3A_584 = vector.broadcast %jit3A_582 : i32 to vector<16xi32>
            %broadcast_in_dim3A_585 = vector.broadcast %jit3A_583 : i32 to vector<16xi32>
            %select_n3A_586 = arith.select %ne3A_581, %broadcast_in_dim3A_584, %broadcast_in_dim3A_585 : vector<16xi1>, vector<16xi32>
            %add3A_587 = arith.addi %add3A_519, %select_n3A_586 : vector<16xi32>
            %mul3A_588 = arith.constant 8 : i32
            %mul3A_589 = arith.muli %scan3A_465, %mul3A_588 : i32
            %add3A_590 = arith.constant 7 : i32
            %add3A_591 = arith.addi %mul3A_589, %add3A_590 : i32
            %mul3A_592 = arith.constant 16 : i32
            %mul3A_593 = arith.muli %add3A_591, %mul3A_592 : i32
            %get3A_594 = arith.index_cast %mul3A_593 : i32 to index
            %get3A_595 = tpu.vector_load %arg6[%get3A_594] {strides = array<i32>} : memref<8192xf32, #tpu.memory_space<vmem>>, vector<16xf32>,
            %ne3A_596 = arith.constant 1.010000e+01 : f32
            %ne3A_597 = vector.broadcast %ne3A_596 : f32 to vector<16xf32>
            %ne3A_598 = arith.cmpf one, %get3A_595, %ne3A_597 : vector<16xf32>
            %jit3A_599 = arith.constant 1 : i32
            %jit3A_600 = arith.constant 0 : i32
            %broadcast_in_dim3A_601 = vector.broadcast %jit3A_599 : i32 to vector<16xi32>
            %broadcast_in_dim3A_602 = vector.broadcast %jit3A_600 : i32 to vector<16xi32>
            %select_n3A_603 = arith.select %ne3A_598, %broadcast_in_dim3A_601, %broadcast_in_dim3A_602 : vector<16xi1>, vector<16xi32>
            %add3A_604 = arith.addi %add3A_536, %select_n3A_603 : vector<16xi32>
            scf.yield %add3A_553, %add3A_570, %add3A_587, %add3A_604 : vector<16xi32>, vector<16xi32>, vector<16xi32>, vector<16xi32>
          }
          %scan3A_447 = arith.constant 64 : i32
          %add3A_448 = arith.addi %scan3A_446#0, %scan3A_446#1 : vector<16xi32>
          %add3A_449 = arith.addi %add3A_448, %scan3A_446#2 : vector<16xi32>
          %add3A_450 = arith.addi %add3A_449, %scan3A_446#3 : vector<16xi32>
          %reduce_sum3A_451 = arith.constant true
          %reduce_sum3A_452 = vector.broadcast %reduce_sum3A_451 : i1 to vector<16xi1>
          %reduce_sum3A_453 = tpu.scan <sum>, %add3A_450 masked %reduce_sum3A_452 : vector<16xi32>, vector<16xi1> -> vector<16xi32>
          %reduce_sum3A_454 = vector.extract %reduce_sum3A_453[15] : i32 from vector<16xi32>
          %eq3A_455 = arith.constant 8192 : i32
          %eq3A_456 = arith.cmpi eq, %reduce_sum3A_454, %eq3A_455 : i32
          %eq3A_457 = arith.constant 0 : i32
          %eq3A_458 = arith.cmpi eq, %cond3A_421#0, %eq3A_457 : i32
          %and3A_459 = arith.andi %eq3A_456, %eq3A_458 : i1
          %convert_element_type3A_460 = arith.extui %and3A_459 : i1 to i32
          %cond3A_461 = arith.constant 0 : i32
          %cond3A_462 = arith.cmpi ne, %convert_element_type3A_460, %cond3A_461 : i32
          %cond3A_463:3 = scf.if %cond3A_462 -> (i32, i32, i32) {
            %add3A_465 = arith.addi %multiple_of3A_324, %cond3A_421#1 : i32
            %multiple_of3A_466 = tpu.assume_multiple %add3A_465, 8192 : i32
            %dma_start3A_467 = tpu.memref_slice %arg4[%multiple_of3A_466] : memref<16777216xf32, #tpu.memory_space<hbm>> -> memref<8192xf32, #tpu.memory_space<hbm>>
            %dma_start3A_468 = tpu.memref_slice %arg4[%multiple_of3A_466] : memref<16777216xf32, #tpu.memory_space<hbm>> -> memref<8192xf32, #tpu.memory_space<hbm>>
            tpu.enqueue_dma source(%arg6 : memref<8192xf32, #tpu.memory_space<vmem>>) target(%dma_start3A_468 : memref<8192xf32, #tpu.memory_space<hbm>>) target_semaphore(%arg16 : memref<!tpu.dma_semaphore, #tpu.memory_space<semaphore_mem>>)
            %add3A_469 = arith.constant 8192 : i32
            %add3A_470 = arith.addi %cond3A_421#1, %add3A_469 : i32
            %cond3A_471 = arith.constant 1 : i32
            scf.yield %cond3A_421#0, %add3A_470, %cond3A_471 : i32, i32, i32
          } else {
            %scan3A_465 = arith.constant 0 : i32
            %scan3A_466 = arith.constant 512 : i32
            %scan3A_467 = arith.addi %scan3A_465, %scan3A_466 : i32
            %scan3A_468 = arith.constant 1 : i32
            %scan3A_469 = scf.for %scan3A_483 = %scan3A_465 to %scan3A_467 step %scan3A_468 iter_args(%scan3A_484 = %cond3A_421#0) -> (i32)  : i32 {
              %mul3A_485 = arith.constant 16 : i32
              %mul3A_486 = arith.muli %scan3A_483, %mul3A_485 : i32
              %get3A_487 = arith.index_cast %mul3A_486 : i32 to index
              %get3A_488 = tpu.vector_load %arg6[%get3A_487] {strides = array<i32>} : memref<8192xf32, #tpu.memory_space<vmem>>, vector<16xf32>,
              %ne3A = arith.constant 1.010000e+01 : f32
              %ne3A_489 = vector.broadcast %ne3A : f32 to vector<16xf32>
              %ne3A_490 = arith.cmpf one, %get3A_488, %ne3A_489 : vector<16xf32>
              %swap3A_491 = arith.index_cast %scan3A_484 : i32 to index
              %swap3A_492 = tpu.vector_load %arg7[%swap3A_491] masked %ne3A_490 {strides = array<i32>} : memref<16416xf32, #tpu.memory_space<vmem>>, vector<16xf32>, vector<16xi1>
              tpu.vector_store %arg7[%swap3A_491], %get3A_488 masked %ne3A_490 {strides = array<i32>} : memref<16416xf32, #tpu.memory_space<vmem>>, vector<16xf32>, vector<16xi1>
              %all_reduce_population_count3A = tpu.all_reduce %ne3A_490 {dim = 0 : i64, kind = #tpu.reduction_kind<sum>} : vector<16xi1> -> vector<16xi32>
              %slice3A_493 = vector.extract_strided_slice %all_reduce_population_count3A {offsets = [0], sizes = [1], strides = [1]} : vector<16xi32> to vector<1xi32>
              %squeeze3A_494 = vector.extract %slice3A_493[0] : i32 from vector<1xi32>
              %add3A_495 = arith.addi %scan3A_484, %squeeze3A_494 : i32
              scf.yield %add3A_495 : i32
            }
            %scan3A_470 = arith.constant 512 : i32
            %ge3A = arith.constant 8192 : i32
            %ge3A_471 = arith.cmpi sge, %scan3A_469, %ge3A : i32
            %convert_element_type3A_472 = arith.extui %ge3A_471 : i1 to i32
            %cond3A_473 = arith.constant 0 : i32
            %cond3A_474 = arith.cmpi ne, %convert_element_type3A_472, %cond3A_473 : i32
            scf.if %cond3A_474 {
              %add3A_483 = arith.addi %multiple_of3A_324, %cond3A_421#1 : i32
              %multiple_of3A_484 = tpu.assume_multiple %add3A_483, 8192 : i32
              "tpu.region"() ({
                %run_scoped3A = tpu.sem_alloc : memref<!tpu.dma_semaphore, #tpu.memory_space<semaphore_mem>>
                %dma_start3A_522 = arith.constant 0 : i32
                %dma_start3A_523 = tpu.memref_slice %arg7[%dma_start3A_522] : memref<16416xf32, #tpu.memory_space<vmem>> -> memref<8192xf32, #tpu.memory_space<vmem>>
                %dma_start3A_524 = tpu.memref_slice %arg4[%multiple_of3A_484] : memref<16777216xf32, #tpu.memory_space<hbm>> -> memref<8192xf32, #tpu.memory_space<hbm>>
                %dma_start3A_525 = tpu.memref_slice %arg4[%multiple_of3A_484] : memref<16777216xf32, #tpu.memory_space<hbm>> -> memref<8192xf32, #tpu.memory_space<hbm>>
                %dma_start3A_526 = arith.constant 0 : i32
                %dma_start3A_527 = tpu.memref_slice %arg7[%dma_start3A_526] : memref<16416xf32, #tpu.memory_space<vmem>> -> memref<8192xf32, #tpu.memory_space<vmem>>
                tpu.enqueue_dma source(%dma_start3A_527 : memref<8192xf32, #tpu.memory_space<vmem>>) target(%dma_start3A_525 : memref<8192xf32, #tpu.memory_space<hbm>>) target_semaphore(%run_scoped3A : memref<!tpu.dma_semaphore, #tpu.memory_space<semaphore_mem>>)
                %dma_wait3A_528 = arith.constant 0 : i32
                %dma_wait3A_529 = tpu.memref_slice %arg7[%dma_wait3A_528] : memref<16416xf32, #tpu.memory_space<vmem>> -> memref<8192xf32, #tpu.memory_space<vmem>>
                %dma_wait3A_530 = tpu.memref_slice %arg4[%multiple_of3A_484] : memref<16777216xf32, #tpu.memory_space<hbm>> -> memref<8192xf32, #tpu.memory_space<hbm>>
                %dma_wait3A_531 = tpu.memref_slice %arg4[%multiple_of3A_484] : memref<16777216xf32, #tpu.memory_space<hbm>> -> memref<8192xf32, #tpu.memory_space<hbm>>
                %dma_wait3A_532 = arith.constant 0 : i32
                %dma_wait3A_533 = tpu.memref_slice %arg7[%dma_wait3A_532] : memref<16416xf32, #tpu.memory_space<vmem>> -> memref<8192xf32, #tpu.memory_space<vmem>>
                tpu.wait_dma2 semaphore(%run_scoped3A : memref<!tpu.dma_semaphore, #tpu.memory_space<semaphore_mem>>) src(%dma_wait3A_533 : memref<8192xf32, #tpu.memory_space<vmem>>) dst(%dma_wait3A_531 : memref<8192xf32, #tpu.memory_space<hbm>>)
                tpu.yield
              }) : () -> ()
              %sub3A_485 = arith.constant 8192 : i32
              %sub3A_486 = arith.subi %scan3A_469, %sub3A_485 : i32
              %add3A_487 = arith.constant 16 : i32
              %add3A_488 = arith.addi %sub3A_486, %add3A_487 : i32
              %sub3A_489 = arith.constant 1 : i32
              %sub3A_490 = arith.subi %add3A_488, %sub3A_489 : i32
              %jit3A_491 = arith.constant 16 : i32
              %div3A = arith.divsi %sub3A_490, %jit3A_491 : i32
              %sign3A = arith.constant 0 : i32
              %sign3A_492 = arith.cmpi sgt, %sub3A_490, %sign3A : i32
              %sign3A_493 = arith.extui %sign3A_492 : i1 to i32
              %sign3A_494 = arith.constant 0 : i32
              %sign3A_495 = arith.cmpi slt, %sub3A_490, %sign3A_494 : i32
              %sign3A_496 = arith.extui %sign3A_495 : i1 to i32
              %sign3A_497 = arith.subi %sign3A_493, %sign3A_496 : i32
              %sign3A_498 = arith.constant 0 : i32
              %sign3A_499 = arith.cmpi sgt, %jit3A_491, %sign3A_498 : i32
              %sign3A_500 = arith.extui %sign3A_499 : i1 to i32
              %sign3A_501 = arith.constant 0 : i32
              %sign3A_502 = arith.cmpi slt, %jit3A_491, %sign3A_501 : i32
              %sign3A_503 = arith.extui %sign3A_502 : i1 to i32
              %sign3A_504 = arith.subi %sign3A_500, %sign3A_503 : i32
              %ne3A = arith.cmpi ne, %sign3A_497, %sign3A_504 : i32
              %rem3A = arith.remsi %sub3A_490, %jit3A_491 : i32
              %ne3A_505 = arith.constant 0 : i32
              %ne3A_506 = arith.cmpi ne, %rem3A, %ne3A_505 : i32
              %and3A_507 = arith.andi %ne3A, %ne3A_506 : i1
              %sub3A_508 = arith.constant 1 : i32
              %sub3A_509 = arith.subi %div3A, %sub3A_508 : i32
              %select_n3A_510 = arith.select %and3A_507, %sub3A_509, %div3A : i32
              %while3A = arith.constant 0 : i32
              %while3A_511 = arith.constant 0 : i32
              %while3A_512 = arith.subi %select_n3A_510, %while3A : i32
              %while3A_513 = arith.addi %while3A, %while3A_512 : i32
              %while3A_514 = arith.constant 1 : i32
              %while3A_515 = arith.divsi %while3A_512, %while3A_514 : i32
              %while3A_516 = arith.muli %while3A_515, %while3A_514 : i32
              %while3A_517 = arith.addi %while3A, %while3A_516 : i32
              %while3A_518 = arith.constant 1 : i32
              %while3A_519 = scf.for %while3A_522 = %while3A to %while3A_517 step %while3A_518 iter_args(%while3A_523 = %while3A_511) -> (i32)  : i32 {
                %mul3A_524 = arith.constant 16 : i32
                %mul3A_525 = arith.muli %while3A_522, %mul3A_524 : i32
                %add3A_526 = arith.constant 8192 : i32
                %add3A_527 = arith.addi %add3A_526, %mul3A_525 : i32
                %get3A_528 = arith.index_cast %add3A_527 : i32 to index
                %get3A_529 = tpu.vector_load %arg7[%get3A_528] {strides = array<i32>} : memref<16416xf32, #tpu.memory_space<vmem>>, vector<16xf32>,
                %mul3A_530 = arith.constant 16 : i32
                %mul3A_531 = arith.muli %while3A_522, %mul3A_530 : i32
                %swap3A_532 = arith.index_cast %mul3A_531 : i32 to index
                %swap3A_533 = tpu.vector_load %arg7[%swap3A_532] {strides = array<i32>} : memref<16416xf32, #tpu.memory_space<vmem>>, vector<16xf32>,
                tpu.vector_store %arg7[%swap3A_532], %get3A_529 {strides = array<i32>} : memref<16416xf32, #tpu.memory_space<vmem>>, vector<16xf32>,
                %while3A_534 = arith.constant 0 : i32
                scf.yield %while3A_534 : i32
              }
              %while3A_520 = arith.constant 1 : i32
              %while3A_521 = scf.for %while3A_522 = %while3A_517 to %while3A_513 step %while3A_520 iter_args(%while3A_523 = %while3A_519) -> (i32)  : i32 {
                %mul3A_524 = arith.constant 16 : i32
                %mul3A_525 = arith.muli %while3A_522, %mul3A_524 : i32
                %add3A_526 = arith.constant 8192 : i32
                %add3A_527 = arith.addi %add3A_526, %mul3A_525 : i32
                %get3A_528 = arith.index_cast %add3A_527 : i32 to index
                %get3A_529 = tpu.vector_load %arg7[%get3A_528] {strides = array<i32>} : memref<16416xf32, #tpu.memory_space<vmem>>, vector<16xf32>,
                %mul3A_530 = arith.constant 16 : i32
                %mul3A_531 = arith.muli %while3A_522, %mul3A_530 : i32
                %swap3A_532 = arith.index_cast %mul3A_531 : i32 to index
                %swap3A_533 = tpu.vector_load %arg7[%swap3A_532] {strides = array<i32>} : memref<16416xf32, #tpu.memory_space<vmem>>, vector<16xf32>,
                tpu.vector_store %arg7[%swap3A_532], %get3A_529 {strides = array<i32>} : memref<16416xf32, #tpu.memory_space<vmem>>, vector<16xf32>,
                %while3A_534 = arith.constant 0 : i32
                scf.yield %while3A_534 : i32
              }
            } else {
            }
            %ge3A_475 = arith.constant 8192 : i32
            %ge3A_476 = arith.cmpi sge, %scan3A_469, %ge3A_475 : i32
            %sub3A = arith.constant 8192 : i32
            %sub3A_477 = arith.subi %scan3A_469, %sub3A : i32
            %select_n3A_478 = arith.select %ge3A_476, %sub3A_477, %scan3A_469 : i32
            %add3A_479 = arith.constant 8192 : i32
            %add3A_480 = arith.addi %cond3A_421#1, %add3A_479 : i32
            %select_n3A_481 = arith.select %ge3A_476, %add3A_480, %cond3A_421#1 : i32
            %cond3A_482 = arith.constant 0 : i32
            scf.yield %select_n3A_478, %select_n3A_481, %cond3A_482 : i32, i32, i32
          }
          %scan3A_464 = arith.constant 0 : i32
          scf.yield %cond3A_463#0, %cond3A_463#1, %scan3A_464, %cond3A_463#2 : i32, i32, i32, i32
        }
        %scan3A_354 = arith.constant 64 : i32
        %eq3A_355 = arith.constant 1 : i32
        %eq3A_356 = arith.cmpi eq, %scan3A_353#2, %eq3A_355 : i32
        %convert_element_type3A_357 = arith.extui %eq3A_356 : i1 to i32
        %cond3A_358 = arith.constant 0 : i32
        %cond3A_359 = arith.cmpi ne, %convert_element_type3A_357, %cond3A_358 : i32
        scf.if %cond3A_359 {
          %add3A_370 = arith.constant 0 : i32
          %add3A_371 = arith.addi %multiple_of3A_324, %add3A_370 : i32
          %multiple_of3A_372 = tpu.assume_multiple %add3A_371, 8192 : i32
          %dma_wait3A_373 = tpu.memref_slice %arg4[%multiple_of3A_372] : memref<16777216xf32, #tpu.memory_space<hbm>> -> memref<8192xf32, #tpu.memory_space<hbm>>
          %dma_wait3A_374 = tpu.memref_slice %arg4[%multiple_of3A_372] : memref<16777216xf32, #tpu.memory_space<hbm>> -> memref<8192xf32, #tpu.memory_space<hbm>>
          tpu.wait_dma2 semaphore(%arg15 : memref<!tpu.dma_semaphore, #tpu.memory_space<semaphore_mem>>) src(%arg5 : memref<8192xf32, #tpu.memory_space<vmem>>) dst(%dma_wait3A_374 : memref<8192xf32, #tpu.memory_space<hbm>>)
        } else {
        }
        %eq3A_360 = arith.constant 1 : i32
        %eq3A_361 = arith.cmpi eq, %scan3A_353#3, %eq3A_360 : i32
        %convert_element_type3A_362 = arith.extui %eq3A_361 : i1 to i32
        %cond3A_363 = arith.constant 0 : i32
        %cond3A_364 = arith.cmpi ne, %convert_element_type3A_362, %cond3A_363 : i32
        scf.if %cond3A_364 {
          %add3A_370 = arith.constant 0 : i32
          %add3A_371 = arith.addi %multiple_of3A_324, %add3A_370 : i32
          %multiple_of3A_372 = tpu.assume_multiple %add3A_371, 8192 : i32
          %dma_wait3A_373 = tpu.memref_slice %arg4[%multiple_of3A_372] : memref<16777216xf32, #tpu.memory_space<hbm>> -> memref<8192xf32, #tpu.memory_space<hbm>>
          %dma_wait3A_374 = tpu.memref_slice %arg4[%multiple_of3A_372] : memref<16777216xf32, #tpu.memory_space<hbm>> -> memref<8192xf32, #tpu.memory_space<hbm>>
          tpu.wait_dma2 semaphore(%arg16 : memref<!tpu.dma_semaphore, #tpu.memory_space<semaphore_mem>>) src(%arg6 : memref<8192xf32, #tpu.memory_space<vmem>>) dst(%dma_wait3A_374 : memref<8192xf32, #tpu.memory_space<hbm>>)
        } else {
        }
        %lt3A_365 = arith.constant 1048576 : i32
        %lt3A_366 = arith.cmpi slt, %scan3A_353#1, %lt3A_365 : i32
        %convert_element_type3A_367 = arith.extui %lt3A_366 : i1 to i32
        %cond3A_368 = arith.constant 0 : i32
        %cond3A_369 = arith.cmpi ne, %convert_element_type3A_367, %cond3A_368 : i32
        scf.if %cond3A_369 {
          %scan3A_370 = arith.constant 0 : i32
          %scan3A_371 = arith.constant 0 : i32
          %scan3A_372 = arith.constant 512 : i32
          %scan3A_373 = arith.addi %scan3A_371, %scan3A_372 : i32
          %scan3A_374 = arith.constant 1 : i32
          %scan3A_375 = scf.for %scan3A_388 = %scan3A_371 to %scan3A_373 step %scan3A_374 iter_args(%scan3A_389 = %scan3A_370) -> (i32)  : i32 {
            %mul3A_390 = arith.constant 16 : i32
            %mul3A_391 = arith.muli %scan3A_388, %mul3A_390 : i32
            %add3A_392 = vector.broadcast %mul3A_391 : i32 to vector<16xi32>
            %add3A_393 = arith.addi %add3A_392, %iota3A : vector<16xi32>
            %mul3A_394 = arith.constant 16 : i32
            %mul3A_395 = arith.muli %scan3A_388, %mul3A_394 : i32
            %get3A_396 = arith.index_cast %mul3A_395 : i32 to index
            %get3A_397 = tpu.vector_load %arg7[%get3A_396] {strides = array<i32>} : memref<16416xf32, #tpu.memory_space<vmem>>, vector<16xf32>,
            %ge3A = vector.broadcast %scan3A_353#0 : i32 to vector<16xi32>
            %ge3A_398 = arith.cmpi sge, %add3A_393, %ge3A : vector<16xi32>
            %jit3A_399 = arith.constant 1.010000e+01 : f32
            %broadcast_in_dim3A_400 = vector.broadcast %jit3A_399 : f32 to vector<16xf32>
            %select_n3A_401 = arith.select %ge3A_398, %broadcast_in_dim3A_400, %get3A_397 : vector<16xi1>, vector<16xf32>
            %mul3A_402 = arith.constant 16 : i32
            %mul3A_403 = arith.muli %scan3A_388, %mul3A_402 : i32
            %swap3A_404 = arith.index_cast %mul3A_403 : i32 to index
            %swap3A_405 = tpu.vector_load %arg7[%swap3A_404] {strides = array<i32>} : memref<16416xf32, #tpu.memory_space<vmem>>, vector<16xf32>,
            tpu.vector_store %arg7[%swap3A_404], %select_n3A_401 {strides = array<i32>} : memref<16416xf32, #tpu.memory_space<vmem>>, vector<16xf32>,
            %scan3A_406 = arith.constant 0 : i32
            scf.yield %scan3A_406 : i32
          }
          %scan3A_376 = arith.constant 512 : i32
          %add3A_377 = arith.addi %multiple_of3A_324, %scan3A_353#1 : i32
          %multiple_of3A_378 = tpu.assume_multiple %add3A_377, 8192 : i32
          "tpu.region"() ({
            %run_scoped3A = tpu.sem_alloc : memref<!tpu.dma_semaphore, #tpu.memory_space<semaphore_mem>>
            %dma_start3A_388 = arith.constant 0 : i32
            %dma_start3A_389 = tpu.memref_slice %arg7[%dma_start3A_388] : memref<16416xf32, #tpu.memory_space<vmem>> -> memref<8192xf32, #tpu.memory_space<vmem>>
            %dma_start3A_390 = tpu.memref_slice %arg4[%multiple_of3A_378] : memref<16777216xf32, #tpu.memory_space<hbm>> -> memref<8192xf32, #tpu.memory_space<hbm>>
            %dma_start3A_391 = tpu.memref_slice %arg4[%multiple_of3A_378] : memref<16777216xf32, #tpu.memory_space<hbm>> -> memref<8192xf32, #tpu.memory_space<hbm>>
            %dma_start3A_392 = arith.constant 0 : i32
            %dma_start3A_393 = tpu.memref_slice %arg7[%dma_start3A_392] : memref<16416xf32, #tpu.memory_space<vmem>> -> memref<8192xf32, #tpu.memory_space<vmem>>
            tpu.enqueue_dma source(%dma_start3A_393 : memref<8192xf32, #tpu.memory_space<vmem>>) target(%dma_start3A_391 : memref<8192xf32, #tpu.memory_space<hbm>>) target_semaphore(%run_scoped3A : memref<!tpu.dma_semaphore, #tpu.memory_space<semaphore_mem>>)
            %dma_wait3A_394 = arith.constant 0 : i32
            %dma_wait3A_395 = tpu.memref_slice %arg7[%dma_wait3A_394] : memref<16416xf32, #tpu.memory_space<vmem>> -> memref<8192xf32, #tpu.memory_space<vmem>>
            %dma_wait3A_396 = tpu.memref_slice %arg4[%multiple_of3A_378] : memref<16777216xf32, #tpu.memory_space<hbm>> -> memref<8192xf32, #tpu.memory_space<hbm>>
            %dma_wait3A_397 = tpu.memref_slice %arg4[%multiple_of3A_378] : memref<16777216xf32, #tpu.memory_space<hbm>> -> memref<8192xf32, #tpu.memory_space<hbm>>
            %dma_wait3A_398 = arith.constant 0 : i32
            %dma_wait3A_399 = tpu.memref_slice %arg7[%dma_wait3A_398] : memref<16416xf32, #tpu.memory_space<vmem>> -> memref<8192xf32, #tpu.memory_space<vmem>>
            tpu.wait_dma2 semaphore(%run_scoped3A : memref<!tpu.dma_semaphore, #tpu.memory_space<semaphore_mem>>) src(%dma_wait3A_399 : memref<8192xf32, #tpu.memory_space<vmem>>) dst(%dma_wait3A_397 : memref<8192xf32, #tpu.memory_space<hbm>>)
            tpu.yield
          }) : () -> ()
          %scan3A_379 = arith.constant 0 : i32
          %scan3A_380 = arith.constant 0 : i32
          %scan3A_381 = arith.constant 512 : i32
          %scan3A_382 = arith.addi %scan3A_380, %scan3A_381 : i32
          %scan3A_383 = arith.constant 1 : i32
          %scan3A_384 = scf.for %scan3A_388 = %scan3A_380 to %scan3A_382 step %scan3A_383 iter_args(%scan3A_389 = %scan3A_379) -> (i32)  : i32 {
            %broadcast_in_dim3A_390 = arith.constant 1.010000e+01 : f32
            %broadcast_in_dim3A_391 = vector.broadcast %broadcast_in_dim3A_390 : f32 to vector<16xf32>
            %mul3A_392 = arith.constant 16 : i32
            %mul3A_393 = arith.muli %scan3A_388, %mul3A_392 : i32
            %swap3A_394 = arith.index_cast %mul3A_393 : i32 to index
            %swap3A_395 = tpu.vector_load %arg5[%swap3A_394] {strides = array<i32>} : memref<8192xf32, #tpu.memory_space<vmem>>, vector<16xf32>,
            tpu.vector_store %arg5[%swap3A_394], %broadcast_in_dim3A_391 {strides = array<i32>} : memref<8192xf32, #tpu.memory_space<vmem>>, vector<16xf32>,
            %scan3A_396 = arith.constant 0 : i32
            scf.yield %scan3A_396 : i32
          }
          %scan3A_385 = arith.constant 512 : i32
          %add3A_386 = arith.constant 8192 : i32
          %add3A_387 = arith.addi %scan3A_353#1, %add3A_386 : i32
          %while3A = scf.while (%while3A_388 = %add3A_387) : (i32) -> i32 {
            %lt3A_389 = arith.constant 1048576 : i32
            %lt3A_390 = arith.cmpi slt, %while3A_388, %lt3A_389 : i32
            scf.condition(%lt3A_390) %while3A_388 : i32
          } do {
          ^bb0(%while3A_388: i32):
            %add3A_389 = arith.addi %multiple_of3A_324, %while3A_388 : i32
            %multiple_of3A_390 = tpu.assume_multiple %add3A_389, 8192 : i32
            "tpu.region"() ({
              %run_scoped3A = tpu.sem_alloc : memref<!tpu.dma_semaphore, #tpu.memory_space<semaphore_mem>>
              %dma_start3A_393 = tpu.memref_slice %arg4[%multiple_of3A_390] : memref<16777216xf32, #tpu.memory_space<hbm>> -> memref<8192xf32, #tpu.memory_space<hbm>>
              %dma_start3A_394 = tpu.memref_slice %arg4[%multiple_of3A_390] : memref<16777216xf32, #tpu.memory_space<hbm>> -> memref<8192xf32, #tpu.memory_space<hbm>>
              tpu.enqueue_dma source(%arg5 : memref<8192xf32, #tpu.memory_space<vmem>>) target(%dma_start3A_394 : memref<8192xf32, #tpu.memory_space<hbm>>) target_semaphore(%run_scoped3A : memref<!tpu.dma_semaphore, #tpu.memory_space<semaphore_mem>>)
              %dma_wait3A_395 = tpu.memref_slice %arg4[%multiple_of3A_390] : memref<16777216xf32, #tpu.memory_space<hbm>> -> memref<8192xf32, #tpu.memory_space<hbm>>
              %dma_wait3A_396 = tpu.memref_slice %arg4[%multiple_of3A_390] : memref<16777216xf32, #tpu.memory_space<hbm>> -> memref<8192xf32, #tpu.memory_space<hbm>>
              tpu.wait_dma2 semaphore(%run_scoped3A : memref<!tpu.dma_semaphore, #tpu.memory_space<semaphore_mem>>) src(%arg5 : memref<8192xf32, #tpu.memory_space<vmem>>) dst(%dma_wait3A_396 : memref<8192xf32, #tpu.memory_space<hbm>>)
              tpu.yield
            }) : () -> ()
            %add3A_391 = arith.constant 8192 : i32
            %add3A_392 = arith.addi %while3A_388, %add3A_391 : i32
            scf.yield %add3A_392 : i32
          }
        } else {
        }
      } else {
      }
    } else {
    }
    %convert_element_type3A_316 = arith.extui %not3A_312 : i1 to i32
    %cond3A_317 = arith.constant 0 : i32
    %cond3A_318 = arith.cmpi ne, %convert_element_type3A_316, %cond3A_317 : i32
    scf.if %cond3A_318 {
      %barrier3A_319 = arith.constant 0 : index
      tpu.barrier barrier_id(%barrier3A_319)
      %convert_element_type3A_320 = arith.extui %eq3A_277 : i1 to i32
      %cond3A_321 = arith.constant 0 : i32
      %cond3A_322 = arith.cmpi ne, %convert_element_type3A_320, %cond3A_321 : i32
      scf.if %cond3A_322 {
        %add3A_401 = arith.constant 0 : i32
        %add3A_402 = arith.addi %mul3A_0, %add3A_401 : i32
        %mul3A_403 = arith.constant 1048576 : i32
        %mul3A_404 = arith.muli %add3A_402, %mul3A_403 : i32
        %add3A_405 = arith.addi %mul3A_404, %mul3A_2 : i32
        %add3A_406 = arith.constant 0 : i32
        %add3A_407 = arith.addi %add3A_405, %add3A_406 : i32
        %multiple_of3A_408 = tpu.assume_multiple %add3A_407, 4096 : i32
        %dma_start3A_409 = arith.constant 0 : i32
        %dma_start3A_410 = arith.constant 0 : i32
        %dma_start3A_411 = tpu.memref_slice %arg8[%dma_start3A_409, %dma_start3A_410] : memref<8x4096xf32, #tpu.memory_space<vmem>> -> memref<1x4096xf32, #tpu.memory_space<vmem>>
        %dma_start3A_412 = tpu.memref_squeeze %dma_start3A_411 : memref<1x4096xf32, #tpu.memory_space<vmem>> -> memref<4096xf32, #tpu.memory_space<vmem>>
        %dma_start3A_413 = tpu.memref_slice %arg2[%multiple_of3A_408] : memref<16777216xf32, #tpu.memory_space<hbm>> -> memref<4096xf32, #tpu.memory_space<hbm>>
        %dma_start3A_414 = arith.constant 0 : i32
        %dma_start3A_415 = tpu.memref_slice %arg8[%dma_start3A_409, %dma_start3A_414] : memref<8x4096xf32, #tpu.memory_space<vmem>> -> memref<1x4096xf32, #tpu.memory_space<vmem>>
        %dma_start3A_416 = tpu.memref_squeeze %dma_start3A_415 : memref<1x4096xf32, #tpu.memory_space<vmem>> -> memref<4096xf32, #tpu.memory_space<vmem>>
        %dma_start3A_417 = tpu.memref_slice %arg2[%multiple_of3A_408] : memref<16777216xf32, #tpu.memory_space<hbm>> -> memref<4096xf32, #tpu.memory_space<hbm>>
        tpu.enqueue_dma source(%dma_start3A_417 : memref<4096xf32, #tpu.memory_space<hbm>>) target(%dma_start3A_416 : memref<4096xf32, #tpu.memory_space<vmem>>) target_semaphore(%arg17 : memref<!tpu.dma_semaphore, #tpu.memory_space<semaphore_mem>>)
      } else {
      }
      %not3A_323 = arith.constant true
      %not3A_324 = arith.xori %eq3A_277, %not3A_323 : i1
      %convert_element_type3A_325 = arith.extui %not3A_324 : i1 to i32
      %cond3A_326 = arith.constant 0 : i32
      %cond3A_327 = arith.cmpi ne, %convert_element_type3A_325, %cond3A_326 : i32
      scf.if %cond3A_327 {
        %add3A_401 = arith.constant 0 : i32
        %add3A_402 = arith.addi %mul3A_0, %add3A_401 : i32
        %mul3A_403 = arith.constant 1048576 : i32
        %mul3A_404 = arith.muli %add3A_402, %mul3A_403 : i32
        %add3A_405 = arith.addi %mul3A_404, %mul3A_2 : i32
        %add3A_406 = arith.constant 0 : i32
        %add3A_407 = arith.addi %add3A_405, %add3A_406 : i32
        %multiple_of3A_408 = tpu.assume_multiple %add3A_407, 4096 : i32
        %dma_start3A_409 = arith.constant 0 : i32
        %dma_start3A_410 = arith.constant 0 : i32
        %dma_start3A_411 = tpu.memref_slice %arg8[%dma_start3A_409, %dma_start3A_410] : memref<8x4096xf32, #tpu.memory_space<vmem>> -> memref<1x4096xf32, #tpu.memory_space<vmem>>
        %dma_start3A_412 = tpu.memref_squeeze %dma_start3A_411 : memref<1x4096xf32, #tpu.memory_space<vmem>> -> memref<4096xf32, #tpu.memory_space<vmem>>
        %dma_start3A_413 = tpu.memref_slice %arg4[%multiple_of3A_408] : memref<16777216xf32, #tpu.memory_space<hbm>> -> memref<4096xf32, #tpu.memory_space<hbm>>
        %dma_start3A_414 = arith.constant 0 : i32
        %dma_start3A_415 = tpu.memref_slice %arg8[%dma_start3A_409, %dma_start3A_414] : memref<8x4096xf32, #tpu.memory_space<vmem>> -> memref<1x4096xf32, #tpu.memory_space<vmem>>
        %dma_start3A_416 = tpu.memref_squeeze %dma_start3A_415 : memref<1x4096xf32, #tpu.memory_space<vmem>> -> memref<4096xf32, #tpu.memory_space<vmem>>
        %dma_start3A_417 = tpu.memref_slice %arg4[%multiple_of3A_408] : memref<16777216xf32, #tpu.memory_space<hbm>> -> memref<4096xf32, #tpu.memory_space<hbm>>
        tpu.enqueue_dma source(%dma_start3A_417 : memref<4096xf32, #tpu.memory_space<hbm>>) target(%dma_start3A_416 : memref<4096xf32, #tpu.memory_space<vmem>>) target_semaphore(%arg17 : memref<!tpu.dma_semaphore, #tpu.memory_space<semaphore_mem>>)
      } else {
      }
      %convert_element_type3A_328 = arith.extui %eq3A_281 : i1 to i32
      %cond3A_329 = arith.constant 0 : i32
      %cond3A_330 = arith.cmpi ne, %convert_element_type3A_328, %cond3A_329 : i32
      scf.if %cond3A_330 {
        %add3A_401 = arith.constant 1 : i32
        %add3A_402 = arith.addi %mul3A_0, %add3A_401 : i32
        %mul3A_403 = arith.constant 1048576 : i32
        %mul3A_404 = arith.muli %add3A_402, %mul3A_403 : i32
        %add3A_405 = arith.addi %mul3A_404, %mul3A_2 : i32
        %add3A_406 = arith.constant 0 : i32
        %add3A_407 = arith.addi %add3A_405, %add3A_406 : i32
        %multiple_of3A_408 = tpu.assume_multiple %add3A_407, 4096 : i32
        %dma_start3A_409 = arith.constant 1 : i32
        %dma_start3A_410 = arith.constant 0 : i32
        %dma_start3A_411 = tpu.memref_slice %arg8[%dma_start3A_409, %dma_start3A_410] : memref<8x4096xf32, #tpu.memory_space<vmem>> -> memref<1x4096xf32, #tpu.memory_space<vmem>>
        %dma_start3A_412 = tpu.memref_squeeze %dma_start3A_411 : memref<1x4096xf32, #tpu.memory_space<vmem>> -> memref<4096xf32, #tpu.memory_space<vmem>>
        %dma_start3A_413 = tpu.memref_slice %arg2[%multiple_of3A_408] : memref<16777216xf32, #tpu.memory_space<hbm>> -> memref<4096xf32, #tpu.memory_space<hbm>>
        %dma_start3A_414 = arith.constant 0 : i32
        %dma_start3A_415 = tpu.memref_slice %arg8[%dma_start3A_409, %dma_start3A_414] : memref<8x4096xf32, #tpu.memory_space<vmem>> -> memref<1x4096xf32, #tpu.memory_space<vmem>>
        %dma_start3A_416 = tpu.memref_squeeze %dma_start3A_415 : memref<1x4096xf32, #tpu.memory_space<vmem>> -> memref<4096xf32, #tpu.memory_space<vmem>>
        %dma_start3A_417 = tpu.memref_slice %arg2[%multiple_of3A_408] : memref<16777216xf32, #tpu.memory_space<hbm>> -> memref<4096xf32, #tpu.memory_space<hbm>>
        tpu.enqueue_dma source(%dma_start3A_417 : memref<4096xf32, #tpu.memory_space<hbm>>) target(%dma_start3A_416 : memref<4096xf32, #tpu.memory_space<vmem>>) target_semaphore(%arg17 : memref<!tpu.dma_semaphore, #tpu.memory_space<semaphore_mem>>)
      } else {
      }
      %not3A_331 = arith.constant true
      %not3A_332 = arith.xori %eq3A_281, %not3A_331 : i1
      %convert_element_type3A_333 = arith.extui %not3A_332 : i1 to i32
      %cond3A_334 = arith.constant 0 : i32
      %cond3A_335 = arith.cmpi ne, %convert_element_type3A_333, %cond3A_334 : i32
      scf.if %cond3A_335 {
        %add3A_401 = arith.constant 1 : i32
        %add3A_402 = arith.addi %mul3A_0, %add3A_401 : i32
        %mul3A_403 = arith.constant 1048576 : i32
        %mul3A_404 = arith.muli %add3A_402, %mul3A_403 : i32
        %add3A_405 = arith.addi %mul3A_404, %mul3A_2 : i32
        %add3A_406 = arith.constant 0 : i32
        %add3A_407 = arith.addi %add3A_405, %add3A_406 : i32
        %multiple_of3A_408 = tpu.assume_multiple %add3A_407, 4096 : i32
        %dma_start3A_409 = arith.constant 1 : i32
        %dma_start3A_410 = arith.constant 0 : i32
        %dma_start3A_411 = tpu.memref_slice %arg8[%dma_start3A_409, %dma_start3A_410] : memref<8x4096xf32, #tpu.memory_space<vmem>> -> memref<1x4096xf32, #tpu.memory_space<vmem>>
        %dma_start3A_412 = tpu.memref_squeeze %dma_start3A_411 : memref<1x4096xf32, #tpu.memory_space<vmem>> -> memref<4096xf32, #tpu.memory_space<vmem>>
        %dma_start3A_413 = tpu.memref_slice %arg4[%multiple_of3A_408] : memref<16777216xf32, #tpu.memory_space<hbm>> -> memref<4096xf32, #tpu.memory_space<hbm>>
        %dma_start3A_414 = arith.constant 0 : i32
        %dma_start3A_415 = tpu.memref_slice %arg8[%dma_start3A_409, %dma_start3A_414] : memref<8x4096xf32, #tpu.memory_space<vmem>> -> memref<1x4096xf32, #tpu.memory_space<vmem>>
        %dma_start3A_416 = tpu.memref_squeeze %dma_start3A_415 : memref<1x4096xf32, #tpu.memory_space<vmem>> -> memref<4096xf32, #tpu.memory_space<vmem>>
        %dma_start3A_417 = tpu.memref_slice %arg4[%multiple_of3A_408] : memref<16777216xf32, #tpu.memory_space<hbm>> -> memref<4096xf32, #tpu.memory_space<hbm>>
        tpu.enqueue_dma source(%dma_start3A_417 : memref<4096xf32, #tpu.memory_space<hbm>>) target(%dma_start3A_416 : memref<4096xf32, #tpu.memory_space<vmem>>) target_semaphore(%arg17 : memref<!tpu.dma_semaphore, #tpu.memory_space<semaphore_mem>>)
      } else {
      }
      %convert_element_type3A_336 = arith.extui %eq3A_285 : i1 to i32
      %cond3A_337 = arith.constant 0 : i32
      %cond3A_338 = arith.cmpi ne, %convert_element_type3A_336, %cond3A_337 : i32
      scf.if %cond3A_338 {
        %add3A_401 = arith.constant 2 : i32
        %add3A_402 = arith.addi %mul3A_0, %add3A_401 : i32
        %mul3A_403 = arith.constant 1048576 : i32
        %mul3A_404 = arith.muli %add3A_402, %mul3A_403 : i32
        %add3A_405 = arith.addi %mul3A_404, %mul3A_2 : i32
        %add3A_406 = arith.constant 0 : i32
        %add3A_407 = arith.addi %add3A_405, %add3A_406 : i32
        %multiple_of3A_408 = tpu.assume_multiple %add3A_407, 4096 : i32
        %dma_start3A_409 = arith.constant 2 : i32
        %dma_start3A_410 = arith.constant 0 : i32
        %dma_start3A_411 = tpu.memref_slice %arg8[%dma_start3A_409, %dma_start3A_410] : memref<8x4096xf32, #tpu.memory_space<vmem>> -> memref<1x4096xf32, #tpu.memory_space<vmem>>
        %dma_start3A_412 = tpu.memref_squeeze %dma_start3A_411 : memref<1x4096xf32, #tpu.memory_space<vmem>> -> memref<4096xf32, #tpu.memory_space<vmem>>
        %dma_start3A_413 = tpu.memref_slice %arg2[%multiple_of3A_408] : memref<16777216xf32, #tpu.memory_space<hbm>> -> memref<4096xf32, #tpu.memory_space<hbm>>
        %dma_start3A_414 = arith.constant 0 : i32
        %dma_start3A_415 = tpu.memref_slice %arg8[%dma_start3A_409, %dma_start3A_414] : memref<8x4096xf32, #tpu.memory_space<vmem>> -> memref<1x4096xf32, #tpu.memory_space<vmem>>
        %dma_start3A_416 = tpu.memref_squeeze %dma_start3A_415 : memref<1x4096xf32, #tpu.memory_space<vmem>> -> memref<4096xf32, #tpu.memory_space<vmem>>
        %dma_start3A_417 = tpu.memref_slice %arg2[%multiple_of3A_408] : memref<16777216xf32, #tpu.memory_space<hbm>> -> memref<4096xf32, #tpu.memory_space<hbm>>
        tpu.enqueue_dma source(%dma_start3A_417 : memref<4096xf32, #tpu.memory_space<hbm>>) target(%dma_start3A_416 : memref<4096xf32, #tpu.memory_space<vmem>>) target_semaphore(%arg17 : memref<!tpu.dma_semaphore, #tpu.memory_space<semaphore_mem>>)
      } else {
      }
      %not3A_339 = arith.constant true
      %not3A_340 = arith.xori %eq3A_285, %not3A_339 : i1
      %convert_element_type3A_341 = arith.extui %not3A_340 : i1 to i32
      %cond3A_342 = arith.constant 0 : i32
      %cond3A_343 = arith.cmpi ne, %convert_element_type3A_341, %cond3A_342 : i32
      scf.if %cond3A_343 {
        %add3A_401 = arith.constant 2 : i32
        %add3A_402 = arith.addi %mul3A_0, %add3A_401 : i32
        %mul3A_403 = arith.constant 1048576 : i32
        %mul3A_404 = arith.muli %add3A_402, %mul3A_403 : i32
        %add3A_405 = arith.addi %mul3A_404, %mul3A_2 : i32
        %add3A_406 = arith.constant 0 : i32
        %add3A_407 = arith.addi %add3A_405, %add3A_406 : i32
        %multiple_of3A_408 = tpu.assume_multiple %add3A_407, 4096 : i32
        %dma_start3A_409 = arith.constant 2 : i32
        %dma_start3A_410 = arith.constant 0 : i32
        %dma_start3A_411 = tpu.memref_slice %arg8[%dma_start3A_409, %dma_start3A_410] : memref<8x4096xf32, #tpu.memory_space<vmem>> -> memref<1x4096xf32, #tpu.memory_space<vmem>>
        %dma_start3A_412 = tpu.memref_squeeze %dma_start3A_411 : memref<1x4096xf32, #tpu.memory_space<vmem>> -> memref<4096xf32, #tpu.memory_space<vmem>>
        %dma_start3A_413 = tpu.memref_slice %arg4[%multiple_of3A_408] : memref<16777216xf32, #tpu.memory_space<hbm>> -> memref<4096xf32, #tpu.memory_space<hbm>>
        %dma_start3A_414 = arith.constant 0 : i32
        %dma_start3A_415 = tpu.memref_slice %arg8[%dma_start3A_409, %dma_start3A_414] : memref<8x4096xf32, #tpu.memory_space<vmem>> -> memref<1x4096xf32, #tpu.memory_space<vmem>>
        %dma_start3A_416 = tpu.memref_squeeze %dma_start3A_415 : memref<1x4096xf32, #tpu.memory_space<vmem>> -> memref<4096xf32, #tpu.memory_space<vmem>>
        %dma_start3A_417 = tpu.memref_slice %arg4[%multiple_of3A_408] : memref<16777216xf32, #tpu.memory_space<hbm>> -> memref<4096xf32, #tpu.memory_space<hbm>>
        tpu.enqueue_dma source(%dma_start3A_417 : memref<4096xf32, #tpu.memory_space<hbm>>) target(%dma_start3A_416 : memref<4096xf32, #tpu.memory_space<vmem>>) target_semaphore(%arg17 : memref<!tpu.dma_semaphore, #tpu.memory_space<semaphore_mem>>)
      } else {
      }
      %convert_element_type3A_344 = arith.extui %eq3A_289 : i1 to i32
      %cond3A_345 = arith.constant 0 : i32
      %cond3A_346 = arith.cmpi ne, %convert_element_type3A_344, %cond3A_345 : i32
      scf.if %cond3A_346 {
        %add3A_401 = arith.constant 3 : i32
        %add3A_402 = arith.addi %mul3A_0, %add3A_401 : i32
        %mul3A_403 = arith.constant 1048576 : i32
        %mul3A_404 = arith.muli %add3A_402, %mul3A_403 : i32
        %add3A_405 = arith.addi %mul3A_404, %mul3A_2 : i32
        %add3A_406 = arith.constant 0 : i32
        %add3A_407 = arith.addi %add3A_405, %add3A_406 : i32
        %multiple_of3A_408 = tpu.assume_multiple %add3A_407, 4096 : i32
        %dma_start3A_409 = arith.constant 3 : i32
        %dma_start3A_410 = arith.constant 0 : i32
        %dma_start3A_411 = tpu.memref_slice %arg8[%dma_start3A_409, %dma_start3A_410] : memref<8x4096xf32, #tpu.memory_space<vmem>> -> memref<1x4096xf32, #tpu.memory_space<vmem>>
        %dma_start3A_412 = tpu.memref_squeeze %dma_start3A_411 : memref<1x4096xf32, #tpu.memory_space<vmem>> -> memref<4096xf32, #tpu.memory_space<vmem>>
        %dma_start3A_413 = tpu.memref_slice %arg2[%multiple_of3A_408] : memref<16777216xf32, #tpu.memory_space<hbm>> -> memref<4096xf32, #tpu.memory_space<hbm>>
        %dma_start3A_414 = arith.constant 0 : i32
        %dma_start3A_415 = tpu.memref_slice %arg8[%dma_start3A_409, %dma_start3A_414] : memref<8x4096xf32, #tpu.memory_space<vmem>> -> memref<1x4096xf32, #tpu.memory_space<vmem>>
        %dma_start3A_416 = tpu.memref_squeeze %dma_start3A_415 : memref<1x4096xf32, #tpu.memory_space<vmem>> -> memref<4096xf32, #tpu.memory_space<vmem>>
        %dma_start3A_417 = tpu.memref_slice %arg2[%multiple_of3A_408] : memref<16777216xf32, #tpu.memory_space<hbm>> -> memref<4096xf32, #tpu.memory_space<hbm>>
        tpu.enqueue_dma source(%dma_start3A_417 : memref<4096xf32, #tpu.memory_space<hbm>>) target(%dma_start3A_416 : memref<4096xf32, #tpu.memory_space<vmem>>) target_semaphore(%arg17 : memref<!tpu.dma_semaphore, #tpu.memory_space<semaphore_mem>>)
      } else {
      }
      %not3A_347 = arith.constant true
      %not3A_348 = arith.xori %eq3A_289, %not3A_347 : i1
      %convert_element_type3A_349 = arith.extui %not3A_348 : i1 to i32
      %cond3A_350 = arith.constant 0 : i32
      %cond3A_351 = arith.cmpi ne, %convert_element_type3A_349, %cond3A_350 : i32
      scf.if %cond3A_351 {
        %add3A_401 = arith.constant 3 : i32
        %add3A_402 = arith.addi %mul3A_0, %add3A_401 : i32
        %mul3A_403 = arith.constant 1048576 : i32
        %mul3A_404 = arith.muli %add3A_402, %mul3A_403 : i32
        %add3A_405 = arith.addi %mul3A_404, %mul3A_2 : i32
        %add3A_406 = arith.constant 0 : i32
        %add3A_407 = arith.addi %add3A_405, %add3A_406 : i32
        %multiple_of3A_408 = tpu.assume_multiple %add3A_407, 4096 : i32
        %dma_start3A_409 = arith.constant 3 : i32
        %dma_start3A_410 = arith.constant 0 : i32
        %dma_start3A_411 = tpu.memref_slice %arg8[%dma_start3A_409, %dma_start3A_410] : memref<8x4096xf32, #tpu.memory_space<vmem>> -> memref<1x4096xf32, #tpu.memory_space<vmem>>
        %dma_start3A_412 = tpu.memref_squeeze %dma_start3A_411 : memref<1x4096xf32, #tpu.memory_space<vmem>> -> memref<4096xf32, #tpu.memory_space<vmem>>
        %dma_start3A_413 = tpu.memref_slice %arg4[%multiple_of3A_408] : memref<16777216xf32, #tpu.memory_space<hbm>> -> memref<4096xf32, #tpu.memory_space<hbm>>
        %dma_start3A_414 = arith.constant 0 : i32
        %dma_start3A_415 = tpu.memref_slice %arg8[%dma_start3A_409, %dma_start3A_414] : memref<8x4096xf32, #tpu.memory_space<vmem>> -> memref<1x4096xf32, #tpu.memory_space<vmem>>
        %dma_start3A_416 = tpu.memref_squeeze %dma_start3A_415 : memref<1x4096xf32, #tpu.memory_space<vmem>> -> memref<4096xf32, #tpu.memory_space<vmem>>
        %dma_start3A_417 = tpu.memref_slice %arg4[%multiple_of3A_408] : memref<16777216xf32, #tpu.memory_space<hbm>> -> memref<4096xf32, #tpu.memory_space<hbm>>
        tpu.enqueue_dma source(%dma_start3A_417 : memref<4096xf32, #tpu.memory_space<hbm>>) target(%dma_start3A_416 : memref<4096xf32, #tpu.memory_space<vmem>>) target_semaphore(%arg17 : memref<!tpu.dma_semaphore, #tpu.memory_space<semaphore_mem>>)
      } else {
      }
      %convert_element_type3A_352 = arith.extui %eq3A_293 : i1 to i32
      %cond3A_353 = arith.constant 0 : i32
      %cond3A_354 = arith.cmpi ne, %convert_element_type3A_352, %cond3A_353 : i32
      scf.if %cond3A_354 {
        %add3A_401 = arith.constant 4 : i32
        %add3A_402 = arith.addi %mul3A_0, %add3A_401 : i32
        %mul3A_403 = arith.constant 1048576 : i32
        %mul3A_404 = arith.muli %add3A_402, %mul3A_403 : i32
        %add3A_405 = arith.addi %mul3A_404, %mul3A_2 : i32
        %add3A_406 = arith.constant 0 : i32
        %add3A_407 = arith.addi %add3A_405, %add3A_406 : i32
        %multiple_of3A_408 = tpu.assume_multiple %add3A_407, 4096 : i32
        %dma_start3A_409 = arith.constant 4 : i32
        %dma_start3A_410 = arith.constant 0 : i32
        %dma_start3A_411 = tpu.memref_slice %arg8[%dma_start3A_409, %dma_start3A_410] : memref<8x4096xf32, #tpu.memory_space<vmem>> -> memref<1x4096xf32, #tpu.memory_space<vmem>>
        %dma_start3A_412 = tpu.memref_squeeze %dma_start3A_411 : memref<1x4096xf32, #tpu.memory_space<vmem>> -> memref<4096xf32, #tpu.memory_space<vmem>>
        %dma_start3A_413 = tpu.memref_slice %arg2[%multiple_of3A_408] : memref<16777216xf32, #tpu.memory_space<hbm>> -> memref<4096xf32, #tpu.memory_space<hbm>>
        %dma_start3A_414 = arith.constant 0 : i32
        %dma_start3A_415 = tpu.memref_slice %arg8[%dma_start3A_409, %dma_start3A_414] : memref<8x4096xf32, #tpu.memory_space<vmem>> -> memref<1x4096xf32, #tpu.memory_space<vmem>>
        %dma_start3A_416 = tpu.memref_squeeze %dma_start3A_415 : memref<1x4096xf32, #tpu.memory_space<vmem>> -> memref<4096xf32, #tpu.memory_space<vmem>>
        %dma_start3A_417 = tpu.memref_slice %arg2[%multiple_of3A_408] : memref<16777216xf32, #tpu.memory_space<hbm>> -> memref<4096xf32, #tpu.memory_space<hbm>>
        tpu.enqueue_dma source(%dma_start3A_417 : memref<4096xf32, #tpu.memory_space<hbm>>) target(%dma_start3A_416 : memref<4096xf32, #tpu.memory_space<vmem>>) target_semaphore(%arg17 : memref<!tpu.dma_semaphore, #tpu.memory_space<semaphore_mem>>)
      } else {
      }
      %not3A_355 = arith.constant true
      %not3A_356 = arith.xori %eq3A_293, %not3A_355 : i1
      %convert_element_type3A_357 = arith.extui %not3A_356 : i1 to i32
      %cond3A_358 = arith.constant 0 : i32
      %cond3A_359 = arith.cmpi ne, %convert_element_type3A_357, %cond3A_358 : i32
      scf.if %cond3A_359 {
        %add3A_401 = arith.constant 4 : i32
        %add3A_402 = arith.addi %mul3A_0, %add3A_401 : i32
        %mul3A_403 = arith.constant 1048576 : i32
        %mul3A_404 = arith.muli %add3A_402, %mul3A_403 : i32
        %add3A_405 = arith.addi %mul3A_404, %mul3A_2 : i32
        %add3A_406 = arith.constant 0 : i32
        %add3A_407 = arith.addi %add3A_405, %add3A_406 : i32
        %multiple_of3A_408 = tpu.assume_multiple %add3A_407, 4096 : i32
        %dma_start3A_409 = arith.constant 4 : i32
        %dma_start3A_410 = arith.constant 0 : i32
        %dma_start3A_411 = tpu.memref_slice %arg8[%dma_start3A_409, %dma_start3A_410] : memref<8x4096xf32, #tpu.memory_space<vmem>> -> memref<1x4096xf32, #tpu.memory_space<vmem>>
        %dma_start3A_412 = tpu.memref_squeeze %dma_start3A_411 : memref<1x4096xf32, #tpu.memory_space<vmem>> -> memref<4096xf32, #tpu.memory_space<vmem>>
        %dma_start3A_413 = tpu.memref_slice %arg4[%multiple_of3A_408] : memref<16777216xf32, #tpu.memory_space<hbm>> -> memref<4096xf32, #tpu.memory_space<hbm>>
        %dma_start3A_414 = arith.constant 0 : i32
        %dma_start3A_415 = tpu.memref_slice %arg8[%dma_start3A_409, %dma_start3A_414] : memref<8x4096xf32, #tpu.memory_space<vmem>> -> memref<1x4096xf32, #tpu.memory_space<vmem>>
        %dma_start3A_416 = tpu.memref_squeeze %dma_start3A_415 : memref<1x4096xf32, #tpu.memory_space<vmem>> -> memref<4096xf32, #tpu.memory_space<vmem>>
        %dma_start3A_417 = tpu.memref_slice %arg4[%multiple_of3A_408] : memref<16777216xf32, #tpu.memory_space<hbm>> -> memref<4096xf32, #tpu.memory_space<hbm>>
        tpu.enqueue_dma source(%dma_start3A_417 : memref<4096xf32, #tpu.memory_space<hbm>>) target(%dma_start3A_416 : memref<4096xf32, #tpu.memory_space<vmem>>) target_semaphore(%arg17 : memref<!tpu.dma_semaphore, #tpu.memory_space<semaphore_mem>>)
      } else {
      }
      %convert_element_type3A_360 = arith.extui %eq3A_297 : i1 to i32
      %cond3A_361 = arith.constant 0 : i32
      %cond3A_362 = arith.cmpi ne, %convert_element_type3A_360, %cond3A_361 : i32
      scf.if %cond3A_362 {
        %add3A_401 = arith.constant 5 : i32
        %add3A_402 = arith.addi %mul3A_0, %add3A_401 : i32
        %mul3A_403 = arith.constant 1048576 : i32
        %mul3A_404 = arith.muli %add3A_402, %mul3A_403 : i32
        %add3A_405 = arith.addi %mul3A_404, %mul3A_2 : i32
        %add3A_406 = arith.constant 0 : i32
        %add3A_407 = arith.addi %add3A_405, %add3A_406 : i32
        %multiple_of3A_408 = tpu.assume_multiple %add3A_407, 4096 : i32
        %dma_start3A_409 = arith.constant 5 : i32
        %dma_start3A_410 = arith.constant 0 : i32
        %dma_start3A_411 = tpu.memref_slice %arg8[%dma_start3A_409, %dma_start3A_410] : memref<8x4096xf32, #tpu.memory_space<vmem>> -> memref<1x4096xf32, #tpu.memory_space<vmem>>
        %dma_start3A_412 = tpu.memref_squeeze %dma_start3A_411 : memref<1x4096xf32, #tpu.memory_space<vmem>> -> memref<4096xf32, #tpu.memory_space<vmem>>
        %dma_start3A_413 = tpu.memref_slice %arg2[%multiple_of3A_408] : memref<16777216xf32, #tpu.memory_space<hbm>> -> memref<4096xf32, #tpu.memory_space<hbm>>
        %dma_start3A_414 = arith.constant 0 : i32
        %dma_start3A_415 = tpu.memref_slice %arg8[%dma_start3A_409, %dma_start3A_414] : memref<8x4096xf32, #tpu.memory_space<vmem>> -> memref<1x4096xf32, #tpu.memory_space<vmem>>
        %dma_start3A_416 = tpu.memref_squeeze %dma_start3A_415 : memref<1x4096xf32, #tpu.memory_space<vmem>> -> memref<4096xf32, #tpu.memory_space<vmem>>
        %dma_start3A_417 = tpu.memref_slice %arg2[%multiple_of3A_408] : memref<16777216xf32, #tpu.memory_space<hbm>> -> memref<4096xf32, #tpu.memory_space<hbm>>
        tpu.enqueue_dma source(%dma_start3A_417 : memref<4096xf32, #tpu.memory_space<hbm>>) target(%dma_start3A_416 : memref<4096xf32, #tpu.memory_space<vmem>>) target_semaphore(%arg17 : memref<!tpu.dma_semaphore, #tpu.memory_space<semaphore_mem>>)
      } else {
      }
      %not3A_363 = arith.constant true
      %not3A_364 = arith.xori %eq3A_297, %not3A_363 : i1
      %convert_element_type3A_365 = arith.extui %not3A_364 : i1 to i32
      %cond3A_366 = arith.constant 0 : i32
      %cond3A_367 = arith.cmpi ne, %convert_element_type3A_365, %cond3A_366 : i32
      scf.if %cond3A_367 {
        %add3A_401 = arith.constant 5 : i32
        %add3A_402 = arith.addi %mul3A_0, %add3A_401 : i32
        %mul3A_403 = arith.constant 1048576 : i32
        %mul3A_404 = arith.muli %add3A_402, %mul3A_403 : i32
        %add3A_405 = arith.addi %mul3A_404, %mul3A_2 : i32
        %add3A_406 = arith.constant 0 : i32
        %add3A_407 = arith.addi %add3A_405, %add3A_406 : i32
        %multiple_of3A_408 = tpu.assume_multiple %add3A_407, 4096 : i32
        %dma_start3A_409 = arith.constant 5 : i32
        %dma_start3A_410 = arith.constant 0 : i32
        %dma_start3A_411 = tpu.memref_slice %arg8[%dma_start3A_409, %dma_start3A_410] : memref<8x4096xf32, #tpu.memory_space<vmem>> -> memref<1x4096xf32, #tpu.memory_space<vmem>>
        %dma_start3A_412 = tpu.memref_squeeze %dma_start3A_411 : memref<1x4096xf32, #tpu.memory_space<vmem>> -> memref<4096xf32, #tpu.memory_space<vmem>>
        %dma_start3A_413 = tpu.memref_slice %arg4[%multiple_of3A_408] : memref<16777216xf32, #tpu.memory_space<hbm>> -> memref<4096xf32, #tpu.memory_space<hbm>>
        %dma_start3A_414 = arith.constant 0 : i32
        %dma_start3A_415 = tpu.memref_slice %arg8[%dma_start3A_409, %dma_start3A_414] : memref<8x4096xf32, #tpu.memory_space<vmem>> -> memref<1x4096xf32, #tpu.memory_space<vmem>>
        %dma_start3A_416 = tpu.memref_squeeze %dma_start3A_415 : memref<1x4096xf32, #tpu.memory_space<vmem>> -> memref<4096xf32, #tpu.memory_space<vmem>>
        %dma_start3A_417 = tpu.memref_slice %arg4[%multiple_of3A_408] : memref<16777216xf32, #tpu.memory_space<hbm>> -> memref<4096xf32, #tpu.memory_space<hbm>>
        tpu.enqueue_dma source(%dma_start3A_417 : memref<4096xf32, #tpu.memory_space<hbm>>) target(%dma_start3A_416 : memref<4096xf32, #tpu.memory_space<vmem>>) target_semaphore(%arg17 : memref<!tpu.dma_semaphore, #tpu.memory_space<semaphore_mem>>)
      } else {
      }
      %convert_element_type3A_368 = arith.extui %eq3A_301 : i1 to i32
      %cond3A_369 = arith.constant 0 : i32
      %cond3A_370 = arith.cmpi ne, %convert_element_type3A_368, %cond3A_369 : i32
      scf.if %cond3A_370 {
        %add3A_401 = arith.constant 6 : i32
        %add3A_402 = arith.addi %mul3A_0, %add3A_401 : i32
        %mul3A_403 = arith.constant 1048576 : i32
        %mul3A_404 = arith.muli %add3A_402, %mul3A_403 : i32
        %add3A_405 = arith.addi %mul3A_404, %mul3A_2 : i32
        %add3A_406 = arith.constant 0 : i32
        %add3A_407 = arith.addi %add3A_405, %add3A_406 : i32
        %multiple_of3A_408 = tpu.assume_multiple %add3A_407, 4096 : i32
        %dma_start3A_409 = arith.constant 6 : i32
        %dma_start3A_410 = arith.constant 0 : i32
        %dma_start3A_411 = tpu.memref_slice %arg8[%dma_start3A_409, %dma_start3A_410] : memref<8x4096xf32, #tpu.memory_space<vmem>> -> memref<1x4096xf32, #tpu.memory_space<vmem>>
        %dma_start3A_412 = tpu.memref_squeeze %dma_start3A_411 : memref<1x4096xf32, #tpu.memory_space<vmem>> -> memref<4096xf32, #tpu.memory_space<vmem>>
        %dma_start3A_413 = tpu.memref_slice %arg2[%multiple_of3A_408] : memref<16777216xf32, #tpu.memory_space<hbm>> -> memref<4096xf32, #tpu.memory_space<hbm>>
        %dma_start3A_414 = arith.constant 0 : i32
        %dma_start3A_415 = tpu.memref_slice %arg8[%dma_start3A_409, %dma_start3A_414] : memref<8x4096xf32, #tpu.memory_space<vmem>> -> memref<1x4096xf32, #tpu.memory_space<vmem>>
        %dma_start3A_416 = tpu.memref_squeeze %dma_start3A_415 : memref<1x4096xf32, #tpu.memory_space<vmem>> -> memref<4096xf32, #tpu.memory_space<vmem>>
        %dma_start3A_417 = tpu.memref_slice %arg2[%multiple_of3A_408] : memref<16777216xf32, #tpu.memory_space<hbm>> -> memref<4096xf32, #tpu.memory_space<hbm>>
        tpu.enqueue_dma source(%dma_start3A_417 : memref<4096xf32, #tpu.memory_space<hbm>>) target(%dma_start3A_416 : memref<4096xf32, #tpu.memory_space<vmem>>) target_semaphore(%arg17 : memref<!tpu.dma_semaphore, #tpu.memory_space<semaphore_mem>>)
      } else {
      }
      %not3A_371 = arith.constant true
      %not3A_372 = arith.xori %eq3A_301, %not3A_371 : i1
      %convert_element_type3A_373 = arith.extui %not3A_372 : i1 to i32
      %cond3A_374 = arith.constant 0 : i32
      %cond3A_375 = arith.cmpi ne, %convert_element_type3A_373, %cond3A_374 : i32
      scf.if %cond3A_375 {
        %add3A_401 = arith.constant 6 : i32
        %add3A_402 = arith.addi %mul3A_0, %add3A_401 : i32
        %mul3A_403 = arith.constant 1048576 : i32
        %mul3A_404 = arith.muli %add3A_402, %mul3A_403 : i32
        %add3A_405 = arith.addi %mul3A_404, %mul3A_2 : i32
        %add3A_406 = arith.constant 0 : i32
        %add3A_407 = arith.addi %add3A_405, %add3A_406 : i32
        %multiple_of3A_408 = tpu.assume_multiple %add3A_407, 4096 : i32
        %dma_start3A_409 = arith.constant 6 : i32
        %dma_start3A_410 = arith.constant 0 : i32
        %dma_start3A_411 = tpu.memref_slice %arg8[%dma_start3A_409, %dma_start3A_410] : memref<8x4096xf32, #tpu.memory_space<vmem>> -> memref<1x4096xf32, #tpu.memory_space<vmem>>
        %dma_start3A_412 = tpu.memref_squeeze %dma_start3A_411 : memref<1x4096xf32, #tpu.memory_space<vmem>> -> memref<4096xf32, #tpu.memory_space<vmem>>
        %dma_start3A_413 = tpu.memref_slice %arg4[%multiple_of3A_408] : memref<16777216xf32, #tpu.memory_space<hbm>> -> memref<4096xf32, #tpu.memory_space<hbm>>
        %dma_start3A_414 = arith.constant 0 : i32
        %dma_start3A_415 = tpu.memref_slice %arg8[%dma_start3A_409, %dma_start3A_414] : memref<8x4096xf32, #tpu.memory_space<vmem>> -> memref<1x4096xf32, #tpu.memory_space<vmem>>
        %dma_start3A_416 = tpu.memref_squeeze %dma_start3A_415 : memref<1x4096xf32, #tpu.memory_space<vmem>> -> memref<4096xf32, #tpu.memory_space<vmem>>
        %dma_start3A_417 = tpu.memref_slice %arg4[%multiple_of3A_408] : memref<16777216xf32, #tpu.memory_space<hbm>> -> memref<4096xf32, #tpu.memory_space<hbm>>
        tpu.enqueue_dma source(%dma_start3A_417 : memref<4096xf32, #tpu.memory_space<hbm>>) target(%dma_start3A_416 : memref<4096xf32, #tpu.memory_space<vmem>>) target_semaphore(%arg17 : memref<!tpu.dma_semaphore, #tpu.memory_space<semaphore_mem>>)
      } else {
      }
      %convert_element_type3A_376 = arith.extui %eq3A_305 : i1 to i32
      %cond3A_377 = arith.constant 0 : i32
      %cond3A_378 = arith.cmpi ne, %convert_element_type3A_376, %cond3A_377 : i32
      scf.if %cond3A_378 {
        %add3A_401 = arith.constant 7 : i32
        %add3A_402 = arith.addi %mul3A_0, %add3A_401 : i32
        %mul3A_403 = arith.constant 1048576 : i32
        %mul3A_404 = arith.muli %add3A_402, %mul3A_403 : i32
        %add3A_405 = arith.addi %mul3A_404, %mul3A_2 : i32
        %add3A_406 = arith.constant 0 : i32
        %add3A_407 = arith.addi %add3A_405, %add3A_406 : i32
        %multiple_of3A_408 = tpu.assume_multiple %add3A_407, 4096 : i32
        %dma_start3A_409 = arith.constant 7 : i32
        %dma_start3A_410 = arith.constant 0 : i32
        %dma_start3A_411 = tpu.memref_slice %arg8[%dma_start3A_409, %dma_start3A_410] : memref<8x4096xf32, #tpu.memory_space<vmem>> -> memref<1x4096xf32, #tpu.memory_space<vmem>>
        %dma_start3A_412 = tpu.memref_squeeze %dma_start3A_411 : memref<1x4096xf32, #tpu.memory_space<vmem>> -> memref<4096xf32, #tpu.memory_space<vmem>>
        %dma_start3A_413 = tpu.memref_slice %arg2[%multiple_of3A_408] : memref<16777216xf32, #tpu.memory_space<hbm>> -> memref<4096xf32, #tpu.memory_space<hbm>>
        %dma_start3A_414 = arith.constant 0 : i32
        %dma_start3A_415 = tpu.memref_slice %arg8[%dma_start3A_409, %dma_start3A_414] : memref<8x4096xf32, #tpu.memory_space<vmem>> -> memref<1x4096xf32, #tpu.memory_space<vmem>>
        %dma_start3A_416 = tpu.memref_squeeze %dma_start3A_415 : memref<1x4096xf32, #tpu.memory_space<vmem>> -> memref<4096xf32, #tpu.memory_space<vmem>>
        %dma_start3A_417 = tpu.memref_slice %arg2[%multiple_of3A_408] : memref<16777216xf32, #tpu.memory_space<hbm>> -> memref<4096xf32, #tpu.memory_space<hbm>>
        tpu.enqueue_dma source(%dma_start3A_417 : memref<4096xf32, #tpu.memory_space<hbm>>) target(%dma_start3A_416 : memref<4096xf32, #tpu.memory_space<vmem>>) target_semaphore(%arg17 : memref<!tpu.dma_semaphore, #tpu.memory_space<semaphore_mem>>)
      } else {
      }
      %not3A_379 = arith.constant true
      %not3A_380 = arith.xori %eq3A_305, %not3A_379 : i1
      %convert_element_type3A_381 = arith.extui %not3A_380 : i1 to i32
      %cond3A_382 = arith.constant 0 : i32
      %cond3A_383 = arith.cmpi ne, %convert_element_type3A_381, %cond3A_382 : i32
      scf.if %cond3A_383 {
        %add3A_401 = arith.constant 7 : i32
        %add3A_402 = arith.addi %mul3A_0, %add3A_401 : i32
        %mul3A_403 = arith.constant 1048576 : i32
        %mul3A_404 = arith.muli %add3A_402, %mul3A_403 : i32
        %add3A_405 = arith.addi %mul3A_404, %mul3A_2 : i32
        %add3A_406 = arith.constant 0 : i32
        %add3A_407 = arith.addi %add3A_405, %add3A_406 : i32
        %multiple_of3A_408 = tpu.assume_multiple %add3A_407, 4096 : i32
        %dma_start3A_409 = arith.constant 7 : i32
        %dma_start3A_410 = arith.constant 0 : i32
        %dma_start3A_411 = tpu.memref_slice %arg8[%dma_start3A_409, %dma_start3A_410] : memref<8x4096xf32, #tpu.memory_space<vmem>> -> memref<1x4096xf32, #tpu.memory_space<vmem>>
        %dma_start3A_412 = tpu.memref_squeeze %dma_start3A_411 : memref<1x4096xf32, #tpu.memory_space<vmem>> -> memref<4096xf32, #tpu.memory_space<vmem>>
        %dma_start3A_413 = tpu.memref_slice %arg4[%multiple_of3A_408] : memref<16777216xf32, #tpu.memory_space<hbm>> -> memref<4096xf32, #tpu.memory_space<hbm>>
        %dma_start3A_414 = arith.constant 0 : i32
        %dma_start3A_415 = tpu.memref_slice %arg8[%dma_start3A_409, %dma_start3A_414] : memref<8x4096xf32, #tpu.memory_space<vmem>> -> memref<1x4096xf32, #tpu.memory_space<vmem>>
        %dma_start3A_416 = tpu.memref_squeeze %dma_start3A_415 : memref<1x4096xf32, #tpu.memory_space<vmem>> -> memref<4096xf32, #tpu.memory_space<vmem>>
        %dma_start3A_417 = tpu.memref_slice %arg4[%multiple_of3A_408] : memref<16777216xf32, #tpu.memory_space<hbm>> -> memref<4096xf32, #tpu.memory_space<hbm>>
        tpu.enqueue_dma source(%dma_start3A_417 : memref<4096xf32, #tpu.memory_space<hbm>>) target(%dma_start3A_416 : memref<4096xf32, #tpu.memory_space<vmem>>) target_semaphore(%arg17 : memref<!tpu.dma_semaphore, #tpu.memory_space<semaphore_mem>>)
      } else {
      }
      %scan3A_384 = arith.constant 0 : i32
      %scan3A_385 = arith.constant 8 : i32
      %scan3A_386 = arith.addi %scan3A_384, %scan3A_385 : i32
      %scan3A_387 = arith.constant 1 : i32
      scf.for %scan3A_401 = %scan3A_384 to %scan3A_386 step %scan3A_387  : i32 {
        %mul3A_402 = arith.constant 2 : i32
        %mul3A_403 = arith.muli %scan3A_401, %mul3A_402 : i32
        %add3A_404 = arith.constant 0 : i32
        %add3A_405 = arith.addi %add3A_404, %mul3A_403 : i32
        %add3A_406 = arith.constant 0 : i32
        %add3A_407 = arith.addi %add3A_405, %add3A_406 : i32
        %dma_wait3A_408 = arith.constant 0 : i32
        %dma_wait3A_409 = arith.constant 0 : i32
        %dma_wait3A_410 = tpu.memref_slice %arg8[%dma_wait3A_408, %dma_wait3A_409] : memref<8x4096xf32, #tpu.memory_space<vmem>> -> memref<1x4096xf32, #tpu.memory_space<vmem>>
        %dma_wait3A_411 = tpu.memref_squeeze %dma_wait3A_410 : memref<1x4096xf32, #tpu.memory_space<vmem>> -> memref<4096xf32, #tpu.memory_space<vmem>>
        %dma_wait3A_412 = arith.constant 0 : i32
        %dma_wait3A_413 = tpu.memref_slice %arg4[%dma_wait3A_412] : memref<16777216xf32, #tpu.memory_space<hbm>> -> memref<4096xf32, #tpu.memory_space<hbm>>
        %dma_wait3A_414 = arith.constant 0 : i32
        %dma_wait3A_415 = tpu.memref_slice %arg8[%dma_wait3A_408, %dma_wait3A_414] : memref<8x4096xf32, #tpu.memory_space<vmem>> -> memref<1x4096xf32, #tpu.memory_space<vmem>>
        %dma_wait3A_416 = tpu.memref_squeeze %dma_wait3A_415 : memref<1x4096xf32, #tpu.memory_space<vmem>> -> memref<4096xf32, #tpu.memory_space<vmem>>
        %dma_wait3A_417 = arith.constant 0 : i32
        %dma_wait3A_418 = tpu.memref_slice %arg4[%dma_wait3A_417] : memref<16777216xf32, #tpu.memory_space<hbm>> -> memref<4096xf32, #tpu.memory_space<hbm>>
        tpu.wait_dma2 semaphore(%arg17 : memref<!tpu.dma_semaphore, #tpu.memory_space<semaphore_mem>>) src(%dma_wait3A_418 : memref<4096xf32, #tpu.memory_space<hbm>>) dst(%dma_wait3A_416 : memref<4096xf32, #tpu.memory_space<vmem>>)
        %dma_wait3A_419 = arith.constant 1 : i32
        %dma_wait3A_420 = arith.constant 0 : i32
        %dma_wait3A_421 = tpu.memref_slice %arg8[%dma_wait3A_419, %dma_wait3A_420] : memref<8x4096xf32, #tpu.memory_space<vmem>> -> memref<1x4096xf32, #tpu.memory_space<vmem>>
        %dma_wait3A_422 = tpu.memref_squeeze %dma_wait3A_421 : memref<1x4096xf32, #tpu.memory_space<vmem>> -> memref<4096xf32, #tpu.memory_space<vmem>>
        %dma_wait3A_423 = arith.constant 0 : i32
        %dma_wait3A_424 = tpu.memref_slice %arg4[%dma_wait3A_423] : memref<16777216xf32, #tpu.memory_space<hbm>> -> memref<4096xf32, #tpu.memory_space<hbm>>
        %dma_wait3A_425 = arith.constant 0 : i32
        %dma_wait3A_426 = tpu.memref_slice %arg8[%dma_wait3A_419, %dma_wait3A_425] : memref<8x4096xf32, #tpu.memory_space<vmem>> -> memref<1x4096xf32, #tpu.memory_space<vmem>>
        %dma_wait3A_427 = tpu.memref_squeeze %dma_wait3A_426 : memref<1x4096xf32, #tpu.memory_space<vmem>> -> memref<4096xf32, #tpu.memory_space<vmem>>
        %dma_wait3A_428 = arith.constant 0 : i32
        %dma_wait3A_429 = tpu.memref_slice %arg4[%dma_wait3A_428] : memref<16777216xf32, #tpu.memory_space<hbm>> -> memref<4096xf32, #tpu.memory_space<hbm>>
        tpu.wait_dma2 semaphore(%arg17 : memref<!tpu.dma_semaphore, #tpu.memory_space<semaphore_mem>>) src(%dma_wait3A_429 : memref<4096xf32, #tpu.memory_space<hbm>>) dst(%dma_wait3A_427 : memref<4096xf32, #tpu.memory_space<vmem>>)
        %dma_wait3A_430 = arith.constant 2 : i32
        %dma_wait3A_431 = arith.constant 0 : i32
        %dma_wait3A_432 = tpu.memref_slice %arg8[%dma_wait3A_430, %dma_wait3A_431] : memref<8x4096xf32, #tpu.memory_space<vmem>> -> memref<1x4096xf32, #tpu.memory_space<vmem>>
        %dma_wait3A_433 = tpu.memref_squeeze %dma_wait3A_432 : memref<1x4096xf32, #tpu.memory_space<vmem>> -> memref<4096xf32, #tpu.memory_space<vmem>>
        %dma_wait3A_434 = arith.constant 0 : i32
        %dma_wait3A_435 = tpu.memref_slice %arg4[%dma_wait3A_434] : memref<16777216xf32, #tpu.memory_space<hbm>> -> memref<4096xf32, #tpu.memory_space<hbm>>
        %dma_wait3A_436 = arith.constant 0 : i32
        %dma_wait3A_437 = tpu.memref_slice %arg8[%dma_wait3A_430, %dma_wait3A_436] : memref<8x4096xf32, #tpu.memory_space<vmem>> -> memref<1x4096xf32, #tpu.memory_space<vmem>>
        %dma_wait3A_438 = tpu.memref_squeeze %dma_wait3A_437 : memref<1x4096xf32, #tpu.memory_space<vmem>> -> memref<4096xf32, #tpu.memory_space<vmem>>
        %dma_wait3A_439 = arith.constant 0 : i32
        %dma_wait3A_440 = tpu.memref_slice %arg4[%dma_wait3A_439] : memref<16777216xf32, #tpu.memory_space<hbm>> -> memref<4096xf32, #tpu.memory_space<hbm>>
        tpu.wait_dma2 semaphore(%arg17 : memref<!tpu.dma_semaphore, #tpu.memory_space<semaphore_mem>>) src(%dma_wait3A_440 : memref<4096xf32, #tpu.memory_space<hbm>>) dst(%dma_wait3A_438 : memref<4096xf32, #tpu.memory_space<vmem>>)
        %dma_wait3A_441 = arith.constant 3 : i32
        %dma_wait3A_442 = arith.constant 0 : i32
        %dma_wait3A_443 = tpu.memref_slice %arg8[%dma_wait3A_441, %dma_wait3A_442] : memref<8x4096xf32, #tpu.memory_space<vmem>> -> memref<1x4096xf32, #tpu.memory_space<vmem>>
        %dma_wait3A_444 = tpu.memref_squeeze %dma_wait3A_443 : memref<1x4096xf32, #tpu.memory_space<vmem>> -> memref<4096xf32, #tpu.memory_space<vmem>>
        %dma_wait3A_445 = arith.constant 0 : i32
        %dma_wait3A_446 = tpu.memref_slice %arg4[%dma_wait3A_445] : memref<16777216xf32, #tpu.memory_space<hbm>> -> memref<4096xf32, #tpu.memory_space<hbm>>
        %dma_wait3A_447 = arith.constant 0 : i32
        %dma_wait3A_448 = tpu.memref_slice %arg8[%dma_wait3A_441, %dma_wait3A_447] : memref<8x4096xf32, #tpu.memory_space<vmem>> -> memref<1x4096xf32, #tpu.memory_space<vmem>>
        %dma_wait3A_449 = tpu.memref_squeeze %dma_wait3A_448 : memref<1x4096xf32, #tpu.memory_space<vmem>> -> memref<4096xf32, #tpu.memory_space<vmem>>
        %dma_wait3A_450 = arith.constant 0 : i32
        %dma_wait3A_451 = tpu.memref_slice %arg4[%dma_wait3A_450] : memref<16777216xf32, #tpu.memory_space<hbm>> -> memref<4096xf32, #tpu.memory_space<hbm>>
        tpu.wait_dma2 semaphore(%arg17 : memref<!tpu.dma_semaphore, #tpu.memory_space<semaphore_mem>>) src(%dma_wait3A_451 : memref<4096xf32, #tpu.memory_space<hbm>>) dst(%dma_wait3A_449 : memref<4096xf32, #tpu.memory_space<vmem>>)
        %dma_wait3A_452 = arith.constant 4 : i32
        %dma_wait3A_453 = arith.constant 0 : i32
        %dma_wait3A_454 = tpu.memref_slice %arg8[%dma_wait3A_452, %dma_wait3A_453] : memref<8x4096xf32, #tpu.memory_space<vmem>> -> memref<1x4096xf32, #tpu.memory_space<vmem>>
        %dma_wait3A_455 = tpu.memref_squeeze %dma_wait3A_454 : memref<1x4096xf32, #tpu.memory_space<vmem>> -> memref<4096xf32, #tpu.memory_space<vmem>>
        %dma_wait3A_456 = arith.constant 0 : i32
        %dma_wait3A_457 = tpu.memref_slice %arg4[%dma_wait3A_456] : memref<16777216xf32, #tpu.memory_space<hbm>> -> memref<4096xf32, #tpu.memory_space<hbm>>
        %dma_wait3A_458 = arith.constant 0 : i32
        %dma_wait3A_459 = tpu.memref_slice %arg8[%dma_wait3A_452, %dma_wait3A_458] : memref<8x4096xf32, #tpu.memory_space<vmem>> -> memref<1x4096xf32, #tpu.memory_space<vmem>>
        %dma_wait3A_460 = tpu.memref_squeeze %dma_wait3A_459 : memref<1x4096xf32, #tpu.memory_space<vmem>> -> memref<4096xf32, #tpu.memory_space<vmem>>
        %dma_wait3A_461 = arith.constant 0 : i32
        %dma_wait3A_462 = tpu.memref_slice %arg4[%dma_wait3A_461] : memref<16777216xf32, #tpu.memory_space<hbm>> -> memref<4096xf32, #tpu.memory_space<hbm>>
        tpu.wait_dma2 semaphore(%arg17 : memref<!tpu.dma_semaphore, #tpu.memory_space<semaphore_mem>>) src(%dma_wait3A_462 : memref<4096xf32, #tpu.memory_space<hbm>>) dst(%dma_wait3A_460 : memref<4096xf32, #tpu.memory_space<vmem>>)
        %dma_wait3A_463 = arith.constant 5 : i32
        %dma_wait3A_464 = arith.constant 0 : i32
        %dma_wait3A_465 = tpu.memref_slice %arg8[%dma_wait3A_463, %dma_wait3A_464] : memref<8x4096xf32, #tpu.memory_space<vmem>> -> memref<1x4096xf32, #tpu.memory_space<vmem>>
        %dma_wait3A_466 = tpu.memref_squeeze %dma_wait3A_465 : memref<1x4096xf32, #tpu.memory_space<vmem>> -> memref<4096xf32, #tpu.memory_space<vmem>>
        %dma_wait3A_467 = arith.constant 0 : i32
        %dma_wait3A_468 = tpu.memref_slice %arg4[%dma_wait3A_467] : memref<16777216xf32, #tpu.memory_space<hbm>> -> memref<4096xf32, #tpu.memory_space<hbm>>
        %dma_wait3A_469 = arith.constant 0 : i32
        %dma_wait3A_470 = tpu.memref_slice %arg8[%dma_wait3A_463, %dma_wait3A_469] : memref<8x4096xf32, #tpu.memory_space<vmem>> -> memref<1x4096xf32, #tpu.memory_space<vmem>>
        %dma_wait3A_471 = tpu.memref_squeeze %dma_wait3A_470 : memref<1x4096xf32, #tpu.memory_space<vmem>> -> memref<4096xf32, #tpu.memory_space<vmem>>
        %dma_wait3A_472 = arith.constant 0 : i32
        %dma_wait3A_473 = tpu.memref_slice %arg4[%dma_wait3A_472] : memref<16777216xf32, #tpu.memory_space<hbm>> -> memref<4096xf32, #tpu.memory_space<hbm>>
        tpu.wait_dma2 semaphore(%arg17 : memref<!tpu.dma_semaphore, #tpu.memory_space<semaphore_mem>>) src(%dma_wait3A_473 : memref<4096xf32, #tpu.memory_space<hbm>>) dst(%dma_wait3A_471 : memref<4096xf32, #tpu.memory_space<vmem>>)
        %dma_wait3A_474 = arith.constant 6 : i32
        %dma_wait3A_475 = arith.constant 0 : i32
        %dma_wait3A_476 = tpu.memref_slice %arg8[%dma_wait3A_474, %dma_wait3A_475] : memref<8x4096xf32, #tpu.memory_space<vmem>> -> memref<1x4096xf32, #tpu.memory_space<vmem>>
        %dma_wait3A_477 = tpu.memref_squeeze %dma_wait3A_476 : memref<1x4096xf32, #tpu.memory_space<vmem>> -> memref<4096xf32, #tpu.memory_space<vmem>>
        %dma_wait3A_478 = arith.constant 0 : i32
        %dma_wait3A_479 = tpu.memref_slice %arg4[%dma_wait3A_478] : memref<16777216xf32, #tpu.memory_space<hbm>> -> memref<4096xf32, #tpu.memory_space<hbm>>
        %dma_wait3A_480 = arith.constant 0 : i32
        %dma_wait3A_481 = tpu.memref_slice %arg8[%dma_wait3A_474, %dma_wait3A_480] : memref<8x4096xf32, #tpu.memory_space<vmem>> -> memref<1x4096xf32, #tpu.memory_space<vmem>>
        %dma_wait3A_482 = tpu.memref_squeeze %dma_wait3A_481 : memref<1x4096xf32, #tpu.memory_space<vmem>> -> memref<4096xf32, #tpu.memory_space<vmem>>
        %dma_wait3A_483 = arith.constant 0 : i32
        %dma_wait3A_484 = tpu.memref_slice %arg4[%dma_wait3A_483] : memref<16777216xf32, #tpu.memory_space<hbm>> -> memref<4096xf32, #tpu.memory_space<hbm>>
        tpu.wait_dma2 semaphore(%arg17 : memref<!tpu.dma_semaphore, #tpu.memory_space<semaphore_mem>>) src(%dma_wait3A_484 : memref<4096xf32, #tpu.memory_space<hbm>>) dst(%dma_wait3A_482 : memref<4096xf32, #tpu.memory_space<vmem>>)
        %dma_wait3A_485 = arith.constant 7 : i32
        %dma_wait3A_486 = arith.constant 0 : i32
        %dma_wait3A_487 = tpu.memref_slice %arg8[%dma_wait3A_485, %dma_wait3A_486] : memref<8x4096xf32, #tpu.memory_space<vmem>> -> memref<1x4096xf32, #tpu.memory_space<vmem>>
        %dma_wait3A_488 = tpu.memref_squeeze %dma_wait3A_487 : memref<1x4096xf32, #tpu.memory_space<vmem>> -> memref<4096xf32, #tpu.memory_space<vmem>>
        %dma_wait3A_489 = arith.constant 0 : i32
        %dma_wait3A_490 = tpu.memref_slice %arg4[%dma_wait3A_489] : memref<16777216xf32, #tpu.memory_space<hbm>> -> memref<4096xf32, #tpu.memory_space<hbm>>
        %dma_wait3A_491 = arith.constant 0 : i32
        %dma_wait3A_492 = tpu.memref_slice %arg8[%dma_wait3A_485, %dma_wait3A_491] : memref<8x4096xf32, #tpu.memory_space<vmem>> -> memref<1x4096xf32, #tpu.memory_space<vmem>>
        %dma_wait3A_493 = tpu.memref_squeeze %dma_wait3A_492 : memref<1x4096xf32, #tpu.memory_space<vmem>> -> memref<4096xf32, #tpu.memory_space<vmem>>
        %dma_wait3A_494 = arith.constant 0 : i32
        %dma_wait3A_495 = tpu.memref_slice %arg4[%dma_wait3A_494] : memref<16777216xf32, #tpu.memory_space<hbm>> -> memref<4096xf32, #tpu.memory_space<hbm>>
        tpu.wait_dma2 semaphore(%arg17 : memref<!tpu.dma_semaphore, #tpu.memory_space<semaphore_mem>>) src(%dma_wait3A_495 : memref<4096xf32, #tpu.memory_space<hbm>>) dst(%dma_wait3A_493 : memref<4096xf32, #tpu.memory_space<vmem>>)
        %multiple_of3A_496 = tpu.assume_multiple %mul3A_0, 8 : i32
        %mul3A_497 = arith.constant 4096 : i32
        %mul3A_498 = arith.muli %add3A_407, %mul3A_497 : i32
        %add3A_499 = arith.addi %mul3A_2, %mul3A_498 : i32
        %multiple_of3A_500 = tpu.assume_multiple %add3A_499, 4096 : i32
        %dma_start3A_501 = tpu.memref_slice %arg3[%multiple_of3A_496, %multiple_of3A_500] : memref<16x1048576xf32, #tpu.memory_space<hbm>> -> memref<8x4096xf32, #tpu.memory_space<hbm>>
        %dma_start3A_502 = tpu.memref_slice %arg3[%multiple_of3A_496, %multiple_of3A_500] : memref<16x1048576xf32, #tpu.memory_space<hbm>> -> memref<8x4096xf32, #tpu.memory_space<hbm>>
        tpu.enqueue_dma source(%arg8 : memref<8x4096xf32, #tpu.memory_space<vmem>>) target(%dma_start3A_502 : memref<8x4096xf32, #tpu.memory_space<hbm>>) target_semaphore(%arg19 : memref<!tpu.dma_semaphore, #tpu.memory_space<semaphore_mem>>)
        %add3A_503 = arith.constant 1 : i32
        %add3A_504 = arith.addi %add3A_407, %add3A_503 : i32
        %lt3A_505 = arith.constant 16 : i32
        %lt3A_506 = arith.cmpi slt, %add3A_504, %lt3A_505 : i32
        %convert_element_type3A_507 = arith.extui %lt3A_506 : i1 to i32
        %cond3A_508 = arith.constant 0 : i32
        %cond3A_509 = arith.cmpi ne, %convert_element_type3A_507, %cond3A_508 : i32
        scf.if %cond3A_509 {
          %ge3A = arith.constant 1 : i32
          %ge3A_614 = arith.cmpi sge, %add3A_407, %ge3A : i32
          %convert_element_type3A_615 = arith.extui %ge3A_614 : i1 to i32
          %cond3A_616 = arith.constant 0 : i32
          %cond3A_617 = arith.cmpi ne, %convert_element_type3A_615, %cond3A_616 : i32
          scf.if %cond3A_617 {
            %dma_wait3A_684 = arith.constant 0 : i32
            %dma_wait3A_685 = arith.constant 0 : i32
            %dma_wait3A_686 = tpu.memref_slice %arg3[%dma_wait3A_684, %dma_wait3A_685] : memref<16x1048576xf32, #tpu.memory_space<hbm>> -> memref<8x4096xf32, #tpu.memory_space<hbm>>
            %dma_wait3A_687 = arith.constant 0 : i32
            %dma_wait3A_688 = arith.constant 0 : i32
            %dma_wait3A_689 = tpu.memref_slice %arg3[%dma_wait3A_687, %dma_wait3A_688] : memref<16x1048576xf32, #tpu.memory_space<hbm>> -> memref<8x4096xf32, #tpu.memory_space<hbm>>
            tpu.wait_dma2 semaphore(%arg20 : memref<!tpu.dma_semaphore, #tpu.memory_space<semaphore_mem>>) src(%arg9 : memref<8x4096xf32, #tpu.memory_space<vmem>>) dst(%dma_wait3A_689 : memref<8x4096xf32, #tpu.memory_space<hbm>>)
          } else {
          }
          %add3A_618 = arith.constant 1 : i32
          %add3A_619 = arith.addi %add3A_407, %add3A_618 : i32
          %convert_element_type3A_620 = arith.extui %eq3A_277 : i1 to i32
          %cond3A_621 = arith.constant 0 : i32
          %cond3A_622 = arith.cmpi ne, %convert_element_type3A_620, %cond3A_621 : i32
          scf.if %cond3A_622 {
            %add3A_684 = arith.constant 0 : i32
            %add3A_685 = arith.addi %mul3A_0, %add3A_684 : i32
            %mul3A_686 = arith.constant 1048576 : i32
            %mul3A_687 = arith.muli %add3A_685, %mul3A_686 : i32
            %add3A_688 = arith.addi %mul3A_687, %mul3A_2 : i32
            %mul3A_689 = arith.constant 4096 : i32
            %mul3A_690 = arith.muli %add3A_619, %mul3A_689 : i32
            %add3A_691 = arith.addi %add3A_688, %mul3A_690 : i32
            %multiple_of3A_692 = tpu.assume_multiple %add3A_691, 4096 : i32
            %dma_start3A_693 = arith.constant 0 : i32
            %dma_start3A_694 = arith.constant 0 : i32
            %dma_start3A_695 = tpu.memref_slice %arg9[%dma_start3A_693, %dma_start3A_694] : memref<8x4096xf32, #tpu.memory_space<vmem>> -> memref<1x4096xf32, #tpu.memory_space<vmem>>
            %dma_start3A_696 = tpu.memref_squeeze %dma_start3A_695 : memref<1x4096xf32, #tpu.memory_space<vmem>> -> memref<4096xf32, #tpu.memory_space<vmem>>
            %dma_start3A_697 = tpu.memref_slice %arg2[%multiple_of3A_692] : memref<16777216xf32, #tpu.memory_space<hbm>> -> memref<4096xf32, #tpu.memory_space<hbm>>
            %dma_start3A_698 = arith.constant 0 : i32
            %dma_start3A_699 = tpu.memref_slice %arg9[%dma_start3A_693, %dma_start3A_698] : memref<8x4096xf32, #tpu.memory_space<vmem>> -> memref<1x4096xf32, #tpu.memory_space<vmem>>
            %dma_start3A_700 = tpu.memref_squeeze %dma_start3A_699 : memref<1x4096xf32, #tpu.memory_space<vmem>> -> memref<4096xf32, #tpu.memory_space<vmem>>
            %dma_start3A_701 = tpu.memref_slice %arg2[%multiple_of3A_692] : memref<16777216xf32, #tpu.memory_space<hbm>> -> memref<4096xf32, #tpu.memory_space<hbm>>
            tpu.enqueue_dma source(%dma_start3A_701 : memref<4096xf32, #tpu.memory_space<hbm>>) target(%dma_start3A_700 : memref<4096xf32, #tpu.memory_space<vmem>>) target_semaphore(%arg18 : memref<!tpu.dma_semaphore, #tpu.memory_space<semaphore_mem>>)
          } else {
          }
          %not3A_623 = arith.constant true
          %not3A_624 = arith.xori %eq3A_277, %not3A_623 : i1
          %convert_element_type3A_625 = arith.extui %not3A_624 : i1 to i32
          %cond3A_626 = arith.constant 0 : i32
          %cond3A_627 = arith.cmpi ne, %convert_element_type3A_625, %cond3A_626 : i32
          scf.if %cond3A_627 {
            %add3A_684 = arith.constant 0 : i32
            %add3A_685 = arith.addi %mul3A_0, %add3A_684 : i32
            %mul3A_686 = arith.constant 1048576 : i32
            %mul3A_687 = arith.muli %add3A_685, %mul3A_686 : i32
            %add3A_688 = arith.addi %mul3A_687, %mul3A_2 : i32
            %mul3A_689 = arith.constant 4096 : i32
            %mul3A_690 = arith.muli %add3A_619, %mul3A_689 : i32
            %add3A_691 = arith.addi %add3A_688, %mul3A_690 : i32
            %multiple_of3A_692 = tpu.assume_multiple %add3A_691, 4096 : i32
            %dma_start3A_693 = arith.constant 0 : i32
            %dma_start3A_694 = arith.constant 0 : i32
            %dma_start3A_695 = tpu.memref_slice %arg9[%dma_start3A_693, %dma_start3A_694] : memref<8x4096xf32, #tpu.memory_space<vmem>> -> memref<1x4096xf32, #tpu.memory_space<vmem>>
            %dma_start3A_696 = tpu.memref_squeeze %dma_start3A_695 : memref<1x4096xf32, #tpu.memory_space<vmem>> -> memref<4096xf32, #tpu.memory_space<vmem>>
            %dma_start3A_697 = tpu.memref_slice %arg4[%multiple_of3A_692] : memref<16777216xf32, #tpu.memory_space<hbm>> -> memref<4096xf32, #tpu.memory_space<hbm>>
            %dma_start3A_698 = arith.constant 0 : i32
            %dma_start3A_699 = tpu.memref_slice %arg9[%dma_start3A_693, %dma_start3A_698] : memref<8x4096xf32, #tpu.memory_space<vmem>> -> memref<1x4096xf32, #tpu.memory_space<vmem>>
            %dma_start3A_700 = tpu.memref_squeeze %dma_start3A_699 : memref<1x4096xf32, #tpu.memory_space<vmem>> -> memref<4096xf32, #tpu.memory_space<vmem>>
            %dma_start3A_701 = tpu.memref_slice %arg4[%multiple_of3A_692] : memref<16777216xf32, #tpu.memory_space<hbm>> -> memref<4096xf32, #tpu.memory_space<hbm>>
            tpu.enqueue_dma source(%dma_start3A_701 : memref<4096xf32, #tpu.memory_space<hbm>>) target(%dma_start3A_700 : memref<4096xf32, #tpu.memory_space<vmem>>) target_semaphore(%arg18 : memref<!tpu.dma_semaphore, #tpu.memory_space<semaphore_mem>>)
          } else {
          }
          %convert_element_type3A_628 = arith.extui %eq3A_281 : i1 to i32
          %cond3A_629 = arith.constant 0 : i32
          %cond3A_630 = arith.cmpi ne, %convert_element_type3A_628, %cond3A_629 : i32
          scf.if %cond3A_630 {
            %add3A_684 = arith.constant 1 : i32
            %add3A_685 = arith.addi %mul3A_0, %add3A_684 : i32
            %mul3A_686 = arith.constant 1048576 : i32
            %mul3A_687 = arith.muli %add3A_685, %mul3A_686 : i32
            %add3A_688 = arith.addi %mul3A_687, %mul3A_2 : i32
            %mul3A_689 = arith.constant 4096 : i32
            %mul3A_690 = arith.muli %add3A_619, %mul3A_689 : i32
            %add3A_691 = arith.addi %add3A_688, %mul3A_690 : i32
            %multiple_of3A_692 = tpu.assume_multiple %add3A_691, 4096 : i32
            %dma_start3A_693 = arith.constant 1 : i32
            %dma_start3A_694 = arith.constant 0 : i32
            %dma_start3A_695 = tpu.memref_slice %arg9[%dma_start3A_693, %dma_start3A_694] : memref<8x4096xf32, #tpu.memory_space<vmem>> -> memref<1x4096xf32, #tpu.memory_space<vmem>>
            %dma_start3A_696 = tpu.memref_squeeze %dma_start3A_695 : memref<1x4096xf32, #tpu.memory_space<vmem>> -> memref<4096xf32, #tpu.memory_space<vmem>>
            %dma_start3A_697 = tpu.memref_slice %arg2[%multiple_of3A_692] : memref<16777216xf32, #tpu.memory_space<hbm>> -> memref<4096xf32, #tpu.memory_space<hbm>>
            %dma_start3A_698 = arith.constant 0 : i32
            %dma_start3A_699 = tpu.memref_slice %arg9[%dma_start3A_693, %dma_start3A_698] : memref<8x4096xf32, #tpu.memory_space<vmem>> -> memref<1x4096xf32, #tpu.memory_space<vmem>>
            %dma_start3A_700 = tpu.memref_squeeze %dma_start3A_699 : memref<1x4096xf32, #tpu.memory_space<vmem>> -> memref<4096xf32, #tpu.memory_space<vmem>>
            %dma_start3A_701 = tpu.memref_slice %arg2[%multiple_of3A_692] : memref<16777216xf32, #tpu.memory_space<hbm>> -> memref<4096xf32, #tpu.memory_space<hbm>>
            tpu.enqueue_dma source(%dma_start3A_701 : memref<4096xf32, #tpu.memory_space<hbm>>) target(%dma_start3A_700 : memref<4096xf32, #tpu.memory_space<vmem>>) target_semaphore(%arg18 : memref<!tpu.dma_semaphore, #tpu.memory_space<semaphore_mem>>)
          } else {
          }
          %not3A_631 = arith.constant true
          %not3A_632 = arith.xori %eq3A_281, %not3A_631 : i1
          %convert_element_type3A_633 = arith.extui %not3A_632 : i1 to i32
          %cond3A_634 = arith.constant 0 : i32
          %cond3A_635 = arith.cmpi ne, %convert_element_type3A_633, %cond3A_634 : i32
          scf.if %cond3A_635 {
            %add3A_684 = arith.constant 1 : i32
            %add3A_685 = arith.addi %mul3A_0, %add3A_684 : i32
            %mul3A_686 = arith.constant 1048576 : i32
            %mul3A_687 = arith.muli %add3A_685, %mul3A_686 : i32
            %add3A_688 = arith.addi %mul3A_687, %mul3A_2 : i32
            %mul3A_689 = arith.constant 4096 : i32
            %mul3A_690 = arith.muli %add3A_619, %mul3A_689 : i32
            %add3A_691 = arith.addi %add3A_688, %mul3A_690 : i32
            %multiple_of3A_692 = tpu.assume_multiple %add3A_691, 4096 : i32
            %dma_start3A_693 = arith.constant 1 : i32
            %dma_start3A_694 = arith.constant 0 : i32
            %dma_start3A_695 = tpu.memref_slice %arg9[%dma_start3A_693, %dma_start3A_694] : memref<8x4096xf32, #tpu.memory_space<vmem>> -> memref<1x4096xf32, #tpu.memory_space<vmem>>
            %dma_start3A_696 = tpu.memref_squeeze %dma_start3A_695 : memref<1x4096xf32, #tpu.memory_space<vmem>> -> memref<4096xf32, #tpu.memory_space<vmem>>
            %dma_start3A_697 = tpu.memref_slice %arg4[%multiple_of3A_692] : memref<16777216xf32, #tpu.memory_space<hbm>> -> memref<4096xf32, #tpu.memory_space<hbm>>
            %dma_start3A_698 = arith.constant 0 : i32
            %dma_start3A_699 = tpu.memref_slice %arg9[%dma_start3A_693, %dma_start3A_698] : memref<8x4096xf32, #tpu.memory_space<vmem>> -> memref<1x4096xf32, #tpu.memory_space<vmem>>
            %dma_start3A_700 = tpu.memref_squeeze %dma_start3A_699 : memref<1x4096xf32, #tpu.memory_space<vmem>> -> memref<4096xf32, #tpu.memory_space<vmem>>
            %dma_start3A_701 = tpu.memref_slice %arg4[%multiple_of3A_692] : memref<16777216xf32, #tpu.memory_space<hbm>> -> memref<4096xf32, #tpu.memory_space<hbm>>
            tpu.enqueue_dma source(%dma_start3A_701 : memref<4096xf32, #tpu.memory_space<hbm>>) target(%dma_start3A_700 : memref<4096xf32, #tpu.memory_space<vmem>>) target_semaphore(%arg18 : memref<!tpu.dma_semaphore, #tpu.memory_space<semaphore_mem>>)
          } else {
          }
          %convert_element_type3A_636 = arith.extui %eq3A_285 : i1 to i32
          %cond3A_637 = arith.constant 0 : i32
          %cond3A_638 = arith.cmpi ne, %convert_element_type3A_636, %cond3A_637 : i32
          scf.if %cond3A_638 {
            %add3A_684 = arith.constant 2 : i32
            %add3A_685 = arith.addi %mul3A_0, %add3A_684 : i32
            %mul3A_686 = arith.constant 1048576 : i32
            %mul3A_687 = arith.muli %add3A_685, %mul3A_686 : i32
            %add3A_688 = arith.addi %mul3A_687, %mul3A_2 : i32
            %mul3A_689 = arith.constant 4096 : i32
            %mul3A_690 = arith.muli %add3A_619, %mul3A_689 : i32
            %add3A_691 = arith.addi %add3A_688, %mul3A_690 : i32
            %multiple_of3A_692 = tpu.assume_multiple %add3A_691, 4096 : i32
            %dma_start3A_693 = arith.constant 2 : i32
            %dma_start3A_694 = arith.constant 0 : i32
            %dma_start3A_695 = tpu.memref_slice %arg9[%dma_start3A_693, %dma_start3A_694] : memref<8x4096xf32, #tpu.memory_space<vmem>> -> memref<1x4096xf32, #tpu.memory_space<vmem>>
            %dma_start3A_696 = tpu.memref_squeeze %dma_start3A_695 : memref<1x4096xf32, #tpu.memory_space<vmem>> -> memref<4096xf32, #tpu.memory_space<vmem>>
            %dma_start3A_697 = tpu.memref_slice %arg2[%multiple_of3A_692] : memref<16777216xf32, #tpu.memory_space<hbm>> -> memref<4096xf32, #tpu.memory_space<hbm>>
            %dma_start3A_698 = arith.constant 0 : i32
            %dma_start3A_699 = tpu.memref_slice %arg9[%dma_start3A_693, %dma_start3A_698] : memref<8x4096xf32, #tpu.memory_space<vmem>> -> memref<1x4096xf32, #tpu.memory_space<vmem>>
            %dma_start3A_700 = tpu.memref_squeeze %dma_start3A_699 : memref<1x4096xf32, #tpu.memory_space<vmem>> -> memref<4096xf32, #tpu.memory_space<vmem>>
            %dma_start3A_701 = tpu.memref_slice %arg2[%multiple_of3A_692] : memref<16777216xf32, #tpu.memory_space<hbm>> -> memref<4096xf32, #tpu.memory_space<hbm>>
            tpu.enqueue_dma source(%dma_start3A_701 : memref<4096xf32, #tpu.memory_space<hbm>>) target(%dma_start3A_700 : memref<4096xf32, #tpu.memory_space<vmem>>) target_semaphore(%arg18 : memref<!tpu.dma_semaphore, #tpu.memory_space<semaphore_mem>>)
          } else {
          }
          %not3A_639 = arith.constant true
          %not3A_640 = arith.xori %eq3A_285, %not3A_639 : i1
          %convert_element_type3A_641 = arith.extui %not3A_640 : i1 to i32
          %cond3A_642 = arith.constant 0 : i32
          %cond3A_643 = arith.cmpi ne, %convert_element_type3A_641, %cond3A_642 : i32
          scf.if %cond3A_643 {
            %add3A_684 = arith.constant 2 : i32
            %add3A_685 = arith.addi %mul3A_0, %add3A_684 : i32
            %mul3A_686 = arith.constant 1048576 : i32
            %mul3A_687 = arith.muli %add3A_685, %mul3A_686 : i32
            %add3A_688 = arith.addi %mul3A_687, %mul3A_2 : i32
            %mul3A_689 = arith.constant 4096 : i32
            %mul3A_690 = arith.muli %add3A_619, %mul3A_689 : i32
            %add3A_691 = arith.addi %add3A_688, %mul3A_690 : i32
            %multiple_of3A_692 = tpu.assume_multiple %add3A_691, 4096 : i32
            %dma_start3A_693 = arith.constant 2 : i32
            %dma_start3A_694 = arith.constant 0 : i32
            %dma_start3A_695 = tpu.memref_slice %arg9[%dma_start3A_693, %dma_start3A_694] : memref<8x4096xf32, #tpu.memory_space<vmem>> -> memref<1x4096xf32, #tpu.memory_space<vmem>>
            %dma_start3A_696 = tpu.memref_squeeze %dma_start3A_695 : memref<1x4096xf32, #tpu.memory_space<vmem>> -> memref<4096xf32, #tpu.memory_space<vmem>>
            %dma_start3A_697 = tpu.memref_slice %arg4[%multiple_of3A_692] : memref<16777216xf32, #tpu.memory_space<hbm>> -> memref<4096xf32, #tpu.memory_space<hbm>>
            %dma_start3A_698 = arith.constant 0 : i32
            %dma_start3A_699 = tpu.memref_slice %arg9[%dma_start3A_693, %dma_start3A_698] : memref<8x4096xf32, #tpu.memory_space<vmem>> -> memref<1x4096xf32, #tpu.memory_space<vmem>>
            %dma_start3A_700 = tpu.memref_squeeze %dma_start3A_699 : memref<1x4096xf32, #tpu.memory_space<vmem>> -> memref<4096xf32, #tpu.memory_space<vmem>>
            %dma_start3A_701 = tpu.memref_slice %arg4[%multiple_of3A_692] : memref<16777216xf32, #tpu.memory_space<hbm>> -> memref<4096xf32, #tpu.memory_space<hbm>>
            tpu.enqueue_dma source(%dma_start3A_701 : memref<4096xf32, #tpu.memory_space<hbm>>) target(%dma_start3A_700 : memref<4096xf32, #tpu.memory_space<vmem>>) target_semaphore(%arg18 : memref<!tpu.dma_semaphore, #tpu.memory_space<semaphore_mem>>)
          } else {
          }
          %convert_element_type3A_644 = arith.extui %eq3A_289 : i1 to i32
          %cond3A_645 = arith.constant 0 : i32
          %cond3A_646 = arith.cmpi ne, %convert_element_type3A_644, %cond3A_645 : i32
          scf.if %cond3A_646 {
            %add3A_684 = arith.constant 3 : i32
            %add3A_685 = arith.addi %mul3A_0, %add3A_684 : i32
            %mul3A_686 = arith.constant 1048576 : i32
            %mul3A_687 = arith.muli %add3A_685, %mul3A_686 : i32
            %add3A_688 = arith.addi %mul3A_687, %mul3A_2 : i32
            %mul3A_689 = arith.constant 4096 : i32
            %mul3A_690 = arith.muli %add3A_619, %mul3A_689 : i32
            %add3A_691 = arith.addi %add3A_688, %mul3A_690 : i32
            %multiple_of3A_692 = tpu.assume_multiple %add3A_691, 4096 : i32
            %dma_start3A_693 = arith.constant 3 : i32
            %dma_start3A_694 = arith.constant 0 : i32
            %dma_start3A_695 = tpu.memref_slice %arg9[%dma_start3A_693, %dma_start3A_694] : memref<8x4096xf32, #tpu.memory_space<vmem>> -> memref<1x4096xf32, #tpu.memory_space<vmem>>
            %dma_start3A_696 = tpu.memref_squeeze %dma_start3A_695 : memref<1x4096xf32, #tpu.memory_space<vmem>> -> memref<4096xf32, #tpu.memory_space<vmem>>
            %dma_start3A_697 = tpu.memref_slice %arg2[%multiple_of3A_692] : memref<16777216xf32, #tpu.memory_space<hbm>> -> memref<4096xf32, #tpu.memory_space<hbm>>
            %dma_start3A_698 = arith.constant 0 : i32
            %dma_start3A_699 = tpu.memref_slice %arg9[%dma_start3A_693, %dma_start3A_698] : memref<8x4096xf32, #tpu.memory_space<vmem>> -> memref<1x4096xf32, #tpu.memory_space<vmem>>
            %dma_start3A_700 = tpu.memref_squeeze %dma_start3A_699 : memref<1x4096xf32, #tpu.memory_space<vmem>> -> memref<4096xf32, #tpu.memory_space<vmem>>
            %dma_start3A_701 = tpu.memref_slice %arg2[%multiple_of3A_692] : memref<16777216xf32, #tpu.memory_space<hbm>> -> memref<4096xf32, #tpu.memory_space<hbm>>
            tpu.enqueue_dma source(%dma_start3A_701 : memref<4096xf32, #tpu.memory_space<hbm>>) target(%dma_start3A_700 : memref<4096xf32, #tpu.memory_space<vmem>>) target_semaphore(%arg18 : memref<!tpu.dma_semaphore, #tpu.memory_space<semaphore_mem>>)
          } else {
          }
          %not3A_647 = arith.constant true
          %not3A_648 = arith.xori %eq3A_289, %not3A_647 : i1
          %convert_element_type3A_649 = arith.extui %not3A_648 : i1 to i32
          %cond3A_650 = arith.constant 0 : i32
          %cond3A_651 = arith.cmpi ne, %convert_element_type3A_649, %cond3A_650 : i32
          scf.if %cond3A_651 {
            %add3A_684 = arith.constant 3 : i32
            %add3A_685 = arith.addi %mul3A_0, %add3A_684 : i32
            %mul3A_686 = arith.constant 1048576 : i32
            %mul3A_687 = arith.muli %add3A_685, %mul3A_686 : i32
            %add3A_688 = arith.addi %mul3A_687, %mul3A_2 : i32
            %mul3A_689 = arith.constant 4096 : i32
            %mul3A_690 = arith.muli %add3A_619, %mul3A_689 : i32
            %add3A_691 = arith.addi %add3A_688, %mul3A_690 : i32
            %multiple_of3A_692 = tpu.assume_multiple %add3A_691, 4096 : i32
            %dma_start3A_693 = arith.constant 3 : i32
            %dma_start3A_694 = arith.constant 0 : i32
            %dma_start3A_695 = tpu.memref_slice %arg9[%dma_start3A_693, %dma_start3A_694] : memref<8x4096xf32, #tpu.memory_space<vmem>> -> memref<1x4096xf32, #tpu.memory_space<vmem>>
            %dma_start3A_696 = tpu.memref_squeeze %dma_start3A_695 : memref<1x4096xf32, #tpu.memory_space<vmem>> -> memref<4096xf32, #tpu.memory_space<vmem>>
            %dma_start3A_697 = tpu.memref_slice %arg4[%multiple_of3A_692] : memref<16777216xf32, #tpu.memory_space<hbm>> -> memref<4096xf32, #tpu.memory_space<hbm>>
            %dma_start3A_698 = arith.constant 0 : i32
            %dma_start3A_699 = tpu.memref_slice %arg9[%dma_start3A_693, %dma_start3A_698] : memref<8x4096xf32, #tpu.memory_space<vmem>> -> memref<1x4096xf32, #tpu.memory_space<vmem>>
            %dma_start3A_700 = tpu.memref_squeeze %dma_start3A_699 : memref<1x4096xf32, #tpu.memory_space<vmem>> -> memref<4096xf32, #tpu.memory_space<vmem>>
            %dma_start3A_701 = tpu.memref_slice %arg4[%multiple_of3A_692] : memref<16777216xf32, #tpu.memory_space<hbm>> -> memref<4096xf32, #tpu.memory_space<hbm>>
            tpu.enqueue_dma source(%dma_start3A_701 : memref<4096xf32, #tpu.memory_space<hbm>>) target(%dma_start3A_700 : memref<4096xf32, #tpu.memory_space<vmem>>) target_semaphore(%arg18 : memref<!tpu.dma_semaphore, #tpu.memory_space<semaphore_mem>>)
          } else {
          }
          %convert_element_type3A_652 = arith.extui %eq3A_293 : i1 to i32
          %cond3A_653 = arith.constant 0 : i32
          %cond3A_654 = arith.cmpi ne, %convert_element_type3A_652, %cond3A_653 : i32
          scf.if %cond3A_654 {
            %add3A_684 = arith.constant 4 : i32
            %add3A_685 = arith.addi %mul3A_0, %add3A_684 : i32
            %mul3A_686 = arith.constant 1048576 : i32
            %mul3A_687 = arith.muli %add3A_685, %mul3A_686 : i32
            %add3A_688 = arith.addi %mul3A_687, %mul3A_2 : i32
            %mul3A_689 = arith.constant 4096 : i32
            %mul3A_690 = arith.muli %add3A_619, %mul3A_689 : i32
            %add3A_691 = arith.addi %add3A_688, %mul3A_690 : i32
            %multiple_of3A_692 = tpu.assume_multiple %add3A_691, 4096 : i32
            %dma_start3A_693 = arith.constant 4 : i32
            %dma_start3A_694 = arith.constant 0 : i32
            %dma_start3A_695 = tpu.memref_slice %arg9[%dma_start3A_693, %dma_start3A_694] : memref<8x4096xf32, #tpu.memory_space<vmem>> -> memref<1x4096xf32, #tpu.memory_space<vmem>>
            %dma_start3A_696 = tpu.memref_squeeze %dma_start3A_695 : memref<1x4096xf32, #tpu.memory_space<vmem>> -> memref<4096xf32, #tpu.memory_space<vmem>>
            %dma_start3A_697 = tpu.memref_slice %arg2[%multiple_of3A_692] : memref<16777216xf32, #tpu.memory_space<hbm>> -> memref<4096xf32, #tpu.memory_space<hbm>>
            %dma_start3A_698 = arith.constant 0 : i32
            %dma_start3A_699 = tpu.memref_slice %arg9[%dma_start3A_693, %dma_start3A_698] : memref<8x4096xf32, #tpu.memory_space<vmem>> -> memref<1x4096xf32, #tpu.memory_space<vmem>>
            %dma_start3A_700 = tpu.memref_squeeze %dma_start3A_699 : memref<1x4096xf32, #tpu.memory_space<vmem>> -> memref<4096xf32, #tpu.memory_space<vmem>>
            %dma_start3A_701 = tpu.memref_slice %arg2[%multiple_of3A_692] : memref<16777216xf32, #tpu.memory_space<hbm>> -> memref<4096xf32, #tpu.memory_space<hbm>>
            tpu.enqueue_dma source(%dma_start3A_701 : memref<4096xf32, #tpu.memory_space<hbm>>) target(%dma_start3A_700 : memref<4096xf32, #tpu.memory_space<vmem>>) target_semaphore(%arg18 : memref<!tpu.dma_semaphore, #tpu.memory_space<semaphore_mem>>)
          } else {
          }
          %not3A_655 = arith.constant true
          %not3A_656 = arith.xori %eq3A_293, %not3A_655 : i1
          %convert_element_type3A_657 = arith.extui %not3A_656 : i1 to i32
          %cond3A_658 = arith.constant 0 : i32
          %cond3A_659 = arith.cmpi ne, %convert_element_type3A_657, %cond3A_658 : i32
          scf.if %cond3A_659 {
            %add3A_684 = arith.constant 4 : i32
            %add3A_685 = arith.addi %mul3A_0, %add3A_684 : i32
            %mul3A_686 = arith.constant 1048576 : i32
            %mul3A_687 = arith.muli %add3A_685, %mul3A_686 : i32
            %add3A_688 = arith.addi %mul3A_687, %mul3A_2 : i32
            %mul3A_689 = arith.constant 4096 : i32
            %mul3A_690 = arith.muli %add3A_619, %mul3A_689 : i32
            %add3A_691 = arith.addi %add3A_688, %mul3A_690 : i32
            %multiple_of3A_692 = tpu.assume_multiple %add3A_691, 4096 : i32
            %dma_start3A_693 = arith.constant 4 : i32
            %dma_start3A_694 = arith.constant 0 : i32
            %dma_start3A_695 = tpu.memref_slice %arg9[%dma_start3A_693, %dma_start3A_694] : memref<8x4096xf32, #tpu.memory_space<vmem>> -> memref<1x4096xf32, #tpu.memory_space<vmem>>
            %dma_start3A_696 = tpu.memref_squeeze %dma_start3A_695 : memref<1x4096xf32, #tpu.memory_space<vmem>> -> memref<4096xf32, #tpu.memory_space<vmem>>
            %dma_start3A_697 = tpu.memref_slice %arg4[%multiple_of3A_692] : memref<16777216xf32, #tpu.memory_space<hbm>> -> memref<4096xf32, #tpu.memory_space<hbm>>
            %dma_start3A_698 = arith.constant 0 : i32
            %dma_start3A_699 = tpu.memref_slice %arg9[%dma_start3A_693, %dma_start3A_698] : memref<8x4096xf32, #tpu.memory_space<vmem>> -> memref<1x4096xf32, #tpu.memory_space<vmem>>
            %dma_start3A_700 = tpu.memref_squeeze %dma_start3A_699 : memref<1x4096xf32, #tpu.memory_space<vmem>> -> memref<4096xf32, #tpu.memory_space<vmem>>
            %dma_start3A_701 = tpu.memref_slice %arg4[%multiple_of3A_692] : memref<16777216xf32, #tpu.memory_space<hbm>> -> memref<4096xf32, #tpu.memory_space<hbm>>
            tpu.enqueue_dma source(%dma_start3A_701 : memref<4096xf32, #tpu.memory_space<hbm>>) target(%dma_start3A_700 : memref<4096xf32, #tpu.memory_space<vmem>>) target_semaphore(%arg18 : memref<!tpu.dma_semaphore, #tpu.memory_space<semaphore_mem>>)
          } else {
          }
          %convert_element_type3A_660 = arith.extui %eq3A_297 : i1 to i32
          %cond3A_661 = arith.constant 0 : i32
          %cond3A_662 = arith.cmpi ne, %convert_element_type3A_660, %cond3A_661 : i32
          scf.if %cond3A_662 {
            %add3A_684 = arith.constant 5 : i32
            %add3A_685 = arith.addi %mul3A_0, %add3A_684 : i32
            %mul3A_686 = arith.constant 1048576 : i32
            %mul3A_687 = arith.muli %add3A_685, %mul3A_686 : i32
            %add3A_688 = arith.addi %mul3A_687, %mul3A_2 : i32
            %mul3A_689 = arith.constant 4096 : i32
            %mul3A_690 = arith.muli %add3A_619, %mul3A_689 : i32
            %add3A_691 = arith.addi %add3A_688, %mul3A_690 : i32
            %multiple_of3A_692 = tpu.assume_multiple %add3A_691, 4096 : i32
            %dma_start3A_693 = arith.constant 5 : i32
            %dma_start3A_694 = arith.constant 0 : i32
            %dma_start3A_695 = tpu.memref_slice %arg9[%dma_start3A_693, %dma_start3A_694] : memref<8x4096xf32, #tpu.memory_space<vmem>> -> memref<1x4096xf32, #tpu.memory_space<vmem>>
            %dma_start3A_696 = tpu.memref_squeeze %dma_start3A_695 : memref<1x4096xf32, #tpu.memory_space<vmem>> -> memref<4096xf32, #tpu.memory_space<vmem>>
            %dma_start3A_697 = tpu.memref_slice %arg2[%multiple_of3A_692] : memref<16777216xf32, #tpu.memory_space<hbm>> -> memref<4096xf32, #tpu.memory_space<hbm>>
            %dma_start3A_698 = arith.constant 0 : i32
            %dma_start3A_699 = tpu.memref_slice %arg9[%dma_start3A_693, %dma_start3A_698] : memref<8x4096xf32, #tpu.memory_space<vmem>> -> memref<1x4096xf32, #tpu.memory_space<vmem>>
            %dma_start3A_700 = tpu.memref_squeeze %dma_start3A_699 : memref<1x4096xf32, #tpu.memory_space<vmem>> -> memref<4096xf32, #tpu.memory_space<vmem>>
            %dma_start3A_701 = tpu.memref_slice %arg2[%multiple_of3A_692] : memref<16777216xf32, #tpu.memory_space<hbm>> -> memref<4096xf32, #tpu.memory_space<hbm>>
            tpu.enqueue_dma source(%dma_start3A_701 : memref<4096xf32, #tpu.memory_space<hbm>>) target(%dma_start3A_700 : memref<4096xf32, #tpu.memory_space<vmem>>) target_semaphore(%arg18 : memref<!tpu.dma_semaphore, #tpu.memory_space<semaphore_mem>>)
          } else {
          }
          %not3A_663 = arith.constant true
          %not3A_664 = arith.xori %eq3A_297, %not3A_663 : i1
          %convert_element_type3A_665 = arith.extui %not3A_664 : i1 to i32
          %cond3A_666 = arith.constant 0 : i32
          %cond3A_667 = arith.cmpi ne, %convert_element_type3A_665, %cond3A_666 : i32
          scf.if %cond3A_667 {
            %add3A_684 = arith.constant 5 : i32
            %add3A_685 = arith.addi %mul3A_0, %add3A_684 : i32
            %mul3A_686 = arith.constant 1048576 : i32
            %mul3A_687 = arith.muli %add3A_685, %mul3A_686 : i32
            %add3A_688 = arith.addi %mul3A_687, %mul3A_2 : i32
            %mul3A_689 = arith.constant 4096 : i32
            %mul3A_690 = arith.muli %add3A_619, %mul3A_689 : i32
            %add3A_691 = arith.addi %add3A_688, %mul3A_690 : i32
            %multiple_of3A_692 = tpu.assume_multiple %add3A_691, 4096 : i32
            %dma_start3A_693 = arith.constant 5 : i32
            %dma_start3A_694 = arith.constant 0 : i32
            %dma_start3A_695 = tpu.memref_slice %arg9[%dma_start3A_693, %dma_start3A_694] : memref<8x4096xf32, #tpu.memory_space<vmem>> -> memref<1x4096xf32, #tpu.memory_space<vmem>>
            %dma_start3A_696 = tpu.memref_squeeze %dma_start3A_695 : memref<1x4096xf32, #tpu.memory_space<vmem>> -> memref<4096xf32, #tpu.memory_space<vmem>>
            %dma_start3A_697 = tpu.memref_slice %arg4[%multiple_of3A_692] : memref<16777216xf32, #tpu.memory_space<hbm>> -> memref<4096xf32, #tpu.memory_space<hbm>>
            %dma_start3A_698 = arith.constant 0 : i32
            %dma_start3A_699 = tpu.memref_slice %arg9[%dma_start3A_693, %dma_start3A_698] : memref<8x4096xf32, #tpu.memory_space<vmem>> -> memref<1x4096xf32, #tpu.memory_space<vmem>>
            %dma_start3A_700 = tpu.memref_squeeze %dma_start3A_699 : memref<1x4096xf32, #tpu.memory_space<vmem>> -> memref<4096xf32, #tpu.memory_space<vmem>>
            %dma_start3A_701 = tpu.memref_slice %arg4[%multiple_of3A_692] : memref<16777216xf32, #tpu.memory_space<hbm>> -> memref<4096xf32, #tpu.memory_space<hbm>>
            tpu.enqueue_dma source(%dma_start3A_701 : memref<4096xf32, #tpu.memory_space<hbm>>) target(%dma_start3A_700 : memref<4096xf32, #tpu.memory_space<vmem>>) target_semaphore(%arg18 : memref<!tpu.dma_semaphore, #tpu.memory_space<semaphore_mem>>)
          } else {
          }
          %convert_element_type3A_668 = arith.extui %eq3A_301 : i1 to i32
          %cond3A_669 = arith.constant 0 : i32
          %cond3A_670 = arith.cmpi ne, %convert_element_type3A_668, %cond3A_669 : i32
          scf.if %cond3A_670 {
            %add3A_684 = arith.constant 6 : i32
            %add3A_685 = arith.addi %mul3A_0, %add3A_684 : i32
            %mul3A_686 = arith.constant 1048576 : i32
            %mul3A_687 = arith.muli %add3A_685, %mul3A_686 : i32
            %add3A_688 = arith.addi %mul3A_687, %mul3A_2 : i32
            %mul3A_689 = arith.constant 4096 : i32
            %mul3A_690 = arith.muli %add3A_619, %mul3A_689 : i32
            %add3A_691 = arith.addi %add3A_688, %mul3A_690 : i32
            %multiple_of3A_692 = tpu.assume_multiple %add3A_691, 4096 : i32
            %dma_start3A_693 = arith.constant 6 : i32
            %dma_start3A_694 = arith.constant 0 : i32
            %dma_start3A_695 = tpu.memref_slice %arg9[%dma_start3A_693, %dma_start3A_694] : memref<8x4096xf32, #tpu.memory_space<vmem>> -> memref<1x4096xf32, #tpu.memory_space<vmem>>
            %dma_start3A_696 = tpu.memref_squeeze %dma_start3A_695 : memref<1x4096xf32, #tpu.memory_space<vmem>> -> memref<4096xf32, #tpu.memory_space<vmem>>
            %dma_start3A_697 = tpu.memref_slice %arg2[%multiple_of3A_692] : memref<16777216xf32, #tpu.memory_space<hbm>> -> memref<4096xf32, #tpu.memory_space<hbm>>
            %dma_start3A_698 = arith.constant 0 : i32
            %dma_start3A_699 = tpu.memref_slice %arg9[%dma_start3A_693, %dma_start3A_698] : memref<8x4096xf32, #tpu.memory_space<vmem>> -> memref<1x4096xf32, #tpu.memory_space<vmem>>
            %dma_start3A_700 = tpu.memref_squeeze %dma_start3A_699 : memref<1x4096xf32, #tpu.memory_space<vmem>> -> memref<4096xf32, #tpu.memory_space<vmem>>
            %dma_start3A_701 = tpu.memref_slice %arg2[%multiple_of3A_692] : memref<16777216xf32, #tpu.memory_space<hbm>> -> memref<4096xf32, #tpu.memory_space<hbm>>
            tpu.enqueue_dma source(%dma_start3A_701 : memref<4096xf32, #tpu.memory_space<hbm>>) target(%dma_start3A_700 : memref<4096xf32, #tpu.memory_space<vmem>>) target_semaphore(%arg18 : memref<!tpu.dma_semaphore, #tpu.memory_space<semaphore_mem>>)
          } else {
          }
          %not3A_671 = arith.constant true
          %not3A_672 = arith.xori %eq3A_301, %not3A_671 : i1
          %convert_element_type3A_673 = arith.extui %not3A_672 : i1 to i32
          %cond3A_674 = arith.constant 0 : i32
          %cond3A_675 = arith.cmpi ne, %convert_element_type3A_673, %cond3A_674 : i32
          scf.if %cond3A_675 {
            %add3A_684 = arith.constant 6 : i32
            %add3A_685 = arith.addi %mul3A_0, %add3A_684 : i32
            %mul3A_686 = arith.constant 1048576 : i32
            %mul3A_687 = arith.muli %add3A_685, %mul3A_686 : i32
            %add3A_688 = arith.addi %mul3A_687, %mul3A_2 : i32
            %mul3A_689 = arith.constant 4096 : i32
            %mul3A_690 = arith.muli %add3A_619, %mul3A_689 : i32
            %add3A_691 = arith.addi %add3A_688, %mul3A_690 : i32
            %multiple_of3A_692 = tpu.assume_multiple %add3A_691, 4096 : i32
            %dma_start3A_693 = arith.constant 6 : i32
            %dma_start3A_694 = arith.constant 0 : i32
            %dma_start3A_695 = tpu.memref_slice %arg9[%dma_start3A_693, %dma_start3A_694] : memref<8x4096xf32, #tpu.memory_space<vmem>> -> memref<1x4096xf32, #tpu.memory_space<vmem>>
            %dma_start3A_696 = tpu.memref_squeeze %dma_start3A_695 : memref<1x4096xf32, #tpu.memory_space<vmem>> -> memref<4096xf32, #tpu.memory_space<vmem>>
            %dma_start3A_697 = tpu.memref_slice %arg4[%multiple_of3A_692] : memref<16777216xf32, #tpu.memory_space<hbm>> -> memref<4096xf32, #tpu.memory_space<hbm>>
            %dma_start3A_698 = arith.constant 0 : i32
            %dma_start3A_699 = tpu.memref_slice %arg9[%dma_start3A_693, %dma_start3A_698] : memref<8x4096xf32, #tpu.memory_space<vmem>> -> memref<1x4096xf32, #tpu.memory_space<vmem>>
            %dma_start3A_700 = tpu.memref_squeeze %dma_start3A_699 : memref<1x4096xf32, #tpu.memory_space<vmem>> -> memref<4096xf32, #tpu.memory_space<vmem>>
            %dma_start3A_701 = tpu.memref_slice %arg4[%multiple_of3A_692] : memref<16777216xf32, #tpu.memory_space<hbm>> -> memref<4096xf32, #tpu.memory_space<hbm>>
            tpu.enqueue_dma source(%dma_start3A_701 : memref<4096xf32, #tpu.memory_space<hbm>>) target(%dma_start3A_700 : memref<4096xf32, #tpu.memory_space<vmem>>) target_semaphore(%arg18 : memref<!tpu.dma_semaphore, #tpu.memory_space<semaphore_mem>>)
          } else {
          }
          %convert_element_type3A_676 = arith.extui %eq3A_305 : i1 to i32
          %cond3A_677 = arith.constant 0 : i32
          %cond3A_678 = arith.cmpi ne, %convert_element_type3A_676, %cond3A_677 : i32
          scf.if %cond3A_678 {
            %add3A_684 = arith.constant 7 : i32
            %add3A_685 = arith.addi %mul3A_0, %add3A_684 : i32
            %mul3A_686 = arith.constant 1048576 : i32
            %mul3A_687 = arith.muli %add3A_685, %mul3A_686 : i32
            %add3A_688 = arith.addi %mul3A_687, %mul3A_2 : i32
            %mul3A_689 = arith.constant 4096 : i32
            %mul3A_690 = arith.muli %add3A_619, %mul3A_689 : i32
            %add3A_691 = arith.addi %add3A_688, %mul3A_690 : i32
            %multiple_of3A_692 = tpu.assume_multiple %add3A_691, 4096 : i32
            %dma_start3A_693 = arith.constant 7 : i32
            %dma_start3A_694 = arith.constant 0 : i32
            %dma_start3A_695 = tpu.memref_slice %arg9[%dma_start3A_693, %dma_start3A_694] : memref<8x4096xf32, #tpu.memory_space<vmem>> -> memref<1x4096xf32, #tpu.memory_space<vmem>>
            %dma_start3A_696 = tpu.memref_squeeze %dma_start3A_695 : memref<1x4096xf32, #tpu.memory_space<vmem>> -> memref<4096xf32, #tpu.memory_space<vmem>>
            %dma_start3A_697 = tpu.memref_slice %arg2[%multiple_of3A_692] : memref<16777216xf32, #tpu.memory_space<hbm>> -> memref<4096xf32, #tpu.memory_space<hbm>>
            %dma_start3A_698 = arith.constant 0 : i32
            %dma_start3A_699 = tpu.memref_slice %arg9[%dma_start3A_693, %dma_start3A_698] : memref<8x4096xf32, #tpu.memory_space<vmem>> -> memref<1x4096xf32, #tpu.memory_space<vmem>>
            %dma_start3A_700 = tpu.memref_squeeze %dma_start3A_699 : memref<1x4096xf32, #tpu.memory_space<vmem>> -> memref<4096xf32, #tpu.memory_space<vmem>>
            %dma_start3A_701 = tpu.memref_slice %arg2[%multiple_of3A_692] : memref<16777216xf32, #tpu.memory_space<hbm>> -> memref<4096xf32, #tpu.memory_space<hbm>>
            tpu.enqueue_dma source(%dma_start3A_701 : memref<4096xf32, #tpu.memory_space<hbm>>) target(%dma_start3A_700 : memref<4096xf32, #tpu.memory_space<vmem>>) target_semaphore(%arg18 : memref<!tpu.dma_semaphore, #tpu.memory_space<semaphore_mem>>)
          } else {
          }
          %not3A_679 = arith.constant true
          %not3A_680 = arith.xori %eq3A_305, %not3A_679 : i1
          %convert_element_type3A_681 = arith.extui %not3A_680 : i1 to i32
          %cond3A_682 = arith.constant 0 : i32
          %cond3A_683 = arith.cmpi ne, %convert_element_type3A_681, %cond3A_682 : i32
          scf.if %cond3A_683 {
            %add3A_684 = arith.constant 7 : i32
            %add3A_685 = arith.addi %mul3A_0, %add3A_684 : i32
            %mul3A_686 = arith.constant 1048576 : i32
            %mul3A_687 = arith.muli %add3A_685, %mul3A_686 : i32
            %add3A_688 = arith.addi %mul3A_687, %mul3A_2 : i32
            %mul3A_689 = arith.constant 4096 : i32
            %mul3A_690 = arith.muli %add3A_619, %mul3A_689 : i32
            %add3A_691 = arith.addi %add3A_688, %mul3A_690 : i32
            %multiple_of3A_692 = tpu.assume_multiple %add3A_691, 4096 : i32
            %dma_start3A_693 = arith.constant 7 : i32
            %dma_start3A_694 = arith.constant 0 : i32
            %dma_start3A_695 = tpu.memref_slice %arg9[%dma_start3A_693, %dma_start3A_694] : memref<8x4096xf32, #tpu.memory_space<vmem>> -> memref<1x4096xf32, #tpu.memory_space<vmem>>
            %dma_start3A_696 = tpu.memref_squeeze %dma_start3A_695 : memref<1x4096xf32, #tpu.memory_space<vmem>> -> memref<4096xf32, #tpu.memory_space<vmem>>
            %dma_start3A_697 = tpu.memref_slice %arg4[%multiple_of3A_692] : memref<16777216xf32, #tpu.memory_space<hbm>> -> memref<4096xf32, #tpu.memory_space<hbm>>
            %dma_start3A_698 = arith.constant 0 : i32
            %dma_start3A_699 = tpu.memref_slice %arg9[%dma_start3A_693, %dma_start3A_698] : memref<8x4096xf32, #tpu.memory_space<vmem>> -> memref<1x4096xf32, #tpu.memory_space<vmem>>
            %dma_start3A_700 = tpu.memref_squeeze %dma_start3A_699 : memref<1x4096xf32, #tpu.memory_space<vmem>> -> memref<4096xf32, #tpu.memory_space<vmem>>
            %dma_start3A_701 = tpu.memref_slice %arg4[%multiple_of3A_692] : memref<16777216xf32, #tpu.memory_space<hbm>> -> memref<4096xf32, #tpu.memory_space<hbm>>
            tpu.enqueue_dma source(%dma_start3A_701 : memref<4096xf32, #tpu.memory_space<hbm>>) target(%dma_start3A_700 : memref<4096xf32, #tpu.memory_space<vmem>>) target_semaphore(%arg18 : memref<!tpu.dma_semaphore, #tpu.memory_space<semaphore_mem>>)
          } else {
          }
        } else {
        }
        %add3A_510 = arith.constant 1 : i32
        %add3A_511 = arith.addi %add3A_405, %add3A_510 : i32
        %dma_wait3A_512 = arith.constant 0 : i32
        %dma_wait3A_513 = arith.constant 0 : i32
        %dma_wait3A_514 = tpu.memref_slice %arg9[%dma_wait3A_512, %dma_wait3A_513] : memref<8x4096xf32, #tpu.memory_space<vmem>> -> memref<1x4096xf32, #tpu.memory_space<vmem>>
        %dma_wait3A_515 = tpu.memref_squeeze %dma_wait3A_514 : memref<1x4096xf32, #tpu.memory_space<vmem>> -> memref<4096xf32, #tpu.memory_space<vmem>>
        %dma_wait3A_516 = arith.constant 0 : i32
        %dma_wait3A_517 = tpu.memref_slice %arg4[%dma_wait3A_516] : memref<16777216xf32, #tpu.memory_space<hbm>> -> memref<4096xf32, #tpu.memory_space<hbm>>
        %dma_wait3A_518 = arith.constant 0 : i32
        %dma_wait3A_519 = tpu.memref_slice %arg9[%dma_wait3A_512, %dma_wait3A_518] : memref<8x4096xf32, #tpu.memory_space<vmem>> -> memref<1x4096xf32, #tpu.memory_space<vmem>>
        %dma_wait3A_520 = tpu.memref_squeeze %dma_wait3A_519 : memref<1x4096xf32, #tpu.memory_space<vmem>> -> memref<4096xf32, #tpu.memory_space<vmem>>
        %dma_wait3A_521 = arith.constant 0 : i32
        %dma_wait3A_522 = tpu.memref_slice %arg4[%dma_wait3A_521] : memref<16777216xf32, #tpu.memory_space<hbm>> -> memref<4096xf32, #tpu.memory_space<hbm>>
        tpu.wait_dma2 semaphore(%arg18 : memref<!tpu.dma_semaphore, #tpu.memory_space<semaphore_mem>>) src(%dma_wait3A_522 : memref<4096xf32, #tpu.memory_space<hbm>>) dst(%dma_wait3A_520 : memref<4096xf32, #tpu.memory_space<vmem>>)
        %dma_wait3A_523 = arith.constant 1 : i32
        %dma_wait3A_524 = arith.constant 0 : i32
        %dma_wait3A_525 = tpu.memref_slice %arg9[%dma_wait3A_523, %dma_wait3A_524] : memref<8x4096xf32, #tpu.memory_space<vmem>> -> memref<1x4096xf32, #tpu.memory_space<vmem>>
        %dma_wait3A_526 = tpu.memref_squeeze %dma_wait3A_525 : memref<1x4096xf32, #tpu.memory_space<vmem>> -> memref<4096xf32, #tpu.memory_space<vmem>>
        %dma_wait3A_527 = arith.constant 0 : i32
        %dma_wait3A_528 = tpu.memref_slice %arg4[%dma_wait3A_527] : memref<16777216xf32, #tpu.memory_space<hbm>> -> memref<4096xf32, #tpu.memory_space<hbm>>
        %dma_wait3A_529 = arith.constant 0 : i32
        %dma_wait3A_530 = tpu.memref_slice %arg9[%dma_wait3A_523, %dma_wait3A_529] : memref<8x4096xf32, #tpu.memory_space<vmem>> -> memref<1x4096xf32, #tpu.memory_space<vmem>>
        %dma_wait3A_531 = tpu.memref_squeeze %dma_wait3A_530 : memref<1x4096xf32, #tpu.memory_space<vmem>> -> memref<4096xf32, #tpu.memory_space<vmem>>
        %dma_wait3A_532 = arith.constant 0 : i32
        %dma_wait3A_533 = tpu.memref_slice %arg4[%dma_wait3A_532] : memref<16777216xf32, #tpu.memory_space<hbm>> -> memref<4096xf32, #tpu.memory_space<hbm>>
        tpu.wait_dma2 semaphore(%arg18 : memref<!tpu.dma_semaphore, #tpu.memory_space<semaphore_mem>>) src(%dma_wait3A_533 : memref<4096xf32, #tpu.memory_space<hbm>>) dst(%dma_wait3A_531 : memref<4096xf32, #tpu.memory_space<vmem>>)
        %dma_wait3A_534 = arith.constant 2 : i32
        %dma_wait3A_535 = arith.constant 0 : i32
        %dma_wait3A_536 = tpu.memref_slice %arg9[%dma_wait3A_534, %dma_wait3A_535] : memref<8x4096xf32, #tpu.memory_space<vmem>> -> memref<1x4096xf32, #tpu.memory_space<vmem>>
        %dma_wait3A_537 = tpu.memref_squeeze %dma_wait3A_536 : memref<1x4096xf32, #tpu.memory_space<vmem>> -> memref<4096xf32, #tpu.memory_space<vmem>>
        %dma_wait3A_538 = arith.constant 0 : i32
        %dma_wait3A_539 = tpu.memref_slice %arg4[%dma_wait3A_538] : memref<16777216xf32, #tpu.memory_space<hbm>> -> memref<4096xf32, #tpu.memory_space<hbm>>
        %dma_wait3A_540 = arith.constant 0 : i32
        %dma_wait3A_541 = tpu.memref_slice %arg9[%dma_wait3A_534, %dma_wait3A_540] : memref<8x4096xf32, #tpu.memory_space<vmem>> -> memref<1x4096xf32, #tpu.memory_space<vmem>>
        %dma_wait3A_542 = tpu.memref_squeeze %dma_wait3A_541 : memref<1x4096xf32, #tpu.memory_space<vmem>> -> memref<4096xf32, #tpu.memory_space<vmem>>
        %dma_wait3A_543 = arith.constant 0 : i32
        %dma_wait3A_544 = tpu.memref_slice %arg4[%dma_wait3A_543] : memref<16777216xf32, #tpu.memory_space<hbm>> -> memref<4096xf32, #tpu.memory_space<hbm>>
        tpu.wait_dma2 semaphore(%arg18 : memref<!tpu.dma_semaphore, #tpu.memory_space<semaphore_mem>>) src(%dma_wait3A_544 : memref<4096xf32, #tpu.memory_space<hbm>>) dst(%dma_wait3A_542 : memref<4096xf32, #tpu.memory_space<vmem>>)
        %dma_wait3A_545 = arith.constant 3 : i32
        %dma_wait3A_546 = arith.constant 0 : i32
        %dma_wait3A_547 = tpu.memref_slice %arg9[%dma_wait3A_545, %dma_wait3A_546] : memref<8x4096xf32, #tpu.memory_space<vmem>> -> memref<1x4096xf32, #tpu.memory_space<vmem>>
        %dma_wait3A_548 = tpu.memref_squeeze %dma_wait3A_547 : memref<1x4096xf32, #tpu.memory_space<vmem>> -> memref<4096xf32, #tpu.memory_space<vmem>>
        %dma_wait3A_549 = arith.constant 0 : i32
        %dma_wait3A_550 = tpu.memref_slice %arg4[%dma_wait3A_549] : memref<16777216xf32, #tpu.memory_space<hbm>> -> memref<4096xf32, #tpu.memory_space<hbm>>
        %dma_wait3A_551 = arith.constant 0 : i32
        %dma_wait3A_552 = tpu.memref_slice %arg9[%dma_wait3A_545, %dma_wait3A_551] : memref<8x4096xf32, #tpu.memory_space<vmem>> -> memref<1x4096xf32, #tpu.memory_space<vmem>>
        %dma_wait3A_553 = tpu.memref_squeeze %dma_wait3A_552 : memref<1x4096xf32, #tpu.memory_space<vmem>> -> memref<4096xf32, #tpu.memory_space<vmem>>
        %dma_wait3A_554 = arith.constant 0 : i32
        %dma_wait3A_555 = tpu.memref_slice %arg4[%dma_wait3A_554] : memref<16777216xf32, #tpu.memory_space<hbm>> -> memref<4096xf32, #tpu.memory_space<hbm>>
        tpu.wait_dma2 semaphore(%arg18 : memref<!tpu.dma_semaphore, #tpu.memory_space<semaphore_mem>>) src(%dma_wait3A_555 : memref<4096xf32, #tpu.memory_space<hbm>>) dst(%dma_wait3A_553 : memref<4096xf32, #tpu.memory_space<vmem>>)
        %dma_wait3A_556 = arith.constant 4 : i32
        %dma_wait3A_557 = arith.constant 0 : i32
        %dma_wait3A_558 = tpu.memref_slice %arg9[%dma_wait3A_556, %dma_wait3A_557] : memref<8x4096xf32, #tpu.memory_space<vmem>> -> memref<1x4096xf32, #tpu.memory_space<vmem>>
        %dma_wait3A_559 = tpu.memref_squeeze %dma_wait3A_558 : memref<1x4096xf32, #tpu.memory_space<vmem>> -> memref<4096xf32, #tpu.memory_space<vmem>>
        %dma_wait3A_560 = arith.constant 0 : i32
        %dma_wait3A_561 = tpu.memref_slice %arg4[%dma_wait3A_560] : memref<16777216xf32, #tpu.memory_space<hbm>> -> memref<4096xf32, #tpu.memory_space<hbm>>
        %dma_wait3A_562 = arith.constant 0 : i32
        %dma_wait3A_563 = tpu.memref_slice %arg9[%dma_wait3A_556, %dma_wait3A_562] : memref<8x4096xf32, #tpu.memory_space<vmem>> -> memref<1x4096xf32, #tpu.memory_space<vmem>>
        %dma_wait3A_564 = tpu.memref_squeeze %dma_wait3A_563 : memref<1x4096xf32, #tpu.memory_space<vmem>> -> memref<4096xf32, #tpu.memory_space<vmem>>
        %dma_wait3A_565 = arith.constant 0 : i32
        %dma_wait3A_566 = tpu.memref_slice %arg4[%dma_wait3A_565] : memref<16777216xf32, #tpu.memory_space<hbm>> -> memref<4096xf32, #tpu.memory_space<hbm>>
        tpu.wait_dma2 semaphore(%arg18 : memref<!tpu.dma_semaphore, #tpu.memory_space<semaphore_mem>>) src(%dma_wait3A_566 : memref<4096xf32, #tpu.memory_space<hbm>>) dst(%dma_wait3A_564 : memref<4096xf32, #tpu.memory_space<vmem>>)
        %dma_wait3A_567 = arith.constant 5 : i32
        %dma_wait3A_568 = arith.constant 0 : i32
        %dma_wait3A_569 = tpu.memref_slice %arg9[%dma_wait3A_567, %dma_wait3A_568] : memref<8x4096xf32, #tpu.memory_space<vmem>> -> memref<1x4096xf32, #tpu.memory_space<vmem>>
        %dma_wait3A_570 = tpu.memref_squeeze %dma_wait3A_569 : memref<1x4096xf32, #tpu.memory_space<vmem>> -> memref<4096xf32, #tpu.memory_space<vmem>>
        %dma_wait3A_571 = arith.constant 0 : i32
        %dma_wait3A_572 = tpu.memref_slice %arg4[%dma_wait3A_571] : memref<16777216xf32, #tpu.memory_space<hbm>> -> memref<4096xf32, #tpu.memory_space<hbm>>
        %dma_wait3A_573 = arith.constant 0 : i32
        %dma_wait3A_574 = tpu.memref_slice %arg9[%dma_wait3A_567, %dma_wait3A_573] : memref<8x4096xf32, #tpu.memory_space<vmem>> -> memref<1x4096xf32, #tpu.memory_space<vmem>>
        %dma_wait3A_575 = tpu.memref_squeeze %dma_wait3A_574 : memref<1x4096xf32, #tpu.memory_space<vmem>> -> memref<4096xf32, #tpu.memory_space<vmem>>
        %dma_wait3A_576 = arith.constant 0 : i32
        %dma_wait3A_577 = tpu.memref_slice %arg4[%dma_wait3A_576] : memref<16777216xf32, #tpu.memory_space<hbm>> -> memref<4096xf32, #tpu.memory_space<hbm>>
        tpu.wait_dma2 semaphore(%arg18 : memref<!tpu.dma_semaphore, #tpu.memory_space<semaphore_mem>>) src(%dma_wait3A_577 : memref<4096xf32, #tpu.memory_space<hbm>>) dst(%dma_wait3A_575 : memref<4096xf32, #tpu.memory_space<vmem>>)
        %dma_wait3A_578 = arith.constant 6 : i32
        %dma_wait3A_579 = arith.constant 0 : i32
        %dma_wait3A_580 = tpu.memref_slice %arg9[%dma_wait3A_578, %dma_wait3A_579] : memref<8x4096xf32, #tpu.memory_space<vmem>> -> memref<1x4096xf32, #tpu.memory_space<vmem>>
        %dma_wait3A_581 = tpu.memref_squeeze %dma_wait3A_580 : memref<1x4096xf32, #tpu.memory_space<vmem>> -> memref<4096xf32, #tpu.memory_space<vmem>>
        %dma_wait3A_582 = arith.constant 0 : i32
        %dma_wait3A_583 = tpu.memref_slice %arg4[%dma_wait3A_582] : memref<16777216xf32, #tpu.memory_space<hbm>> -> memref<4096xf32, #tpu.memory_space<hbm>>
        %dma_wait3A_584 = arith.constant 0 : i32
        %dma_wait3A_585 = tpu.memref_slice %arg9[%dma_wait3A_578, %dma_wait3A_584] : memref<8x4096xf32, #tpu.memory_space<vmem>> -> memref<1x4096xf32, #tpu.memory_space<vmem>>
        %dma_wait3A_586 = tpu.memref_squeeze %dma_wait3A_585 : memref<1x4096xf32, #tpu.memory_space<vmem>> -> memref<4096xf32, #tpu.memory_space<vmem>>
        %dma_wait3A_587 = arith.constant 0 : i32
        %dma_wait3A_588 = tpu.memref_slice %arg4[%dma_wait3A_587] : memref<16777216xf32, #tpu.memory_space<hbm>> -> memref<4096xf32, #tpu.memory_space<hbm>>
        tpu.wait_dma2 semaphore(%arg18 : memref<!tpu.dma_semaphore, #tpu.memory_space<semaphore_mem>>) src(%dma_wait3A_588 : memref<4096xf32, #tpu.memory_space<hbm>>) dst(%dma_wait3A_586 : memref<4096xf32, #tpu.memory_space<vmem>>)
        %dma_wait3A_589 = arith.constant 7 : i32
        %dma_wait3A_590 = arith.constant 0 : i32
        %dma_wait3A_591 = tpu.memref_slice %arg9[%dma_wait3A_589, %dma_wait3A_590] : memref<8x4096xf32, #tpu.memory_space<vmem>> -> memref<1x4096xf32, #tpu.memory_space<vmem>>
        %dma_wait3A_592 = tpu.memref_squeeze %dma_wait3A_591 : memref<1x4096xf32, #tpu.memory_space<vmem>> -> memref<4096xf32, #tpu.memory_space<vmem>>
        %dma_wait3A_593 = arith.constant 0 : i32
        %dma_wait3A_594 = tpu.memref_slice %arg4[%dma_wait3A_593] : memref<16777216xf32, #tpu.memory_space<hbm>> -> memref<4096xf32, #tpu.memory_space<hbm>>
        %dma_wait3A_595 = arith.constant 0 : i32
        %dma_wait3A_596 = tpu.memref_slice %arg9[%dma_wait3A_589, %dma_wait3A_595] : memref<8x4096xf32, #tpu.memory_space<vmem>> -> memref<1x4096xf32, #tpu.memory_space<vmem>>
        %dma_wait3A_597 = tpu.memref_squeeze %dma_wait3A_596 : memref<1x4096xf32, #tpu.memory_space<vmem>> -> memref<4096xf32, #tpu.memory_space<vmem>>
        %dma_wait3A_598 = arith.constant 0 : i32
        %dma_wait3A_599 = tpu.memref_slice %arg4[%dma_wait3A_598] : memref<16777216xf32, #tpu.memory_space<hbm>> -> memref<4096xf32, #tpu.memory_space<hbm>>
        tpu.wait_dma2 semaphore(%arg18 : memref<!tpu.dma_semaphore, #tpu.memory_space<semaphore_mem>>) src(%dma_wait3A_599 : memref<4096xf32, #tpu.memory_space<hbm>>) dst(%dma_wait3A_597 : memref<4096xf32, #tpu.memory_space<vmem>>)
        %multiple_of3A_600 = tpu.assume_multiple %mul3A_0, 8 : i32
        %mul3A_601 = arith.constant 4096 : i32
        %mul3A_602 = arith.muli %add3A_511, %mul3A_601 : i32
        %add3A_603 = arith.addi %mul3A_2, %mul3A_602 : i32
        %multiple_of3A_604 = tpu.assume_multiple %add3A_603, 4096 : i32
        %dma_start3A_605 = tpu.memref_slice %arg3[%multiple_of3A_600, %multiple_of3A_604] : memref<16x1048576xf32, #tpu.memory_space<hbm>> -> memref<8x4096xf32, #tpu.memory_space<hbm>>
        %dma_start3A_606 = tpu.memref_slice %arg3[%multiple_of3A_600, %multiple_of3A_604] : memref<16x1048576xf32, #tpu.memory_space<hbm>> -> memref<8x4096xf32, #tpu.memory_space<hbm>>
        tpu.enqueue_dma source(%arg9 : memref<8x4096xf32, #tpu.memory_space<vmem>>) target(%dma_start3A_606 : memref<8x4096xf32, #tpu.memory_space<hbm>>) target_semaphore(%arg20 : memref<!tpu.dma_semaphore, #tpu.memory_space<semaphore_mem>>)
        %add3A_607 = arith.constant 1 : i32
        %add3A_608 = arith.addi %add3A_511, %add3A_607 : i32
        %lt3A_609 = arith.constant 16 : i32
        %lt3A_610 = arith.cmpi slt, %add3A_608, %lt3A_609 : i32
        %convert_element_type3A_611 = arith.extui %lt3A_610 : i1 to i32
        %cond3A_612 = arith.constant 0 : i32
        %cond3A_613 = arith.cmpi ne, %convert_element_type3A_611, %cond3A_612 : i32
        scf.if %cond3A_613 {
          %ge3A = arith.constant 1 : i32
          %ge3A_614 = arith.cmpi sge, %add3A_511, %ge3A : i32
          %convert_element_type3A_615 = arith.extui %ge3A_614 : i1 to i32
          %cond3A_616 = arith.constant 0 : i32
          %cond3A_617 = arith.cmpi ne, %convert_element_type3A_615, %cond3A_616 : i32
          scf.if %cond3A_617 {
            %dma_wait3A_684 = arith.constant 0 : i32
            %dma_wait3A_685 = arith.constant 0 : i32
            %dma_wait3A_686 = tpu.memref_slice %arg3[%dma_wait3A_684, %dma_wait3A_685] : memref<16x1048576xf32, #tpu.memory_space<hbm>> -> memref<8x4096xf32, #tpu.memory_space<hbm>>
            %dma_wait3A_687 = arith.constant 0 : i32
            %dma_wait3A_688 = arith.constant 0 : i32
            %dma_wait3A_689 = tpu.memref_slice %arg3[%dma_wait3A_687, %dma_wait3A_688] : memref<16x1048576xf32, #tpu.memory_space<hbm>> -> memref<8x4096xf32, #tpu.memory_space<hbm>>
            tpu.wait_dma2 semaphore(%arg19 : memref<!tpu.dma_semaphore, #tpu.memory_space<semaphore_mem>>) src(%arg8 : memref<8x4096xf32, #tpu.memory_space<vmem>>) dst(%dma_wait3A_689 : memref<8x4096xf32, #tpu.memory_space<hbm>>)
          } else {
          }
          %add3A_618 = arith.constant 1 : i32
          %add3A_619 = arith.addi %add3A_511, %add3A_618 : i32
          %convert_element_type3A_620 = arith.extui %eq3A_277 : i1 to i32
          %cond3A_621 = arith.constant 0 : i32
          %cond3A_622 = arith.cmpi ne, %convert_element_type3A_620, %cond3A_621 : i32
          scf.if %cond3A_622 {
            %add3A_684 = arith.constant 0 : i32
            %add3A_685 = arith.addi %mul3A_0, %add3A_684 : i32
            %mul3A_686 = arith.constant 1048576 : i32
            %mul3A_687 = arith.muli %add3A_685, %mul3A_686 : i32
            %add3A_688 = arith.addi %mul3A_687, %mul3A_2 : i32
            %mul3A_689 = arith.constant 4096 : i32
            %mul3A_690 = arith.muli %add3A_619, %mul3A_689 : i32
            %add3A_691 = arith.addi %add3A_688, %mul3A_690 : i32
            %multiple_of3A_692 = tpu.assume_multiple %add3A_691, 4096 : i32
            %dma_start3A_693 = arith.constant 0 : i32
            %dma_start3A_694 = arith.constant 0 : i32
            %dma_start3A_695 = tpu.memref_slice %arg8[%dma_start3A_693, %dma_start3A_694] : memref<8x4096xf32, #tpu.memory_space<vmem>> -> memref<1x4096xf32, #tpu.memory_space<vmem>>
            %dma_start3A_696 = tpu.memref_squeeze %dma_start3A_695 : memref<1x4096xf32, #tpu.memory_space<vmem>> -> memref<4096xf32, #tpu.memory_space<vmem>>
            %dma_start3A_697 = tpu.memref_slice %arg2[%multiple_of3A_692] : memref<16777216xf32, #tpu.memory_space<hbm>> -> memref<4096xf32, #tpu.memory_space<hbm>>
            %dma_start3A_698 = arith.constant 0 : i32
            %dma_start3A_699 = tpu.memref_slice %arg8[%dma_start3A_693, %dma_start3A_698] : memref<8x4096xf32, #tpu.memory_space<vmem>> -> memref<1x4096xf32, #tpu.memory_space<vmem>>
            %dma_start3A_700 = tpu.memref_squeeze %dma_start3A_699 : memref<1x4096xf32, #tpu.memory_space<vmem>> -> memref<4096xf32, #tpu.memory_space<vmem>>
            %dma_start3A_701 = tpu.memref_slice %arg2[%multiple_of3A_692] : memref<16777216xf32, #tpu.memory_space<hbm>> -> memref<4096xf32, #tpu.memory_space<hbm>>
            tpu.enqueue_dma source(%dma_start3A_701 : memref<4096xf32, #tpu.memory_space<hbm>>) target(%dma_start3A_700 : memref<4096xf32, #tpu.memory_space<vmem>>) target_semaphore(%arg17 : memref<!tpu.dma_semaphore, #tpu.memory_space<semaphore_mem>>)
          } else {
          }
          %not3A_623 = arith.constant true
          %not3A_624 = arith.xori %eq3A_277, %not3A_623 : i1
          %convert_element_type3A_625 = arith.extui %not3A_624 : i1 to i32
          %cond3A_626 = arith.constant 0 : i32
          %cond3A_627 = arith.cmpi ne, %convert_element_type3A_625, %cond3A_626 : i32
          scf.if %cond3A_627 {
            %add3A_684 = arith.constant 0 : i32
            %add3A_685 = arith.addi %mul3A_0, %add3A_684 : i32
            %mul3A_686 = arith.constant 1048576 : i32
            %mul3A_687 = arith.muli %add3A_685, %mul3A_686 : i32
            %add3A_688 = arith.addi %mul3A_687, %mul3A_2 : i32
            %mul3A_689 = arith.constant 4096 : i32
            %mul3A_690 = arith.muli %add3A_619, %mul3A_689 : i32
            %add3A_691 = arith.addi %add3A_688, %mul3A_690 : i32
            %multiple_of3A_692 = tpu.assume_multiple %add3A_691, 4096 : i32
            %dma_start3A_693 = arith.constant 0 : i32
            %dma_start3A_694 = arith.constant 0 : i32
            %dma_start3A_695 = tpu.memref_slice %arg8[%dma_start3A_693, %dma_start3A_694] : memref<8x4096xf32, #tpu.memory_space<vmem>> -> memref<1x4096xf32, #tpu.memory_space<vmem>>
            %dma_start3A_696 = tpu.memref_squeeze %dma_start3A_695 : memref<1x4096xf32, #tpu.memory_space<vmem>> -> memref<4096xf32, #tpu.memory_space<vmem>>
            %dma_start3A_697 = tpu.memref_slice %arg4[%multiple_of3A_692] : memref<16777216xf32, #tpu.memory_space<hbm>> -> memref<4096xf32, #tpu.memory_space<hbm>>
            %dma_start3A_698 = arith.constant 0 : i32
            %dma_start3A_699 = tpu.memref_slice %arg8[%dma_start3A_693, %dma_start3A_698] : memref<8x4096xf32, #tpu.memory_space<vmem>> -> memref<1x4096xf32, #tpu.memory_space<vmem>>
            %dma_start3A_700 = tpu.memref_squeeze %dma_start3A_699 : memref<1x4096xf32, #tpu.memory_space<vmem>> -> memref<4096xf32, #tpu.memory_space<vmem>>
            %dma_start3A_701 = tpu.memref_slice %arg4[%multiple_of3A_692] : memref<16777216xf32, #tpu.memory_space<hbm>> -> memref<4096xf32, #tpu.memory_space<hbm>>
            tpu.enqueue_dma source(%dma_start3A_701 : memref<4096xf32, #tpu.memory_space<hbm>>) target(%dma_start3A_700 : memref<4096xf32, #tpu.memory_space<vmem>>) target_semaphore(%arg17 : memref<!tpu.dma_semaphore, #tpu.memory_space<semaphore_mem>>)
          } else {
          }
          %convert_element_type3A_628 = arith.extui %eq3A_281 : i1 to i32
          %cond3A_629 = arith.constant 0 : i32
          %cond3A_630 = arith.cmpi ne, %convert_element_type3A_628, %cond3A_629 : i32
          scf.if %cond3A_630 {
            %add3A_684 = arith.constant 1 : i32
            %add3A_685 = arith.addi %mul3A_0, %add3A_684 : i32
            %mul3A_686 = arith.constant 1048576 : i32
            %mul3A_687 = arith.muli %add3A_685, %mul3A_686 : i32
            %add3A_688 = arith.addi %mul3A_687, %mul3A_2 : i32
            %mul3A_689 = arith.constant 4096 : i32
            %mul3A_690 = arith.muli %add3A_619, %mul3A_689 : i32
            %add3A_691 = arith.addi %add3A_688, %mul3A_690 : i32
            %multiple_of3A_692 = tpu.assume_multiple %add3A_691, 4096 : i32
            %dma_start3A_693 = arith.constant 1 : i32
            %dma_start3A_694 = arith.constant 0 : i32
            %dma_start3A_695 = tpu.memref_slice %arg8[%dma_start3A_693, %dma_start3A_694] : memref<8x4096xf32, #tpu.memory_space<vmem>> -> memref<1x4096xf32, #tpu.memory_space<vmem>>
            %dma_start3A_696 = tpu.memref_squeeze %dma_start3A_695 : memref<1x4096xf32, #tpu.memory_space<vmem>> -> memref<4096xf32, #tpu.memory_space<vmem>>
            %dma_start3A_697 = tpu.memref_slice %arg2[%multiple_of3A_692] : memref<16777216xf32, #tpu.memory_space<hbm>> -> memref<4096xf32, #tpu.memory_space<hbm>>
            %dma_start3A_698 = arith.constant 0 : i32
            %dma_start3A_699 = tpu.memref_slice %arg8[%dma_start3A_693, %dma_start3A_698] : memref<8x4096xf32, #tpu.memory_space<vmem>> -> memref<1x4096xf32, #tpu.memory_space<vmem>>
            %dma_start3A_700 = tpu.memref_squeeze %dma_start3A_699 : memref<1x4096xf32, #tpu.memory_space<vmem>> -> memref<4096xf32, #tpu.memory_space<vmem>>
            %dma_start3A_701 = tpu.memref_slice %arg2[%multiple_of3A_692] : memref<16777216xf32, #tpu.memory_space<hbm>> -> memref<4096xf32, #tpu.memory_space<hbm>>
            tpu.enqueue_dma source(%dma_start3A_701 : memref<4096xf32, #tpu.memory_space<hbm>>) target(%dma_start3A_700 : memref<4096xf32, #tpu.memory_space<vmem>>) target_semaphore(%arg17 : memref<!tpu.dma_semaphore, #tpu.memory_space<semaphore_mem>>)
          } else {
          }
          %not3A_631 = arith.constant true
          %not3A_632 = arith.xori %eq3A_281, %not3A_631 : i1
          %convert_element_type3A_633 = arith.extui %not3A_632 : i1 to i32
          %cond3A_634 = arith.constant 0 : i32
          %cond3A_635 = arith.cmpi ne, %convert_element_type3A_633, %cond3A_634 : i32
          scf.if %cond3A_635 {
            %add3A_684 = arith.constant 1 : i32
            %add3A_685 = arith.addi %mul3A_0, %add3A_684 : i32
            %mul3A_686 = arith.constant 1048576 : i32
            %mul3A_687 = arith.muli %add3A_685, %mul3A_686 : i32
            %add3A_688 = arith.addi %mul3A_687, %mul3A_2 : i32
            %mul3A_689 = arith.constant 4096 : i32
            %mul3A_690 = arith.muli %add3A_619, %mul3A_689 : i32
            %add3A_691 = arith.addi %add3A_688, %mul3A_690 : i32
            %multiple_of3A_692 = tpu.assume_multiple %add3A_691, 4096 : i32
            %dma_start3A_693 = arith.constant 1 : i32
            %dma_start3A_694 = arith.constant 0 : i32
            %dma_start3A_695 = tpu.memref_slice %arg8[%dma_start3A_693, %dma_start3A_694] : memref<8x4096xf32, #tpu.memory_space<vmem>> -> memref<1x4096xf32, #tpu.memory_space<vmem>>
            %dma_start3A_696 = tpu.memref_squeeze %dma_start3A_695 : memref<1x4096xf32, #tpu.memory_space<vmem>> -> memref<4096xf32, #tpu.memory_space<vmem>>
            %dma_start3A_697 = tpu.memref_slice %arg4[%multiple_of3A_692] : memref<16777216xf32, #tpu.memory_space<hbm>> -> memref<4096xf32, #tpu.memory_space<hbm>>
            %dma_start3A_698 = arith.constant 0 : i32
            %dma_start3A_699 = tpu.memref_slice %arg8[%dma_start3A_693, %dma_start3A_698] : memref<8x4096xf32, #tpu.memory_space<vmem>> -> memref<1x4096xf32, #tpu.memory_space<vmem>>
            %dma_start3A_700 = tpu.memref_squeeze %dma_start3A_699 : memref<1x4096xf32, #tpu.memory_space<vmem>> -> memref<4096xf32, #tpu.memory_space<vmem>>
            %dma_start3A_701 = tpu.memref_slice %arg4[%multiple_of3A_692] : memref<16777216xf32, #tpu.memory_space<hbm>> -> memref<4096xf32, #tpu.memory_space<hbm>>
            tpu.enqueue_dma source(%dma_start3A_701 : memref<4096xf32, #tpu.memory_space<hbm>>) target(%dma_start3A_700 : memref<4096xf32, #tpu.memory_space<vmem>>) target_semaphore(%arg17 : memref<!tpu.dma_semaphore, #tpu.memory_space<semaphore_mem>>)
          } else {
          }
          %convert_element_type3A_636 = arith.extui %eq3A_285 : i1 to i32
          %cond3A_637 = arith.constant 0 : i32
          %cond3A_638 = arith.cmpi ne, %convert_element_type3A_636, %cond3A_637 : i32
          scf.if %cond3A_638 {
            %add3A_684 = arith.constant 2 : i32
            %add3A_685 = arith.addi %mul3A_0, %add3A_684 : i32
            %mul3A_686 = arith.constant 1048576 : i32
            %mul3A_687 = arith.muli %add3A_685, %mul3A_686 : i32
            %add3A_688 = arith.addi %mul3A_687, %mul3A_2 : i32
            %mul3A_689 = arith.constant 4096 : i32
            %mul3A_690 = arith.muli %add3A_619, %mul3A_689 : i32
            %add3A_691 = arith.addi %add3A_688, %mul3A_690 : i32
            %multiple_of3A_692 = tpu.assume_multiple %add3A_691, 4096 : i32
            %dma_start3A_693 = arith.constant 2 : i32
            %dma_start3A_694 = arith.constant 0 : i32
            %dma_start3A_695 = tpu.memref_slice %arg8[%dma_start3A_693, %dma_start3A_694] : memref<8x4096xf32, #tpu.memory_space<vmem>> -> memref<1x4096xf32, #tpu.memory_space<vmem>>
            %dma_start3A_696 = tpu.memref_squeeze %dma_start3A_695 : memref<1x4096xf32, #tpu.memory_space<vmem>> -> memref<4096xf32, #tpu.memory_space<vmem>>
            %dma_start3A_697 = tpu.memref_slice %arg2[%multiple_of3A_692] : memref<16777216xf32, #tpu.memory_space<hbm>> -> memref<4096xf32, #tpu.memory_space<hbm>>
            %dma_start3A_698 = arith.constant 0 : i32
            %dma_start3A_699 = tpu.memref_slice %arg8[%dma_start3A_693, %dma_start3A_698] : memref<8x4096xf32, #tpu.memory_space<vmem>> -> memref<1x4096xf32, #tpu.memory_space<vmem>>
            %dma_start3A_700 = tpu.memref_squeeze %dma_start3A_699 : memref<1x4096xf32, #tpu.memory_space<vmem>> -> memref<4096xf32, #tpu.memory_space<vmem>>
            %dma_start3A_701 = tpu.memref_slice %arg2[%multiple_of3A_692] : memref<16777216xf32, #tpu.memory_space<hbm>> -> memref<4096xf32, #tpu.memory_space<hbm>>
            tpu.enqueue_dma source(%dma_start3A_701 : memref<4096xf32, #tpu.memory_space<hbm>>) target(%dma_start3A_700 : memref<4096xf32, #tpu.memory_space<vmem>>) target_semaphore(%arg17 : memref<!tpu.dma_semaphore, #tpu.memory_space<semaphore_mem>>)
          } else {
          }
          %not3A_639 = arith.constant true
          %not3A_640 = arith.xori %eq3A_285, %not3A_639 : i1
          %convert_element_type3A_641 = arith.extui %not3A_640 : i1 to i32
          %cond3A_642 = arith.constant 0 : i32
          %cond3A_643 = arith.cmpi ne, %convert_element_type3A_641, %cond3A_642 : i32
          scf.if %cond3A_643 {
            %add3A_684 = arith.constant 2 : i32
            %add3A_685 = arith.addi %mul3A_0, %add3A_684 : i32
            %mul3A_686 = arith.constant 1048576 : i32
            %mul3A_687 = arith.muli %add3A_685, %mul3A_686 : i32
            %add3A_688 = arith.addi %mul3A_687, %mul3A_2 : i32
            %mul3A_689 = arith.constant 4096 : i32
            %mul3A_690 = arith.muli %add3A_619, %mul3A_689 : i32
            %add3A_691 = arith.addi %add3A_688, %mul3A_690 : i32
            %multiple_of3A_692 = tpu.assume_multiple %add3A_691, 4096 : i32
            %dma_start3A_693 = arith.constant 2 : i32
            %dma_start3A_694 = arith.constant 0 : i32
            %dma_start3A_695 = tpu.memref_slice %arg8[%dma_start3A_693, %dma_start3A_694] : memref<8x4096xf32, #tpu.memory_space<vmem>> -> memref<1x4096xf32, #tpu.memory_space<vmem>>
            %dma_start3A_696 = tpu.memref_squeeze %dma_start3A_695 : memref<1x4096xf32, #tpu.memory_space<vmem>> -> memref<4096xf32, #tpu.memory_space<vmem>>
            %dma_start3A_697 = tpu.memref_slice %arg4[%multiple_of3A_692] : memref<16777216xf32, #tpu.memory_space<hbm>> -> memref<4096xf32, #tpu.memory_space<hbm>>
            %dma_start3A_698 = arith.constant 0 : i32
            %dma_start3A_699 = tpu.memref_slice %arg8[%dma_start3A_693, %dma_start3A_698] : memref<8x4096xf32, #tpu.memory_space<vmem>> -> memref<1x4096xf32, #tpu.memory_space<vmem>>
            %dma_start3A_700 = tpu.memref_squeeze %dma_start3A_699 : memref<1x4096xf32, #tpu.memory_space<vmem>> -> memref<4096xf32, #tpu.memory_space<vmem>>
            %dma_start3A_701 = tpu.memref_slice %arg4[%multiple_of3A_692] : memref<16777216xf32, #tpu.memory_space<hbm>> -> memref<4096xf32, #tpu.memory_space<hbm>>
            tpu.enqueue_dma source(%dma_start3A_701 : memref<4096xf32, #tpu.memory_space<hbm>>) target(%dma_start3A_700 : memref<4096xf32, #tpu.memory_space<vmem>>) target_semaphore(%arg17 : memref<!tpu.dma_semaphore, #tpu.memory_space<semaphore_mem>>)
          } else {
          }
          %convert_element_type3A_644 = arith.extui %eq3A_289 : i1 to i32
          %cond3A_645 = arith.constant 0 : i32
          %cond3A_646 = arith.cmpi ne, %convert_element_type3A_644, %cond3A_645 : i32
          scf.if %cond3A_646 {
            %add3A_684 = arith.constant 3 : i32
            %add3A_685 = arith.addi %mul3A_0, %add3A_684 : i32
            %mul3A_686 = arith.constant 1048576 : i32
            %mul3A_687 = arith.muli %add3A_685, %mul3A_686 : i32
            %add3A_688 = arith.addi %mul3A_687, %mul3A_2 : i32
            %mul3A_689 = arith.constant 4096 : i32
            %mul3A_690 = arith.muli %add3A_619, %mul3A_689 : i32
            %add3A_691 = arith.addi %add3A_688, %mul3A_690 : i32
            %multiple_of3A_692 = tpu.assume_multiple %add3A_691, 4096 : i32
            %dma_start3A_693 = arith.constant 3 : i32
            %dma_start3A_694 = arith.constant 0 : i32
            %dma_start3A_695 = tpu.memref_slice %arg8[%dma_start3A_693, %dma_start3A_694] : memref<8x4096xf32, #tpu.memory_space<vmem>> -> memref<1x4096xf32, #tpu.memory_space<vmem>>
            %dma_start3A_696 = tpu.memref_squeeze %dma_start3A_695 : memref<1x4096xf32, #tpu.memory_space<vmem>> -> memref<4096xf32, #tpu.memory_space<vmem>>
            %dma_start3A_697 = tpu.memref_slice %arg2[%multiple_of3A_692] : memref<16777216xf32, #tpu.memory_space<hbm>> -> memref<4096xf32, #tpu.memory_space<hbm>>
            %dma_start3A_698 = arith.constant 0 : i32
            %dma_start3A_699 = tpu.memref_slice %arg8[%dma_start3A_693, %dma_start3A_698] : memref<8x4096xf32, #tpu.memory_space<vmem>> -> memref<1x4096xf32, #tpu.memory_space<vmem>>
            %dma_start3A_700 = tpu.memref_squeeze %dma_start3A_699 : memref<1x4096xf32, #tpu.memory_space<vmem>> -> memref<4096xf32, #tpu.memory_space<vmem>>
            %dma_start3A_701 = tpu.memref_slice %arg2[%multiple_of3A_692] : memref<16777216xf32, #tpu.memory_space<hbm>> -> memref<4096xf32, #tpu.memory_space<hbm>>
            tpu.enqueue_dma source(%dma_start3A_701 : memref<4096xf32, #tpu.memory_space<hbm>>) target(%dma_start3A_700 : memref<4096xf32, #tpu.memory_space<vmem>>) target_semaphore(%arg17 : memref<!tpu.dma_semaphore, #tpu.memory_space<semaphore_mem>>)
          } else {
          }
          %not3A_647 = arith.constant true
          %not3A_648 = arith.xori %eq3A_289, %not3A_647 : i1
          %convert_element_type3A_649 = arith.extui %not3A_648 : i1 to i32
          %cond3A_650 = arith.constant 0 : i32
          %cond3A_651 = arith.cmpi ne, %convert_element_type3A_649, %cond3A_650 : i32
          scf.if %cond3A_651 {
            %add3A_684 = arith.constant 3 : i32
            %add3A_685 = arith.addi %mul3A_0, %add3A_684 : i32
            %mul3A_686 = arith.constant 1048576 : i32
            %mul3A_687 = arith.muli %add3A_685, %mul3A_686 : i32
            %add3A_688 = arith.addi %mul3A_687, %mul3A_2 : i32
            %mul3A_689 = arith.constant 4096 : i32
            %mul3A_690 = arith.muli %add3A_619, %mul3A_689 : i32
            %add3A_691 = arith.addi %add3A_688, %mul3A_690 : i32
            %multiple_of3A_692 = tpu.assume_multiple %add3A_691, 4096 : i32
            %dma_start3A_693 = arith.constant 3 : i32
            %dma_start3A_694 = arith.constant 0 : i32
            %dma_start3A_695 = tpu.memref_slice %arg8[%dma_start3A_693, %dma_start3A_694] : memref<8x4096xf32, #tpu.memory_space<vmem>> -> memref<1x4096xf32, #tpu.memory_space<vmem>>
            %dma_start3A_696 = tpu.memref_squeeze %dma_start3A_695 : memref<1x4096xf32, #tpu.memory_space<vmem>> -> memref<4096xf32, #tpu.memory_space<vmem>>
            %dma_start3A_697 = tpu.memref_slice %arg4[%multiple_of3A_692] : memref<16777216xf32, #tpu.memory_space<hbm>> -> memref<4096xf32, #tpu.memory_space<hbm>>
            %dma_start3A_698 = arith.constant 0 : i32
            %dma_start3A_699 = tpu.memref_slice %arg8[%dma_start3A_693, %dma_start3A_698] : memref<8x4096xf32, #tpu.memory_space<vmem>> -> memref<1x4096xf32, #tpu.memory_space<vmem>>
            %dma_start3A_700 = tpu.memref_squeeze %dma_start3A_699 : memref<1x4096xf32, #tpu.memory_space<vmem>> -> memref<4096xf32, #tpu.memory_space<vmem>>
            %dma_start3A_701 = tpu.memref_slice %arg4[%multiple_of3A_692] : memref<16777216xf32, #tpu.memory_space<hbm>> -> memref<4096xf32, #tpu.memory_space<hbm>>
            tpu.enqueue_dma source(%dma_start3A_701 : memref<4096xf32, #tpu.memory_space<hbm>>) target(%dma_start3A_700 : memref<4096xf32, #tpu.memory_space<vmem>>) target_semaphore(%arg17 : memref<!tpu.dma_semaphore, #tpu.memory_space<semaphore_mem>>)
          } else {
          }
          %convert_element_type3A_652 = arith.extui %eq3A_293 : i1 to i32
          %cond3A_653 = arith.constant 0 : i32
          %cond3A_654 = arith.cmpi ne, %convert_element_type3A_652, %cond3A_653 : i32
          scf.if %cond3A_654 {
            %add3A_684 = arith.constant 4 : i32
            %add3A_685 = arith.addi %mul3A_0, %add3A_684 : i32
            %mul3A_686 = arith.constant 1048576 : i32
            %mul3A_687 = arith.muli %add3A_685, %mul3A_686 : i32
            %add3A_688 = arith.addi %mul3A_687, %mul3A_2 : i32
            %mul3A_689 = arith.constant 4096 : i32
            %mul3A_690 = arith.muli %add3A_619, %mul3A_689 : i32
            %add3A_691 = arith.addi %add3A_688, %mul3A_690 : i32
            %multiple_of3A_692 = tpu.assume_multiple %add3A_691, 4096 : i32
            %dma_start3A_693 = arith.constant 4 : i32
            %dma_start3A_694 = arith.constant 0 : i32
            %dma_start3A_695 = tpu.memref_slice %arg8[%dma_start3A_693, %dma_start3A_694] : memref<8x4096xf32, #tpu.memory_space<vmem>> -> memref<1x4096xf32, #tpu.memory_space<vmem>>
            %dma_start3A_696 = tpu.memref_squeeze %dma_start3A_695 : memref<1x4096xf32, #tpu.memory_space<vmem>> -> memref<4096xf32, #tpu.memory_space<vmem>>
            %dma_start3A_697 = tpu.memref_slice %arg2[%multiple_of3A_692] : memref<16777216xf32, #tpu.memory_space<hbm>> -> memref<4096xf32, #tpu.memory_space<hbm>>
            %dma_start3A_698 = arith.constant 0 : i32
            %dma_start3A_699 = tpu.memref_slice %arg8[%dma_start3A_693, %dma_start3A_698] : memref<8x4096xf32, #tpu.memory_space<vmem>> -> memref<1x4096xf32, #tpu.memory_space<vmem>>
            %dma_start3A_700 = tpu.memref_squeeze %dma_start3A_699 : memref<1x4096xf32, #tpu.memory_space<vmem>> -> memref<4096xf32, #tpu.memory_space<vmem>>
            %dma_start3A_701 = tpu.memref_slice %arg2[%multiple_of3A_692] : memref<16777216xf32, #tpu.memory_space<hbm>> -> memref<4096xf32, #tpu.memory_space<hbm>>
            tpu.enqueue_dma source(%dma_start3A_701 : memref<4096xf32, #tpu.memory_space<hbm>>) target(%dma_start3A_700 : memref<4096xf32, #tpu.memory_space<vmem>>) target_semaphore(%arg17 : memref<!tpu.dma_semaphore, #tpu.memory_space<semaphore_mem>>)
          } else {
          }
          %not3A_655 = arith.constant true
          %not3A_656 = arith.xori %eq3A_293, %not3A_655 : i1
          %convert_element_type3A_657 = arith.extui %not3A_656 : i1 to i32
          %cond3A_658 = arith.constant 0 : i32
          %cond3A_659 = arith.cmpi ne, %convert_element_type3A_657, %cond3A_658 : i32
          scf.if %cond3A_659 {
            %add3A_684 = arith.constant 4 : i32
            %add3A_685 = arith.addi %mul3A_0, %add3A_684 : i32
            %mul3A_686 = arith.constant 1048576 : i32
            %mul3A_687 = arith.muli %add3A_685, %mul3A_686 : i32
            %add3A_688 = arith.addi %mul3A_687, %mul3A_2 : i32
            %mul3A_689 = arith.constant 4096 : i32
            %mul3A_690 = arith.muli %add3A_619, %mul3A_689 : i32
            %add3A_691 = arith.addi %add3A_688, %mul3A_690 : i32
            %multiple_of3A_692 = tpu.assume_multiple %add3A_691, 4096 : i32
            %dma_start3A_693 = arith.constant 4 : i32
            %dma_start3A_694 = arith.constant 0 : i32
            %dma_start3A_695 = tpu.memref_slice %arg8[%dma_start3A_693, %dma_start3A_694] : memref<8x4096xf32, #tpu.memory_space<vmem>> -> memref<1x4096xf32, #tpu.memory_space<vmem>>
            %dma_start3A_696 = tpu.memref_squeeze %dma_start3A_695 : memref<1x4096xf32, #tpu.memory_space<vmem>> -> memref<4096xf32, #tpu.memory_space<vmem>>
            %dma_start3A_697 = tpu.memref_slice %arg4[%multiple_of3A_692] : memref<16777216xf32, #tpu.memory_space<hbm>> -> memref<4096xf32, #tpu.memory_space<hbm>>
            %dma_start3A_698 = arith.constant 0 : i32
            %dma_start3A_699 = tpu.memref_slice %arg8[%dma_start3A_693, %dma_start3A_698] : memref<8x4096xf32, #tpu.memory_space<vmem>> -> memref<1x4096xf32, #tpu.memory_space<vmem>>
            %dma_start3A_700 = tpu.memref_squeeze %dma_start3A_699 : memref<1x4096xf32, #tpu.memory_space<vmem>> -> memref<4096xf32, #tpu.memory_space<vmem>>
            %dma_start3A_701 = tpu.memref_slice %arg4[%multiple_of3A_692] : memref<16777216xf32, #tpu.memory_space<hbm>> -> memref<4096xf32, #tpu.memory_space<hbm>>
            tpu.enqueue_dma source(%dma_start3A_701 : memref<4096xf32, #tpu.memory_space<hbm>>) target(%dma_start3A_700 : memref<4096xf32, #tpu.memory_space<vmem>>) target_semaphore(%arg17 : memref<!tpu.dma_semaphore, #tpu.memory_space<semaphore_mem>>)
          } else {
          }
          %convert_element_type3A_660 = arith.extui %eq3A_297 : i1 to i32
          %cond3A_661 = arith.constant 0 : i32
          %cond3A_662 = arith.cmpi ne, %convert_element_type3A_660, %cond3A_661 : i32
          scf.if %cond3A_662 {
            %add3A_684 = arith.constant 5 : i32
            %add3A_685 = arith.addi %mul3A_0, %add3A_684 : i32
            %mul3A_686 = arith.constant 1048576 : i32
            %mul3A_687 = arith.muli %add3A_685, %mul3A_686 : i32
            %add3A_688 = arith.addi %mul3A_687, %mul3A_2 : i32
            %mul3A_689 = arith.constant 4096 : i32
            %mul3A_690 = arith.muli %add3A_619, %mul3A_689 : i32
            %add3A_691 = arith.addi %add3A_688, %mul3A_690 : i32
            %multiple_of3A_692 = tpu.assume_multiple %add3A_691, 4096 : i32
            %dma_start3A_693 = arith.constant 5 : i32
            %dma_start3A_694 = arith.constant 0 : i32
            %dma_start3A_695 = tpu.memref_slice %arg8[%dma_start3A_693, %dma_start3A_694] : memref<8x4096xf32, #tpu.memory_space<vmem>> -> memref<1x4096xf32, #tpu.memory_space<vmem>>
            %dma_start3A_696 = tpu.memref_squeeze %dma_start3A_695 : memref<1x4096xf32, #tpu.memory_space<vmem>> -> memref<4096xf32, #tpu.memory_space<vmem>>
            %dma_start3A_697 = tpu.memref_slice %arg2[%multiple_of3A_692] : memref<16777216xf32, #tpu.memory_space<hbm>> -> memref<4096xf32, #tpu.memory_space<hbm>>
            %dma_start3A_698 = arith.constant 0 : i32
            %dma_start3A_699 = tpu.memref_slice %arg8[%dma_start3A_693, %dma_start3A_698] : memref<8x4096xf32, #tpu.memory_space<vmem>> -> memref<1x4096xf32, #tpu.memory_space<vmem>>
            %dma_start3A_700 = tpu.memref_squeeze %dma_start3A_699 : memref<1x4096xf32, #tpu.memory_space<vmem>> -> memref<4096xf32, #tpu.memory_space<vmem>>
            %dma_start3A_701 = tpu.memref_slice %arg2[%multiple_of3A_692] : memref<16777216xf32, #tpu.memory_space<hbm>> -> memref<4096xf32, #tpu.memory_space<hbm>>
            tpu.enqueue_dma source(%dma_start3A_701 : memref<4096xf32, #tpu.memory_space<hbm>>) target(%dma_start3A_700 : memref<4096xf32, #tpu.memory_space<vmem>>) target_semaphore(%arg17 : memref<!tpu.dma_semaphore, #tpu.memory_space<semaphore_mem>>)
          } else {
          }
          %not3A_663 = arith.constant true
          %not3A_664 = arith.xori %eq3A_297, %not3A_663 : i1
          %convert_element_type3A_665 = arith.extui %not3A_664 : i1 to i32
          %cond3A_666 = arith.constant 0 : i32
          %cond3A_667 = arith.cmpi ne, %convert_element_type3A_665, %cond3A_666 : i32
          scf.if %cond3A_667 {
            %add3A_684 = arith.constant 5 : i32
            %add3A_685 = arith.addi %mul3A_0, %add3A_684 : i32
            %mul3A_686 = arith.constant 1048576 : i32
            %mul3A_687 = arith.muli %add3A_685, %mul3A_686 : i32
            %add3A_688 = arith.addi %mul3A_687, %mul3A_2 : i32
            %mul3A_689 = arith.constant 4096 : i32
            %mul3A_690 = arith.muli %add3A_619, %mul3A_689 : i32
            %add3A_691 = arith.addi %add3A_688, %mul3A_690 : i32
            %multiple_of3A_692 = tpu.assume_multiple %add3A_691, 4096 : i32
            %dma_start3A_693 = arith.constant 5 : i32
            %dma_start3A_694 = arith.constant 0 : i32
            %dma_start3A_695 = tpu.memref_slice %arg8[%dma_start3A_693, %dma_start3A_694] : memref<8x4096xf32, #tpu.memory_space<vmem>> -> memref<1x4096xf32, #tpu.memory_space<vmem>>
            %dma_start3A_696 = tpu.memref_squeeze %dma_start3A_695 : memref<1x4096xf32, #tpu.memory_space<vmem>> -> memref<4096xf32, #tpu.memory_space<vmem>>
            %dma_start3A_697 = tpu.memref_slice %arg4[%multiple_of3A_692] : memref<16777216xf32, #tpu.memory_space<hbm>> -> memref<4096xf32, #tpu.memory_space<hbm>>
            %dma_start3A_698 = arith.constant 0 : i32
            %dma_start3A_699 = tpu.memref_slice %arg8[%dma_start3A_693, %dma_start3A_698] : memref<8x4096xf32, #tpu.memory_space<vmem>> -> memref<1x4096xf32, #tpu.memory_space<vmem>>
            %dma_start3A_700 = tpu.memref_squeeze %dma_start3A_699 : memref<1x4096xf32, #tpu.memory_space<vmem>> -> memref<4096xf32, #tpu.memory_space<vmem>>
            %dma_start3A_701 = tpu.memref_slice %arg4[%multiple_of3A_692] : memref<16777216xf32, #tpu.memory_space<hbm>> -> memref<4096xf32, #tpu.memory_space<hbm>>
            tpu.enqueue_dma source(%dma_start3A_701 : memref<4096xf32, #tpu.memory_space<hbm>>) target(%dma_start3A_700 : memref<4096xf32, #tpu.memory_space<vmem>>) target_semaphore(%arg17 : memref<!tpu.dma_semaphore, #tpu.memory_space<semaphore_mem>>)
          } else {
          }
          %convert_element_type3A_668 = arith.extui %eq3A_301 : i1 to i32
          %cond3A_669 = arith.constant 0 : i32
          %cond3A_670 = arith.cmpi ne, %convert_element_type3A_668, %cond3A_669 : i32
          scf.if %cond3A_670 {
            %add3A_684 = arith.constant 6 : i32
            %add3A_685 = arith.addi %mul3A_0, %add3A_684 : i32
            %mul3A_686 = arith.constant 1048576 : i32
            %mul3A_687 = arith.muli %add3A_685, %mul3A_686 : i32
            %add3A_688 = arith.addi %mul3A_687, %mul3A_2 : i32
            %mul3A_689 = arith.constant 4096 : i32
            %mul3A_690 = arith.muli %add3A_619, %mul3A_689 : i32
            %add3A_691 = arith.addi %add3A_688, %mul3A_690 : i32
            %multiple_of3A_692 = tpu.assume_multiple %add3A_691, 4096 : i32
            %dma_start3A_693 = arith.constant 6 : i32
            %dma_start3A_694 = arith.constant 0 : i32
            %dma_start3A_695 = tpu.memref_slice %arg8[%dma_start3A_693, %dma_start3A_694] : memref<8x4096xf32, #tpu.memory_space<vmem>> -> memref<1x4096xf32, #tpu.memory_space<vmem>>
            %dma_start3A_696 = tpu.memref_squeeze %dma_start3A_695 : memref<1x4096xf32, #tpu.memory_space<vmem>> -> memref<4096xf32, #tpu.memory_space<vmem>>
            %dma_start3A_697 = tpu.memref_slice %arg2[%multiple_of3A_692] : memref<16777216xf32, #tpu.memory_space<hbm>> -> memref<4096xf32, #tpu.memory_space<hbm>>
            %dma_start3A_698 = arith.constant 0 : i32
            %dma_start3A_699 = tpu.memref_slice %arg8[%dma_start3A_693, %dma_start3A_698] : memref<8x4096xf32, #tpu.memory_space<vmem>> -> memref<1x4096xf32, #tpu.memory_space<vmem>>
            %dma_start3A_700 = tpu.memref_squeeze %dma_start3A_699 : memref<1x4096xf32, #tpu.memory_space<vmem>> -> memref<4096xf32, #tpu.memory_space<vmem>>
            %dma_start3A_701 = tpu.memref_slice %arg2[%multiple_of3A_692] : memref<16777216xf32, #tpu.memory_space<hbm>> -> memref<4096xf32, #tpu.memory_space<hbm>>
            tpu.enqueue_dma source(%dma_start3A_701 : memref<4096xf32, #tpu.memory_space<hbm>>) target(%dma_start3A_700 : memref<4096xf32, #tpu.memory_space<vmem>>) target_semaphore(%arg17 : memref<!tpu.dma_semaphore, #tpu.memory_space<semaphore_mem>>)
          } else {
          }
          %not3A_671 = arith.constant true
          %not3A_672 = arith.xori %eq3A_301, %not3A_671 : i1
          %convert_element_type3A_673 = arith.extui %not3A_672 : i1 to i32
          %cond3A_674 = arith.constant 0 : i32
          %cond3A_675 = arith.cmpi ne, %convert_element_type3A_673, %cond3A_674 : i32
          scf.if %cond3A_675 {
            %add3A_684 = arith.constant 6 : i32
            %add3A_685 = arith.addi %mul3A_0, %add3A_684 : i32
            %mul3A_686 = arith.constant 1048576 : i32
            %mul3A_687 = arith.muli %add3A_685, %mul3A_686 : i32
            %add3A_688 = arith.addi %mul3A_687, %mul3A_2 : i32
            %mul3A_689 = arith.constant 4096 : i32
            %mul3A_690 = arith.muli %add3A_619, %mul3A_689 : i32
            %add3A_691 = arith.addi %add3A_688, %mul3A_690 : i32
            %multiple_of3A_692 = tpu.assume_multiple %add3A_691, 4096 : i32
            %dma_start3A_693 = arith.constant 6 : i32
            %dma_start3A_694 = arith.constant 0 : i32
            %dma_start3A_695 = tpu.memref_slice %arg8[%dma_start3A_693, %dma_start3A_694] : memref<8x4096xf32, #tpu.memory_space<vmem>> -> memref<1x4096xf32, #tpu.memory_space<vmem>>
            %dma_start3A_696 = tpu.memref_squeeze %dma_start3A_695 : memref<1x4096xf32, #tpu.memory_space<vmem>> -> memref<4096xf32, #tpu.memory_space<vmem>>
            %dma_start3A_697 = tpu.memref_slice %arg4[%multiple_of3A_692] : memref<16777216xf32, #tpu.memory_space<hbm>> -> memref<4096xf32, #tpu.memory_space<hbm>>
            %dma_start3A_698 = arith.constant 0 : i32
            %dma_start3A_699 = tpu.memref_slice %arg8[%dma_start3A_693, %dma_start3A_698] : memref<8x4096xf32, #tpu.memory_space<vmem>> -> memref<1x4096xf32, #tpu.memory_space<vmem>>
            %dma_start3A_700 = tpu.memref_squeeze %dma_start3A_699 : memref<1x4096xf32, #tpu.memory_space<vmem>> -> memref<4096xf32, #tpu.memory_space<vmem>>
            %dma_start3A_701 = tpu.memref_slice %arg4[%multiple_of3A_692] : memref<16777216xf32, #tpu.memory_space<hbm>> -> memref<4096xf32, #tpu.memory_space<hbm>>
            tpu.enqueue_dma source(%dma_start3A_701 : memref<4096xf32, #tpu.memory_space<hbm>>) target(%dma_start3A_700 : memref<4096xf32, #tpu.memory_space<vmem>>) target_semaphore(%arg17 : memref<!tpu.dma_semaphore, #tpu.memory_space<semaphore_mem>>)
          } else {
          }
          %convert_element_type3A_676 = arith.extui %eq3A_305 : i1 to i32
          %cond3A_677 = arith.constant 0 : i32
          %cond3A_678 = arith.cmpi ne, %convert_element_type3A_676, %cond3A_677 : i32
          scf.if %cond3A_678 {
            %add3A_684 = arith.constant 7 : i32
            %add3A_685 = arith.addi %mul3A_0, %add3A_684 : i32
            %mul3A_686 = arith.constant 1048576 : i32
            %mul3A_687 = arith.muli %add3A_685, %mul3A_686 : i32
            %add3A_688 = arith.addi %mul3A_687, %mul3A_2 : i32
            %mul3A_689 = arith.constant 4096 : i32
            %mul3A_690 = arith.muli %add3A_619, %mul3A_689 : i32
            %add3A_691 = arith.addi %add3A_688, %mul3A_690 : i32
            %multiple_of3A_692 = tpu.assume_multiple %add3A_691, 4096 : i32
            %dma_start3A_693 = arith.constant 7 : i32
            %dma_start3A_694 = arith.constant 0 : i32
            %dma_start3A_695 = tpu.memref_slice %arg8[%dma_start3A_693, %dma_start3A_694] : memref<8x4096xf32, #tpu.memory_space<vmem>> -> memref<1x4096xf32, #tpu.memory_space<vmem>>
            %dma_start3A_696 = tpu.memref_squeeze %dma_start3A_695 : memref<1x4096xf32, #tpu.memory_space<vmem>> -> memref<4096xf32, #tpu.memory_space<vmem>>
            %dma_start3A_697 = tpu.memref_slice %arg2[%multiple_of3A_692] : memref<16777216xf32, #tpu.memory_space<hbm>> -> memref<4096xf32, #tpu.memory_space<hbm>>
            %dma_start3A_698 = arith.constant 0 : i32
            %dma_start3A_699 = tpu.memref_slice %arg8[%dma_start3A_693, %dma_start3A_698] : memref<8x4096xf32, #tpu.memory_space<vmem>> -> memref<1x4096xf32, #tpu.memory_space<vmem>>
            %dma_start3A_700 = tpu.memref_squeeze %dma_start3A_699 : memref<1x4096xf32, #tpu.memory_space<vmem>> -> memref<4096xf32, #tpu.memory_space<vmem>>
            %dma_start3A_701 = tpu.memref_slice %arg2[%multiple_of3A_692] : memref<16777216xf32, #tpu.memory_space<hbm>> -> memref<4096xf32, #tpu.memory_space<hbm>>
            tpu.enqueue_dma source(%dma_start3A_701 : memref<4096xf32, #tpu.memory_space<hbm>>) target(%dma_start3A_700 : memref<4096xf32, #tpu.memory_space<vmem>>) target_semaphore(%arg17 : memref<!tpu.dma_semaphore, #tpu.memory_space<semaphore_mem>>)
          } else {
          }
          %not3A_679 = arith.constant true
          %not3A_680 = arith.xori %eq3A_305, %not3A_679 : i1
          %convert_element_type3A_681 = arith.extui %not3A_680 : i1 to i32
          %cond3A_682 = arith.constant 0 : i32
          %cond3A_683 = arith.cmpi ne, %convert_element_type3A_681, %cond3A_682 : i32
          scf.if %cond3A_683 {
            %add3A_684 = arith.constant 7 : i32
            %add3A_685 = arith.addi %mul3A_0, %add3A_684 : i32
            %mul3A_686 = arith.constant 1048576 : i32
            %mul3A_687 = arith.muli %add3A_685, %mul3A_686 : i32
            %add3A_688 = arith.addi %mul3A_687, %mul3A_2 : i32
            %mul3A_689 = arith.constant 4096 : i32
            %mul3A_690 = arith.muli %add3A_619, %mul3A_689 : i32
            %add3A_691 = arith.addi %add3A_688, %mul3A_690 : i32
            %multiple_of3A_692 = tpu.assume_multiple %add3A_691, 4096 : i32
            %dma_start3A_693 = arith.constant 7 : i32
            %dma_start3A_694 = arith.constant 0 : i32
            %dma_start3A_695 = tpu.memref_slice %arg8[%dma_start3A_693, %dma_start3A_694] : memref<8x4096xf32, #tpu.memory_space<vmem>> -> memref<1x4096xf32, #tpu.memory_space<vmem>>
            %dma_start3A_696 = tpu.memref_squeeze %dma_start3A_695 : memref<1x4096xf32, #tpu.memory_space<vmem>> -> memref<4096xf32, #tpu.memory_space<vmem>>
            %dma_start3A_697 = tpu.memref_slice %arg4[%multiple_of3A_692] : memref<16777216xf32, #tpu.memory_space<hbm>> -> memref<4096xf32, #tpu.memory_space<hbm>>
            %dma_start3A_698 = arith.constant 0 : i32
            %dma_start3A_699 = tpu.memref_slice %arg8[%dma_start3A_693, %dma_start3A_698] : memref<8x4096xf32, #tpu.memory_space<vmem>> -> memref<1x4096xf32, #tpu.memory_space<vmem>>
            %dma_start3A_700 = tpu.memref_squeeze %dma_start3A_699 : memref<1x4096xf32, #tpu.memory_space<vmem>> -> memref<4096xf32, #tpu.memory_space<vmem>>
            %dma_start3A_701 = tpu.memref_slice %arg4[%multiple_of3A_692] : memref<16777216xf32, #tpu.memory_space<hbm>> -> memref<4096xf32, #tpu.memory_space<hbm>>
            tpu.enqueue_dma source(%dma_start3A_701 : memref<4096xf32, #tpu.memory_space<hbm>>) target(%dma_start3A_700 : memref<4096xf32, #tpu.memory_space<vmem>>) target_semaphore(%arg17 : memref<!tpu.dma_semaphore, #tpu.memory_space<semaphore_mem>>)
          } else {
          }
        } else {
        }
      }
      %scan3A_388 = arith.constant 8 : i32
      %dma_wait3A_389 = arith.constant 0 : i32
      %dma_wait3A_390 = arith.constant 0 : i32
      %dma_wait3A_391 = tpu.memref_slice %arg3[%dma_wait3A_389, %dma_wait3A_390] : memref<16x1048576xf32, #tpu.memory_space<hbm>> -> memref<8x4096xf32, #tpu.memory_space<hbm>>
      %dma_wait3A_392 = arith.constant 0 : i32
      %dma_wait3A_393 = arith.constant 0 : i32
      %dma_wait3A_394 = tpu.memref_slice %arg3[%dma_wait3A_392, %dma_wait3A_393] : memref<16x1048576xf32, #tpu.memory_space<hbm>> -> memref<8x4096xf32, #tpu.memory_space<hbm>>
      tpu.wait_dma2 semaphore(%arg19 : memref<!tpu.dma_semaphore, #tpu.memory_space<semaphore_mem>>) src(%arg8 : memref<8x4096xf32, #tpu.memory_space<vmem>>) dst(%dma_wait3A_394 : memref<8x4096xf32, #tpu.memory_space<hbm>>)
      %dma_wait3A_395 = arith.constant 0 : i32
      %dma_wait3A_396 = arith.constant 0 : i32
      %dma_wait3A_397 = tpu.memref_slice %arg3[%dma_wait3A_395, %dma_wait3A_396] : memref<16x1048576xf32, #tpu.memory_space<hbm>> -> memref<8x4096xf32, #tpu.memory_space<hbm>>
      %dma_wait3A_398 = arith.constant 0 : i32
      %dma_wait3A_399 = arith.constant 0 : i32
      %dma_wait3A_400 = tpu.memref_slice %arg3[%dma_wait3A_398, %dma_wait3A_399] : memref<16x1048576xf32, #tpu.memory_space<hbm>> -> memref<8x4096xf32, #tpu.memory_space<hbm>>
      tpu.wait_dma2 semaphore(%arg20 : memref<!tpu.dma_semaphore, #tpu.memory_space<semaphore_mem>>) src(%arg9 : memref<8x4096xf32, #tpu.memory_space<vmem>>) dst(%dma_wait3A_400 : memref<8x4096xf32, #tpu.memory_space<hbm>>)
    } else {
    }
    return
  }
}

</mosaic_0001>

<sc_bundles>
// kernel: kernel.3.cloned.1.call-start
scs
__scs_entry_jumppad:
0x0: {  	(pc) =	sbr.rel $0x88, $3  }
0x1: {  	(tag) =	ssettag $0x0;
	lr =	simm.s32 $0x1  }
0x2: {  	[smem:$0x3FA0] =	sst lr;
	_ =	strace $0xD0000000  }
0x3: {  	_ = 	snop  }
0x4: {  	_ = 	snop  }
0x5: {  	_ = 	snop  }
0x6: {  	_ = 	snop  }
0x7: {  	_ = 	snop  }
__scs_overlays_trampoline_lowered:
0x8: {  	[smem:$0x3FAF] =	sst s0  }
0x9: {  	[smem:$0x3FB0] =	sst s1  }
0xa: {  	[smem:$0x3FB1] =	sst s2  }
0xb: {  	[smem:$0x3FB2] =	sst s3  }
0xc: {  	[smem:$0x3FB3] =	sst s4  }
0xd: {  	[smem:$0x3FB4] =	sst s5  }
0xe: {  	[smem:$0x3FB5] =	sst s6  }
0xf: {  	[smem:$0x3FB6] =	sst s7  }
0x10: {  	[smem:$0x3FB7] =	sst s8  }
0x11: {  	[smem:$0x3FB8] =	sst s9;
	s0 =	simm.s32 @!p0 $0x0  }
0x12: {  	s1 =	sld [smem:$0x3F9E];
	s0 =	simm.s32 @p0 $0x1  }
0x13: {  	[smem:$0x3FB9] =	sst s0;
	s0 =	simm.s32 @!p1 $0x0  }
0x14: {  	s2 =	sld [smem:$0x3F9D];
	s0 =	simm.s32 @p1 $0x1  }
0x15: {  	[smem:$0x3FBA] =	sst s0;
	s0 =	simm.s32 @!p2 $0x0  }
0x16: {  	s3 =	sld [smem:$0x3FDB];
	s0 =	simm.s32 @p2 $0x1  }
0x17: {  	s4 =	simm.s32 $0x1BF5;
	[smem:$0x3FBC] =	sst s0  }
0x18: {  	s0 =	sld [smem:$0x3F9F];
	_ =	swait.ge [sflag:s4], $0x0  }
0x19: {  	s7 =	sld [smem:$0x3FA0]  }
0x1a: {  	s8 =	sadd.s32 $0xFFFFE003, lr  }
0x1b: {  	s9 =	sadd.s32 $0xFFFFFEF7, lr;
	s5 =	simm.s32 $0xFFFFFFFF;
	p2 =	slt.u32 s8, $0xFFFFF086  }
0x1c: {  	p1 =	slt.u32 s9, $0xF7A;
	s5 =	simm.s32 @!p2 $0x0  }
0x1d: {  	s5 =	simm.s32 @p1 $0x1;
	p0 =	seq.s32 s7, s2  }
0x1e: {  	s7 =	smul.u32 @!p0 $0xF7A, s2;
	p2 =	seq.s32 @!p0 s5, $0x0  }
0x1f: {  	s9 =	smul.u32 $0xF7A, s1;
	s8 =	simm.s32 @!p0 $0x1BF5;
	p2 =	por !p2, p0  }
0x20: {  	[sflag:s8] =	ssyncset.s32 @!p0 $0xFFFFF086;
	s6 =	sadd.s32 @!p0 s3, s7;
	s7 =	simm.s32 @!p0 $0x108  }
0x21: {  	s3 =	sadd.s32 s3, s9;
	s6 =	sadd.s32 @!p0 $0x88, s6;
	s7 =	simm.s32 @p2 $0x1082  }
0x22: {  	[simem:s7], [sflag:s8] =	dma.local @!p0 [hbm:s6], $0xF7A  }
0x23: {  	s9 =	sor.u32 $0xD0000000, s2;
	s6 =	simm.s32 $0x108;
	_ =	swait.ge @!p0 [sflag:s8], $0x0  }
0x24: {  	s3 =	sadd.s32 $0x88, s3;
	s6 =	simm.s32 @!p1 $0x1082;
	[sflag:s4] =	ssyncset.s32 $0xFFFFF086  }
0x25: {  	[simem:s6], [sflag:s4] =	dma.local [hbm:s3], $0xF7A  }
0x26: {  	[smem:$0x3FA0] =	sst s1;
	(tag) =	ssettag s2;
	_ =	strace s9  }
0x27: {  	s1 =	sld [smem:$0x3FB0]  }
0x28: {  	s2 =	sld [smem:$0x3FB1]  }
0x29: {  	s4 =	sld [smem:$0x3FB3]  }
0x2a: {  	p0 =	seq.s32 s5, $0x0;
	s5 =	sld [smem:$0x3FB4]  }
0x2b: {  	s6 =	sld [smem:$0x3FB5]  }
0x2c: {  	s7 =	sld [smem:$0x3FB6]  }
0x2d: {  	s3 =	simm.s32 $0x108;
	s8 =	sld [smem:$0x3FB7]  }
0x2e: {  	s3 =	simm.s32 @!p0 $0x1082;
	s9 =	sld [smem:$0x3FB8]  }
0x2f: {  	lr =	sadd.s32 s0, s3;
	s0 =	sld [smem:$0x3FAF]  }
0x30: {  	s3 =	sld [smem:$0x3FB2]  }
0x31: {  	[smem:$0x3FBB] =	sst s10  }
0x32: {  	s10 =	sld [smem:$0x3FB9];
	_ =	sdelay $0x3  }
0x33: {  	p0 =	seq.s32 s10, $0x1;
	s10 =	sld [smem:$0x3FBB];
	_ =	sdelay $0x3  }
0x34: {  	[smem:$0x3FBB] =	sst s10  }
0x35: {  	s10 =	sld [smem:$0x3FBA];
	_ =	sdelay $0x3  }
0x36: {  	p1 =	seq.s32 s10, $0x1;
	s10 =	sld [smem:$0x3FBB];
	_ =	sdelay $0x3  }
0x37: {  	[smem:$0x3FBB] =	sst s10  }
0x38: {  	s10 =	sld [smem:$0x3FBC]  }
0x39: {  	_ = 	snop;
	(pc) =	sbr.ind lr, $3  }
0x3a: {  	_ = 	snop  }
0x3b: {  	_ = 	snop  }
0x3c: {  	p2 =	seq.s32 s10, $0x1;
	s10 =	sld [smem:$0x3FBB]  }
0x3d: {  	_ =	shalt  }
0x3e: {  	_ =	shalt  }
0x3f: {  	_ =	shalt  }
0x40: {  	_ =	shalt  }
0x41: {  	_ =	shalt  }
0x42: {  	_ =	shalt  }
0x43: {  	_ =	shalt  }
0x44: {  	_ =	shalt  }
0x45: {  	_ =	shalt  }
0x46: {  	_ =	shalt  }
0x47: {  	_ =	shalt  }
0x48: {  	_ =	shalt  }
0x49: {  	_ =	shalt  }
0x4a: {  	_ =	shalt  }
0x4b: {  	_ =	shalt  }
0x4c: {  	_ =	shalt  }
0x4d: {  	_ =	shalt  }
0x4e: {  	_ =	shalt  }
0x4f: {  	_ =	shalt  }
0x50: {  	_ =	shalt  }
0x51: {  	_ =	shalt  }
0x52: {  	_ =	shalt  }
0x53: {  	_ =	shalt  }
0x54: {  	_ =	shalt  }
0x55: {  	_ =	shalt  }
0x56: {  	_ =	shalt  }
0x57: {  	_ =	shalt  }
0x58: {  	_ =	shalt  }
0x59: {  	_ =	shalt  }
0x5a: {  	_ =	shalt  }
0x5b: {  	_ =	shalt  }
0x5c: {  	_ =	shalt  }
0x5d: {  	_ =	shalt  }
0x5e: {  	_ =	shalt  }
0x5f: {  	_ =	shalt  }
0x60: {  	_ =	shalt  }
0x61: {  	_ =	shalt  }
0x62: {  	_ =	shalt  }
0x63: {  	_ =	shalt  }
0x64: {  	_ =	shalt  }
0x65: {  	_ =	shalt  }
0x66: {  	_ =	shalt  }
0x67: {  	_ =	shalt  }
0x68: {  	_ =	shalt  }
0x69: {  	_ =	shalt  }
0x6a: {  	_ =	shalt  }
0x6b: {  	_ =	shalt  }
0x6c: {  	_ =	shalt  }
0x6d: {  	_ =	shalt  }
0x6e: {  	_ =	shalt  }
0x6f: {  	_ =	shalt  }
0x70: {  	_ =	shalt  }
0x71: {  	_ =	shalt  }
0x72: {  	_ =	shalt  }
0x73: {  	_ =	shalt  }
0x74: {  	_ =	shalt  }
0x75: {  	_ =	shalt  }
0x76: {  	_ =	shalt  }
0x77: {  	_ =	shalt  }
0x78: {  	_ =	shalt  }
0x79: {  	_ =	shalt  }
0x7a: {  	_ =	shalt  }
0x7b: {  	_ =	shalt  }
0x7c: {  	_ =	shalt  }
0x7d: {  	_ =	shalt  }
0x7e: {  	_ =	shalt  }
0x7f: {  	_ =	shalt  }
0x80: {  	_ =	shalt  }
0x81: {  	_ =	shalt  }
0x82: {  	_ =	shalt  }
0x83: {  	_ =	shalt  }
0x84: {  	_ =	shalt  }
0x85: {  	_ =	shalt  }
0x86: {  	_ =	shalt  }
0x87: {  	_ =	shalt  }
.Lfunc_end0:
.L_simem_size_0:
called_computation.1_lowered:
.L_overlay_start_0:
0x88: {  	s2 =	sld [smem:$0x3FD9]  }
0x89: {  	s3 =	sld [smem:$0x3FFE];
	_ =	sdelay $0x1  }
0x8a: {  	s1 =	srdreg.scid  }
0x8b: {  	s0 =	sand.u32 $0x1, s1  }
0x8c: {  	s17 =	sshll.u32 s0, $0xA;
	s2 =	sadd.s32 s3, s2  }
0x8d: {  	s2 =	sadd.s32 s2, s17  }
0x8e: {  	[smem:$0x3FC7] =	sst s2  }
0x8f: {  	_ = 	snop  }
0x90: {  	s2 =	sld [smem:$0x3FD0];
	(tm) =	ssettm $0x1  }
0x91: {  	s18 =	sld [smem:$0x3FFB];
	_ =	sdelay $0x3  }
0x92: {  	_ =	strace s18  }
0x93: {  	s3 =	sld [smem:$0x3FFC];
	_ =	sdelay $0x3  }
0x94: {  	_ =	strace s3  }
0x95: {  	s3 =	sld [smem:$0x3FFD];
	_ =	sdelay $0x3  }
0x96: {  	_ =	strace s3  }
0x97: {  	_ =	strace $0x8FFFFFFF  }
0x98: {  	s19 =	sld [smem:$0x3FDB];
	_ =	sdelay $0x1  }
0x99: {  	s4 =	simm.s32 $_scs_section_size  }
0x9a: {  	s5 =	simm.s32 $_size__tile_overlayer_lowered;
	s6 =	simm.s32 $_tile_overlayer_lowered  }
0x9b: {  	s22 =	simm.s32 $0x1BFF;
	s21 =	sshll.u32 s6, $0x1;
	s3 =	sadd.s32 s4, s19  }
0x9c: {  	s7 =	simm.s32 $0x0;
	s20 =	sshll.u32 s5, $0x1;
	s5 =	sadd.s32 s21, s3  }
0x9d: {  	[timem:s7], [sflag:s22] =	dma.local [hbm:s5], s20  }
0x9e: {  	_ =	swait.ge [sflag:s22], s20  }
0x9f: {  	s4 =	ssub.s32 $0x0, s20;
	[sflag:s22] =	ssyncset.done $0x0  }
0xa0: {  	[sflag:s22] =	ssyncadd.s32 s4;
	_ =	sdelay $0x1  }
0xa1: {  	s23 =	simm.s32 $0x1B8B  }
0xa2: {  	_ =	swait.ge [sflag:s23], $0x1  }
0xa3: {  	[sflag:s23] =	ssyncset.done $0x0  }
0xa4: {  	s25 =	simm.s32 $0x1B8E;
	s24 =	sld [smem:$0x3FFE];
	[sflag:s23] =	ssyncadd.s32 $0xFFFFFFFF  }
0xa5: {  	s26 =	simm.s32 $execute0_lowered;
	[smem:$0x3FD2] =	sst s25  }
0xa6: {  	s5 =	sshll.u32 s26, $0x1;
	_ =	strace $0x80000049;
	[dreg:$0x1] =	wrdreg $0xFFFFFFFF  }
0xa7: {  	s28 =	simm.s32 $_size_execute0_lowered;
	s3 =	sadd.s32 s3, s5;
	[dreg:$0x0] =	wrdreg $0x0  }
0xa8: {  	s5 =	sshll.u32 s28, $0x1;
	[dreg:$0x2] =	wrdreg s3  }
0xa9: {  	[dreg:$0x3] =	wrdreg s5  }
0xaa: {  	[dreg:$0x4] =	wrdreg $0xC0  }
0xab: {  	_ =	task [dreg:s7], $0x5FFFF  }
0xac: {  	[dreg:$0x1] =	wrdreg $0xFFFFFFFF  }
0xad: {  	[dreg:$0x0] =	wrdreg $0x60  }
0xae: {  	[dreg:$0x2] =	wrdreg s24  }
0xaf: {  	[dreg:$0x3] =	wrdreg s2  }
0xb0: {  	[dreg:$0x4] =	wrdreg $0x182000  }
0xb1: {  	[dreg:$0x5] =	wrdreg $0x9  }
0xb2: {  	_ =	task.clear_ibuf [dreg:s7], $0x6FFFF;
	_ =	strace $0x90000049  }
0xb3: {  	s29 =	simm.s32 $0x9;
	_ =	strace $0x8000004B  }
0xb4: {  	_ =	swait.ge [sflag:s29], $0x1  }
0xb5: {  	[sflag:s29] =	ssyncadd.s32 $0xFFFFFFFF  }
0xb6: {  	_ =	strace $0x9000004B  }
0xb7: {  	_ =	sfence  }
0xb8: {  	s30 =	sld [smem:$0x0];
	_ =	sdelay $0x2  }
0xb9: {  	s31 =	sshll.u32 s1, $0xD;
	s1 =	sshrl.u32 s1, $0x2  }
0xba: {  	s3 =	sand.u32 $0x4000, s31;
	s1 =	sadd.s32 s1, s30  }
0xbb: {  	s0 =	sor.u32 s3, s0;
	s1 =	sshll.u32 s1, $0x11  }
0xbc: {  	s0 =	sor.u32 s1, s0  }
0xbd: {  	s0 =	sadd.s32 $0x8F2B, s0  }
0xbe: {  	[sflag:s0] =	ssyncadd.remote.s32 $0x1  }
0xbf: {  	_ =	sfence.sel $0xFFFF  }
0xc0: {  	[dreg:$0x0] =	wrdreg $0xFFFFFFFF;
	(pc) =	sbr.abs _section_cstart, $3  }
0xc1: {  	[dreg:$0x1] =	wrdreg $0xFFFFFFFF  }
0xc2: {  	_ =	task.clear_ibuf [dreg:s7], $0x2FFFF;
	_ =	strace $0x9FFFFFFF  }
0xc3: {  	(tm) =	ssettm $0x7FFFFFFF  }
tec
execute0_lowered:
.L_overlay_start_1:
0x0: {  	(tag) =	ssettag $0x1  }
0x1: {  	s0 =	rddreg [dreg:$0x0]  }
0x2: {  	s18 =	rddreg [dreg:$0x1]  }
0x3: {  	s17 =	rddreg [dreg:$0x2];
	s3 =	simm.s32 $0x0;
	s1 =	srdreg.scid  }
0x4: {  	s24 =	stileid.u32;
	[smem:$0x7FF] =	sst s3;
	s5 =	sadd.s32 $0xC00, s0  }
0x5: {  	s1 =	sand.u32 $0x1, s1;
	s4 =	sshll.u32 s24, $0x10;
	s6 =	sadd.s32 $0x200C00, s0  }
0x6: {  	s12 =	sshll.u32 s24, $0x14;
	s14 =	sshll.u32 s24, $0x13;
	s16 =	sshll.u32 s24, $0x4  }
0x7: {  	_ =	strace $0x8000004A;
	s2 =	ssub.s32 $0x2, s1;
	s1 =	sshll.u32 s1, $0x17  }
0x8: {  	s29 =	sadd.s32 s16, s17;
	s23 =	sshrl.u32 s2, $0x1;
	s19 =	sor.u32 s4, s1  }
0x9: {  	s12 =	sadd.s32 s12, s1;
	s1 =	sor.u32 s1, s14;
	[dreg:$0xb] =	wrdreg s29  }
0xa: {  	p4 =	sgt.u32 s24, $0x7;
	s7 =	ssub.s32 s2, s23;
	[dreg:$0xa] =	wrdreg s1  }
0xb: {  	s25 =	sshrl.u32 s19, $0x3;
	s26 =	sor.u32 $0x100000, s19;
	[dreg:$0x4] =	wrdreg s19  }
0xc: {  	s4 =	sor.u32 $0x200000, s19;
	s8 =	sor.u32 $0x300000, s19;
	[dreg:$0x9] =	wrdreg s12  }
0xd: {  	s10 =	sor.u32 $0x400000, s19;
	s30 =	sshrl.u32 s12, $0x3;
	[dreg:$0x5] =	wrdreg s26  }
0xe: {  	s14 =	sor.u32 $0x700000, s19;
	s29 =	sor.u32 $0x4000, s12;
	[dreg:$0x6] =	wrdreg s4  }
0xf: {  	s9 =	sadd.s32 s5, s25;
	s2 =	sshrl.u32 s26, $0x3;
	[dreg:$0x7] =	wrdreg s8  }
0x10: {  	s4 =	sshrl.u32 s4, $0x3;
	s8 =	sshrl.u32 s8, $0x3;
	[dreg:$0x8] =	wrdreg s10  }
0x11: {  	s10 =	sshrl.u32 s10, $0x3;
	s1 =	sadd.s32 s5, s30;
	s20 =	sadd.s32 s6, s25  }
0x12: {  	[dreg:$0xf] =	wrdreg s14;
	s16 =	sshrl.u32 s14, $0x3;
	s17 =	smax.u32 s7, $0x1  }
0x13: {  	[dreg:$0x11] =	wrdreg s29;
	s30 =	sor.u32 $0x2000, s12;
	s7 =	simm.s32 @!p4 $0x0  }
0x14: {  	s11 =	sadd.s32 s5, s2;
	s13 =	sadd.s32 s5, s4;
	s15 =	sadd.s32 s5, s8  }
0x15: {  	[dreg:$0xc] =	wrdreg s1;
	s21 =	sadd.s32 s6, s2;
	s22 =	sadd.s32 s6, s4  }
0x16: {  	s23 =	sadd.s32 s6, s8;
	s8 =	sor.u32 $0x500000, s19;
	s25 =	sadd.s32 s5, s10  }
0x17: {  	s26 =	sadd.s32 s6, s10;
	s10 =	sor.u32 $0x600000, s19;
	[dreg:$0x10] =	wrdreg s17  }
0x18: {  	s2 =	sadd.s32 s5, s16;
	s19 =	sadd.s32 s6, s16;
	[dreg:$0x12] =	wrdreg s30  }
.Ltmp0:
0x19: {  	s16 =	simm.s32 $0x6;
	[dreg:$0xd] =	wrdreg s8;
	(pc) =	sbr.rel .LBB2_1-.Ltmp0, $4  }
0x1a: {  	s7 =	simm.s32 @p4 $0x1;
	s0 =	sshrl.u32 s8, $0x3;
	[dreg:$0xe] =	wrdreg s10  }
0x1b: {  	vm0 =	vmmov $0x1;
	v2 =	vimm.s32 $0x0;
	s1 =	sshrl.u32 s10, $0x3;
	s8 =	simm.s32 $0x9;
	s10 =	simm.s32 $0x0  }
0x1c: {  	v1 =	vimm.s32 $0x0;
	v2 =	vsel vm0, $0xFFFFFFFF, v2;
	[smem:$0x7FD] =	sst s7;
	s28 =	sadd.s32 s5, s0;
	s31 =	sadd.s32 s6, s0  }
0x1d: {  	v3 =	vimm.f32 $1.010000040e+01;
	v0 =	vmov s24;
	[tilespmem:$0x1FFF0] =	vst v2;
	v2 =	vlaneseq.u32;
	s0 =	sadd.s32 s5, s1;
	s4 =	sadd.s32 s6, s1;
	s1 =	simm.s32 $0x5  }
.LBB2_263:
0x1e: {  	s7 =	simm.s32 $0x8  }
0x1f: {  	_ =	swait.ge [sflag:s7], $0x8000  }
0x20: {  	s30 =	sld [smem:$0x7FD];
	_ =	sdelay $0x1  }
0x21: {  	[sflag:s7] =	ssyncset.done $0x0  }
0x22: {  	s10 =	rddreg [dreg:$0x13];
	[sflag:s7] =	ssyncadd.s32 $0xFFFF8000;
	p4 =	seq.s32 s30, $0x1  }
.LBB2_264:
0x23: {  	s10 =	sadd.s32 $0x1, s10;
	s7 =	rddreg [dreg:$0x10]  }
0x24: {  	p0 =	sne.s32 s10, s7  }
.Ltmp1:
0x25: {  	_ = 	snop;
	(pc) =	sbr.rel @!p0 .LBB2_265-.Ltmp1, $1  }
0x26: {  	_ =	sdelay $0x3  }
.LBB2_1:
0x27: {  	[dreg:$0x13] =	wrdreg s10;
	s7 =	simm.s32 $0x10  }
0x28: {  	s14 =	sadd.s32 $0x0, s9;
	s10 =	simm.s32 $0x8480;
	s12 =	simm.s32 $0x8080  }
.LBB2_2:
0x29: {  	[tilespmem:s12], [sflag:$0x5] =	stream.linear.gather [hbm4b:s14+s3], $0x80, $0x38;
	[tilespmem:$0x18210] =	vst v63  }
0x2a: {  	s14 =	smov.u32 s7;
	s12 =	smov.u32 s10;
	p0 =	sne.s32 s7, $0x1F0  }
.Ltmp2:
0x2b: {  	s7 =	sadd.s32 $0x10, s7;
	(pc) =	sbr.rel @p0 .LBB2_2-.Ltmp2, $2  }
0x2c: {  	_ =	sdelay $0x2  }
0x2d: {  	s10 =	sadd.s32 $0x400, s10;
	s14 =	sadd.s32 s14, s9  }
0x2e: {  	[tilespmem:s12], [sflag:$0x5] =	stream.linear.gather [hbm4b:s14+s3], $0x80, $0x38;
	[tilespmem:$0x18210] =	vst v63  }
0x2f: {  	s7 =	simm.s32 $0x8100  }
0x30: {  	s10 =	simm.s32 $0x10;
	s14 =	sadd.s32 $0x0, s11;
	s12 =	simm.s32 $0x8500  }
.LBB2_4:
0x31: {  	[tilespmem:s7], [sflag:$0x5] =	stream.linear.gather [hbm4b:s14+s3], $0x80, $0x38;
	[tilespmem:$0x18210] =	vst v63  }
0x32: {  	s14 =	smov.u32 s10;
	s7 =	smov.u32 s12;
	p0 =	sne.s32 s10, $0x1F0  }
.Ltmp3:
0x33: {  	s10 =	sadd.s32 $0x10, s10;
	(pc) =	sbr.rel @p0 .LBB2_4-.Ltmp3, $2  }
0x34: {  	_ =	sdelay $0x2  }
0x35: {  	s12 =	sadd.s32 $0x400, s12;
	s14 =	sadd.s32 s14, s11  }
0x36: {  	[tilespmem:s7], [sflag:$0x5] =	stream.linear.gather [hbm4b:s14+s3], $0x80, $0x38;
	[tilespmem:$0x18210] =	vst v63  }
0x37: {  	s7 =	simm.s32 $0x8180  }
0x38: {  	s10 =	simm.s32 $0x10;
	s14 =	sadd.s32 $0x0, s13;
	s12 =	simm.s32 $0x8580  }
.LBB2_6:
0x39: {  	[tilespmem:s7], [sflag:$0x5] =	stream.linear.gather [hbm4b:s14+s3], $0x80, $0x38;
	[tilespmem:$0x18210] =	vst v63  }
0x3a: {  	s14 =	smov.u32 s10;
	s7 =	smov.u32 s12;
	p0 =	sne.s32 s10, $0x1F0  }
.Ltmp4:
0x3b: {  	s10 =	sadd.s32 $0x10, s10;
	(pc) =	sbr.rel @p0 .LBB2_6-.Ltmp4, $2  }
0x3c: {  	_ =	sdelay $0x2  }
0x3d: {  	s12 =	sadd.s32 $0x400, s12;
	s14 =	sadd.s32 s14, s13  }
0x3e: {  	[tilespmem:s7], [sflag:$0x5] =	stream.linear.gather [hbm4b:s14+s3], $0x80, $0x38;
	[tilespmem:$0x18210] =	vst v63  }
0x3f: {  	s7 =	simm.s32 $0x8200  }
0x40: {  	s10 =	simm.s32 $0x10;
	s14 =	sadd.s32 $0x0, s15;
	s12 =	simm.s32 $0x8600  }
.LBB2_8:
0x41: {  	[tilespmem:s7], [sflag:$0x5] =	stream.linear.gather [hbm4b:s14+s3], $0x80, $0x38;
	[tilespmem:$0x18210] =	vst v63  }
0x42: {  	s14 =	smov.u32 s10;
	s7 =	smov.u32 s12;
	p0 =	sne.s32 s10, $0x1F0  }
.Ltmp5:
0x43: {  	s10 =	sadd.s32 $0x10, s10;
	(pc) =	sbr.rel @p0 .LBB2_8-.Ltmp5, $2  }
0x44: {  	_ =	sdelay $0x2  }
0x45: {  	s12 =	sadd.s32 $0x400, s12;
	s14 =	sadd.s32 s14, s15  }
0x46: {  	[tilespmem:s7], [sflag:$0x5] =	stream.linear.gather [hbm4b:s14+s3], $0x80, $0x38;
	[tilespmem:$0x18210] =	vst v63  }
0x47: {  	s7 =	simm.s32 $0x8280  }
0x48: {  	s10 =	simm.s32 $0x10;
	s14 =	sadd.s32 $0x0, s25;
	s12 =	simm.s32 $0x8680  }
.LBB2_10:
0x49: {  	[tilespmem:s7], [sflag:$0x5] =	stream.linear.gather [hbm4b:s14+s3], $0x80, $0x38;
	[tilespmem:$0x18210] =	vst v63  }
0x4a: {  	s14 =	smov.u32 s10;
	s7 =	smov.u32 s12;
	p0 =	sne.s32 s10, $0x1F0  }
.Ltmp6:
0x4b: {  	s10 =	sadd.s32 $0x10, s10;
	(pc) =	sbr.rel @p0 .LBB2_10-.Ltmp6, $2  }
0x4c: {  	_ =	sdelay $0x2  }
0x4d: {  	s12 =	sadd.s32 $0x400, s12;
	s14 =	sadd.s32 s14, s25  }
0x4e: {  	[tilespmem:s7], [sflag:$0x5] =	stream.linear.gather [hbm4b:s14+s3], $0x80, $0x38;
	[tilespmem:$0x18210] =	vst v63  }
0x4f: {  	s7 =	simm.s32 $0x8300  }
0x50: {  	s10 =	simm.s32 $0x10;
	s14 =	sadd.s32 $0x0, s28;
	s12 =	simm.s32 $0x8700  }
.LBB2_12:
0x51: {  	[tilespmem:s7], [sflag:$0x5] =	stream.linear.gather [hbm4b:s14+s3], $0x80, $0x38;
	[tilespmem:$0x18210] =	vst v63  }
0x52: {  	s14 =	smov.u32 s10;
	s7 =	smov.u32 s12;
	p0 =	sne.s32 s10, $0x1F0  }
.Ltmp7:
0x53: {  	s10 =	sadd.s32 $0x10, s10;
	(pc) =	sbr.rel @p0 .LBB2_12-.Ltmp7, $2  }
0x54: {  	_ =	sdelay $0x2  }
0x55: {  	s12 =	sadd.s32 $0x400, s12;
	s14 =	sadd.s32 s14, s28  }
0x56: {  	[tilespmem:s7], [sflag:$0x5] =	stream.linear.gather [hbm4b:s14+s3], $0x80, $0x38;
	[tilespmem:$0x18210] =	vst v63  }
0x57: {  	s7 =	simm.s32 $0x8380  }
0x58: {  	s10 =	simm.s32 $0x10;
	s14 =	sadd.s32 $0x0, s0;
	s12 =	simm.s32 $0x8780  }
.LBB2_14:
0x59: {  	[tilespmem:s7], [sflag:$0x5] =	stream.linear.gather [hbm4b:s14+s3], $0x80, $0x38;
	[tilespmem:$0x18210] =	vst v63  }
0x5a: {  	s14 =	smov.u32 s10;
	s7 =	smov.u32 s12;
	p0 =	sne.s32 s10, $0x1F0  }
.Ltmp8:
0x5b: {  	s10 =	sadd.s32 $0x10, s10;
	(pc) =	sbr.rel @p0 .LBB2_14-.Ltmp8, $2  }
0x5c: {  	_ =	sdelay $0x2  }
0x5d: {  	s12 =	sadd.s32 $0x400, s12;
	s14 =	sadd.s32 s14, s0  }
0x5e: {  	[tilespmem:s7], [sflag:$0x5] =	stream.linear.gather [hbm4b:s14+s3], $0x80, $0x38;
	[tilespmem:$0x18210] =	vst v63  }
0x5f: {  	s10 =	simm.s32 $0x0;
	s7 =	simm.s32 $0x8400;
	s12 =	simm.s32 $0x0  }
.LBB2_16:
0x60: {  	p0 =	sne.s32 s12, $0x1F0  }
.Ltmp9:
0x61: {  	_ = 	snop;
	(pc) =	sbr.rel @p0 .LBB2_16-.Ltmp9, $4  }
0x62: {  	_ = 	snop  }
0x63: {  	s14 =	sadd.s32 s12, s2  }
0x64: {  	[tilespmem:s7], [sflag:$0x5] =	stream.linear.gather [hbm4b:s14+s10], $0x80, $0x38;
	[tilespmem:$0x18210] =	vst v63  }
0x65: {  	s12 =	sadd.s32 $0x10, s12;
	s7 =	sadd.s32 $0x400, s7  }
0x66: {  	v11 =	vimm.s32 $0x0;
	v4 =	vimm.s32 $0x0  }
0x67: {  	v5 =	vimm.s32 $0x0;
	v7 =	vimm.s32 $0x0;
	v6 =	vimm.s32 $0x0  }
0x68: {  	v8 =	vimm.s32 $0x0;
	v9 =	vimm.s32 $0x0;
	v10 =	vimm.s32 $0x0  }
.LBB2_18:
0x69: {  	_ =	swait.ge [sflag:s1], $0x1000  }
0x6a: {  	[sflag:s1] =	ssyncset.done $0x0  }
0x6b: {  	[sflag:s1] =	ssyncadd.s32 $0xFFFFF000  }
0x6c: {  	_ =	swait.ge [sflag:s1], $0x1000  }
0x6d: {  	[sflag:s1] =	ssyncset.done $0x0  }
0x6e: {  	[sflag:s1] =	ssyncadd.s32 $0xFFFFF000  }
0x6f: {  	_ =	swait.ge [sflag:s1], $0x1000  }
0x70: {  	[sflag:s1] =	ssyncset.done $0x0  }
0x71: {  	[sflag:s1] =	ssyncadd.s32 $0xFFFFF000  }
0x72: {  	_ =	swait.ge [sflag:s1], $0x1000  }
0x73: {  	[sflag:s1] =	ssyncset.done $0x0  }
0x74: {  	[sflag:s1] =	ssyncadd.s32 $0xFFFFF000  }
0x75: {  	_ =	swait.ge [sflag:s1], $0x1000  }
0x76: {  	[sflag:s1] =	ssyncset.done $0x0  }
0x77: {  	[sflag:s1] =	ssyncadd.s32 $0xFFFFF000  }
0x78: {  	_ =	swait.ge [sflag:s1], $0x1000  }
0x79: {  	[sflag:s1] =	ssyncset.done $0x0  }
0x7a: {  	[sflag:s1] =	ssyncadd.s32 $0xFFFFF000  }
0x7b: {  	_ =	swait.ge [sflag:s1], $0x1000  }
0x7c: {  	[sflag:s1] =	ssyncset.done $0x0  }
0x7d: {  	[sflag:s1] =	ssyncadd.s32 $0xFFFFF000  }
0x7e: {  	_ =	swait.ge [sflag:s1], $0x1000  }
0x7f: {  	s7 =	sshll.u32 s10, $0x10;
	s12 =	rddreg [dreg:$0xa]  }
0x80: {  	s7 =	sadd.s32 s12, s7  }
0x81: {  	s14 =	simm.s32 $0x8080;
	[sflag:s1] =	ssyncset.done $0x0;
	s7 =	sshrl.u32 s7, $0x3  }
0x82: {  	[sflag:s1] =	ssyncadd.s32 $0xFFFFF000;
	s17 =	sadd.s32 s18, s7;
	s7 =	simm.s32 $0x0  }
0x83: {  	[hbm4b:s17+s7] =	stream.linear.scatter [tilespmem:s14], [sflag:$0x7], $0x8000, $0x38;
	[tilespmem:$0x18210] =	vst v63  }
0x84: {  	s24 =	sand.u32 $0x7, s7  }
0x85: {  	s12 =	sshll.u32 s24, $0x4  }
0x86: {  	s12 =	sadd.s32 $0x0, s12  }
0x87: {  	s30 =	sand.u32 $0x70, s7;
	s17 =	sand.u32 $0x7C00, s7;
	s12 =	sor.u32 $0x380, s12  }
0x88: {  	s14 =	sor.u32 s30, s17;
	v12 =	vld [tilespmem:s12+$0x8080]  }
0x89: {  	v13 =	vld [tilespmem:s14+$0x8080]  }
0x8a: {  	v14 =	vld [tilespmem:s14+$0x8100]  }
0x8b: {  	v15 =	vld [tilespmem:s14+$0x8180]  }
0x8c: {  	v16 =	vld [tilespmem:s14+$0x8200]  }
0x8d: {  	v17 =	vld [tilespmem:s14+$0x8280];
	vm1 =	vlt.f32 v12, $1.010000040e+01;
	vm2 =	vgt.f32 v12, $1.010000040e+01  }
0x8e: {  	vm1 =	vmor vm2, vm1  }
0x8f: {  	vm8 =	vlt.f32 v13, $1.010000040e+01;
	vm9 =	vgt.f32 v13, $1.010000040e+01;
	v13 =	vld [tilespmem:s14+$0x8300];
	v12 =	vsel vm1, $0x1, v1  }
0x90: {  	vm11 =	vlt.f32 v14, $1.010000040e+01;
	v11 =	vadd.s32 v12, v11;
	v12 =	vld [tilespmem:s14+$0x8380]  }
0x91: {  	vm13 =	vgt.f32 v14, $1.010000040e+01;
	vm12 =	vgt.f32 v15, $1.010000040e+01;
	vm10 =	vlt.f32 v16, $1.010000040e+01  }
0x92: {  	s12 =	simm.s32 $0x1;
	vm8 =	vmor vm9, vm8;
	vm9 =	vmor vm13, vm11;
	vm11 =	vlt.f32 v17, $1.010000040e+01  }
0x93: {  	s24 =	simm.s32 $0x10;
	s29 =	sand.u32 $0x7, s12;
	vm13 =	vgt.f32 v17, $1.010000040e+01;
	vm2 =	vlt.f32 v15, $1.010000040e+01;
	vm1 =	vgt.f32 v16, $1.010000040e+01;
	s14 =	simm.s32 $0x20  }
.LBB2_19:
0x94: {  	p0 =	sne.s32 s14, $0xFF0;
	s17 =	sshll.u32 s29, $0x4;
	vm2 =	vmor vm12, vm2;
	vm12 =	vlt.f32 v13, $1.010000040e+01;
	vm14 =	vgt.f32 v13, $1.010000040e+01;
	s7 =	sadd.s32 $0x80, s7  }
0x95: {  	s24 =	sand.u32 $0x70, s24;
	vm1 =	vmor vm1, vm10;
	s17 =	sadd.s32 s17, s7;
	s29 =	sand.u32 $0x7C00, s7;
	vm10 =	vlt.f32 v12, $1.010000040e+01;
	vm15 =	vgt.f32 v12, $1.010000040e+01  }
0x96: {  	vm11 =	vmor vm13, vm11;
	vm12 =	vmor vm14, vm12;
	s29 =	sor.u32 s24, s29;
	s17 =	sor.u32 $0x380, s17;
	vm10 =	vmor vm15, vm10;
	s24 =	smov.u32 s14  }
0x97: {  	v13 =	vsel vm8, $0x1, v1;
	v14 =	vsel vm9, $0x1, v1;
	v15 =	vsel vm2, $0x1, v1;
	v12 =	vld [tilespmem:s17+$0x8080]  }
0x98: {  	v17 =	vsel vm1, $0x1, v1;
	v18 =	vsel vm11, $0x1, v1;
	v19 =	vsel vm12, $0x1, v1;
	v16 =	vld [tilespmem:s29+$0x8080]  }
0x99: {  	v10 =	vadd.s32 v13, v10;
	v9 =	vadd.s32 v14, v9;
	v13 =	vsel vm10, $0x1, v1;
	v20 =	vld [tilespmem:s29+$0x8100]  }
0x9a: {  	v8 =	vadd.s32 v15, v8;
	v6 =	vadd.s32 v17, v6;
	v7 =	vadd.s32 v18, v7;
	v14 =	vld [tilespmem:s29+$0x8180]  }
0x9b: {  	v5 =	vadd.s32 v19, v5;
	v4 =	vadd.s32 v13, v4;
	v15 =	vld [tilespmem:s29+$0x8200]  }
0x9c: {  	v17 =	vld [tilespmem:s29+$0x8280];
	vm1 =	vlt.f32 v12, $1.010000040e+01;
	vm2 =	vgt.f32 v12, $1.010000040e+01  }
.Ltmp10:
0x9d: {  	vm8 =	vlt.f32 v16, $1.010000040e+01;
	vm9 =	vgt.f32 v16, $1.010000040e+01;
	v13 =	vld [tilespmem:s29+$0x8300];
	vm1 =	vmor vm2, vm1;
	(pc) =	sbr.rel @p0 .LBB2_19-.Ltmp10, $4  }
0x9e: {  	vm11 =	vlt.f32 v20, $1.010000040e+01;
	vm13 =	vgt.f32 v20, $1.010000040e+01;
	v12 =	vld [tilespmem:s29+$0x8380];
	v16 =	vsel vm1, $0x1, v1  }
0x9f: {  	vm2 =	vlt.f32 v14, $1.010000040e+01;
	vm12 =	vgt.f32 v14, $1.010000040e+01;
	v11 =	vadd.s32 v16, v11  }
0xa0: {  	s12 =	sadd.s32 $0x1, s12;
	vm8 =	vmor vm9, vm8;
	vm10 =	vlt.f32 v15, $1.010000040e+01;
	vm1 =	vgt.f32 v15, $1.010000040e+01  }
0xa1: {  	s14 =	sadd.s32 $0x10, s14;
	s29 =	sand.u32 $0x7, s12;
	vm9 =	vmor vm13, vm11;
	vm11 =	vlt.f32 v17, $1.010000040e+01;
	vm13 =	vgt.f32 v17, $1.010000040e+01  }
0xa2: {  	s12 =	sshll.u32 s29, $0x4;
	s7 =	sadd.s32 $0x80, s7  }
0xa3: {  	s12 =	sadd.s32 s12, s7  }
0xa4: {  	vm2 =	vmor vm12, vm2;
	vm6 =	vlt.f32 v13, $1.010000040e+01;
	vm14 =	vgt.f32 v13, $1.010000040e+01;
	s14 =	sand.u32 $0x70, s24;
	s7 =	sand.u32 $0x7C00, s7;
	s12 =	sor.u32 $0x380, s12  }
0xa5: {  	vm1 =	vmor vm1, vm10;
	vm11 =	vmor vm13, vm11;
	v55 =	vsel vm8, $0x1, v1;
	s7 =	sor.u32 s14, s7;
	v54 =	vld [tilespmem:s12+$0x8080]  }
0xa6: {  	v14 =	vsel vm9, $0x1, v1;
	vm7 =	vlt.f32 v12, $1.010000040e+01;
	vm15 =	vgt.f32 v12, $1.010000040e+01;
	v16 =	vld [tilespmem:s7+$0x8080]  }
0xa7: {  	vm12 =	vmor vm14, vm6;
	v15 =	vsel vm2, $0x1, v1;
	v17 =	vsel vm1, $0x1, v1;
	v20 =	vld [tilespmem:s7+$0x8100]  }
0xa8: {  	v18 =	vsel vm11, $0x1, v1;
	v10 =	vadd.s32 v55, v10;
	v9 =	vadd.s32 v14, v9;
	v57 =	vld [tilespmem:s7+$0x8180]  }
0xa9: {  	vm10 =	vmor vm15, vm7;
	v19 =	vsel vm12, $0x1, v1;
	v58 =	vadd.s32 v17, v6;
	v6 =	vld [tilespmem:s7+$0x8200]  }
0xaa: {  	v8 =	vadd.s32 v15, v8;
	v59 =	vadd.s32 v18, v7;
	v56 =	vsel vm10, $0x1, v1  }
0xab: {  	v60 =	vadd.s32 v19, v5;
	v13 =	vadd.s32 v56, v4;
	v4 =	vld [tilespmem:s7+$0x8280];
	vm12 =	vlt.f32 v54, $1.010000040e+01  }
0xac: {  	v7 =	vld [tilespmem:s7+$0x8380];
	vm13 =	vgt.f32 v54, $1.010000040e+01;
	vm14 =	vlt.f32 v16, $1.010000040e+01;
	vm15 =	vgt.f32 v16, $1.010000040e+01  }
0xad: {  	v5 =	vld [tilespmem:s7+$0x8300];
	vm2 =	vlt.f32 v20, $1.010000040e+01;
	vm10 =	vgt.f32 v20, $1.010000040e+01;
	vm4 =	vlt.f32 v57, $1.010000040e+01  }
0xae: {  	vm5 =	vgt.f32 v57, $1.010000040e+01;
	vm6 =	vlt.f32 v6, $1.010000040e+01;
	vm7 =	vgt.f32 v6, $1.010000040e+01  }
0xaf: {  	vm1 =	vmor vm13, vm12;
	vm8 =	vmor vm15, vm14;
	vm2 =	vmor vm10, vm2  }
0xb0: {  	vm10 =	vlt.f32 v4, $1.010000040e+01;
	vm13 =	vgt.f32 v4, $1.010000040e+01;
	vm9 =	vmor vm7, vm6  }
0xb1: {  	p0 =	seq.s32 s10, $0x0;
	vm6 =	vlt.f32 v7, $1.010000040e+01;
	vm7 =	vgt.f32 v7, $1.010000040e+01;
	v61 =	vsel vm1, $0x1, v1  }
0xb2: {  	s14 =	simm.s32 @!p0 $0x8;
	vm1 =	vmor vm5, vm4;
	vm4 =	vlt.f32 v5, $1.010000040e+01;
	vm5 =	vgt.f32 v5, $1.010000040e+01  }
0xb3: {  	s7 =	sshllo.u32 s10, $0x1;
	_ =	swait.ge @!p0 [sflag:s14], $0x8000;
	vm10 =	vmor vm13, vm10;
	vm12 =	vmor vm7, vm6;
	v4 =	vsel vm8, $0x1, v1  }
0xb4: {  	s12 =	sshll.u32 s7, $0xC;
	s17 =	rddreg [dreg:$0x4];
	v5 =	vsel vm2, $0x1, v1;
	v7 =	vsel vm9, $0x1, v1;
	v11 =	vadd.s32 v61, v11  }
0xb5: {  	s17 =	sor.u32 s17, s12;
	vm11 =	vmor vm5, vm4;
	v6 =	vsel vm1, $0x1, v1;
	v62 =	vsel vm10, $0x1, v1  }
0xb6: {  	[sflag:s14] =	ssyncset.done @!p0 $0x0;
	s17 =	sshrl.u32 s17, $0x3;
	v4 =	vadd.s32 v4, v10;
	v5 =	vadd.s32 v5, v9;
	v9 =	vsel vm12, $0x1, v1  }
0xb7: {  	s24 =	simm.s32 $0x10080;
	[sflag:s14] =	ssyncadd.s32 @!p0 $0xFFFF8000;
	s14 =	sadd.s32 s5, s17;
	v7 =	vadd.s32 v7, v58;
	v63 =	vsel vm11, $0x1, v1;
	v6 =	vadd.s32 v6, v8  }
0xb8: {  	s29 =	simm.s32 $0x10;
	s30 =	simm.s32 $0x10480;
	s17 =	sadd.s32 $0x0, s14;
	v10 =	vadd.s32 v62, v59;
	v9 =	vadd.s32 v9, v13;
	v8 =	vadd.s32 v63, v60  }
.LBB2_21:
0xb9: {  	[tilespmem:s24], [sflag:$0x6] =	stream.linear.gather [hbm4b:s17+s3], $0x80, $0x38;
	[tilespmem:$0x18210] =	vst v63  }
0xba: {  	s17 =	smov.u32 s29;
	s24 =	smov.u32 s30;
	p0 =	sne.s32 s29, $0x1F0  }
.Ltmp11:
0xbb: {  	s29 =	sadd.s32 $0x10, s29;
	(pc) =	sbr.rel @p0 .LBB2_21-.Ltmp11, $2  }
0xbc: {  	_ =	sdelay $0x2  }
0xbd: {  	s30 =	sadd.s32 $0x400, s30;
	s17 =	sadd.s32 s17, s14  }
0xbe: {  	[tilespmem:s24], [sflag:$0x6] =	stream.linear.gather [hbm4b:s17+s3], $0x80, $0x38;
	[tilespmem:$0x18210] =	vst v63  }
0xbf: {  	s14 =	rddreg [dreg:$0x5]  }
0xc0: {  	s14 =	sor.u32 s14, s12  }
0xc1: {  	s14 =	sshrl.u32 s14, $0x3  }
0xc2: {  	s24 =	simm.s32 $0x10100;
	s14 =	sadd.s32 s5, s14  }
0xc3: {  	s29 =	simm.s32 $0x10;
	s30 =	simm.s32 $0x10500;
	s17 =	sadd.s32 $0x0, s14  }
.LBB2_23:
0xc4: {  	[tilespmem:s24], [sflag:$0x6] =	stream.linear.gather [hbm4b:s17+s3], $0x80, $0x38;
	[tilespmem:$0x18210] =	vst v63  }
0xc5: {  	s17 =	smov.u32 s29;
	s24 =	smov.u32 s30;
	p0 =	sne.s32 s29, $0x1F0  }
.Ltmp12:
0xc6: {  	s29 =	sadd.s32 $0x10, s29;
	(pc) =	sbr.rel @p0 .LBB2_23-.Ltmp12, $2  }
0xc7: {  	_ =	sdelay $0x2  }
0xc8: {  	s30 =	sadd.s32 $0x400, s30;
	s17 =	sadd.s32 s17, s14  }
0xc9: {  	[tilespmem:s24], [sflag:$0x6] =	stream.linear.gather [hbm4b:s17+s3], $0x80, $0x38;
	[tilespmem:$0x18210] =	vst v63  }
0xca: {  	s14 =	rddreg [dreg:$0x6]  }
0xcb: {  	s14 =	sor.u32 s14, s12  }
0xcc: {  	s14 =	sshrl.u32 s14, $0x3  }
0xcd: {  	s24 =	simm.s32 $0x10180;
	s14 =	sadd.s32 s5, s14  }
0xce: {  	s29 =	simm.s32 $0x10;
	s30 =	simm.s32 $0x10580;
	s17 =	sadd.s32 $0x0, s14  }
.LBB2_25:
0xcf: {  	[tilespmem:s24], [sflag:$0x6] =	stream.linear.gather [hbm4b:s17+s3], $0x80, $0x38;
	[tilespmem:$0x18210] =	vst v63  }
0xd0: {  	s17 =	smov.u32 s29;
	s24 =	smov.u32 s30;
	p0 =	sne.s32 s29, $0x1F0  }
.Ltmp13:
0xd1: {  	s29 =	sadd.s32 $0x10, s29;
	(pc) =	sbr.rel @p0 .LBB2_25-.Ltmp13, $2  }
0xd2: {  	_ =	sdelay $0x2  }
0xd3: {  	s30 =	sadd.s32 $0x400, s30;
	s17 =	sadd.s32 s17, s14  }
0xd4: {  	[tilespmem:s24], [sflag:$0x6] =	stream.linear.gather [hbm4b:s17+s3], $0x80, $0x38;
	[tilespmem:$0x18210] =	vst v63  }
0xd5: {  	s14 =	rddreg [dreg:$0x7]  }
0xd6: {  	s14 =	sor.u32 s14, s12  }
0xd7: {  	s14 =	sshrl.u32 s14, $0x3  }
0xd8: {  	s24 =	simm.s32 $0x10200;
	s14 =	sadd.s32 s5, s14  }
0xd9: {  	s29 =	simm.s32 $0x10;
	s30 =	simm.s32 $0x10600;
	s17 =	sadd.s32 $0x0, s14  }
.LBB2_27:
0xda: {  	[tilespmem:s24], [sflag:$0x6] =	stream.linear.gather [hbm4b:s17+s3], $0x80, $0x38;
	[tilespmem:$0x18210] =	vst v63  }
0xdb: {  	s17 =	smov.u32 s29;
	s24 =	smov.u32 s30;
	p0 =	sne.s32 s29, $0x1F0  }
.Ltmp14:
0xdc: {  	s29 =	sadd.s32 $0x10, s29;
	(pc) =	sbr.rel @p0 .LBB2_27-.Ltmp14, $2  }
0xdd: {  	_ =	sdelay $0x2  }
0xde: {  	s30 =	sadd.s32 $0x400, s30;
	s17 =	sadd.s32 s17, s14  }
0xdf: {  	[tilespmem:s24], [sflag:$0x6] =	stream.linear.gather [hbm4b:s17+s3], $0x80, $0x38;
	[tilespmem:$0x18210] =	vst v63  }
0xe0: {  	s14 =	rddreg [dreg:$0x8]  }
0xe1: {  	s14 =	sor.u32 s14, s12  }
0xe2: {  	s14 =	sshrl.u32 s14, $0x3  }
0xe3: {  	s24 =	simm.s32 $0x10280;
	s14 =	sadd.s32 s5, s14  }
0xe4: {  	s29 =	simm.s32 $0x10;
	s30 =	simm.s32 $0x10680;
	s17 =	sadd.s32 $0x0, s14  }
.LBB2_29:
0xe5: {  	[tilespmem:s24], [sflag:$0x6] =	stream.linear.gather [hbm4b:s17+s3], $0x80, $0x38;
	[tilespmem:$0x18210] =	vst v63  }
0xe6: {  	s17 =	smov.u32 s29;
	s24 =	smov.u32 s30;
	p0 =	sne.s32 s29, $0x1F0  }
.Ltmp15:
0xe7: {  	s29 =	sadd.s32 $0x10, s29;
	(pc) =	sbr.rel @p0 .LBB2_29-.Ltmp15, $2  }
0xe8: {  	_ =	sdelay $0x2  }
0xe9: {  	s30 =	sadd.s32 $0x400, s30;
	s17 =	sadd.s32 s17, s14  }
0xea: {  	[tilespmem:s24], [sflag:$0x6] =	stream.linear.gather [hbm4b:s17+s3], $0x80, $0x38;
	[tilespmem:$0x18210] =	vst v63  }
0xeb: {  	s14 =	rddreg [dreg:$0xd]  }
0xec: {  	s14 =	sor.u32 s14, s12  }
0xed: {  	s14 =	sshrl.u32 s14, $0x3  }
0xee: {  	s24 =	simm.s32 $0x10300;
	s14 =	sadd.s32 s5, s14  }
0xef: {  	s29 =	simm.s32 $0x10;
	s30 =	simm.s32 $0x10700;
	s17 =	sadd.s32 $0x0, s14  }
.LBB2_31:
0xf0: {  	[tilespmem:s24], [sflag:$0x6] =	stream.linear.gather [hbm4b:s17+s3], $0x80, $0x38;
	[tilespmem:$0x18210] =	vst v63  }
0xf1: {  	s17 =	smov.u32 s29;
	s24 =	smov.u32 s30;
	p0 =	sne.s32 s29, $0x1F0  }
.Ltmp16:
0xf2: {  	s29 =	sadd.s32 $0x10, s29;
	(pc) =	sbr.rel @p0 .LBB2_31-.Ltmp16, $2  }
0xf3: {  	_ =	sdelay $0x2  }
0xf4: {  	s30 =	sadd.s32 $0x400, s30;
	s17 =	sadd.s32 s17, s14  }
0xf5: {  	[tilespmem:s24], [sflag:$0x6] =	stream.linear.gather [hbm4b:s17+s3], $0x80, $0x38;
	[tilespmem:$0x18210] =	vst v63  }
0xf6: {  	s14 =	rddreg [dreg:$0xe]  }
0xf7: {  	s14 =	sor.u32 s14, s12  }
0xf8: {  	s14 =	sshrl.u32 s14, $0x3  }
0xf9: {  	s24 =	simm.s32 $0x10380;
	s14 =	sadd.s32 s5, s14  }
0xfa: {  	s29 =	simm.s32 $0x10;
	s30 =	simm.s32 $0x10780;
	s17 =	sadd.s32 $0x0, s14  }
.LBB2_33:
0xfb: {  	[tilespmem:s24], [sflag:$0x6] =	stream.linear.gather [hbm4b:s17+s3], $0x80, $0x38;
	[tilespmem:$0x18210] =	vst v63  }
0xfc: {  	s17 =	smov.u32 s29;
	s24 =	smov.u32 s30;
	p0 =	sne.s32 s29, $0x1F0  }
.Ltmp17:
0xfd: {  	s29 =	sadd.s32 $0x10, s29;
	(pc) =	sbr.rel @p0 .LBB2_33-.Ltmp17, $2  }
0xfe: {  	_ =	sdelay $0x2  }
0xff: {  	s30 =	sadd.s32 $0x400, s30;
	s17 =	sadd.s32 s17, s14  }
0x100: {  	[tilespmem:s24], [sflag:$0x6] =	stream.linear.gather [hbm4b:s17+s3], $0x80, $0x38;
	[tilespmem:$0x18210] =	vst v63  }
0x101: {  	s14 =	rddreg [dreg:$0xf]  }
0x102: {  	s12 =	sor.u32 s14, s12  }
0x103: {  	s12 =	sshrl.u32 s12, $0x3  }
0x104: {  	s24 =	simm.s32 $0x10;
	s12 =	sadd.s32 s5, s12  }
0x105: {  	s29 =	simm.s32 $0x10800;
	s14 =	simm.s32 $0x10400;
	s17 =	sadd.s32 $0x0, s12  }
.LBB2_35:
0x106: {  	[tilespmem:s14], [sflag:$0x6] =	stream.linear.gather [hbm4b:s17+s3], $0x80, $0x38;
	[tilespmem:$0x18210] =	vst v63  }
0x107: {  	s17 =	smov.u32 s24;
	s14 =	smov.u32 s29;
	p0 =	sne.s32 s24, $0x1F0  }
.Ltmp18:
0x108: {  	s24 =	sadd.s32 $0x10, s24;
	(pc) =	sbr.rel @p0 .LBB2_35-.Ltmp18, $2  }
0x109: {  	_ =	sdelay $0x2  }
0x10a: {  	s29 =	sadd.s32 $0x400, s29;
	s17 =	sadd.s32 s17, s12  }
0x10b: {  	[tilespmem:s14], [sflag:$0x6] =	stream.linear.gather [hbm4b:s17+s3], $0x80, $0x38;
	[tilespmem:$0x18210] =	vst v63  }
0x10c: {  	_ =	swait.ge [sflag:s16], $0x1000  }
0x10d: {  	[sflag:s16] =	ssyncset.done $0x0  }
0x10e: {  	[sflag:s16] =	ssyncadd.s32 $0xFFFFF000  }
0x10f: {  	_ =	swait.ge [sflag:s16], $0x1000  }
0x110: {  	[sflag:s16] =	ssyncset.done $0x0  }
0x111: {  	[sflag:s16] =	ssyncadd.s32 $0xFFFFF000  }
0x112: {  	_ =	swait.ge [sflag:s16], $0x1000  }
0x113: {  	[sflag:s16] =	ssyncset.done $0x0  }
0x114: {  	[sflag:s16] =	ssyncadd.s32 $0xFFFFF000  }
0x115: {  	_ =	swait.ge [sflag:s16], $0x1000  }
0x116: {  	[sflag:s16] =	ssyncset.done $0x0  }
0x117: {  	[sflag:s16] =	ssyncadd.s32 $0xFFFFF000  }
0x118: {  	_ =	swait.ge [sflag:s16], $0x1000  }
0x119: {  	[sflag:s16] =	ssyncset.done $0x0  }
0x11a: {  	[sflag:s16] =	ssyncadd.s32 $0xFFFFF000  }
0x11b: {  	_ =	swait.ge [sflag:s16], $0x1000  }
0x11c: {  	[sflag:s16] =	ssyncset.done $0x0  }
0x11d: {  	[sflag:s16] =	ssyncadd.s32 $0xFFFFF000  }
0x11e: {  	_ =	swait.ge [sflag:s16], $0x1000  }
0x11f: {  	[sflag:s16] =	ssyncset.done $0x0  }
0x120: {  	[sflag:s16] =	ssyncadd.s32 $0xFFFFF000  }
0x121: {  	_ =	swait.ge [sflag:s16], $0x1000  }
0x122: {  	s7 =	sshll.u32 s7, $0xF;
	s12 =	rddreg [dreg:$0xa]  }
0x123: {  	s7 =	sadd.s32 s12, s7  }
0x124: {  	s30 =	simm.s32 $0x10080;
	[sflag:s16] =	ssyncset.done $0x0;
	s7 =	sshrl.u32 s7, $0x3  }
0x125: {  	[sflag:s16] =	ssyncadd.s32 $0xFFFFF000;
	s24 =	sadd.s32 s18, s7;
	s7 =	simm.s32 $0x0  }
0x126: {  	[hbm4b:s24+s7] =	stream.linear.scatter [tilespmem:s30], [sflag:$0x8], $0x8000, $0x38;
	[tilespmem:$0x18210] =	vst v63  }
0x127: {  	s17 =	sand.u32 $0x7, s7  }
0x128: {  	s12 =	sshll.u32 s17, $0x4  }
0x129: {  	s12 =	sadd.s32 $0x0, s12  }
0x12a: {  	s24 =	sand.u32 $0x70, s7;
	s30 =	sand.u32 $0x7C00, s7;
	s12 =	sor.u32 $0x380, s12  }
0x12b: {  	s14 =	sor.u32 s24, s30;
	v12 =	vld [tilespmem:s12+$0x10080]  }
0x12c: {  	v13 =	vld [tilespmem:s14+$0x10080]  }
0x12d: {  	v14 =	vld [tilespmem:s14+$0x10100]  }
0x12e: {  	v15 =	vld [tilespmem:s14+$0x10180]  }
0x12f: {  	v16 =	vld [tilespmem:s14+$0x10200]  }
0x130: {  	v17 =	vld [tilespmem:s14+$0x10280];
	vm1 =	vlt.f32 v12, $1.010000040e+01;
	vm2 =	vgt.f32 v12, $1.010000040e+01  }
0x131: {  	vm1 =	vmor vm2, vm1  }
0x132: {  	vm8 =	vlt.f32 v13, $1.010000040e+01;
	vm9 =	vgt.f32 v13, $1.010000040e+01;
	v13 =	vld [tilespmem:s14+$0x10300];
	v12 =	vsel vm1, $0x1, v1  }
0x133: {  	vm11 =	vlt.f32 v14, $1.010000040e+01;
	v11 =	vadd.s32 v12, v11;
	v12 =	vld [tilespmem:s14+$0x10380]  }
0x134: {  	vm13 =	vgt.f32 v14, $1.010000040e+01;
	vm12 =	vgt.f32 v15, $1.010000040e+01;
	vm10 =	vlt.f32 v16, $1.010000040e+01  }
0x135: {  	s12 =	simm.s32 $0x1;
	vm8 =	vmor vm9, vm8;
	vm9 =	vmor vm13, vm11;
	vm11 =	vlt.f32 v17, $1.010000040e+01  }
0x136: {  	s24 =	simm.s32 $0x10;
	s29 =	sand.u32 $0x7, s12;
	vm13 =	vgt.f32 v17, $1.010000040e+01;
	vm2 =	vlt.f32 v15, $1.010000040e+01;
	vm1 =	vgt.f32 v16, $1.010000040e+01;
	s14 =	simm.s32 $0x20  }
.LBB2_37:
0x137: {  	p0 =	sne.s32 s14, $0xFF0;
	s17 =	sshll.u32 s29, $0x4;
	vm2 =	vmor vm12, vm2;
	vm12 =	vlt.f32 v13, $1.010000040e+01;
	vm14 =	vgt.f32 v13, $1.010000040e+01;
	s7 =	sadd.s32 $0x80, s7  }
0x138: {  	s24 =	sand.u32 $0x70, s24;
	vm1 =	vmor vm1, vm10;
	s17 =	sadd.s32 s17, s7;
	s29 =	sand.u32 $0x7C00, s7;
	vm10 =	vlt.f32 v12, $1.010000040e+01;
	vm15 =	vgt.f32 v12, $1.010000040e+01  }
0x139: {  	vm11 =	vmor vm13, vm11;
	vm12 =	vmor vm14, vm12;
	s29 =	sor.u32 s24, s29;
	s17 =	sor.u32 $0x380, s17;
	vm10 =	vmor vm15, vm10;
	s24 =	smov.u32 s14  }
0x13a: {  	v13 =	vsel vm8, $0x1, v1;
	v14 =	vsel vm9, $0x1, v1;
	v15 =	vsel vm2, $0x1, v1;
	v12 =	vld [tilespmem:s17+$0x10080]  }
0x13b: {  	v17 =	vsel vm1, $0x1, v1;
	v18 =	vsel vm11, $0x1, v1;
	v19 =	vsel vm12, $0x1, v1;
	v16 =	vld [tilespmem:s29+$0x10080]  }
0x13c: {  	v4 =	vadd.s32 v13, v4;
	v5 =	vadd.s32 v14, v5;
	v13 =	vsel vm10, $0x1, v1;
	v20 =	vld [tilespmem:s29+$0x10100]  }
0x13d: {  	v6 =	vadd.s32 v15, v6;
	v7 =	vadd.s32 v17, v7;
	v10 =	vadd.s32 v18, v10;
	v14 =	vld [tilespmem:s29+$0x10180]  }
0x13e: {  	v8 =	vadd.s32 v19, v8;
	v9 =	vadd.s32 v13, v9;
	v15 =	vld [tilespmem:s29+$0x10200]  }
0x13f: {  	v17 =	vld [tilespmem:s29+$0x10280];
	vm1 =	vlt.f32 v12, $1.010000040e+01;
	vm2 =	vgt.f32 v12, $1.010000040e+01  }
.Ltmp19:
0x140: {  	vm8 =	vlt.f32 v16, $1.010000040e+01;
	vm9 =	vgt.f32 v16, $1.010000040e+01;
	v13 =	vld [tilespmem:s29+$0x10300];
	vm1 =	vmor vm2, vm1;
	(pc) =	sbr.rel @p0 .LBB2_37-.Ltmp19, $4  }
0x141: {  	vm11 =	vlt.f32 v20, $1.010000040e+01;
	vm13 =	vgt.f32 v20, $1.010000040e+01;
	v12 =	vld [tilespmem:s29+$0x10380];
	v16 =	vsel vm1, $0x1, v1  }
0x142: {  	vm2 =	vlt.f32 v14, $1.010000040e+01;
	vm12 =	vgt.f32 v14, $1.010000040e+01;
	v11 =	vadd.s32 v16, v11  }
0x143: {  	s12 =	sadd.s32 $0x1, s12;
	vm8 =	vmor vm9, vm8;
	vm10 =	vlt.f32 v15, $1.010000040e+01;
	vm1 =	vgt.f32 v15, $1.010000040e+01  }
0x144: {  	s14 =	sadd.s32 $0x10, s14;
	s29 =	sand.u32 $0x7, s12;
	vm9 =	vmor vm13, vm11;
	vm11 =	vlt.f32 v17, $1.010000040e+01;
	vm13 =	vgt.f32 v17, $1.010000040e+01  }
0x145: {  	s12 =	sshll.u32 s29, $0x4;
	s7 =	sadd.s32 $0x80, s7  }
0x146: {  	s12 =	sadd.s32 s12, s7  }
0x147: {  	vm2 =	vmor vm12, vm2;
	vm6 =	vlt.f32 v13, $1.010000040e+01;
	vm14 =	vgt.f32 v13, $1.010000040e+01;
	s14 =	sand.u32 $0x70, s24;
	s7 =	sand.u32 $0x7C00, s7;
	s12 =	sor.u32 $0x380, s12  }
0x148: {  	vm1 =	vmor vm1, vm10;
	vm11 =	vmor vm13, vm11;
	v53 =	vsel vm8, $0x1, v1;
	s7 =	sor.u32 s14, s7;
	v52 =	vld [tilespmem:s12+$0x10080]  }
0x149: {  	v14 =	vsel vm9, $0x1, v1;
	vm7 =	vlt.f32 v12, $1.010000040e+01;
	vm15 =	vgt.f32 v12, $1.010000040e+01;
	v16 =	vld [tilespmem:s7+$0x10080]  }
0x14a: {  	vm12 =	vmor vm14, vm6;
	v15 =	vsel vm2, $0x1, v1;
	v17 =	vsel vm1, $0x1, v1;
	v20 =	vld [tilespmem:s7+$0x10100]  }
0x14b: {  	v18 =	vsel vm11, $0x1, v1;
	v4 =	vadd.s32 v53, v4;
	v5 =	vadd.s32 v14, v5;
	v55 =	vld [tilespmem:s7+$0x10180]  }
0x14c: {  	vm10 =	vmor vm15, vm7;
	v19 =	vsel vm12, $0x1, v1;
	v56 =	vadd.s32 v18, v10;
	v10 =	vld [tilespmem:s7+$0x10200]  }
0x14d: {  	v6 =	vadd.s32 v15, v6;
	v7 =	vadd.s32 v17, v7;
	v54 =	vsel vm10, $0x1, v1  }
0x14e: {  	v57 =	vadd.s32 v19, v8;
	v8 =	vld [tilespmem:s7+$0x10280];
	v13 =	vadd.s32 v54, v9;
	vm12 =	vlt.f32 v52, $1.010000040e+01  }
0x14f: {  	v58 =	vld [tilespmem:s7+$0x10380];
	vm13 =	vgt.f32 v52, $1.010000040e+01;
	vm14 =	vlt.f32 v16, $1.010000040e+01;
	vm15 =	vgt.f32 v16, $1.010000040e+01  }
0x150: {  	v9 =	vld [tilespmem:s7+$0x10300];
	vm2 =	vlt.f32 v20, $1.010000040e+01;
	vm10 =	vgt.f32 v20, $1.010000040e+01;
	vm4 =	vlt.f32 v55, $1.010000040e+01  }
0x151: {  	vm5 =	vgt.f32 v55, $1.010000040e+01;
	vm6 =	vlt.f32 v10, $1.010000040e+01;
	vm7 =	vgt.f32 v10, $1.010000040e+01  }
0x152: {  	vm1 =	vmor vm13, vm12;
	vm8 =	vmor vm15, vm14;
	vm2 =	vmor vm10, vm2  }
0x153: {  	vm10 =	vlt.f32 v8, $1.010000040e+01;
	vm13 =	vgt.f32 v8, $1.010000040e+01;
	vm9 =	vmor vm7, vm6  }
0x154: {  	vm6 =	vlt.f32 v58, $1.010000040e+01;
	vm7 =	vgt.f32 v58, $1.010000040e+01;
	v59 =	vsel vm1, $0x1, v1  }
0x155: {  	vm1 =	vmor vm5, vm4;
	vm4 =	vlt.f32 v9, $1.010000040e+01;
	vm5 =	vgt.f32 v9, $1.010000040e+01  }
0x156: {  	p0 =	seq.s32 s10, $0x7;
	vm10 =	vmor vm13, vm10;
	vm12 =	vmor vm7, vm6;
	v8 =	vsel vm8, $0x1, v1  }
.Ltmp20:
0x157: {  	v9 =	vsel vm2, $0x1, v1;
	v61 =	vsel vm9, $0x1, v1;
	v11 =	vadd.s32 v59, v11;
	(pc) =	sbr.rel @p0 .LBB2_56-.Ltmp20, $4  }
0x158: {  	s30 =	simm.s32 $0x7;
	vm11 =	vmor vm5, vm4;
	v60 =	vsel vm1, $0x1, v1;
	v62 =	vsel vm10, $0x1, v1  }
0x159: {  	_ =	swait.ge [sflag:s30], $0x8000;
	v10 =	vadd.s32 v8, v4;
	v9 =	vadd.s32 v9, v5;
	v4 =	vsel vm12, $0x1, v1  }
0x15a: {  	[sflag:s30] =	ssyncset.done $0x0;
	v63 =	vsel vm11, $0x1, v1;
	v8 =	vadd.s32 v60, v6;
	v6 =	vadd.s32 v61, v7  }
0x15b: {  	[sflag:s30] =	ssyncadd.s32 $0xFFFF8000;
	v7 =	vadd.s32 v62, v56;
	v4 =	vadd.s32 v4, v13;
	v5 =	vadd.s32 v63, v57  }
0x15c: {  	s7 =	sshll.u32 s10, $0xD  }
0x15d: {  	s12 =	rddreg [dreg:$0x4];
	s7 =	sadd.s32 $0x2000, s7  }
0x15e: {  	s12 =	sadd.s32 s12, s7  }
0x15f: {  	s12 =	sshrl.u32 s12, $0x3  }
0x160: {  	s14 =	simm.s32 $0x8080;
	s12 =	sadd.s32 s5, s12  }
0x161: {  	s24 =	simm.s32 $0x10;
	s29 =	simm.s32 $0x8480;
	s17 =	sadd.s32 $0x0, s12  }
.LBB2_40:
0x162: {  	[tilespmem:s14], [sflag:$0x5] =	stream.linear.gather [hbm4b:s17+s3], $0x80, $0x38;
	[tilespmem:$0x18210] =	vst v63  }
0x163: {  	s17 =	smov.u32 s24;
	s14 =	smov.u32 s29;
	p0 =	sne.s32 s24, $0x1F0  }
.Ltmp21:
0x164: {  	s24 =	sadd.s32 $0x10, s24;
	(pc) =	sbr.rel @p0 .LBB2_40-.Ltmp21, $2  }
0x165: {  	_ =	sdelay $0x2  }
0x166: {  	s29 =	sadd.s32 $0x400, s29;
	s17 =	sadd.s32 s17, s12  }
0x167: {  	[tilespmem:s14], [sflag:$0x5] =	stream.linear.gather [hbm4b:s17+s3], $0x80, $0x38;
	[tilespmem:$0x18210] =	vst v63  }
0x168: {  	s12 =	rddreg [dreg:$0x5]  }
0x169: {  	s12 =	sadd.s32 s12, s7  }
0x16a: {  	s12 =	sshrl.u32 s12, $0x3  }
0x16b: {  	s14 =	simm.s32 $0x8100;
	s12 =	sadd.s32 s5, s12  }
0x16c: {  	s24 =	simm.s32 $0x10;
	s29 =	simm.s32 $0x8500;
	s17 =	sadd.s32 $0x0, s12  }
.LBB2_42:
0x16d: {  	[tilespmem:s14], [sflag:$0x5] =	stream.linear.gather [hbm4b:s17+s3], $0x80, $0x38;
	[tilespmem:$0x18210] =	vst v63  }
0x16e: {  	s17 =	smov.u32 s24;
	s14 =	smov.u32 s29;
	p0 =	sne.s32 s24, $0x1F0  }
.Ltmp22:
0x16f: {  	s24 =	sadd.s32 $0x10, s24;
	(pc) =	sbr.rel @p0 .LBB2_42-.Ltmp22, $2  }
0x170: {  	_ =	sdelay $0x2  }
0x171: {  	s29 =	sadd.s32 $0x400, s29;
	s17 =	sadd.s32 s17, s12  }
0x172: {  	[tilespmem:s14], [sflag:$0x5] =	stream.linear.gather [hbm4b:s17+s3], $0x80, $0x38;
	[tilespmem:$0x18210] =	vst v63  }
0x173: {  	s12 =	rddreg [dreg:$0x6]  }
0x174: {  	s12 =	sadd.s32 s12, s7  }
0x175: {  	s12 =	sshrl.u32 s12, $0x3  }
0x176: {  	s14 =	simm.s32 $0x8180;
	s12 =	sadd.s32 s5, s12  }
0x177: {  	s24 =	simm.s32 $0x10;
	s29 =	simm.s32 $0x8580;
	s17 =	sadd.s32 $0x0, s12  }
.LBB2_44:
0x178: {  	[tilespmem:s14], [sflag:$0x5] =	stream.linear.gather [hbm4b:s17+s3], $0x80, $0x38;
	[tilespmem:$0x18210] =	vst v63  }
0x179: {  	s17 =	smov.u32 s24;
	s14 =	smov.u32 s29;
	p0 =	sne.s32 s24, $0x1F0  }
.Ltmp23:
0x17a: {  	s24 =	sadd.s32 $0x10, s24;
	(pc) =	sbr.rel @p0 .LBB2_44-.Ltmp23, $2  }
0x17b: {  	_ =	sdelay $0x2  }
0x17c: {  	s29 =	sadd.s32 $0x400, s29;
	s17 =	sadd.s32 s17, s12  }
0x17d: {  	[tilespmem:s14], [sflag:$0x5] =	stream.linear.gather [hbm4b:s17+s3], $0x80, $0x38;
	[tilespmem:$0x18210] =	vst v63  }
0x17e: {  	s12 =	rddreg [dreg:$0x7]  }
0x17f: {  	s12 =	sadd.s32 s12, s7  }
0x180: {  	s12 =	sshrl.u32 s12, $0x3  }
0x181: {  	s14 =	simm.s32 $0x8200;
	s12 =	sadd.s32 s5, s12  }
0x182: {  	s24 =	simm.s32 $0x10;
	s29 =	simm.s32 $0x8600;
	s17 =	sadd.s32 $0x0, s12  }
.LBB2_46:
0x183: {  	[tilespmem:s14], [sflag:$0x5] =	stream.linear.gather [hbm4b:s17+s3], $0x80, $0x38;
	[tilespmem:$0x18210] =	vst v63  }
0x184: {  	s17 =	smov.u32 s24;
	s14 =	smov.u32 s29;
	p0 =	sne.s32 s24, $0x1F0  }
.Ltmp24:
0x185: {  	s24 =	sadd.s32 $0x10, s24;
	(pc) =	sbr.rel @p0 .LBB2_46-.Ltmp24, $2  }
0x186: {  	_ =	sdelay $0x2  }
0x187: {  	s29 =	sadd.s32 $0x400, s29;
	s17 =	sadd.s32 s17, s12  }
0x188: {  	[tilespmem:s14], [sflag:$0x5] =	stream.linear.gather [hbm4b:s17+s3], $0x80, $0x38;
	[tilespmem:$0x18210] =	vst v63  }
0x189: {  	s12 =	rddreg [dreg:$0x8]  }
0x18a: {  	s12 =	sadd.s32 s12, s7  }
0x18b: {  	s12 =	sshrl.u32 s12, $0x3  }
0x18c: {  	s14 =	simm.s32 $0x8280;
	s12 =	sadd.s32 s5, s12  }
0x18d: {  	s24 =	simm.s32 $0x10;
	s29 =	simm.s32 $0x8680;
	s17 =	sadd.s32 $0x0, s12  }
.LBB2_48:
0x18e: {  	[tilespmem:s14], [sflag:$0x5] =	stream.linear.gather [hbm4b:s17+s3], $0x80, $0x38;
	[tilespmem:$0x18210] =	vst v63  }
0x18f: {  	s17 =	smov.u32 s24;
	s14 =	smov.u32 s29;
	p0 =	sne.s32 s24, $0x1F0  }
.Ltmp25:
0x190: {  	s24 =	sadd.s32 $0x10, s24;
	(pc) =	sbr.rel @p0 .LBB2_48-.Ltmp25, $2  }
0x191: {  	_ =	sdelay $0x2  }
0x192: {  	s29 =	sadd.s32 $0x400, s29;
	s17 =	sadd.s32 s17, s12  }
0x193: {  	[tilespmem:s14], [sflag:$0x5] =	stream.linear.gather [hbm4b:s17+s3], $0x80, $0x38;
	[tilespmem:$0x18210] =	vst v63  }
0x194: {  	s12 =	rddreg [dreg:$0xd]  }
0x195: {  	s12 =	sadd.s32 s12, s7  }
0x196: {  	s12 =	sshrl.u32 s12, $0x3  }
0x197: {  	s14 =	simm.s32 $0x8300;
	s12 =	sadd.s32 s5, s12  }
0x198: {  	s24 =	simm.s32 $0x10;
	s29 =	simm.s32 $0x8700;
	s17 =	sadd.s32 $0x0, s12  }
.LBB2_50:
0x199: {  	[tilespmem:s14], [sflag:$0x5] =	stream.linear.gather [hbm4b:s17+s3], $0x80, $0x38;
	[tilespmem:$0x18210] =	vst v63  }
0x19a: {  	s17 =	smov.u32 s24;
	s14 =	smov.u32 s29;
	p0 =	sne.s32 s24, $0x1F0  }
.Ltmp26:
0x19b: {  	s24 =	sadd.s32 $0x10, s24;
	(pc) =	sbr.rel @p0 .LBB2_50-.Ltmp26, $2  }
0x19c: {  	_ =	sdelay $0x2  }
0x19d: {  	s29 =	sadd.s32 $0x400, s29;
	s17 =	sadd.s32 s17, s12  }
0x19e: {  	[tilespmem:s14], [sflag:$0x5] =	stream.linear.gather [hbm4b:s17+s3], $0x80, $0x38;
	[tilespmem:$0x18210] =	vst v63  }
0x19f: {  	s12 =	rddreg [dreg:$0xe]  }
0x1a0: {  	s12 =	sadd.s32 s12, s7  }
0x1a1: {  	s12 =	sshrl.u32 s12, $0x3  }
0x1a2: {  	s14 =	simm.s32 $0x8380;
	s12 =	sadd.s32 s5, s12  }
0x1a3: {  	s24 =	simm.s32 $0x10;
	s29 =	simm.s32 $0x8780;
	s17 =	sadd.s32 $0x0, s12  }
.LBB2_52:
0x1a4: {  	[tilespmem:s14], [sflag:$0x5] =	stream.linear.gather [hbm4b:s17+s3], $0x80, $0x38;
	[tilespmem:$0x18210] =	vst v63  }
0x1a5: {  	s17 =	smov.u32 s24;
	s14 =	smov.u32 s29;
	p0 =	sne.s32 s24, $0x1F0  }
.Ltmp27:
0x1a6: {  	s24 =	sadd.s32 $0x10, s24;
	(pc) =	sbr.rel @p0 .LBB2_52-.Ltmp27, $2  }
0x1a7: {  	_ =	sdelay $0x2  }
0x1a8: {  	s29 =	sadd.s32 $0x400, s29;
	s17 =	sadd.s32 s17, s12  }
0x1a9: {  	[tilespmem:s14], [sflag:$0x5] =	stream.linear.gather [hbm4b:s17+s3], $0x80, $0x38;
	[tilespmem:$0x18210] =	vst v63  }
0x1aa: {  	s12 =	rddreg [dreg:$0xf]  }
0x1ab: {  	s7 =	sadd.s32 s12, s7  }
0x1ac: {  	s7 =	sshrl.u32 s7, $0x3  }
0x1ad: {  	s14 =	simm.s32 $0x10;
	s7 =	sadd.s32 s5, s7  }
0x1ae: {  	s24 =	simm.s32 $0x8800;
	s12 =	simm.s32 $0x8400;
	s17 =	sadd.s32 $0x0, s7  }
.LBB2_54:
0x1af: {  	[tilespmem:s12], [sflag:$0x5] =	stream.linear.gather [hbm4b:s17+s3], $0x80, $0x38;
	[tilespmem:$0x18210] =	vst v63  }
0x1b0: {  	s17 =	smov.u32 s14;
	s12 =	smov.u32 s24;
	p0 =	sne.s32 s14, $0x1F0  }
.Ltmp28:
0x1b1: {  	s14 =	sadd.s32 $0x10, s14;
	(pc) =	sbr.rel @p0 .LBB2_54-.Ltmp28, $2  }
0x1b2: {  	_ =	sdelay $0x2  }
0x1b3: {  	s24 =	sadd.s32 $0x400, s24;
	s17 =	sadd.s32 s17, s7  }
.Ltmp29:
0x1b4: {  	(pc) =	sbr.rel .LBB2_18-.Ltmp29, $3  }
0x1b5: {  	_ =	sdelay $0x1  }
0x1b6: {  	[tilespmem:s12], [sflag:$0x5] =	stream.linear.gather [hbm4b:s17+s3], $0x80, $0x38;
	[tilespmem:$0x18210] =	vst v63  }
0x1b7: {  	s10 =	sadd.s32 $0x1, s10  }
.LBB2_56:
0x1b8: {  	s7 =	simm.s32 $0x8  }
0x1b9: {  	_ =	swait.ge [sflag:s7], $0x8000  }
0x1ba: {  	(xrf0) =	vadd.scan.msk.s32 $0xffff, v10  }
0x1bb: {  	(xrf0) =	vadd.scan.msk.s32 $0xffff, v9  }
0x1bc: {  	(xrf0) =	vadd.scan.msk.s32 $0xffff, v8  }
0x1bd: {  	v45 =	vld [tilespmem:$0x1FFF0];
	(xrf0) =	vadd.scan.msk.s32 $0xffff, v6  }
0x1be: {  	(xrf0) =	vadd.scan.msk.s32 $0xffff, v7  }
0x1bf: {  	(xrf0) =	vadd.scan.msk.s32 $0xffff, v5  }
0x1c0: {  	v5, _, _ =	vpop (xrf0);
	(xrf0) =	vadd.scan.msk.s32 $0xffff, v4  }
0x1c1: {  	v4 =	vbroadcast v5, $0xF;
	v5, _, _ =	vpop (xrf0);
	(xrf0) =	vadd.scan.msk.s32 $0xffff, v11  }
0x1c2: {  	vm0 =	vnez.u8 v45;
	v43, _, _ =	vpop (xrf0);
	v5 =	vbroadcast v5, $0xF  }
0x1c3: {  	vm9 =	vcmask $0x320;
	v44, _, _ =	vpop (xrf0);
	v4 =	vnsel vm0, $0x0, v4;
	v6 =	vbroadcast v43, $0xF  }
0x1c4: {  	vm10 =	vcmask $0x720;
	v46, _, _ =	vpop (xrf0);
	v4 =	vsel vm9, v4, v5;
	v5 =	vbroadcast v44, $0xF  }
0x1c5: {  	vm11 =	vcmask $0xB20;
	v47, _, _ =	vpop (xrf0);
	v4 =	vsel vm10, v4, v6;
	v48 =	vbroadcast v46, $0xF  }
0x1c6: {  	vm12 =	vcmask $0xF20;
	v49, _, _ =	vpop (xrf0);
	v4 =	vsel vm11, v4, v5;
	v5 =	vbroadcast v47, $0xF  }
0x1c7: {  	vm13 =	vcmask $0x1320;
	v4 =	vsel vm12, v4, v48;
	v50 =	vbroadcast v49, $0xF;
	v51, _, _ =	vpop (xrf0)  }
0x1c8: {  	vm14 =	vcmask $0x1720;
	v4 =	vsel vm13, v4, v5;
	v5 =	vbroadcast v51, $0xF  }
0x1c9: {  	vm15 =	vcmask $0x1B20;
	[sflag:s7] =	ssyncset.done $0x0;
	v4 =	vsel vm14, v4, v50  }
0x1ca: {  	[sflag:s7] =	ssyncadd.s32 $0xFFFF8000;
	v4 =	vsel vm15, v4, v5  }
0x1cb: {  	s10 =	simm.s32 $0x18080;
	s17 =	rddreg [dreg:$0xb];
	[tilespmem:$0x18080] =	vst v4  }
0x1cc: {  	[spmem:s17] =	stream.linear.scatter [tilespmem:s10], [sflag:$0x9], $0x10, $0x38;
	[tilespmem:$0x18210] =	vst v63  }
0x1cd: {  	_ =	swait.ge [sflag:s8], $0x10  }
0x1ce: {  	[sflag:s8] =	ssyncset.done $0x0  }
0x1cf: {  	[sflag:s8] =	ssyncadd.s32 $0xFFFFFFF0  }
0x1d0: {  	[bflag:$0x0] =	sbarrier.arrive $0xFFFF  }
0x1d1: {  	s30 =	simm.s32 $0x18100;
	s24 =	rddreg [dreg:$0x2]  }
0x1d2: {  	[tilespmem:s30], [sflag:$0x9] =	stream.linear.gather [spmem:s24], $0x100, $0x38;
	[tilespmem:$0x18210] =	vst v63  }
0x1d3: {  	_ =	swait.ge [sflag:s8], $0x100  }
0x1d4: {  	[sflag:s8] =	ssyncset.done $0x0  }
0x1d5: {  	[sflag:s8] =	ssyncadd.s32 $0xFFFFFF00  }
0x1d6: {  	v4 =	vld [tilespmem:$0x18100]  }
0x1d7: {  	v5 =	vld [tilespmem:$0x18110]  }
0x1d8: {  	v52 =	vld [tilespmem:$0x18120]  }
0x1d9: {  	v53 =	vld [tilespmem:$0x18130]  }
0x1da: {  	v54 =	vld [tilespmem:$0x18140]  }
0x1db: {  	v55 =	vld [tilespmem:$0x18150]  }
0x1dc: {  	v4 =	vadd.s32 v4, v5;
	v5 =	vld [tilespmem:$0x18160]  }
0x1dd: {  	v56 =	vld [tilespmem:$0x18170];
	v4 =	vadd.s32 v52, v4  }
0x1de: {  	v57 =	vld [tilespmem:$0x18180];
	v4 =	vadd.s32 v53, v4  }
0x1df: {  	v58 =	vld [tilespmem:$0x18190];
	v4 =	vadd.s32 v54, v4  }
0x1e0: {  	v59 =	vld [tilespmem:$0x181A0];
	v4 =	vadd.s32 v55, v4  }
0x1e1: {  	v4 =	vadd.s32 v5, v4;
	v5 =	vld [tilespmem:$0x181B0]  }
0x1e2: {  	v60 =	vld [tilespmem:$0x181C0];
	v4 =	vadd.s32 v56, v4  }
0x1e3: {  	v61 =	vld [tilespmem:$0x181D0];
	v4 =	vadd.s32 v57, v4  }
0x1e4: {  	v62 =	vld [tilespmem:$0x181E0];
	v4 =	vadd.s32 v58, v4  }
0x1e5: {  	v63 =	vld [tilespmem:$0x181F0];
	v4 =	vadd.s32 v59, v4  }
0x1e6: {  	v4 =	vadd.s32 v5, v4  }
0x1e7: {  	v4 =	vadd.s32 v60, v4  }
0x1e8: {  	v4 =	vadd.s32 v61, v4  }
0x1e9: {  	v4 =	vadd.s32 v62, v4  }
0x1ea: {  	v4 =	vadd.s32 v63, v4  }
0x1eb: {  	(v2sf) =	vpush v4, $0x0  }
0x1ec: {  	(v2sf) =	vpush v4, $0x1;
	_ =	sdelay $0x1  }
0x1ed: {  	(v2sf) =	vpush v4, $0x2;
	_ =	sdelay $0x1  }
0x1ee: {  	(v2sf) =	vpush v4, $0x3;
	_ =	sdelay $0x1  }
0x1ef: {  	(v2sf) =	vpush v4, $0x4;
	_ =	sdelay $0x1  }
0x1f0: {  	(v2sf) =	vpush v4, $0x5;
	_ =	sdelay $0x1  }
0x1f1: {  	(v2sf) =	vpush v4, $0x6;
	_ =	sdelay $0x1  }
0x1f2: {  	(v2sf) =	vpush v4, $0x7;
	_ =	sdelay $0x1  }
0x1f3: {  	s12 =	spop (v2sf)  }
0x1f4: {  	s14 =	spop (v2sf)  }
0x1f5: {  	p0 =	seq.s32 s12, $0x100000;
	p1 =	seq.s32 s14, $0x100000  }
0x1f6: {  	s17 =	spop (v2sf);
	p0 =	por !p0, !p1  }
0x1f7: {  	p5 =	seq.s32 s17, $0x100000;
	p0 =	por !p0, !p0  }
0x1f8: {  	s24 =	spop (v2sf);
	p0 =	por !p5, !p0  }
0x1f9: {  	p6 =	seq.s32 s24, $0x100000;
	p0 =	por !p0, !p0  }
0x1fa: {  	s30 =	spop (v2sf);
	p0 =	por !p6, !p0  }
0x1fb: {  	p2 =	seq.s32 s30, $0x100000;
	p0 =	por !p0, !p0  }
0x1fc: {  	s29 =	spop (v2sf);
	p0 =	por !p2, !p0  }
0x1fd: {  	p3 =	seq.s32 s29, $0x100000;
	p0 =	por !p0, !p0  }
0x1fe: {  	[dreg:$0x18] =	wrdreg s24;
	s24 =	spop (v2sf);
	p0 =	por !p3, !p0  }
0x1ff: {  	p5 =	seq.s32 s24, $0x100000;
	p0 =	por !p0, !p0  }
0x200: {  	[dreg:$0x19] =	wrdreg s17;
	s17 =	spop (v2sf);
	p0 =	por !p5, !p0  }
0x201: {  	p6 =	seq.s32 s17, $0x100000;
	p0 =	por !p0, !p0  }
0x202: {  	p0 =	por !p6, !p0  }
0x203: {  	p0 =	por !p0, !p0  }
0x204: {  	p1 =	por p4, p0  }
0x205: {  	v5 =	vlaneseq.u32 @!p1  }
0x206: {  	vm1 =	veq.s32 @!p1 v0, v5  }
0x207: {  	v4 =	vnsel @!p1 vm1, $0x0, v4  }
0x208: {  	(xrf0) =	vadd.scan.msk.s32 @!p1 $0xffff, v4;
	_ =	sdelay $0x5  }
0x209: {  	v4, _, _ =	vpop @!p1 (xrf0)  }
0x20a: {  	(v2sf) =	vpush @!p1 v4, $0xF;
	_ =	sdelay $0xe  }
0x20b: {  	s7 =	spop @!p1 (v2sf)  }
0x20c: {  	p2 =	seq.s32 @!p1 s7, $0x100000  }
0x20d: {  	p1 =	por p1, p2  }
.Ltmp30:
0x20e: {  	_ = 	snop;
	(pc) =	sbr.rel @p1 .LBB2_92-.Ltmp30, $4  }
0x20f: {  	_ = 	snop  }
0x210: {  	[dreg:$0x1b] =	wrdreg s12  }
0x211: {  	[dreg:$0x1a] =	wrdreg s14  }
0x212: {  	[dreg:$0x17] =	wrdreg s30  }
0x213: {  	[dreg:$0x16] =	wrdreg s29  }
0x214: {  	[dreg:$0x15] =	wrdreg s24  }
.Ltmp31:
0x215: {  	[dreg:$0x14] =	wrdreg s17;
	(pc) =	sbr.rel .LBB2_58-.Ltmp31, $4  }
0x216: {  	s30 =	simm.s32 $0x0;
	s7 =	rddreg [dreg:$0xc]  }
0x217: {  	p1 =	por $0x1, $0x1;
	s10 =	simm.s32 $0x0;
	s12 =	simm.s32 $0x0  }
0x218: {  	[tilespmem:s30], [sflag:$0x1] =	stream.linear.gather [hbm4b:s7+s30], $0x2000, $0x38;
	[tilespmem:$0x18210] =	vst v63  }
0x219: {  	s24 =	rddreg [dreg:$0x9];
	s29 =	simm.s32 $0x2000;
	s7 =	simm.s32 $0x0  }
.LBB2_81:
0x21a: {  	s7 =	sadd.s32 $0x1, s7  }
0x21b: {  	p2 =	sne.s32 s7, $0x40  }
.Ltmp32:
0x21c: {  	s24 =	rddreg [dreg:$0x9];
	(pc) =	sbr.rel @!p2 .LBB2_82-.Ltmp32, $4  }
0x21d: {  	s12 =	sadd.s32 s24, s10  }
0x21e: {  	s29 =	simm.s32 $0x2000;
	s12 =	sshrl.u32 s12, $0x3  }
0x21f: {  	s10 =	sadd.s32 $0x2000, s10;
	s14 =	sadd.s32 s6, s12;
	s12 =	simm.s32 $0x0  }
0x220: {  	[hbm4b:s14+s12] =	stream.linear.scatter [tilespmem:s29], [sflag:$0x4], $0x2000, $0x38;
	[tilespmem:$0x18210] =	vst v63  }
.LBB2_58:
0x221: {  	s14 =	sshll.u32 s7, $0xE  }
0x222: {  	s17 =	simm.s32 @!p1 $0x4;
	s24 =	sor.u32 s14, s24  }
0x223: {  	_ =	swait.ge @!p1 [sflag:s17], $0x2000;
	s24 =	sshrl.u32 s24, $0x3  }
0x224: {  	[sflag:s17] =	ssyncset.done @!p1 $0x0;
	s24 =	sadd.s32 s24, s5  }
0x225: {  	[sflag:s17] =	ssyncadd.s32 @!p1 $0xFFFFE000;
	s24 =	sadd.s32 $0x400, s24  }
0x226: {  	[tilespmem:s29], [sflag:$0x2] =	stream.linear.gather [hbm4b:s24+s30], $0x2000, $0x38;
	[tilespmem:$0x18210] =	vst v63  }
0x227: {  	s24 =	simm.s32 $0x1  }
0x228: {  	_ =	swait.ge [sflag:s24], $0x2000  }
0x229: {  	[sflag:s24] =	ssyncset.done $0x0  }
0x22a: {  	s29 =	simm.s32 $0x0;
	[sflag:s24] =	ssyncadd.s32 $0xFFFFE000  }
0x22b: {  	v5 =	vld [tilespmem:s29+$0x40]  }
0x22c: {  	v6 =	vld [tilespmem:s29+$0x50]  }
0x22d: {  	v10 =	vld [tilespmem:s29+$0x70]  }
0x22e: {  	v7 =	vld [tilespmem:s29+$0x60]  }
0x22f: {  	v11 =	vld [tilespmem:s29+$0x0]  }
0x230: {  	v8 =	vld [tilespmem:s29+$0x10]  }
0x231: {  	v4 =	vimm.s32 $0x0;
	v9 =	vld [tilespmem:s29+$0x20];
	vm8 =	vlt.f32 v5, $1.010000040e+01  }
0x232: {  	vm9 =	vgt.f32 v5, $1.010000040e+01;
	vm11 =	vlt.f32 v10, $1.010000040e+01;
	vm1 =	vgt.f32 v10, $1.010000040e+01;
	v10 =	vld [tilespmem:s29+$0x30]  }
0x233: {  	vm10 =	vlt.f32 v6, $1.010000040e+01;
	vm12 =	vgt.f32 v6, $1.010000040e+01;
	vm13 =	vlt.f32 v7, $1.010000040e+01  }
0x234: {  	vm14 =	vgt.f32 v7, $1.010000040e+01;
	vm15 =	vlt.f32 v11, $1.010000040e+01;
	vm2 =	vgt.f32 v11, $1.010000040e+01  }
0x235: {  	s24 =	simm.s32 $0x200;
	v7 =	vimm.s32 $0x0;
	v6 =	vimm.s32 $0x0;
	v5 =	vimm.s32 $0x0  }
.LBB2_59:
0x236: {  	p1 =	sne.s32 s24, $0x7E00;
	vm3 =	vlt.f32 v8, $1.010000040e+01;
	vm4 =	vgt.f32 v8, $1.010000040e+01;
	vm5 =	vlt.f32 v9, $1.010000040e+01  }
0x237: {  	vm6 =	vgt.f32 v9, $1.010000040e+01;
	vm7 =	vlt.f32 v10, $1.010000040e+01;
	vm0 =	vgt.f32 v10, $1.010000040e+01  }
0x238: {  	s17 =	sshra.s32 s24, $0x2;
	vm8 =	vmor vm9, vm8;
	vm9 =	vmor vm12, vm10;
	vm10 =	vmor vm14, vm13  }
0x239: {  	vm2 =	vmor vm2, vm15;
	vm1 =	vmor vm1, vm11;
	vm3 =	vmor vm4, vm3;
	v11 =	vld [tilespmem:s17+$0x40]  }
0x23a: {  	vm4 =	vmor vm6, vm5;
	v8 =	vsel vm8, $0x1, v1;
	vm0 =	vmor vm0, vm7;
	v12 =	vld [tilespmem:s17+$0x50]  }
0x23b: {  	v9 =	vsel vm2, $0x1, v1;
	v10 =	vsel vm9, $0x1, v1;
	v14 =	vsel vm10, $0x1, v1;
	v13 =	vld [tilespmem:s17+$0x60]  }
0x23c: {  	v16 =	vsel vm1, $0x1, v1;
	v4 =	vadd.s32 v9, v4;
	v9 =	vsel vm3, $0x1, v1;
	v15 =	vld [tilespmem:s17+$0x70]  }
0x23d: {  	v18 =	vsel vm4, $0x1, v1;
	v19 =	vsel vm0, $0x1, v1;
	v4 =	vadd.s32 v8, v4;
	v17 =	vld [tilespmem:s17+$0x0]  }
0x23e: {  	v7 =	vadd.s32 v9, v7;
	v6 =	vadd.s32 v18, v6;
	v5 =	vadd.s32 v19, v5;
	v8 =	vld [tilespmem:s17+$0x10]  }
.Ltmp33:
0x23f: {  	v7 =	vadd.s32 v10, v7;
	v6 =	vadd.s32 v14, v6;
	v5 =	vadd.s32 v16, v5;
	v9 =	vld [tilespmem:s17+$0x20];
	(pc) =	sbr.rel @p1 .LBB2_59-.Ltmp33, $4  }
0x240: {  	vm8 =	vlt.f32 v11, $1.010000040e+01;
	v10 =	vld [tilespmem:s17+$0x30]  }
0x241: {  	vm9 =	vgt.f32 v11, $1.010000040e+01;
	vm10 =	vlt.f32 v12, $1.010000040e+01;
	vm12 =	vgt.f32 v12, $1.010000040e+01  }
0x242: {  	vm13 =	vlt.f32 v13, $1.010000040e+01;
	vm14 =	vgt.f32 v13, $1.010000040e+01;
	vm11 =	vlt.f32 v15, $1.010000040e+01  }
0x243: {  	s24 =	sadd.s32 $0x200, s24;
	vm1 =	vgt.f32 v15, $1.010000040e+01;
	vm15 =	vlt.f32 v17, $1.010000040e+01;
	vm2 =	vgt.f32 v17, $1.010000040e+01  }
0x244: {  	vm0 =	vlt.f32 v8, $1.010000040e+01;
	vm3 =	vgt.f32 v8, $1.010000040e+01;
	vm4 =	vlt.f32 v9, $1.010000040e+01  }
0x245: {  	vm5 =	vgt.f32 v9, $1.010000040e+01;
	vm8 =	vmor vm9, vm8;
	vm12 =	vmor vm12, vm10  }
0x246: {  	vm13 =	vmor vm14, vm13;
	vm2 =	vmor vm2, vm15;
	vm1 =	vmor vm1, vm11  }
0x247: {  	vm6 =	vlt.f32 v10, $1.010000040e+01;
	vm7 =	vgt.f32 v10, $1.010000040e+01;
	vm0 =	vmor vm3, vm0  }
0x248: {  	vm14 =	vmor vm5, vm4;
	v60 =	vsel vm8, $0x1, v1;
	v61 =	vsel vm2, $0x1, v1  }
0x249: {  	v62 =	vsel vm12, $0x1, v1;
	v11 =	vsel vm13, $0x1, v1;
	v12 =	vsel vm1, $0x1, v1  }
0x24a: {  	vm15 =	vmor vm7, vm6;
	v4 =	vadd.s32 v61, v4;
	v63 =	vsel vm0, $0x1, v1  }
0x24b: {  	v13 =	vsel vm14, $0x1, v1;
	v14 =	vsel vm15, $0x1, v1;
	v7 =	vadd.s32 v63, v7  }
0x24c: {  	v4 =	vadd.s32 v60, v4;
	v6 =	vadd.s32 v13, v6;
	v7 =	vadd.s32 v62, v7  }
0x24d: {  	v5 =	vadd.s32 v14, v5;
	v6 =	vadd.s32 v11, v6;
	v4 =	vadd.s32 v4, v7  }
0x24e: {  	v5 =	vadd.s32 v12, v5;
	v4 =	vadd.s32 v6, v4  }
0x24f: {  	v4 =	vadd.s32 v5, v4  }
0x250: {  	(xrf0) =	vadd.scan.msk.s32 $0xffff, v4;
	_ =	sdelay $0x5  }
0x251: {  	v4, _, _ =	vpop (xrf0)  }
0x252: {  	(v2sf) =	vpush v4, $0xF;
	_ =	sdelay $0xe  }
0x253: {  	p1 =	sne.s32 s12, $0x0;
	s17 =	spop (v2sf)  }
0x254: {  	p2 =	sne.s32 @!p1 s17, $0x2000  }
0x255: {  	p2 =	por p1, p2  }
.Ltmp34:
0x256: {  	_ = 	snop;
	(pc) =	sbr.rel @p2 .LBB2_61-.Ltmp34, $1  }
0x257: {  	_ =	sdelay $0x3  }
0x258: {  	s12 =	rddreg [dreg:$0x9]  }
0x259: {  	s12 =	sadd.s32 s12, s10  }
0x25a: {  	s24 =	simm.s32 $0x0;
	s12 =	sshrl.u32 s12, $0x3  }
.Ltmp35:
0x25b: {  	s29 =	simm.s32 $0x3;
	s12 =	sadd.s32 s6, s12;
	(pc) =	sbr.rel .LBB2_71-.Ltmp35, $4  }
0x25c: {  	[hbm4b:s12+s24] =	stream.linear.scatter [tilespmem:s24], [sflag:$0x3], $0x2000, $0x38;
	[tilespmem:$0x18210] =	vst v63  }
0x25d: {  	_ =	swait.ge [sflag:s29], $0x2000  }
0x25e: {  	[sflag:s29] =	ssyncset.done $0x0  }
0x25f: {  	s10 =	sadd.s32 $0x2000, s10;
	[sflag:s29] =	ssyncadd.s32 $0xFFFFE000  }
.LBB2_61:
0x260: {  	s17 =	simm.s32 $0x0  }
0x261: {  	s17 =	simm.s32 @p1 $0x0  }
0x262: {  	p2 =	sne.s32 s17, $0x7FC0  }
.Ltmp36:
0x263: {  	_ = 	snop;
	(pc) =	sbr.rel @!p2 .LBB2_62-.Ltmp36, $3  }
0x264: {  	_ =	sdelay $0x1  }
0x265: {  	s12 =	smov.u32 @p1 s12;
	s18 =	rddreg [dreg:$0x9]  }
0x266: {  	p1 =	por $0x0, $0x0;
	s30 =	sshra.s32 s17, $0x2;
	s24 =	sadd.s32 $0x40, s17  }
0x267: {  	v4 =	vld [tilespmem:s30+$0x0];
	_ =	sdelay $0x4  }
0x268: {  	vm0 =	vlt.f32 v4, $1.010000040e+01;
	vm1 =	vgt.f32 v4, $1.010000040e+01  }
0x269: {  	vm0 =	vmor vm1, vm0  }
0x26a: {  	v5 =	vmpcnt.ones.xlane vm0;
	_ =	sdelay $0x1  }
0x26b: {  	(v2sf) =	vpush v5, $0x0  }
0x26c: {  	p2 =	sne.s32 s24, $0x7FC0  }
.Ltmp37:
0x26d: {  	_ = 	snop;
	(pc) =	sbr.rel @!p2 .LBB2_64-.Ltmp37, $3  }
0x26e: {  	_ =	sdelay $0x1  }
0x26f: {  	s30 =	sshra.s32 s24, $0x2  }
0x270: {  	s29 =	sadd.s32 $0x40, s24;
	p1 =	por $0x1, $0x1;
	s24 =	smov.u32 s12;
	[tilespmem:s12+$0x4000] =	vst.msk vm0, v4  }
.LBB2_65:
0x271: {  	p2 =	sne.s32 s29, $0x7FC0;
	v4 =	vld [tilespmem:s30+$0x0];
	_ =	sdelay $0x4  }
0x272: {  	vm0 =	vlt.f32 v4, $1.010000040e+01;
	vm1 =	vgt.f32 v4, $1.010000040e+01  }
0x273: {  	vm0 =	vmor vm1, vm0  }
0x274: {  	v5 =	vmpcnt.ones.xlane vm0  }
0x275: {  	s17 =	spop (v2sf)  }
0x276: {  	(v2sf) =	vpush v5, $0x0;
	s24 =	sadd.s32 s24, s17  }
0x277: {  	[tilespmem:s24+$0x4000] =	vst.msk vm0, v4  }
.Ltmp38:
0x278: {  	(pc) =	sbr.rel @p2 .LBB2_65-.Ltmp38, $2  }
0x279: {  	_ =	sdelay $0x2  }
0x27a: {  	s30 =	sshra.s32 s29, $0x2;
	s29 =	sadd.s32 $0x40, s29  }
.LBB2_66:
0x27b: {  	v4 =	vld [tilespmem:s30+$0x0];
	_ =	sdelay $0x4  }
0x27c: {  	vm0 =	vlt.f32 v4, $1.010000040e+01;
	vm1 =	vgt.f32 v4, $1.010000040e+01  }
0x27d: {  	vm0 =	vmor vm1, vm0  }
0x27e: {  	v5 =	vmpcnt.ones.xlane vm0;
	_ =	sdelay $0x1  }
0x27f: {  	(v2sf) =	vpush v5, $0x0;
	_ =	sdelay $0xc  }
0x280: {  	s17 =	spop @p1 (v2sf)  }
0x281: {  	s17 =	sadd.s32 @p1 s24, s17  }
0x282: {  	s12 =	smov.u32 @p1 s17;
	s24 =	spop (v2sf)  }
0x283: {  	s24 =	sadd.s32 s12, s24  }
0x284: {  	p1 =	slt.s32 s24, $0x2000  }
0x285: {  	s17 =	sadd.s32 @!p1 s18, s10  }
0x286: {  	s17 =	sshrl.u32 @!p1 s17, $0x3  }
0x287: {  	[tilespmem:s12+$0x4000] =	vst.msk vm0, v4;
	s30 =	simm.s32 @!p1 $0x0;
	s12 =	simm.s32 @!p1 $0x4000;
	s17 =	sadd.s32 @!p1 s6, s17  }
0x288: {  	[hbm4b:s17+s30] =	stream.linear.scatter @!p1 [tilespmem:s12], [sflag:$0x9], $0x2000, $0x38;
	[tilespmem:$0x18210] =	vst v63  }
0x289: {  	s17 =	sadd.s32 @!p1 $0xFFFFE00F, s24  }
0x28a: {  	s29 =	sshrl.u32 @!p1 s17, $0x4  }
0x28b: {  	p2 =	seq.s32 @!p1 s29, $0x0  }
0x28c: {  	p2 =	por p1, p2  }
.Ltmp39:
0x28d: {  	s18 =	simm.s32 @!p1 $0x9;
	(pc) =	sbr.rel @p2 .LBB2_70-.Ltmp39, $4  }
0x28e: {  	_ =	swait.ge @!p1 [sflag:s18], $0x2000  }
0x28f: {  	[sflag:s18] =	ssyncset.done @!p1 $0x0  }
0x290: {  	[sflag:s18] =	ssyncadd.s32 @!p1 $0xFFFFE000  }
0x291: {  	s18 =	rddreg [dreg:$0x1]  }
0x292: {  	s17 =	sand.u32 $0xFFFFFFF0, s30;
	p1 =	sne.s32 s29, $0x1  }
.Ltmp40:
0x293: {  	v4 =	vld [tilespmem:s17+$0x6000];
	(pc) =	sbr.rel @!p1 .LBB2_69-.Ltmp40, $2  }
0x294: {  	_ =	sdelay $0x2  }
0x295: {  	s29 =	sadd.s32 $0xFFFFFFFF, s29;
	s30 =	sadd.s32 $0x10, s30  }
.LBB2_68:
0x296: {  	s17 =	sand.u32 $0xFFFFFFF0, s30;
	p1 =	sne.s32 s29, $0x1;
	s29 =	sadd.s32 $0xFFFFFFFF, s29;
	[tilespmem:s12+$0x0] =	vst v4  }
.Ltmp41:
0x297: {  	v4 =	vld [tilespmem:s17+$0x6000];
	(pc) =	sbr.rel @p1 .LBB2_68-.Ltmp41, $2  }
0x298: {  	_ =	sdelay $0x2  }
0x299: {  	s30 =	sadd.s32 $0x10, s30;
	s12 =	sadd.s32 $0x10, s12  }
.LBB2_69:
0x29a: {  	[tilespmem:s12+$0x0] =	vst v4  }
.LBB2_70:
0x29b: {  	p1 =	sgt.s32 s24, $0x1FFF;
	s12 =	sadd.s32 $0xFFFFE000, s24;
	s17 =	sadd.s32 $0x2000, s10  }
0x29c: {  	s30 =	simm.s32 $0x0;
	s24 =	smov.u32 @p1 s12;
	s10 =	smov.u32 @p1 s17  }
.LBB2_71:
0x29d: {  	p1 =	seq.s32 s7, $0x3F;
	s12 =	rddreg [dreg:$0x11]  }
0x29e: {  	s12 =	sadd.s32 @!p1 s14, s12  }
0x29f: {  	s12 =	sshrl.u32 @!p1 s12, $0x3  }
0x2a0: {  	s17 =	simm.s32 $0x2;
	s14 =	simm.s32 @!p1 $0x0;
	s12 =	sadd.s32 @!p1 s5, s12  }
0x2a1: {  	[tilespmem:s14], [sflag:$0x1] =	stream.linear.gather @!p1 [hbm4b:s12+s14], $0x2000, $0x38;
	[tilespmem:$0x18210] =	vst v63  }
0x2a2: {  	_ =	swait.ge [sflag:s17], $0x2000  }
0x2a3: {  	[sflag:s17] =	ssyncset.done $0x0  }
0x2a4: {  	s29 =	simm.s32 $0x0;
	[sflag:s17] =	ssyncadd.s32 $0xFFFFE000  }
0x2a5: {  	v5 =	vld [tilespmem:s29+$0x2040]  }
0x2a6: {  	v6 =	vld [tilespmem:s29+$0x2050]  }
0x2a7: {  	v10 =	vld [tilespmem:s29+$0x2070]  }
0x2a8: {  	v7 =	vld [tilespmem:s29+$0x2060]  }
0x2a9: {  	v11 =	vld [tilespmem:s29+$0x2000]  }
0x2aa: {  	v8 =	vld [tilespmem:s29+$0x2010]  }
0x2ab: {  	v4 =	vimm.s32 $0x0;
	v9 =	vld [tilespmem:s29+$0x2020];
	vm8 =	vlt.f32 v5, $1.010000040e+01  }
0x2ac: {  	vm9 =	vgt.f32 v5, $1.010000040e+01;
	vm11 =	vlt.f32 v10, $1.010000040e+01;
	vm15 =	vgt.f32 v10, $1.010000040e+01;
	v10 =	vld [tilespmem:s29+$0x2030]  }
0x2ad: {  	vm10 =	vlt.f32 v6, $1.010000040e+01;
	vm12 =	vgt.f32 v6, $1.010000040e+01;
	vm13 =	vlt.f32 v7, $1.010000040e+01  }
0x2ae: {  	vm14 =	vgt.f32 v7, $1.010000040e+01;
	vm1 =	vlt.f32 v11, $1.010000040e+01;
	vm2 =	vgt.f32 v11, $1.010000040e+01  }
0x2af: {  	s12 =	simm.s32 $0x200;
	v7 =	vimm.s32 $0x0;
	v6 =	vimm.s32 $0x0;
	v5 =	vimm.s32 $0x0  }
.LBB2_72:
0x2b0: {  	p1 =	sne.s32 s12, $0x7E00;
	vm0 =	vlt.f32 v8, $1.010000040e+01;
	vm3 =	vgt.f32 v8, $1.010000040e+01;
	vm4 =	vlt.f32 v9, $1.010000040e+01  }
0x2b1: {  	vm5 =	vgt.f32 v9, $1.010000040e+01;
	vm6 =	vlt.f32 v10, $1.010000040e+01;
	vm7 =	vgt.f32 v10, $1.010000040e+01  }
0x2b2: {  	s14 =	sshra.s32 s12, $0x2;
	vm8 =	vmor vm9, vm8;
	vm9 =	vmor vm12, vm10;
	vm10 =	vmor vm14, vm13  }
0x2b3: {  	vm1 =	vmor vm2, vm1;
	vm2 =	vmor vm15, vm11;
	vm0 =	vmor vm3, vm0;
	v11 =	vld [tilespmem:s14+$0x2040]  }
0x2b4: {  	vm3 =	vmor vm5, vm4;
	v8 =	vsel vm8, $0x1, v1;
	vm4 =	vmor vm7, vm6;
	v12 =	vld [tilespmem:s14+$0x2050]  }
0x2b5: {  	v9 =	vsel vm1, $0x1, v1;
	v10 =	vsel vm9, $0x1, v1;
	v14 =	vsel vm10, $0x1, v1;
	v13 =	vld [tilespmem:s14+$0x2060]  }
0x2b6: {  	v16 =	vsel vm2, $0x1, v1;
	v4 =	vadd.s32 v9, v4;
	v9 =	vsel vm0, $0x1, v1;
	v15 =	vld [tilespmem:s14+$0x2070]  }
0x2b7: {  	v18 =	vsel vm3, $0x1, v1;
	v19 =	vsel vm4, $0x1, v1;
	v4 =	vadd.s32 v8, v4;
	v17 =	vld [tilespmem:s14+$0x2000]  }
0x2b8: {  	v7 =	vadd.s32 v9, v7;
	v6 =	vadd.s32 v18, v6;
	v5 =	vadd.s32 v19, v5;
	v8 =	vld [tilespmem:s14+$0x2010]  }
.Ltmp42:
0x2b9: {  	v7 =	vadd.s32 v10, v7;
	v6 =	vadd.s32 v14, v6;
	v5 =	vadd.s32 v16, v5;
	v9 =	vld [tilespmem:s14+$0x2020];
	(pc) =	sbr.rel @p1 .LBB2_72-.Ltmp42, $4  }
0x2ba: {  	vm8 =	vlt.f32 v11, $1.010000040e+01;
	v10 =	vld [tilespmem:s14+$0x2030]  }
0x2bb: {  	vm9 =	vgt.f32 v11, $1.010000040e+01;
	vm10 =	vlt.f32 v12, $1.010000040e+01;
	vm12 =	vgt.f32 v12, $1.010000040e+01  }
0x2bc: {  	vm13 =	vlt.f32 v13, $1.010000040e+01;
	vm14 =	vgt.f32 v13, $1.010000040e+01;
	vm11 =	vlt.f32 v15, $1.010000040e+01  }
0x2bd: {  	s12 =	sadd.s32 $0x200, s12;
	vm15 =	vgt.f32 v15, $1.010000040e+01;
	vm1 =	vlt.f32 v17, $1.010000040e+01;
	vm2 =	vgt.f32 v17, $1.010000040e+01  }
0x2be: {  	vm0 =	vlt.f32 v8, $1.010000040e+01;
	vm3 =	vgt.f32 v8, $1.010000040e+01;
	vm4 =	vlt.f32 v9, $1.010000040e+01  }
0x2bf: {  	vm5 =	vgt.f32 v9, $1.010000040e+01;
	vm8 =	vmor vm9, vm8;
	vm9 =	vmor vm12, vm10  }
0x2c0: {  	vm12 =	vmor vm14, vm13;
	vm1 =	vmor vm2, vm1;
	vm13 =	vmor vm15, vm11  }
0x2c1: {  	vm6 =	vlt.f32 v10, $1.010000040e+01;
	vm7 =	vgt.f32 v10, $1.010000040e+01;
	vm0 =	vmor vm3, vm0  }
0x2c2: {  	vm14 =	vmor vm5, vm4;
	v60 =	vsel vm8, $0x1, v1;
	v61 =	vsel vm1, $0x1, v1  }
0x2c3: {  	v62 =	vsel vm9, $0x1, v1;
	v11 =	vsel vm12, $0x1, v1;
	v12 =	vsel vm13, $0x1, v1  }
0x2c4: {  	vm15 =	vmor vm7, vm6;
	v4 =	vadd.s32 v61, v4;
	v63 =	vsel vm0, $0x1, v1  }
0x2c5: {  	v13 =	vsel vm14, $0x1, v1;
	v14 =	vsel vm15, $0x1, v1;
	v7 =	vadd.s32 v63, v7  }
0x2c6: {  	v4 =	vadd.s32 v60, v4;
	v6 =	vadd.s32 v13, v6;
	v7 =	vadd.s32 v62, v7  }
0x2c7: {  	v5 =	vadd.s32 v14, v5;
	v6 =	vadd.s32 v11, v6;
	v4 =	vadd.s32 v4, v7  }
0x2c8: {  	v5 =	vadd.s32 v12, v5;
	v4 =	vadd.s32 v6, v4  }
0x2c9: {  	v4 =	vadd.s32 v5, v4  }
0x2ca: {  	(xrf0) =	vadd.scan.msk.s32 $0xffff, v4;
	_ =	sdelay $0x5  }
0x2cb: {  	v4, _, _ =	vpop (xrf0)  }
0x2cc: {  	(v2sf) =	vpush v4, $0xF;
	_ =	sdelay $0xe  }
0x2cd: {  	s12 =	spop (v2sf)  }
0x2ce: {  	p2 =	sne.s32 s24, $0x0;
	p1 =	sne.s32 s12, $0x2000  }
0x2cf: {  	p1 =	por p2, p1  }
.Ltmp43:
0x2d0: {  	_ = 	snop;
	(pc) =	sbr.rel @!p1 .LBB2_81-.Ltmp43, $2  }
0x2d1: {  	_ =	sdelay $0x2  }
0x2d2: {  	s12 =	simm.s32 $0x0  }
0x2d3: {  	s14 =	sshra.s32 s12, $0x2  }
0x2d4: {  	v4 =	vld [tilespmem:s14+$0x2000];
	_ =	sdelay $0x4  }
0x2d5: {  	vm0 =	vlt.f32 v4, $1.010000040e+01;
	vm1 =	vgt.f32 v4, $1.010000040e+01  }
0x2d6: {  	vm0 =	vmor vm1, vm0  }
0x2d7: {  	v5 =	vmpcnt.ones.xlane vm0;
	_ =	sdelay $0x1  }
0x2d8: {  	(v2sf) =	vpush v5, $0x0;
	_ =	sdelay $0x4  }
0x2d9: {  	s29 =	sadd.s32 $0x40, s12  }
0x2da: {  	s14 =	sshra.s32 s29, $0x2;
	s12 =	sadd.s32 $0x40, s29;
	[tilespmem:s24+$0x4000] =	vst.msk vm0, v4  }
.LBB2_75:
0x2db: {  	p2 =	sne.s32 s12, $0x7FC0;
	v4 =	vld [tilespmem:s14+$0x2000];
	_ =	sdelay $0x4  }
0x2dc: {  	vm0 =	vlt.f32 v4, $1.010000040e+01;
	vm1 =	vgt.f32 v4, $1.010000040e+01  }
0x2dd: {  	vm0 =	vmor vm1, vm0  }
0x2de: {  	v5 =	vmpcnt.ones.xlane vm0  }
0x2df: {  	s14 =	spop (v2sf)  }
0x2e0: {  	(v2sf) =	vpush v5, $0x0;
	s24 =	sadd.s32 s24, s14  }
0x2e1: {  	[tilespmem:s24+$0x4000] =	vst.msk vm0, v4  }
.Ltmp44:
0x2e2: {  	(pc) =	sbr.rel @p2 .LBB2_75-.Ltmp44, $2  }
0x2e3: {  	_ =	sdelay $0x2  }
0x2e4: {  	s14 =	sshra.s32 s12, $0x2;
	s12 =	sadd.s32 $0x40, s12  }
0x2e5: {  	v4 =	vld [tilespmem:s14+$0x2000];
	_ =	sdelay $0x4  }
0x2e6: {  	vm0 =	vlt.f32 v4, $1.010000040e+01;
	vm1 =	vgt.f32 v4, $1.010000040e+01  }
0x2e7: {  	vm0 =	vmor vm1, vm0  }
0x2e8: {  	v5 =	vmpcnt.ones.xlane vm0;
	_ =	sdelay $0x1  }
0x2e9: {  	(v2sf) =	vpush v5, $0x0;
	_ =	sdelay $0xd  }
0x2ea: {  	s12 =	spop (v2sf)  }
0x2eb: {  	s18 =	sadd.s32 s24, s12;
	s24 =	spop (v2sf)  }
0x2ec: {  	s12 =	sadd.s32 s18, s24  }
0x2ed: {  	s17 =	rddreg [dreg:$0x9];
	p2 =	slt.s32 s12, $0x2000  }
0x2ee: {  	s17 =	sadd.s32 @!p2 s17, s10  }
0x2ef: {  	s17 =	sshrl.u32 @!p2 s17, $0x3  }
0x2f0: {  	[tilespmem:s18+$0x4000] =	vst.msk vm0, v4;
	s29 =	simm.s32 @!p2 $0x0;
	s14 =	simm.s32 @!p2 $0x4000;
	s17 =	sadd.s32 @!p2 s6, s17  }
0x2f1: {  	[hbm4b:s17+s29] =	stream.linear.scatter @!p2 [tilespmem:s14], [sflag:$0x9], $0x2000, $0x38;
	[tilespmem:$0x18210] =	vst v63  }
0x2f2: {  	s17 =	sadd.s32 @!p2 $0xFFFFE00F, s12  }
0x2f3: {  	s24 =	sshrl.u32 @!p2 s17, $0x4  }
0x2f4: {  	p3 =	seq.s32 @!p2 s24, $0x0  }
0x2f5: {  	p3 =	por p2, p3  }
.Ltmp45:
0x2f6: {  	s18 =	simm.s32 @!p2 $0x9;
	(pc) =	sbr.rel @p3 .LBB2_80-.Ltmp45, $4  }
0x2f7: {  	_ =	swait.ge @!p2 [sflag:s18], $0x2000  }
0x2f8: {  	[sflag:s18] =	ssyncset.done @!p2 $0x0  }
0x2f9: {  	[sflag:s18] =	ssyncadd.s32 @!p2 $0xFFFFE000  }
0x2fa: {  	s18 =	rddreg [dreg:$0x1]  }
0x2fb: {  	s17 =	sand.u32 $0xFFFFFFF0, s29;
	p2 =	sne.s32 s24, $0x1  }
.Ltmp46:
0x2fc: {  	v4 =	vld [tilespmem:s17+$0x6000];
	(pc) =	sbr.rel @!p2 .LBB2_79-.Ltmp46, $2  }
0x2fd: {  	_ =	sdelay $0x2  }
0x2fe: {  	s24 =	sadd.s32 $0xFFFFFFFF, s24;
	s29 =	sadd.s32 $0x10, s29  }
.LBB2_78:
0x2ff: {  	s17 =	sand.u32 $0xFFFFFFF0, s29;
	p2 =	sne.s32 s24, $0x1;
	s24 =	sadd.s32 $0xFFFFFFFF, s24;
	[tilespmem:s14+$0x0] =	vst v4  }
.Ltmp47:
0x300: {  	v4 =	vld [tilespmem:s17+$0x6000];
	(pc) =	sbr.rel @p2 .LBB2_78-.Ltmp47, $2  }
0x301: {  	_ =	sdelay $0x2  }
0x302: {  	s29 =	sadd.s32 $0x10, s29;
	s14 =	sadd.s32 $0x10, s14  }
.LBB2_79:
0x303: {  	[tilespmem:s14+$0x0] =	vst v4  }
.LBB2_80:
0x304: {  	s7 =	sadd.s32 $0x1, s7  }
0x305: {  	p3 =	seq.s32 s7, $0x40  }
.Ltmp48:
0x306: {  	_ = 	snop;
	(pc) =	sbr.rel @!p3 .LBB2_58-.Ltmp48, $4  }
.Ltmp49:
0x307: {  	_ = 	snop;
	(pc) =	sbr.rel @p3 .LBB2_83-.Ltmp49, $4  }
0x308: {  	p2 =	sgt.s32 s12, $0x1FFF  }
0x309: {  	s14 =	sadd.s32 $0xFFFFE000, s12;
	s17 =	sadd.s32 $0x2000, s10;
	s24 =	rddreg [dreg:$0x9]  }
0x30a: {  	s29 =	simm.s32 $0x2000;
	s12 =	smov.u32 @p2 s14;
	s10 =	smov.u32 @p2 s17  }
0x30b: {  	_ = 	snop  }
.LBB2_62:
.Ltmp50:
0x30c: {  	(pc) =	sbr.rel .LBB2_66-.Ltmp50, $2  }
0x30d: {  	_ =	sdelay $0x2  }
0x30e: {  	s24 =	smov.u32 s12  }
.LBB2_64:
.Ltmp51:
0x30f: {  	(pc) =	sbr.rel .LBB2_66-.Ltmp51, $2  }
0x310: {  	_ =	sdelay $0x2  }
0x311: {  	s24 =	smov.u32 s12  }
.LBB2_82:
0x312: {  	s7 =	simm.s32 $0x4  }
0x313: {  	_ =	swait.ge [sflag:s7], $0x2000  }
0x314: {  	[sflag:s7] =	ssyncset.done $0x0  }
0x315: {  	s12 =	simm.s32 $0x0;
	[sflag:s7] =	ssyncadd.s32 $0xFFFFE000  }
.LBB2_83:
0x316: {  	p1 =	sgt.s32 s10, $0xFFFFF  }
.Ltmp52:
0x317: {  	_ = 	snop;
	(pc) =	sbr.rel @p1 .LBB2_92-.Ltmp52, $4  }
0x318: {  	_ = 	snop  }
0x319: {  	s17 =	rddreg [dreg:$0x14]  }
0x31a: {  	s24 =	rddreg [dreg:$0x15]  }
0x31b: {  	s29 =	rddreg [dreg:$0x16]  }
0x31c: {  	s7 =	simm.s32 $0x4000  }
0x31d: {  	v4 =	vmov s12;
	s12 =	simm.s32 $0x0;
	s14 =	simm.s32 $0x10;
	v5 =	vld [tilespmem:s7+$0x0]  }
.LBB2_85:
0x31e: {  	p1 =	sne.s32 s14, $0x1FF0;
	_ =	sdelay $0x1  }
.Ltmp53:
0x31f: {  	v6 =	vor.u32 s12, v2;
	s12 =	smov.u32 s14;
	(pc) =	sbr.rel @p1 .LBB2_85-.Ltmp53, $4  }
0x320: {  	vm0 =	vlt.s32 v6, v4  }
0x321: {  	v5 =	vnsel vm0, $0x4121999A, v5  }
0x322: {  	[tilespmem:s7+$0x0] =	vst v5;
	s7 =	sadd.s32 $0x10, s7  }
0x323: {  	s14 =	sadd.s32 $0x10, s14;
	v5 =	vld [tilespmem:s7+$0x0]  }
0x324: {  	_ =	sdelay $0x1  }
0x325: {  	v6 =	vor.u32 s12, v2;
	s30 =	rddreg [dreg:$0x9]  }
0x326: {  	vm0 =	vlt.s32 v6, v4;
	s12 =	sadd.s32 s30, s10  }
0x327: {  	s12 =	sshrl.u32 s12, $0x3;
	v4 =	vnsel vm0, $0x4121999A, v5  }
0x328: {  	s14 =	simm.s32 $0x4000;
	s30 =	simm.s32 $0x0;
	s12 =	sadd.s32 s6, s12;
	[tilespmem:s7+$0x0] =	vst v4  }
0x329: {  	[hbm4b:s12+s30] =	stream.linear.scatter [tilespmem:s14], [sflag:$0x9], $0x2000, $0x38;
	[tilespmem:$0x18210] =	vst v63  }
0x32a: {  	_ =	swait.ge [sflag:s8], $0x2000  }
0x32b: {  	[sflag:s8] =	ssyncset.done $0x0  }
0x32c: {  	s7 =	simm.s32 $0x40;
	s12 =	simm.s32 $0x0;
	[sflag:s8] =	ssyncadd.s32 $0xFFFFE000  }
.LBB2_87:
0x32d: {  	p1 =	seq.s32 s7, $0x7FC0;
	[tilespmem:s12+$0x0] =	vst v3;
	s12 =	smov.u32 s7;
	s7 =	sadd.s32 $0x40, s7  }
.Ltmp54:
0x32e: {  	(pc) =	sbr.rel @!p1 .LBB2_87-.Ltmp54, $2  }
0x32f: {  	_ =	sdelay $0x2  }
0x330: {  	s12 =	sshra.s32 s12, $0x2  }
0x331: {  	p1 =	sgt.s32 s10, $0xFDFFF  }
.Ltmp55:
0x332: {  	_ = 	snop;
	(pc) =	sbr.rel @p1 .LBB2_92-.Ltmp55, $2  }
0x333: {  	_ =	sdelay $0x2  }
0x334: {  	[tilespmem:s12+$0x0] =	vst v3  }
0x335: {  	s7 =	sadd.s32 $0xFFFFE000, s10  }
0x336: {  	s7 =	sadd.s32 $0x2000, s7  }
0x337: {  	p1 =	slt.s32 s7, $0xFC000  }
.Ltmp56:
0x338: {  	s12 =	rddreg [dreg:$0x12];
	(pc) =	sbr.rel @!p1 .LBB2_91-.Ltmp56, $4  }
0x339: {  	s30 =	sadd.s32 s12, s7  }
0x33a: {  	s10 =	sshrl.u32 s30, $0x3  }
0x33b: {  	s10 =	sadd.s32 s6, s10  }
0x33c: {  	[hbm4b:s10+s3] =	stream.linear.scatter [tilespmem:s3], [sflag:$0x9], $0x2000, $0x38;
	[tilespmem:$0x18210] =	vst v63  }
.LBB2_90:
0x33d: {  	s7 =	sadd.s32 $0x2000, s7  }
0x33e: {  	p1 =	slt.s32 s7, $0xFC000  }
.Ltmp57:
0x33f: {  	(pc) =	sbr.rel @p1 .LBB2_90-.Ltmp57, $4  }
0x340: {  	s10 =	sadd.s32 s12, s7;
	_ =	swait.ge [sflag:s8], $0x2000  }
0x341: {  	s10 =	sshrl.u32 s10, $0x3;
	[sflag:s8] =	ssyncset.done $0x0  }
0x342: {  	s10 =	sadd.s32 s6, s10;
	[sflag:s8] =	ssyncadd.s32 $0xFFFFE000  }
0x343: {  	[hbm4b:s10+s3] =	stream.linear.scatter [tilespmem:s3], [sflag:$0x9], $0x2000, $0x38;
	[tilespmem:$0x18210] =	vst v63  }
.LBB2_91:
0x344: {  	_ =	swait.ge [sflag:s8], $0x2000  }
0x345: {  	[sflag:s8] =	ssyncset.done $0x0  }
0x346: {  	[sflag:s8] =	ssyncadd.s32 $0xFFFFE000  }
.LBB2_92:
.Ltmp58:
0x347: {  	(pc) =	sbr.rel @p0 .LBB2_264-.Ltmp58, $2  }
0x348: {  	_ =	sdelay $0x2  }
0x349: {  	s10 =	rddreg [dreg:$0x13]  }
0x34a: {  	s7 =	rddreg [dreg:$0x1b]  }
0x34b: {  	p0 =	sne.s32 s7, $0x100000  }
.Ltmp59:
0x34c: {  	_ = 	snop;
	(pc) =	sbr.rel @p0 .LBB2_97-.Ltmp59, $4  }
0x34d: {  	_ = 	snop  }
0x34e: {  	s7 =	simm.s32 @!p0 $0x0  }
0x34f: {  	[bflag:$0x0] =	sbarrier.arrive $0xFFFF;
	s7 =	simm.s32 @p0 $0x1  }
0x350: {  	s10 =	simm.s32 $0x10;
	[smem:$0x7FC] =	sst s7;
	s7 =	simm.s32 $0x8080  }
0x351: {  	s14 =	sadd.s32 $0x0, s9;
	s12 =	simm.s32 $0x8480  }
.LBB2_95:
0x352: {  	[tilespmem:s7], [sflag:$0x5] =	stream.linear.gather [hbm4b:s14+s3], $0x80, $0x38;
	[tilespmem:$0x18210] =	vst v63  }
0x353: {  	s14 =	smov.u32 s10;
	s7 =	smov.u32 s12;
	p0 =	seq.s32 s10, $0x1F0  }
.Ltmp60:
0x354: {  	s10 =	sadd.s32 $0x10, s10;
	(pc) =	sbr.rel @!p0 .LBB2_95-.Ltmp60, $2  }
0x355: {  	_ =	sdelay $0x2  }
0x356: {  	s12 =	sadd.s32 $0x400, s12;
	s14 =	sadd.s32 s14, s9  }
.Ltmp61:
0x357: {  	(pc) =	sbr.rel .LBB2_100-.Ltmp61, $2  }
0x358: {  	_ =	sdelay $0x2  }
0x359: {  	[tilespmem:s7], [sflag:$0x5] =	stream.linear.gather [hbm4b:s14+s3], $0x80, $0x38;
	[tilespmem:$0x18210] =	vst v63  }
.LBB2_97:
0x35a: {  	s14 =	sadd.s32 $0x0, s20;
	s12 =	simm.s32 $0x8480  }
.LBB2_98:
0x35b: {  	[tilespmem:s7], [sflag:$0x5] =	stream.linear.gather [hbm4b:s14+s3], $0x80, $0x38;
	[tilespmem:$0x18210] =	vst v63  }
0x35c: {  	s14 =	smov.u32 s10;
	s7 =	smov.u32 s12;
	p0 =	sne.s32 s10, $0x1F0  }
.Ltmp62:
0x35d: {  	s10 =	sadd.s32 $0x10, s10;
	(pc) =	sbr.rel @p0 .LBB2_98-.Ltmp62, $2  }
0x35e: {  	_ =	sdelay $0x2  }
0x35f: {  	s12 =	sadd.s32 $0x400, s12;
	s14 =	sadd.s32 s14, s20  }
0x360: {  	[tilespmem:s7], [sflag:$0x5] =	stream.linear.gather [hbm4b:s14+s3], $0x80, $0x38;
	[tilespmem:$0x18210] =	vst v63  }
.LBB2_100:
0x361: {  	s7 =	rddreg [dreg:$0x1a]  }
0x362: {  	p0 =	sne.s32 s7, $0x100000  }
.Ltmp63:
0x363: {  	_ = 	snop;
	(pc) =	sbr.rel @p0 .LBB2_104-.Ltmp63, $4  }
0x364: {  	_ = 	snop  }
0x365: {  	s7 =	simm.s32 @!p0 $0x0  }
0x366: {  	s7 =	simm.s32 @p0 $0x1  }
0x367: {  	s10 =	simm.s32 $0x10;
	[smem:$0x7FB] =	sst s7;
	s7 =	simm.s32 $0x8100  }
0x368: {  	s14 =	sadd.s32 $0x0, s11;
	s12 =	simm.s32 $0x8500  }
.LBB2_102:
0x369: {  	[tilespmem:s7], [sflag:$0x5] =	stream.linear.gather [hbm4b:s14+s3], $0x80, $0x38;
	[tilespmem:$0x18210] =	vst v63  }
0x36a: {  	s14 =	smov.u32 s10;
	s7 =	smov.u32 s12;
	p0 =	seq.s32 s10, $0x1F0  }
.Ltmp64:
0x36b: {  	s10 =	sadd.s32 $0x10, s10;
	(pc) =	sbr.rel @!p0 .LBB2_102-.Ltmp64, $2  }
0x36c: {  	_ =	sdelay $0x2  }
0x36d: {  	s12 =	sadd.s32 $0x400, s12;
	s14 =	sadd.s32 s14, s11  }
.Ltmp65:
0x36e: {  	(pc) =	sbr.rel .LBB2_107-.Ltmp65, $2  }
0x36f: {  	_ =	sdelay $0x2  }
0x370: {  	[tilespmem:s7], [sflag:$0x5] =	stream.linear.gather [hbm4b:s14+s3], $0x80, $0x38;
	[tilespmem:$0x18210] =	vst v63  }
.LBB2_104:
0x371: {  	s14 =	sadd.s32 $0x0, s21;
	s12 =	simm.s32 $0x8500  }
.LBB2_105:
0x372: {  	[tilespmem:s7], [sflag:$0x5] =	stream.linear.gather [hbm4b:s14+s3], $0x80, $0x38;
	[tilespmem:$0x18210] =	vst v63  }
0x373: {  	s14 =	smov.u32 s10;
	s7 =	smov.u32 s12;
	p0 =	sne.s32 s10, $0x1F0  }
.Ltmp66:
0x374: {  	s10 =	sadd.s32 $0x10, s10;
	(pc) =	sbr.rel @p0 .LBB2_105-.Ltmp66, $2  }
0x375: {  	_ =	sdelay $0x2  }
0x376: {  	s12 =	sadd.s32 $0x400, s12;
	s14 =	sadd.s32 s14, s21  }
0x377: {  	[tilespmem:s7], [sflag:$0x5] =	stream.linear.gather [hbm4b:s14+s3], $0x80, $0x38;
	[tilespmem:$0x18210] =	vst v63  }
.LBB2_107:
0x378: {  	s7 =	rddreg [dreg:$0x19]  }
0x379: {  	p3 =	sne.s32 s7, $0x100000  }
.Ltmp67:
0x37a: {  	_ = 	snop;
	(pc) =	sbr.rel @p3 .LBB2_111-.Ltmp67, $1  }
0x37b: {  	_ =	sdelay $0x3  }
0x37c: {  	s7 =	simm.s32 $0x8180  }
0x37d: {  	s10 =	simm.s32 $0x10;
	s14 =	sadd.s32 $0x0, s13;
	s12 =	simm.s32 $0x8580  }
.LBB2_109:
0x37e: {  	[tilespmem:s7], [sflag:$0x5] =	stream.linear.gather [hbm4b:s14+s3], $0x80, $0x38;
	[tilespmem:$0x18210] =	vst v63  }
0x37f: {  	s14 =	smov.u32 s10;
	s7 =	smov.u32 s12;
	p0 =	seq.s32 s10, $0x1F0  }
.Ltmp68:
0x380: {  	s10 =	sadd.s32 $0x10, s10;
	(pc) =	sbr.rel @!p0 .LBB2_109-.Ltmp68, $2  }
0x381: {  	_ =	sdelay $0x2  }
0x382: {  	s12 =	sadd.s32 $0x400, s12;
	s14 =	sadd.s32 s14, s13  }
.Ltmp69:
0x383: {  	(pc) =	sbr.rel .LBB2_114-.Ltmp69, $2  }
0x384: {  	_ =	sdelay $0x2  }
0x385: {  	[tilespmem:s7], [sflag:$0x5] =	stream.linear.gather [hbm4b:s14+s3], $0x80, $0x38;
	[tilespmem:$0x18210] =	vst v63  }
.LBB2_111:
0x386: {  	s7 =	simm.s32 $0x8180  }
0x387: {  	s10 =	simm.s32 $0x10;
	s14 =	sadd.s32 $0x0, s22;
	s12 =	simm.s32 $0x8580  }
.LBB2_112:
0x388: {  	[tilespmem:s7], [sflag:$0x5] =	stream.linear.gather [hbm4b:s14+s3], $0x80, $0x38;
	[tilespmem:$0x18210] =	vst v63  }
0x389: {  	s14 =	smov.u32 s10;
	s7 =	smov.u32 s12;
	p0 =	sne.s32 s10, $0x1F0  }
.Ltmp70:
0x38a: {  	s10 =	sadd.s32 $0x10, s10;
	(pc) =	sbr.rel @p0 .LBB2_112-.Ltmp70, $2  }
0x38b: {  	_ =	sdelay $0x2  }
0x38c: {  	s12 =	sadd.s32 $0x400, s12;
	s14 =	sadd.s32 s14, s22  }
0x38d: {  	[tilespmem:s7], [sflag:$0x5] =	stream.linear.gather [hbm4b:s14+s3], $0x80, $0x38;
	[tilespmem:$0x18210] =	vst v63  }
.LBB2_114:
0x38e: {  	s7 =	rddreg [dreg:$0x18]  }
0x38f: {  	p4 =	sne.s32 s7, $0x100000  }
.Ltmp71:
0x390: {  	_ = 	snop;
	(pc) =	sbr.rel @p4 .LBB2_118-.Ltmp71, $1  }
0x391: {  	_ =	sdelay $0x3  }
0x392: {  	s7 =	simm.s32 $0x8200  }
0x393: {  	s10 =	simm.s32 $0x10;
	s14 =	sadd.s32 $0x0, s15;
	s12 =	simm.s32 $0x8600  }
.LBB2_116:
0x394: {  	[tilespmem:s7], [sflag:$0x5] =	stream.linear.gather [hbm4b:s14+s3], $0x80, $0x38;
	[tilespmem:$0x18210] =	vst v63  }
0x395: {  	s14 =	smov.u32 s10;
	s7 =	smov.u32 s12;
	p0 =	seq.s32 s10, $0x1F0  }
.Ltmp72:
0x396: {  	s10 =	sadd.s32 $0x10, s10;
	(pc) =	sbr.rel @!p0 .LBB2_116-.Ltmp72, $2  }
0x397: {  	_ =	sdelay $0x2  }
0x398: {  	s12 =	sadd.s32 $0x400, s12;
	s14 =	sadd.s32 s14, s15  }
.Ltmp73:
0x399: {  	(pc) =	sbr.rel .LBB2_121-.Ltmp73, $2  }
0x39a: {  	_ =	sdelay $0x2  }
0x39b: {  	[tilespmem:s7], [sflag:$0x5] =	stream.linear.gather [hbm4b:s14+s3], $0x80, $0x38;
	[tilespmem:$0x18210] =	vst v63  }
.LBB2_118:
0x39c: {  	s7 =	simm.s32 $0x8200  }
0x39d: {  	s10 =	simm.s32 $0x10;
	s14 =	sadd.s32 $0x0, s23;
	s12 =	simm.s32 $0x8600  }
.LBB2_119:
0x39e: {  	[tilespmem:s7], [sflag:$0x5] =	stream.linear.gather [hbm4b:s14+s3], $0x80, $0x38;
	[tilespmem:$0x18210] =	vst v63  }
0x39f: {  	s14 =	smov.u32 s10;
	s7 =	smov.u32 s12;
	p0 =	sne.s32 s10, $0x1F0  }
.Ltmp74:
0x3a0: {  	s10 =	sadd.s32 $0x10, s10;
	(pc) =	sbr.rel @p0 .LBB2_119-.Ltmp74, $2  }
0x3a1: {  	_ =	sdelay $0x2  }
0x3a2: {  	s12 =	sadd.s32 $0x400, s12;
	s14 =	sadd.s32 s14, s23  }
0x3a3: {  	[tilespmem:s7], [sflag:$0x5] =	stream.linear.gather [hbm4b:s14+s3], $0x80, $0x38;
	[tilespmem:$0x18210] =	vst v63  }
.LBB2_121:
0x3a4: {  	s7 =	rddreg [dreg:$0x17]  }
0x3a5: {  	p5 =	sne.s32 s7, $0x100000  }
.Ltmp75:
0x3a6: {  	_ = 	snop;
	(pc) =	sbr.rel @p5 .LBB2_125-.Ltmp75, $1  }
0x3a7: {  	_ =	sdelay $0x3  }
0x3a8: {  	s7 =	simm.s32 $0x8280  }
0x3a9: {  	s10 =	simm.s32 $0x10;
	s14 =	sadd.s32 $0x0, s25;
	s12 =	simm.s32 $0x8680  }
.LBB2_123:
0x3aa: {  	[tilespmem:s7], [sflag:$0x5] =	stream.linear.gather [hbm4b:s14+s3], $0x80, $0x38;
	[tilespmem:$0x18210] =	vst v63  }
0x3ab: {  	s14 =	smov.u32 s10;
	s7 =	smov.u32 s12;
	p0 =	seq.s32 s10, $0x1F0  }
.Ltmp76:
0x3ac: {  	s10 =	sadd.s32 $0x10, s10;
	(pc) =	sbr.rel @!p0 .LBB2_123-.Ltmp76, $2  }
0x3ad: {  	_ =	sdelay $0x2  }
0x3ae: {  	s12 =	sadd.s32 $0x400, s12;
	s14 =	sadd.s32 s14, s25  }
.Ltmp77:
0x3af: {  	(pc) =	sbr.rel .LBB2_128-.Ltmp77, $2  }
0x3b0: {  	_ =	sdelay $0x2  }
0x3b1: {  	[tilespmem:s7], [sflag:$0x5] =	stream.linear.gather [hbm4b:s14+s3], $0x80, $0x38;
	[tilespmem:$0x18210] =	vst v63  }
.LBB2_125:
0x3b2: {  	s7 =	simm.s32 $0x8280  }
0x3b3: {  	s10 =	simm.s32 $0x10;
	s14 =	sadd.s32 $0x0, s26;
	s12 =	simm.s32 $0x8680  }
.LBB2_126:
0x3b4: {  	[tilespmem:s7], [sflag:$0x5] =	stream.linear.gather [hbm4b:s14+s3], $0x80, $0x38;
	[tilespmem:$0x18210] =	vst v63  }
0x3b5: {  	s14 =	smov.u32 s10;
	s7 =	smov.u32 s12;
	p0 =	sne.s32 s10, $0x1F0  }
.Ltmp78:
0x3b6: {  	s10 =	sadd.s32 $0x10, s10;
	(pc) =	sbr.rel @p0 .LBB2_126-.Ltmp78, $2  }
0x3b7: {  	_ =	sdelay $0x2  }
0x3b8: {  	s12 =	sadd.s32 $0x400, s12;
	s14 =	sadd.s32 s14, s26  }
0x3b9: {  	[tilespmem:s7], [sflag:$0x5] =	stream.linear.gather [hbm4b:s14+s3], $0x80, $0x38;
	[tilespmem:$0x18210] =	vst v63  }
.LBB2_128:
0x3ba: {  	p6 =	sne.s32 s29, $0x100000  }
.Ltmp79:
0x3bb: {  	_ = 	snop;
	(pc) =	sbr.rel @p6 .LBB2_132-.Ltmp79, $2  }
0x3bc: {  	_ =	sdelay $0x2  }
0x3bd: {  	s7 =	simm.s32 $0x8300;
	s10 =	simm.s32 $0x10  }
0x3be: {  	s14 =	sadd.s32 $0x0, s28;
	s12 =	simm.s32 $0x8700  }
.LBB2_130:
0x3bf: {  	[tilespmem:s7], [sflag:$0x5] =	stream.linear.gather [hbm4b:s14+s3], $0x80, $0x38;
	[tilespmem:$0x18210] =	vst v63  }
0x3c0: {  	s14 =	smov.u32 s10;
	s7 =	smov.u32 s12;
	p0 =	seq.s32 s10, $0x1F0  }
.Ltmp80:
0x3c1: {  	s10 =	sadd.s32 $0x10, s10;
	(pc) =	sbr.rel @!p0 .LBB2_130-.Ltmp80, $2  }
0x3c2: {  	_ =	sdelay $0x2  }
0x3c3: {  	s12 =	sadd.s32 $0x400, s12;
	s14 =	sadd.s32 s14, s28  }
.Ltmp81:
0x3c4: {  	(pc) =	sbr.rel .LBB2_135-.Ltmp81, $2  }
0x3c5: {  	_ =	sdelay $0x2  }
0x3c6: {  	[tilespmem:s7], [sflag:$0x5] =	stream.linear.gather [hbm4b:s14+s3], $0x80, $0x38;
	[tilespmem:$0x18210] =	vst v63  }
.LBB2_132:
0x3c7: {  	s14 =	sadd.s32 $0x0, s31;
	s12 =	simm.s32 $0x8700  }
.LBB2_133:
0x3c8: {  	[tilespmem:s7], [sflag:$0x5] =	stream.linear.gather [hbm4b:s14+s3], $0x80, $0x38;
	[tilespmem:$0x18210] =	vst v63  }
0x3c9: {  	s14 =	smov.u32 s10;
	s7 =	smov.u32 s12;
	p0 =	sne.s32 s10, $0x1F0  }
.Ltmp82:
0x3ca: {  	s10 =	sadd.s32 $0x10, s10;
	(pc) =	sbr.rel @p0 .LBB2_133-.Ltmp82, $2  }
0x3cb: {  	_ =	sdelay $0x2  }
0x3cc: {  	s12 =	sadd.s32 $0x400, s12;
	s14 =	sadd.s32 s14, s31  }
0x3cd: {  	[tilespmem:s7], [sflag:$0x5] =	stream.linear.gather [hbm4b:s14+s3], $0x80, $0x38;
	[tilespmem:$0x18210] =	vst v63  }
.LBB2_135:
0x3ce: {  	p0 =	sne.s32 s24, $0x100000  }
.Ltmp83:
0x3cf: {  	_ = 	snop;
	(pc) =	sbr.rel @p0 .LBB2_139-.Ltmp83, $2  }
0x3d0: {  	_ =	sdelay $0x2  }
0x3d1: {  	s7 =	simm.s32 $0x8380;
	s10 =	simm.s32 $0x10  }
0x3d2: {  	s14 =	sadd.s32 $0x0, s0;
	s12 =	simm.s32 $0x8780  }
.LBB2_137:
0x3d3: {  	[tilespmem:s7], [sflag:$0x5] =	stream.linear.gather [hbm4b:s14+s3], $0x80, $0x38;
	[tilespmem:$0x18210] =	vst v63  }
0x3d4: {  	s14 =	smov.u32 s10;
	s7 =	smov.u32 s12;
	p1 =	seq.s32 s10, $0x1F0  }
.Ltmp84:
0x3d5: {  	s10 =	sadd.s32 $0x10, s10;
	(pc) =	sbr.rel @!p1 .LBB2_137-.Ltmp84, $2  }
0x3d6: {  	_ =	sdelay $0x2  }
0x3d7: {  	s12 =	sadd.s32 $0x400, s12;
	s14 =	sadd.s32 s14, s0  }
.Ltmp85:
0x3d8: {  	(pc) =	sbr.rel .LBB2_142-.Ltmp85, $2  }
0x3d9: {  	_ =	sdelay $0x2  }
0x3da: {  	[tilespmem:s7], [sflag:$0x5] =	stream.linear.gather [hbm4b:s14+s3], $0x80, $0x38;
	[tilespmem:$0x18210] =	vst v63  }
.LBB2_139:
0x3db: {  	s14 =	sadd.s32 $0x0, s4;
	s12 =	simm.s32 $0x8780  }
.LBB2_140:
0x3dc: {  	[tilespmem:s7], [sflag:$0x5] =	stream.linear.gather [hbm4b:s14+s3], $0x80, $0x38;
	[tilespmem:$0x18210] =	vst v63  }
0x3dd: {  	s14 =	smov.u32 s10;
	s7 =	smov.u32 s12;
	p1 =	sne.s32 s10, $0x1F0  }
.Ltmp86:
0x3de: {  	s10 =	sadd.s32 $0x10, s10;
	(pc) =	sbr.rel @p1 .LBB2_140-.Ltmp86, $2  }
0x3df: {  	_ =	sdelay $0x2  }
0x3e0: {  	s12 =	sadd.s32 $0x400, s12;
	s14 =	sadd.s32 s14, s4  }
0x3e1: {  	[tilespmem:s7], [sflag:$0x5] =	stream.linear.gather [hbm4b:s14+s3], $0x80, $0x38;
	[tilespmem:$0x18210] =	vst v63  }
.LBB2_142:
0x3e2: {  	p1 =	sne.s32 s17, $0x100000  }
.Ltmp87:
0x3e3: {  	_ = 	snop;
	(pc) =	sbr.rel @p1 .LBB2_146-.Ltmp87, $2  }
0x3e4: {  	_ =	sdelay $0x2  }
0x3e5: {  	s7 =	simm.s32 $0x8400;
	s10 =	simm.s32 $0x10  }
0x3e6: {  	s14 =	sadd.s32 $0x0, s2;
	s12 =	simm.s32 $0x8800  }
.LBB2_144:
0x3e7: {  	[tilespmem:s7], [sflag:$0x5] =	stream.linear.gather [hbm4b:s14+s3], $0x80, $0x38;
	[tilespmem:$0x18210] =	vst v63  }
0x3e8: {  	s14 =	smov.u32 s10;
	s7 =	smov.u32 s12;
	p2 =	seq.s32 s10, $0x1F0  }
.Ltmp88:
0x3e9: {  	s10 =	sadd.s32 $0x10, s10;
	(pc) =	sbr.rel @!p2 .LBB2_144-.Ltmp88, $2  }
0x3ea: {  	_ =	sdelay $0x2  }
0x3eb: {  	s12 =	sadd.s32 $0x400, s12;
	s14 =	sadd.s32 s14, s2  }
.Ltmp89:
0x3ec: {  	(pc) =	sbr.rel .LBB2_149-.Ltmp89, $2  }
0x3ed: {  	_ =	sdelay $0x2  }
0x3ee: {  	[tilespmem:s7], [sflag:$0x5] =	stream.linear.gather [hbm4b:s14+s3], $0x80, $0x38;
	[tilespmem:$0x18210] =	vst v63  }
.LBB2_146:
0x3ef: {  	s14 =	sadd.s32 $0x0, s19;
	s12 =	simm.s32 $0x8800  }
.LBB2_147:
0x3f0: {  	[tilespmem:s7], [sflag:$0x5] =	stream.linear.gather [hbm4b:s14+s3], $0x80, $0x38;
	[tilespmem:$0x18210] =	vst v63  }
0x3f1: {  	s14 =	smov.u32 s10;
	s7 =	smov.u32 s12;
	p2 =	sne.s32 s10, $0x1F0  }
.Ltmp90:
0x3f2: {  	s10 =	sadd.s32 $0x10, s10;
	(pc) =	sbr.rel @p2 .LBB2_147-.Ltmp90, $2  }
0x3f3: {  	_ =	sdelay $0x2  }
0x3f4: {  	s12 =	sadd.s32 $0x400, s12;
	s14 =	sadd.s32 s14, s19  }
0x3f5: {  	[tilespmem:s7], [sflag:$0x5] =	stream.linear.gather [hbm4b:s14+s3], $0x80, $0x38;
	[tilespmem:$0x18210] =	vst v63  }
.LBB2_149:
0x3f6: {  	s10 =	simm.s32 $0x0  }
.LBB2_150:
0x3f7: {  	_ =	swait.ge [sflag:s1], $0x1000  }
0x3f8: {  	[sflag:s1] =	ssyncset.done $0x0  }
0x3f9: {  	[sflag:s1] =	ssyncadd.s32 $0xFFFFF000  }
0x3fa: {  	_ =	swait.ge [sflag:s1], $0x1000  }
0x3fb: {  	[sflag:s1] =	ssyncset.done $0x0  }
0x3fc: {  	[sflag:s1] =	ssyncadd.s32 $0xFFFFF000  }
0x3fd: {  	_ =	swait.ge [sflag:s1], $0x1000  }
0x3fe: {  	[sflag:s1] =	ssyncset.done $0x0  }
0x3ff: {  	[sflag:s1] =	ssyncadd.s32 $0xFFFFF000  }
0x400: {  	_ =	swait.ge [sflag:s1], $0x1000  }
0x401: {  	[sflag:s1] =	ssyncset.done $0x0  }
0x402: {  	[sflag:s1] =	ssyncadd.s32 $0xFFFFF000  }
0x403: {  	_ =	swait.ge [sflag:s1], $0x1000  }
0x404: {  	[sflag:s1] =	ssyncset.done $0x0  }
0x405: {  	[sflag:s1] =	ssyncadd.s32 $0xFFFFF000  }
0x406: {  	_ =	swait.ge [sflag:s1], $0x1000  }
0x407: {  	[sflag:s1] =	ssyncset.done $0x0  }
0x408: {  	[sflag:s1] =	ssyncadd.s32 $0xFFFFF000  }
0x409: {  	_ =	swait.ge [sflag:s1], $0x1000  }
0x40a: {  	[sflag:s1] =	ssyncset.done $0x0  }
0x40b: {  	[sflag:s1] =	ssyncadd.s32 $0xFFFFF000  }
0x40c: {  	_ =	swait.ge [sflag:s1], $0x1000  }
0x40d: {  	s7 =	sshll.u32 s10, $0x10;
	s12 =	rddreg [dreg:$0xa]  }
0x40e: {  	s29 =	simm.s32 $0x8080;
	s7 =	sadd.s32 s12, s7  }
0x40f: {  	p2 =	seq.s32 s10, $0x0;
	[sflag:s1] =	ssyncset.done $0x0;
	s7 =	sshrl.u32 s7, $0x3  }
0x410: {  	s14 =	simm.s32 @!p2 $0x8;
	[sflag:s1] =	ssyncadd.s32 $0xFFFFF000;
	s7 =	sadd.s32 s18, s7  }
0x411: {  	[hbm4b:s7+s3] =	stream.linear.scatter [tilespmem:s29], [sflag:$0x7], $0x8000, $0x38;
	[tilespmem:$0x18210] =	vst v63  }
0x412: {  	_ =	swait.ge @!p2 [sflag:s14], $0x8000  }
0x413: {  	s30 =	sld [smem:$0x7FC];
	_ =	sdelay $0x1  }
0x414: {  	[sflag:s14] =	ssyncset.done @!p2 $0x0  }
0x415: {  	[sflag:s14] =	ssyncadd.s32 @!p2 $0xFFFF8000;
	p2 =	seq.s32 s30, $0x1  }
.Ltmp91:
0x416: {  	_ = 	snop;
	(pc) =	sbr.rel @p2 .LBB2_154-.Ltmp91, $4  }
0x417: {  	s7 =	sshllo.u32 s10, $0x1  }
0x418: {  	s12 =	sshll.u32 s7, $0xC;
	s17 =	rddreg [dreg:$0x4]  }
0x419: {  	s17 =	sadd.s32 s17, s12  }
0x41a: {  	s14 =	sshrl.u32 s17, $0x3  }
0x41b: {  	s14 =	sadd.s32 s5, s14;
	s24 =	simm.s32 $0x10080  }
0x41c: {  	s29 =	simm.s32 $0x10;
	s30 =	simm.s32 $0x10480;
	s17 =	sadd.s32 $0x0, s14  }
.LBB2_152:
0x41d: {  	[tilespmem:s24], [sflag:$0x6] =	stream.linear.gather [hbm4b:s17+s3], $0x80, $0x38;
	[tilespmem:$0x18210] =	vst v63  }
0x41e: {  	s17 =	smov.u32 s29;
	s24 =	smov.u32 s30;
	p2 =	seq.s32 s29, $0x1F0  }
.Ltmp92:
0x41f: {  	s29 =	sadd.s32 $0x10, s29;
	(pc) =	sbr.rel @!p2 .LBB2_152-.Ltmp92, $2  }
0x420: {  	_ =	sdelay $0x2  }
0x421: {  	s30 =	sadd.s32 $0x400, s30;
	s17 =	sadd.s32 s17, s14  }
.Ltmp93:
0x422: {  	(pc) =	sbr.rel .LBB2_157-.Ltmp93, $2  }
0x423: {  	_ =	sdelay $0x2  }
0x424: {  	[tilespmem:s24], [sflag:$0x6] =	stream.linear.gather [hbm4b:s17+s3], $0x80, $0x38;
	[tilespmem:$0x18210] =	vst v63  }
.LBB2_154:
0x425: {  	s14 =	sadd.s32 s6, s14;
	s24 =	simm.s32 $0x10080  }
0x426: {  	s29 =	simm.s32 $0x10;
	s30 =	simm.s32 $0x10480;
	s17 =	sadd.s32 $0x0, s14  }
.LBB2_155:
0x427: {  	[tilespmem:s24], [sflag:$0x6] =	stream.linear.gather [hbm4b:s17+s3], $0x80, $0x38;
	[tilespmem:$0x18210] =	vst v63  }
0x428: {  	s17 =	smov.u32 s29;
	s24 =	smov.u32 s30;
	p2 =	sne.s32 s29, $0x1F0  }
.Ltmp94:
0x429: {  	s29 =	sadd.s32 $0x10, s29;
	(pc) =	sbr.rel @p2 .LBB2_155-.Ltmp94, $2  }
0x42a: {  	_ =	sdelay $0x2  }
0x42b: {  	s30 =	sadd.s32 $0x400, s30;
	s17 =	sadd.s32 s17, s14  }
0x42c: {  	[tilespmem:s24], [sflag:$0x6] =	stream.linear.gather [hbm4b:s17+s3], $0x80, $0x38;
	[tilespmem:$0x18210] =	vst v63  }
.LBB2_157:
0x42d: {  	s17 =	sld [smem:$0x7FB];
	_ =	sdelay $0x2  }
0x42e: {  	p2 =	seq.s32 s17, $0x1  }
.Ltmp95:
0x42f: {  	_ = 	snop;
	(pc) =	sbr.rel @p2 .LBB2_161-.Ltmp95, $4  }
0x430: {  	_ = 	snop  }
0x431: {  	s14 =	rddreg [dreg:$0x5]  }
0x432: {  	s14 =	sadd.s32 s14, s12  }
0x433: {  	s14 =	sshrl.u32 s14, $0x3  }
0x434: {  	s14 =	sadd.s32 s5, s14;
	s24 =	simm.s32 $0x10100  }
0x435: {  	s29 =	simm.s32 $0x10;
	s30 =	simm.s32 $0x10500;
	s17 =	sadd.s32 $0x0, s14  }
.LBB2_159:
0x436: {  	[tilespmem:s24], [sflag:$0x6] =	stream.linear.gather [hbm4b:s17+s3], $0x80, $0x38;
	[tilespmem:$0x18210] =	vst v63  }
0x437: {  	s17 =	smov.u32 s29;
	s24 =	smov.u32 s30;
	p2 =	seq.s32 s29, $0x1F0  }
.Ltmp96:
0x438: {  	s29 =	sadd.s32 $0x10, s29;
	(pc) =	sbr.rel @!p2 .LBB2_159-.Ltmp96, $2  }
0x439: {  	_ =	sdelay $0x2  }
0x43a: {  	s30 =	sadd.s32 $0x400, s30;
	s17 =	sadd.s32 s17, s14  }
.Ltmp97:
0x43b: {  	(pc) =	sbr.rel .LBB2_164-.Ltmp97, $2  }
0x43c: {  	_ =	sdelay $0x2  }
0x43d: {  	[tilespmem:s24], [sflag:$0x6] =	stream.linear.gather [hbm4b:s17+s3], $0x80, $0x38;
	[tilespmem:$0x18210] =	vst v63  }
.LBB2_161:
0x43e: {  	s14 =	sadd.s32 s6, s14;
	s24 =	simm.s32 $0x10100  }
0x43f: {  	s29 =	simm.s32 $0x10;
	s30 =	simm.s32 $0x10500;
	s17 =	sadd.s32 $0x0, s14  }
.LBB2_162:
0x440: {  	[tilespmem:s24], [sflag:$0x6] =	stream.linear.gather [hbm4b:s17+s3], $0x80, $0x38;
	[tilespmem:$0x18210] =	vst v63  }
0x441: {  	s17 =	smov.u32 s29;
	s24 =	smov.u32 s30;
	p2 =	sne.s32 s29, $0x1F0  }
.Ltmp98:
0x442: {  	s29 =	sadd.s32 $0x10, s29;
	(pc) =	sbr.rel @p2 .LBB2_162-.Ltmp98, $2  }
0x443: {  	_ =	sdelay $0x2  }
0x444: {  	s30 =	sadd.s32 $0x400, s30;
	s17 =	sadd.s32 s17, s14  }
0x445: {  	[tilespmem:s24], [sflag:$0x6] =	stream.linear.gather [hbm4b:s17+s3], $0x80, $0x38;
	[tilespmem:$0x18210] =	vst v63  }
.LBB2_164:
.Ltmp99:
0x446: {  	(pc) =	sbr.rel @p3 .LBB2_168-.Ltmp99, $4  }
0x447: {  	_ = 	snop  }
0x448: {  	s14 =	rddreg [dreg:$0x6]  }
0x449: {  	s14 =	sadd.s32 s14, s12  }
0x44a: {  	s14 =	sshrl.u32 s14, $0x3  }
0x44b: {  	s14 =	sadd.s32 s5, s14;
	s24 =	simm.s32 $0x10180  }
0x44c: {  	s29 =	simm.s32 $0x10;
	s30 =	simm.s32 $0x10580;
	s17 =	sadd.s32 $0x0, s14  }
.LBB2_166:
0x44d: {  	[tilespmem:s24], [sflag:$0x6] =	stream.linear.gather [hbm4b:s17+s3], $0x80, $0x38;
	[tilespmem:$0x18210] =	vst v63  }
0x44e: {  	s17 =	smov.u32 s29;
	s24 =	smov.u32 s30;
	p2 =	seq.s32 s29, $0x1F0  }
.Ltmp100:
0x44f: {  	s29 =	sadd.s32 $0x10, s29;
	(pc) =	sbr.rel @!p2 .LBB2_166-.Ltmp100, $2  }
0x450: {  	_ =	sdelay $0x2  }
0x451: {  	s30 =	sadd.s32 $0x400, s30;
	s17 =	sadd.s32 s17, s14  }
.Ltmp101:
0x452: {  	(pc) =	sbr.rel .LBB2_171-.Ltmp101, $2  }
0x453: {  	_ =	sdelay $0x2  }
0x454: {  	[tilespmem:s24], [sflag:$0x6] =	stream.linear.gather [hbm4b:s17+s3], $0x80, $0x38;
	[tilespmem:$0x18210] =	vst v63  }
.LBB2_168:
0x455: {  	s14 =	sadd.s32 s6, s14;
	s24 =	simm.s32 $0x10180  }
0x456: {  	s29 =	simm.s32 $0x10;
	s30 =	simm.s32 $0x10580;
	s17 =	sadd.s32 $0x0, s14  }
.LBB2_169:
0x457: {  	[tilespmem:s24], [sflag:$0x6] =	stream.linear.gather [hbm4b:s17+s3], $0x80, $0x38;
	[tilespmem:$0x18210] =	vst v63  }
0x458: {  	s17 =	smov.u32 s29;
	s24 =	smov.u32 s30;
	p2 =	sne.s32 s29, $0x1F0  }
.Ltmp102:
0x459: {  	s29 =	sadd.s32 $0x10, s29;
	(pc) =	sbr.rel @p2 .LBB2_169-.Ltmp102, $2  }
0x45a: {  	_ =	sdelay $0x2  }
0x45b: {  	s30 =	sadd.s32 $0x400, s30;
	s17 =	sadd.s32 s17, s14  }
0x45c: {  	[tilespmem:s24], [sflag:$0x6] =	stream.linear.gather [hbm4b:s17+s3], $0x80, $0x38;
	[tilespmem:$0x18210] =	vst v63  }
.LBB2_171:
.Ltmp103:
0x45d: {  	(pc) =	sbr.rel @p4 .LBB2_175-.Ltmp103, $4  }
0x45e: {  	_ = 	snop  }
0x45f: {  	s14 =	rddreg [dreg:$0x7]  }
0x460: {  	s14 =	sadd.s32 s14, s12  }
0x461: {  	s14 =	sshrl.u32 s14, $0x3  }
0x462: {  	s14 =	sadd.s32 s5, s14;
	s24 =	simm.s32 $0x10200  }
0x463: {  	s29 =	simm.s32 $0x10;
	s30 =	simm.s32 $0x10600;
	s17 =	sadd.s32 $0x0, s14  }
.LBB2_173:
0x464: {  	[tilespmem:s24], [sflag:$0x6] =	stream.linear.gather [hbm4b:s17+s3], $0x80, $0x38;
	[tilespmem:$0x18210] =	vst v63  }
0x465: {  	s17 =	smov.u32 s29;
	s24 =	smov.u32 s30;
	p2 =	seq.s32 s29, $0x1F0  }
.Ltmp104:
0x466: {  	s29 =	sadd.s32 $0x10, s29;
	(pc) =	sbr.rel @!p2 .LBB2_173-.Ltmp104, $2  }
0x467: {  	_ =	sdelay $0x2  }
0x468: {  	s30 =	sadd.s32 $0x400, s30;
	s17 =	sadd.s32 s17, s14  }
.Ltmp105:
0x469: {  	(pc) =	sbr.rel .LBB2_178-.Ltmp105, $2  }
0x46a: {  	_ =	sdelay $0x2  }
0x46b: {  	[tilespmem:s24], [sflag:$0x6] =	stream.linear.gather [hbm4b:s17+s3], $0x80, $0x38;
	[tilespmem:$0x18210] =	vst v63  }
.LBB2_175:
0x46c: {  	s14 =	sadd.s32 s6, s14;
	s24 =	simm.s32 $0x10200  }
0x46d: {  	s29 =	simm.s32 $0x10;
	s30 =	simm.s32 $0x10600;
	s17 =	sadd.s32 $0x0, s14  }
.LBB2_176:
0x46e: {  	[tilespmem:s24], [sflag:$0x6] =	stream.linear.gather [hbm4b:s17+s3], $0x80, $0x38;
	[tilespmem:$0x18210] =	vst v63  }
0x46f: {  	s17 =	smov.u32 s29;
	s24 =	smov.u32 s30;
	p2 =	sne.s32 s29, $0x1F0  }
.Ltmp106:
0x470: {  	s29 =	sadd.s32 $0x10, s29;
	(pc) =	sbr.rel @p2 .LBB2_176-.Ltmp106, $2  }
0x471: {  	_ =	sdelay $0x2  }
0x472: {  	s30 =	sadd.s32 $0x400, s30;
	s17 =	sadd.s32 s17, s14  }
0x473: {  	[tilespmem:s24], [sflag:$0x6] =	stream.linear.gather [hbm4b:s17+s3], $0x80, $0x38;
	[tilespmem:$0x18210] =	vst v63  }
.LBB2_178:
.Ltmp107:
0x474: {  	(pc) =	sbr.rel @p5 .LBB2_182-.Ltmp107, $4  }
0x475: {  	_ = 	snop  }
0x476: {  	s14 =	rddreg [dreg:$0x8]  }
0x477: {  	s14 =	sadd.s32 s14, s12  }
0x478: {  	s14 =	sshrl.u32 s14, $0x3  }
0x479: {  	s14 =	sadd.s32 s5, s14;
	s24 =	simm.s32 $0x10280  }
0x47a: {  	s29 =	simm.s32 $0x10;
	s30 =	simm.s32 $0x10680;
	s17 =	sadd.s32 $0x0, s14  }
.LBB2_180:
0x47b: {  	[tilespmem:s24], [sflag:$0x6] =	stream.linear.gather [hbm4b:s17+s3], $0x80, $0x38;
	[tilespmem:$0x18210] =	vst v63  }
0x47c: {  	s17 =	smov.u32 s29;
	s24 =	smov.u32 s30;
	p2 =	seq.s32 s29, $0x1F0  }
.Ltmp108:
0x47d: {  	s29 =	sadd.s32 $0x10, s29;
	(pc) =	sbr.rel @!p2 .LBB2_180-.Ltmp108, $2  }
0x47e: {  	_ =	sdelay $0x2  }
0x47f: {  	s30 =	sadd.s32 $0x400, s30;
	s17 =	sadd.s32 s17, s14  }
.Ltmp109:
0x480: {  	(pc) =	sbr.rel .LBB2_185-.Ltmp109, $2  }
0x481: {  	_ =	sdelay $0x2  }
0x482: {  	[tilespmem:s24], [sflag:$0x6] =	stream.linear.gather [hbm4b:s17+s3], $0x80, $0x38;
	[tilespmem:$0x18210] =	vst v63  }
.LBB2_182:
0x483: {  	s14 =	sadd.s32 s6, s14;
	s24 =	simm.s32 $0x10280  }
0x484: {  	s29 =	simm.s32 $0x10;
	s30 =	simm.s32 $0x10680;
	s17 =	sadd.s32 $0x0, s14  }
.LBB2_183:
0x485: {  	[tilespmem:s24], [sflag:$0x6] =	stream.linear.gather [hbm4b:s17+s3], $0x80, $0x38;
	[tilespmem:$0x18210] =	vst v63  }
0x486: {  	s17 =	smov.u32 s29;
	s24 =	smov.u32 s30;
	p2 =	sne.s32 s29, $0x1F0  }
.Ltmp110:
0x487: {  	s29 =	sadd.s32 $0x10, s29;
	(pc) =	sbr.rel @p2 .LBB2_183-.Ltmp110, $2  }
0x488: {  	_ =	sdelay $0x2  }
0x489: {  	s30 =	sadd.s32 $0x400, s30;
	s17 =	sadd.s32 s17, s14  }
0x48a: {  	[tilespmem:s24], [sflag:$0x6] =	stream.linear.gather [hbm4b:s17+s3], $0x80, $0x38;
	[tilespmem:$0x18210] =	vst v63  }
.LBB2_185:
.Ltmp111:
0x48b: {  	(pc) =	sbr.rel @p6 .LBB2_189-.Ltmp111, $4  }
0x48c: {  	_ = 	snop  }
0x48d: {  	s14 =	rddreg [dreg:$0xd]  }
0x48e: {  	s14 =	sadd.s32 s14, s12  }
0x48f: {  	s14 =	sshrl.u32 s14, $0x3  }
0x490: {  	s14 =	sadd.s32 s5, s14;
	s24 =	simm.s32 $0x10300  }
0x491: {  	s29 =	simm.s32 $0x10;
	s30 =	simm.s32 $0x10700;
	s17 =	sadd.s32 $0x0, s14  }
.LBB2_187:
0x492: {  	[tilespmem:s24], [sflag:$0x6] =	stream.linear.gather [hbm4b:s17+s3], $0x80, $0x38;
	[tilespmem:$0x18210] =	vst v63  }
0x493: {  	s17 =	smov.u32 s29;
	s24 =	smov.u32 s30;
	p2 =	seq.s32 s29, $0x1F0  }
.Ltmp112:
0x494: {  	s29 =	sadd.s32 $0x10, s29;
	(pc) =	sbr.rel @!p2 .LBB2_187-.Ltmp112, $2  }
0x495: {  	_ =	sdelay $0x2  }
0x496: {  	s30 =	sadd.s32 $0x400, s30;
	s17 =	sadd.s32 s17, s14  }
.Ltmp113:
0x497: {  	(pc) =	sbr.rel .LBB2_192-.Ltmp113, $2  }
0x498: {  	_ =	sdelay $0x2  }
0x499: {  	[tilespmem:s24], [sflag:$0x6] =	stream.linear.gather [hbm4b:s17+s3], $0x80, $0x38;
	[tilespmem:$0x18210] =	vst v63  }
.LBB2_189:
0x49a: {  	s14 =	sadd.s32 s6, s14;
	s24 =	simm.s32 $0x10300  }
0x49b: {  	s29 =	simm.s32 $0x10;
	s30 =	simm.s32 $0x10700;
	s17 =	sadd.s32 $0x0, s14  }
.LBB2_190:
0x49c: {  	[tilespmem:s24], [sflag:$0x6] =	stream.linear.gather [hbm4b:s17+s3], $0x80, $0x38;
	[tilespmem:$0x18210] =	vst v63  }
0x49d: {  	s17 =	smov.u32 s29;
	s24 =	smov.u32 s30;
	p2 =	sne.s32 s29, $0x1F0  }
.Ltmp114:
0x49e: {  	s29 =	sadd.s32 $0x10, s29;
	(pc) =	sbr.rel @p2 .LBB2_190-.Ltmp114, $2  }
0x49f: {  	_ =	sdelay $0x2  }
0x4a0: {  	s30 =	sadd.s32 $0x400, s30;
	s17 =	sadd.s32 s17, s14  }
0x4a1: {  	[tilespmem:s24], [sflag:$0x6] =	stream.linear.gather [hbm4b:s17+s3], $0x80, $0x38;
	[tilespmem:$0x18210] =	vst v63  }
.LBB2_192:
.Ltmp115:
0x4a2: {  	(pc) =	sbr.rel @p0 .LBB2_196-.Ltmp115, $4  }
0x4a3: {  	_ = 	snop  }
0x4a4: {  	s14 =	rddreg [dreg:$0xe]  }
0x4a5: {  	s14 =	sadd.s32 s14, s12  }
0x4a6: {  	s14 =	sshrl.u32 s14, $0x3  }
0x4a7: {  	s14 =	sadd.s32 s5, s14;
	s24 =	simm.s32 $0x10380  }
0x4a8: {  	s29 =	simm.s32 $0x10;
	s30 =	simm.s32 $0x10780;
	s17 =	sadd.s32 $0x0, s14  }
.LBB2_194:
0x4a9: {  	[tilespmem:s24], [sflag:$0x6] =	stream.linear.gather [hbm4b:s17+s3], $0x80, $0x38;
	[tilespmem:$0x18210] =	vst v63  }
0x4aa: {  	s17 =	smov.u32 s29;
	s24 =	smov.u32 s30;
	p2 =	seq.s32 s29, $0x1F0  }
.Ltmp116:
0x4ab: {  	s29 =	sadd.s32 $0x10, s29;
	(pc) =	sbr.rel @!p2 .LBB2_194-.Ltmp116, $2  }
0x4ac: {  	_ =	sdelay $0x2  }
0x4ad: {  	s30 =	sadd.s32 $0x400, s30;
	s17 =	sadd.s32 s17, s14  }
.Ltmp117:
0x4ae: {  	(pc) =	sbr.rel .LBB2_199-.Ltmp117, $2  }
0x4af: {  	_ =	sdelay $0x2  }
0x4b0: {  	[tilespmem:s24], [sflag:$0x6] =	stream.linear.gather [hbm4b:s17+s3], $0x80, $0x38;
	[tilespmem:$0x18210] =	vst v63  }
.LBB2_196:
0x4b1: {  	s14 =	sadd.s32 s6, s14;
	s24 =	simm.s32 $0x10380  }
0x4b2: {  	s29 =	simm.s32 $0x10;
	s30 =	simm.s32 $0x10780;
	s17 =	sadd.s32 $0x0, s14  }
.LBB2_197:
0x4b3: {  	[tilespmem:s24], [sflag:$0x6] =	stream.linear.gather [hbm4b:s17+s3], $0x80, $0x38;
	[tilespmem:$0x18210] =	vst v63  }
0x4b4: {  	s17 =	smov.u32 s29;
	s24 =	smov.u32 s30;
	p2 =	sne.s32 s29, $0x1F0  }
.Ltmp118:
0x4b5: {  	s29 =	sadd.s32 $0x10, s29;
	(pc) =	sbr.rel @p2 .LBB2_197-.Ltmp118, $2  }
0x4b6: {  	_ =	sdelay $0x2  }
0x4b7: {  	s30 =	sadd.s32 $0x400, s30;
	s17 =	sadd.s32 s17, s14  }
0x4b8: {  	[tilespmem:s24], [sflag:$0x6] =	stream.linear.gather [hbm4b:s17+s3], $0x80, $0x38;
	[tilespmem:$0x18210] =	vst v63  }
.LBB2_199:
.Ltmp119:
0x4b9: {  	(pc) =	sbr.rel @p1 .LBB2_203-.Ltmp119, $4  }
0x4ba: {  	_ = 	snop  }
0x4bb: {  	s14 =	rddreg [dreg:$0xf]  }
0x4bc: {  	s12 =	sadd.s32 s14, s12  }
0x4bd: {  	s12 =	sshrl.u32 s12, $0x3  }
0x4be: {  	s12 =	sadd.s32 s5, s12;
	s14 =	simm.s32 $0x10400  }
0x4bf: {  	s24 =	simm.s32 $0x10;
	s29 =	simm.s32 $0x10800;
	s17 =	sadd.s32 $0x0, s12  }
.LBB2_201:
0x4c0: {  	[tilespmem:s14], [sflag:$0x6] =	stream.linear.gather [hbm4b:s17+s3], $0x80, $0x38;
	[tilespmem:$0x18210] =	vst v63  }
0x4c1: {  	s17 =	smov.u32 s24;
	s14 =	smov.u32 s29;
	p2 =	seq.s32 s24, $0x1F0  }
.Ltmp120:
0x4c2: {  	s24 =	sadd.s32 $0x10, s24;
	(pc) =	sbr.rel @!p2 .LBB2_201-.Ltmp120, $2  }
0x4c3: {  	_ =	sdelay $0x2  }
0x4c4: {  	s29 =	sadd.s32 $0x400, s29;
	s17 =	sadd.s32 s17, s12  }
.Ltmp121:
0x4c5: {  	(pc) =	sbr.rel .LBB2_206-.Ltmp121, $2  }
0x4c6: {  	_ =	sdelay $0x2  }
0x4c7: {  	[tilespmem:s14], [sflag:$0x6] =	stream.linear.gather [hbm4b:s17+s3], $0x80, $0x38;
	[tilespmem:$0x18210] =	vst v63  }
.LBB2_203:
0x4c8: {  	s12 =	sadd.s32 s6, s12;
	s14 =	simm.s32 $0x10400  }
0x4c9: {  	s24 =	simm.s32 $0x10;
	s29 =	simm.s32 $0x10800;
	s17 =	sadd.s32 $0x0, s12  }
.LBB2_204:
0x4ca: {  	[tilespmem:s14], [sflag:$0x6] =	stream.linear.gather [hbm4b:s17+s3], $0x80, $0x38;
	[tilespmem:$0x18210] =	vst v63  }
0x4cb: {  	s17 =	smov.u32 s24;
	s14 =	smov.u32 s29;
	p2 =	sne.s32 s24, $0x1F0  }
.Ltmp122:
0x4cc: {  	s24 =	sadd.s32 $0x10, s24;
	(pc) =	sbr.rel @p2 .LBB2_204-.Ltmp122, $2  }
0x4cd: {  	_ =	sdelay $0x2  }
0x4ce: {  	s29 =	sadd.s32 $0x400, s29;
	s17 =	sadd.s32 s17, s12  }
0x4cf: {  	[tilespmem:s14], [sflag:$0x6] =	stream.linear.gather [hbm4b:s17+s3], $0x80, $0x38;
	[tilespmem:$0x18210] =	vst v63  }
.LBB2_206:
0x4d0: {  	_ =	swait.ge [sflag:s16], $0x1000  }
0x4d1: {  	[sflag:s16] =	ssyncset.done $0x0  }
0x4d2: {  	[sflag:s16] =	ssyncadd.s32 $0xFFFFF000  }
0x4d3: {  	_ =	swait.ge [sflag:s16], $0x1000  }
0x4d4: {  	[sflag:s16] =	ssyncset.done $0x0  }
0x4d5: {  	[sflag:s16] =	ssyncadd.s32 $0xFFFFF000  }
0x4d6: {  	_ =	swait.ge [sflag:s16], $0x1000  }
0x4d7: {  	[sflag:s16] =	ssyncset.done $0x0  }
0x4d8: {  	[sflag:s16] =	ssyncadd.s32 $0xFFFFF000  }
0x4d9: {  	_ =	swait.ge [sflag:s16], $0x1000  }
0x4da: {  	[sflag:s16] =	ssyncset.done $0x0  }
0x4db: {  	[sflag:s16] =	ssyncadd.s32 $0xFFFFF000  }
0x4dc: {  	_ =	swait.ge [sflag:s16], $0x1000  }
0x4dd: {  	[sflag:s16] =	ssyncset.done $0x0  }
0x4de: {  	[sflag:s16] =	ssyncadd.s32 $0xFFFFF000  }
0x4df: {  	_ =	swait.ge [sflag:s16], $0x1000  }
0x4e0: {  	[sflag:s16] =	ssyncset.done $0x0  }
0x4e1: {  	[sflag:s16] =	ssyncadd.s32 $0xFFFFF000  }
0x4e2: {  	_ =	swait.ge [sflag:s16], $0x1000  }
0x4e3: {  	[sflag:s16] =	ssyncset.done $0x0  }
0x4e4: {  	[sflag:s16] =	ssyncadd.s32 $0xFFFFF000  }
0x4e5: {  	_ =	swait.ge [sflag:s16], $0x1000  }
0x4e6: {  	s7 =	sshll.u32 s7, $0xF;
	s12 =	rddreg [dreg:$0xa]  }
0x4e7: {  	s29 =	simm.s32 $0x10080;
	s30 =	simm.s32 $0x7;
	s7 =	sadd.s32 s12, s7  }
0x4e8: {  	p2 =	seq.s32 s10, $0x7;
	[sflag:s16] =	ssyncset.done $0x0;
	s7 =	sshrl.u32 s7, $0x3  }
.Ltmp123:
0x4e9: {  	[sflag:s16] =	ssyncadd.s32 $0xFFFFF000;
	s7 =	sadd.s32 s18, s7;
	(pc) =	sbr.rel @p2 .LBB2_263-.Ltmp123, $4  }
0x4ea: {  	[hbm4b:s7+s3] =	stream.linear.scatter [tilespmem:s29], [sflag:$0x8], $0x8000, $0x38;
	[tilespmem:$0x18210] =	vst v63  }
0x4eb: {  	_ =	swait.ge [sflag:s30], $0x8000  }
0x4ec: {  	[sflag:s30] =	ssyncset.done $0x0  }
0x4ed: {  	[sflag:s30] =	ssyncadd.s32 $0xFFFF8000  }
0x4ee: {  	s14 =	sld [smem:$0x7FC];
	_ =	sdelay $0x2  }
0x4ef: {  	p2 =	seq.s32 s14, $0x1  }
.Ltmp124:
0x4f0: {  	_ = 	snop;
	(pc) =	sbr.rel @p2 .LBB2_211-.Ltmp124, $4  }
0x4f1: {  	s7 =	sshll.u32 s10, $0xD  }
0x4f2: {  	s12 =	rddreg [dreg:$0x4];
	s7 =	sadd.s32 $0x2000, s7  }
0x4f3: {  	s12 =	sadd.s32 s12, s7  }
0x4f4: {  	s12 =	sshrl.u32 s12, $0x3  }
0x4f5: {  	s12 =	sadd.s32 s5, s12;
	s14 =	simm.s32 $0x8080  }
0x4f6: {  	s24 =	simm.s32 $0x10;
	s29 =	simm.s32 $0x8480;
	s17 =	sadd.s32 $0x0, s12  }
.LBB2_209:
0x4f7: {  	[tilespmem:s14], [sflag:$0x5] =	stream.linear.gather [hbm4b:s17+s3], $0x80, $0x38;
	[tilespmem:$0x18210] =	vst v63  }
0x4f8: {  	s17 =	smov.u32 s24;
	s14 =	smov.u32 s29;
	p2 =	seq.s32 s24, $0x1F0  }
.Ltmp125:
0x4f9: {  	s24 =	sadd.s32 $0x10, s24;
	(pc) =	sbr.rel @!p2 .LBB2_209-.Ltmp125, $2  }
0x4fa: {  	_ =	sdelay $0x2  }
0x4fb: {  	s29 =	sadd.s32 $0x400, s29;
	s17 =	sadd.s32 s17, s12  }
.Ltmp126:
0x4fc: {  	(pc) =	sbr.rel .LBB2_214-.Ltmp126, $2  }
0x4fd: {  	_ =	sdelay $0x2  }
0x4fe: {  	[tilespmem:s14], [sflag:$0x5] =	stream.linear.gather [hbm4b:s17+s3], $0x80, $0x38;
	[tilespmem:$0x18210] =	vst v63  }
.LBB2_211:
0x4ff: {  	s12 =	sadd.s32 s6, s12;
	s14 =	simm.s32 $0x8080  }
0x500: {  	s24 =	simm.s32 $0x10;
	s29 =	simm.s32 $0x8480;
	s17 =	sadd.s32 $0x0, s12  }
.LBB2_212:
0x501: {  	[tilespmem:s14], [sflag:$0x5] =	stream.linear.gather [hbm4b:s17+s3], $0x80, $0x38;
	[tilespmem:$0x18210] =	vst v63  }
0x502: {  	s17 =	smov.u32 s24;
	s14 =	smov.u32 s29;
	p2 =	sne.s32 s24, $0x1F0  }
.Ltmp127:
0x503: {  	s24 =	sadd.s32 $0x10, s24;
	(pc) =	sbr.rel @p2 .LBB2_212-.Ltmp127, $2  }
0x504: {  	_ =	sdelay $0x2  }
0x505: {  	s29 =	sadd.s32 $0x400, s29;
	s17 =	sadd.s32 s17, s12  }
0x506: {  	[tilespmem:s14], [sflag:$0x5] =	stream.linear.gather [hbm4b:s17+s3], $0x80, $0x38;
	[tilespmem:$0x18210] =	vst v63  }
.LBB2_214:
0x507: {  	s14 =	sld [smem:$0x7FB];
	_ =	sdelay $0x2  }
0x508: {  	p2 =	seq.s32 s14, $0x1  }
.Ltmp128:
0x509: {  	_ = 	snop;
	(pc) =	sbr.rel @p2 .LBB2_218-.Ltmp128, $4  }
0x50a: {  	_ = 	snop  }
0x50b: {  	s12 =	rddreg [dreg:$0x5]  }
0x50c: {  	s12 =	sadd.s32 s12, s7  }
0x50d: {  	s12 =	sshrl.u32 s12, $0x3  }
0x50e: {  	s12 =	sadd.s32 s5, s12;
	s14 =	simm.s32 $0x8100  }
0x50f: {  	s24 =	simm.s32 $0x10;
	s29 =	simm.s32 $0x8500;
	s17 =	sadd.s32 $0x0, s12  }
.LBB2_216:
0x510: {  	[tilespmem:s14], [sflag:$0x5] =	stream.linear.gather [hbm4b:s17+s3], $0x80, $0x38;
	[tilespmem:$0x18210] =	vst v63  }
0x511: {  	s17 =	smov.u32 s24;
	s14 =	smov.u32 s29;
	p2 =	seq.s32 s24, $0x1F0  }
.Ltmp129:
0x512: {  	s24 =	sadd.s32 $0x10, s24;
	(pc) =	sbr.rel @!p2 .LBB2_216-.Ltmp129, $2  }
0x513: {  	_ =	sdelay $0x2  }
0x514: {  	s29 =	sadd.s32 $0x400, s29;
	s17 =	sadd.s32 s17, s12  }
.Ltmp130:
0x515: {  	(pc) =	sbr.rel .LBB2_221-.Ltmp130, $2  }
0x516: {  	_ =	sdelay $0x2  }
0x517: {  	[tilespmem:s14], [sflag:$0x5] =	stream.linear.gather [hbm4b:s17+s3], $0x80, $0x38;
	[tilespmem:$0x18210] =	vst v63  }
.LBB2_218:
0x518: {  	s12 =	sadd.s32 s6, s12;
	s14 =	simm.s32 $0x8100  }
0x519: {  	s24 =	simm.s32 $0x10;
	s29 =	simm.s32 $0x8500;
	s17 =	sadd.s32 $0x0, s12  }
.LBB2_219:
0x51a: {  	[tilespmem:s14], [sflag:$0x5] =	stream.linear.gather [hbm4b:s17+s3], $0x80, $0x38;
	[tilespmem:$0x18210] =	vst v63  }
0x51b: {  	s17 =	smov.u32 s24;
	s14 =	smov.u32 s29;
	p2 =	sne.s32 s24, $0x1F0  }
.Ltmp131:
0x51c: {  	s24 =	sadd.s32 $0x10, s24;
	(pc) =	sbr.rel @p2 .LBB2_219-.Ltmp131, $2  }
0x51d: {  	_ =	sdelay $0x2  }
0x51e: {  	s29 =	sadd.s32 $0x400, s29;
	s17 =	sadd.s32 s17, s12  }
0x51f: {  	[tilespmem:s14], [sflag:$0x5] =	stream.linear.gather [hbm4b:s17+s3], $0x80, $0x38;
	[tilespmem:$0x18210] =	vst v63  }
.LBB2_221:
.Ltmp132:
0x520: {  	(pc) =	sbr.rel @p3 .LBB2_225-.Ltmp132, $4  }
0x521: {  	_ = 	snop  }
0x522: {  	s12 =	rddreg [dreg:$0x6]  }
0x523: {  	s12 =	sadd.s32 s12, s7  }
0x524: {  	s12 =	sshrl.u32 s12, $0x3  }
0x525: {  	s12 =	sadd.s32 s5, s12;
	s14 =	simm.s32 $0x8180  }
0x526: {  	s24 =	simm.s32 $0x10;
	s29 =	simm.s32 $0x8580;
	s17 =	sadd.s32 $0x0, s12  }
.LBB2_223:
0x527: {  	[tilespmem:s14], [sflag:$0x5] =	stream.linear.gather [hbm4b:s17+s3], $0x80, $0x38;
	[tilespmem:$0x18210] =	vst v63  }
0x528: {  	s17 =	smov.u32 s24;
	s14 =	smov.u32 s29;
	p2 =	seq.s32 s24, $0x1F0  }
.Ltmp133:
0x529: {  	s24 =	sadd.s32 $0x10, s24;
	(pc) =	sbr.rel @!p2 .LBB2_223-.Ltmp133, $2  }
0x52a: {  	_ =	sdelay $0x2  }
0x52b: {  	s29 =	sadd.s32 $0x400, s29;
	s17 =	sadd.s32 s17, s12  }
.Ltmp134:
0x52c: {  	(pc) =	sbr.rel .LBB2_228-.Ltmp134, $2  }
0x52d: {  	_ =	sdelay $0x2  }
0x52e: {  	[tilespmem:s14], [sflag:$0x5] =	stream.linear.gather [hbm4b:s17+s3], $0x80, $0x38;
	[tilespmem:$0x18210] =	vst v63  }
.LBB2_225:
0x52f: {  	s12 =	sadd.s32 s6, s12;
	s14 =	simm.s32 $0x8180  }
0x530: {  	s24 =	simm.s32 $0x10;
	s29 =	simm.s32 $0x8580;
	s17 =	sadd.s32 $0x0, s12  }
.LBB2_226:
0x531: {  	[tilespmem:s14], [sflag:$0x5] =	stream.linear.gather [hbm4b:s17+s3], $0x80, $0x38;
	[tilespmem:$0x18210] =	vst v63  }
0x532: {  	s17 =	smov.u32 s24;
	s14 =	smov.u32 s29;
	p2 =	sne.s32 s24, $0x1F0  }
.Ltmp135:
0x533: {  	s24 =	sadd.s32 $0x10, s24;
	(pc) =	sbr.rel @p2 .LBB2_226-.Ltmp135, $2  }
0x534: {  	_ =	sdelay $0x2  }
0x535: {  	s29 =	sadd.s32 $0x400, s29;
	s17 =	sadd.s32 s17, s12  }
0x536: {  	[tilespmem:s14], [sflag:$0x5] =	stream.linear.gather [hbm4b:s17+s3], $0x80, $0x38;
	[tilespmem:$0x18210] =	vst v63  }
.LBB2_228:
.Ltmp136:
0x537: {  	(pc) =	sbr.rel @p4 .LBB2_232-.Ltmp136, $4  }
0x538: {  	_ = 	snop  }
0x539: {  	s12 =	rddreg [dreg:$0x7]  }
0x53a: {  	s12 =	sadd.s32 s12, s7  }
0x53b: {  	s12 =	sshrl.u32 s12, $0x3  }
0x53c: {  	s12 =	sadd.s32 s5, s12;
	s14 =	simm.s32 $0x8200  }
0x53d: {  	s24 =	simm.s32 $0x10;
	s29 =	simm.s32 $0x8600;
	s17 =	sadd.s32 $0x0, s12  }
.LBB2_230:
0x53e: {  	[tilespmem:s14], [sflag:$0x5] =	stream.linear.gather [hbm4b:s17+s3], $0x80, $0x38;
	[tilespmem:$0x18210] =	vst v63  }
0x53f: {  	s17 =	smov.u32 s24;
	s14 =	smov.u32 s29;
	p2 =	seq.s32 s24, $0x1F0  }
.Ltmp137:
0x540: {  	s24 =	sadd.s32 $0x10, s24;
	(pc) =	sbr.rel @!p2 .LBB2_230-.Ltmp137, $2  }
0x541: {  	_ =	sdelay $0x2  }
0x542: {  	s29 =	sadd.s32 $0x400, s29;
	s17 =	sadd.s32 s17, s12  }
.Ltmp138:
0x543: {  	(pc) =	sbr.rel .LBB2_235-.Ltmp138, $2  }
0x544: {  	_ =	sdelay $0x2  }
0x545: {  	[tilespmem:s14], [sflag:$0x5] =	stream.linear.gather [hbm4b:s17+s3], $0x80, $0x38;
	[tilespmem:$0x18210] =	vst v63  }
.LBB2_232:
0x546: {  	s12 =	sadd.s32 s6, s12;
	s14 =	simm.s32 $0x8200  }
0x547: {  	s24 =	simm.s32 $0x10;
	s29 =	simm.s32 $0x8600;
	s17 =	sadd.s32 $0x0, s12  }
.LBB2_233:
0x548: {  	[tilespmem:s14], [sflag:$0x5] =	stream.linear.gather [hbm4b:s17+s3], $0x80, $0x38;
	[tilespmem:$0x18210] =	vst v63  }
0x549: {  	s17 =	smov.u32 s24;
	s14 =	smov.u32 s29;
	p2 =	sne.s32 s24, $0x1F0  }
.Ltmp139:
0x54a: {  	s24 =	sadd.s32 $0x10, s24;
	(pc) =	sbr.rel @p2 .LBB2_233-.Ltmp139, $2  }
0x54b: {  	_ =	sdelay $0x2  }
0x54c: {  	s29 =	sadd.s32 $0x400, s29;
	s17 =	sadd.s32 s17, s12  }
0x54d: {  	[tilespmem:s14], [sflag:$0x5] =	stream.linear.gather [hbm4b:s17+s3], $0x80, $0x38;
	[tilespmem:$0x18210] =	vst v63  }
.LBB2_235:
.Ltmp140:
0x54e: {  	(pc) =	sbr.rel @p5 .LBB2_239-.Ltmp140, $4  }
0x54f: {  	_ = 	snop  }
0x550: {  	s12 =	rddreg [dreg:$0x8]  }
0x551: {  	s12 =	sadd.s32 s12, s7  }
0x552: {  	s12 =	sshrl.u32 s12, $0x3  }
0x553: {  	s12 =	sadd.s32 s5, s12;
	s14 =	simm.s32 $0x8280  }
0x554: {  	s24 =	simm.s32 $0x10;
	s29 =	simm.s32 $0x8680;
	s17 =	sadd.s32 $0x0, s12  }
.LBB2_237:
0x555: {  	[tilespmem:s14], [sflag:$0x5] =	stream.linear.gather [hbm4b:s17+s3], $0x80, $0x38;
	[tilespmem:$0x18210] =	vst v63  }
0x556: {  	s17 =	smov.u32 s24;
	s14 =	smov.u32 s29;
	p2 =	seq.s32 s24, $0x1F0  }
.Ltmp141:
0x557: {  	s24 =	sadd.s32 $0x10, s24;
	(pc) =	sbr.rel @!p2 .LBB2_237-.Ltmp141, $2  }
0x558: {  	_ =	sdelay $0x2  }
0x559: {  	s29 =	sadd.s32 $0x400, s29;
	s17 =	sadd.s32 s17, s12  }
.Ltmp142:
0x55a: {  	(pc) =	sbr.rel .LBB2_242-.Ltmp142, $2  }
0x55b: {  	_ =	sdelay $0x2  }
0x55c: {  	[tilespmem:s14], [sflag:$0x5] =	stream.linear.gather [hbm4b:s17+s3], $0x80, $0x38;
	[tilespmem:$0x18210] =	vst v63  }
.LBB2_239:
0x55d: {  	s12 =	sadd.s32 s6, s12;
	s14 =	simm.s32 $0x8280  }
0x55e: {  	s24 =	simm.s32 $0x10;
	s29 =	simm.s32 $0x8680;
	s17 =	sadd.s32 $0x0, s12  }
.LBB2_240:
0x55f: {  	[tilespmem:s14], [sflag:$0x5] =	stream.linear.gather [hbm4b:s17+s3], $0x80, $0x38;
	[tilespmem:$0x18210] =	vst v63  }
0x560: {  	s17 =	smov.u32 s24;
	s14 =	smov.u32 s29;
	p2 =	sne.s32 s24, $0x1F0  }
.Ltmp143:
0x561: {  	s24 =	sadd.s32 $0x10, s24;
	(pc) =	sbr.rel @p2 .LBB2_240-.Ltmp143, $2  }
0x562: {  	_ =	sdelay $0x2  }
0x563: {  	s29 =	sadd.s32 $0x400, s29;
	s17 =	sadd.s32 s17, s12  }
0x564: {  	[tilespmem:s14], [sflag:$0x5] =	stream.linear.gather [hbm4b:s17+s3], $0x80, $0x38;
	[tilespmem:$0x18210] =	vst v63  }
.LBB2_242:
.Ltmp144:
0x565: {  	(pc) =	sbr.rel @p6 .LBB2_246-.Ltmp144, $4  }
0x566: {  	_ = 	snop  }
0x567: {  	s12 =	rddreg [dreg:$0xd]  }
0x568: {  	s12 =	sadd.s32 s12, s7  }
0x569: {  	s12 =	sshrl.u32 s12, $0x3  }
0x56a: {  	s12 =	sadd.s32 s5, s12;
	s14 =	simm.s32 $0x8300  }
0x56b: {  	s24 =	simm.s32 $0x10;
	s29 =	simm.s32 $0x8700;
	s17 =	sadd.s32 $0x0, s12  }
.LBB2_244:
0x56c: {  	[tilespmem:s14], [sflag:$0x5] =	stream.linear.gather [hbm4b:s17+s3], $0x80, $0x38;
	[tilespmem:$0x18210] =	vst v63  }
0x56d: {  	s17 =	smov.u32 s24;
	s14 =	smov.u32 s29;
	p2 =	seq.s32 s24, $0x1F0  }
.Ltmp145:
0x56e: {  	s24 =	sadd.s32 $0x10, s24;
	(pc) =	sbr.rel @!p2 .LBB2_244-.Ltmp145, $2  }
0x56f: {  	_ =	sdelay $0x2  }
0x570: {  	s29 =	sadd.s32 $0x400, s29;
	s17 =	sadd.s32 s17, s12  }
.Ltmp146:
0x571: {  	(pc) =	sbr.rel .LBB2_249-.Ltmp146, $2  }
0x572: {  	_ =	sdelay $0x2  }
0x573: {  	[tilespmem:s14], [sflag:$0x5] =	stream.linear.gather [hbm4b:s17+s3], $0x80, $0x38;
	[tilespmem:$0x18210] =	vst v63  }
.LBB2_246:
0x574: {  	s12 =	sadd.s32 s6, s12;
	s14 =	simm.s32 $0x8300  }
0x575: {  	s24 =	simm.s32 $0x10;
	s29 =	simm.s32 $0x8700;
	s17 =	sadd.s32 $0x0, s12  }
.LBB2_247:
0x576: {  	[tilespmem:s14], [sflag:$0x5] =	stream.linear.gather [hbm4b:s17+s3], $0x80, $0x38;
	[tilespmem:$0x18210] =	vst v63  }
0x577: {  	s17 =	smov.u32 s24;
	s14 =	smov.u32 s29;
	p2 =	sne.s32 s24, $0x1F0  }
.Ltmp147:
0x578: {  	s24 =	sadd.s32 $0x10, s24;
	(pc) =	sbr.rel @p2 .LBB2_247-.Ltmp147, $2  }
0x579: {  	_ =	sdelay $0x2  }
0x57a: {  	s29 =	sadd.s32 $0x400, s29;
	s17 =	sadd.s32 s17, s12  }
0x57b: {  	[tilespmem:s14], [sflag:$0x5] =	stream.linear.gather [hbm4b:s17+s3], $0x80, $0x38;
	[tilespmem:$0x18210] =	vst v63  }
.LBB2_249:
.Ltmp148:
0x57c: {  	(pc) =	sbr.rel @p0 .LBB2_253-.Ltmp148, $4  }
0x57d: {  	_ = 	snop  }
0x57e: {  	s12 =	rddreg [dreg:$0xe]  }
0x57f: {  	s12 =	sadd.s32 s12, s7  }
0x580: {  	s12 =	sshrl.u32 s12, $0x3  }
0x581: {  	s12 =	sadd.s32 s5, s12;
	s14 =	simm.s32 $0x8380  }
0x582: {  	s24 =	simm.s32 $0x10;
	s29 =	simm.s32 $0x8780;
	s17 =	sadd.s32 $0x0, s12  }
.LBB2_251:
0x583: {  	[tilespmem:s14], [sflag:$0x5] =	stream.linear.gather [hbm4b:s17+s3], $0x80, $0x38;
	[tilespmem:$0x18210] =	vst v63  }
0x584: {  	s17 =	smov.u32 s24;
	s14 =	smov.u32 s29;
	p2 =	seq.s32 s24, $0x1F0  }
.Ltmp149:
0x585: {  	s24 =	sadd.s32 $0x10, s24;
	(pc) =	sbr.rel @!p2 .LBB2_251-.Ltmp149, $2  }
0x586: {  	_ =	sdelay $0x2  }
0x587: {  	s29 =	sadd.s32 $0x400, s29;
	s17 =	sadd.s32 s17, s12  }
.Ltmp150:
0x588: {  	(pc) =	sbr.rel .LBB2_256-.Ltmp150, $2  }
0x589: {  	_ =	sdelay $0x2  }
0x58a: {  	[tilespmem:s14], [sflag:$0x5] =	stream.linear.gather [hbm4b:s17+s3], $0x80, $0x38;
	[tilespmem:$0x18210] =	vst v63  }
.LBB2_253:
0x58b: {  	s12 =	sadd.s32 s6, s12;
	s14 =	simm.s32 $0x8380  }
0x58c: {  	s24 =	simm.s32 $0x10;
	s29 =	simm.s32 $0x8780;
	s17 =	sadd.s32 $0x0, s12  }
.LBB2_254:
0x58d: {  	[tilespmem:s14], [sflag:$0x5] =	stream.linear.gather [hbm4b:s17+s3], $0x80, $0x38;
	[tilespmem:$0x18210] =	vst v63  }
0x58e: {  	s17 =	smov.u32 s24;
	s14 =	smov.u32 s29;
	p2 =	sne.s32 s24, $0x1F0  }
.Ltmp151:
0x58f: {  	s24 =	sadd.s32 $0x10, s24;
	(pc) =	sbr.rel @p2 .LBB2_254-.Ltmp151, $2  }
0x590: {  	_ =	sdelay $0x2  }
0x591: {  	s29 =	sadd.s32 $0x400, s29;
	s17 =	sadd.s32 s17, s12  }
0x592: {  	[tilespmem:s14], [sflag:$0x5] =	stream.linear.gather [hbm4b:s17+s3], $0x80, $0x38;
	[tilespmem:$0x18210] =	vst v63  }
.LBB2_256:
.Ltmp152:
0x593: {  	(pc) =	sbr.rel @p1 .LBB2_260-.Ltmp152, $4  }
0x594: {  	_ = 	snop  }
0x595: {  	s12 =	rddreg [dreg:$0xf]  }
0x596: {  	s7 =	sadd.s32 s12, s7  }
0x597: {  	s7 =	sshrl.u32 s7, $0x3  }
0x598: {  	s7 =	sadd.s32 s5, s7;
	s12 =	simm.s32 $0x8400  }
0x599: {  	s14 =	simm.s32 $0x10;
	s24 =	simm.s32 $0x8800;
	s17 =	sadd.s32 $0x0, s7  }
.LBB2_258:
0x59a: {  	[tilespmem:s12], [sflag:$0x5] =	stream.linear.gather [hbm4b:s17+s3], $0x80, $0x38;
	[tilespmem:$0x18210] =	vst v63  }
0x59b: {  	s17 =	smov.u32 s14;
	s12 =	smov.u32 s24;
	p2 =	seq.s32 s14, $0x1F0  }
.Ltmp153:
0x59c: {  	s14 =	sadd.s32 $0x10, s14;
	(pc) =	sbr.rel @!p2 .LBB2_258-.Ltmp153, $2  }
0x59d: {  	_ =	sdelay $0x2  }
0x59e: {  	s24 =	sadd.s32 $0x400, s24;
	s17 =	sadd.s32 s17, s7  }
.Ltmp154:
0x59f: {  	(pc) =	sbr.rel .LBB2_150-.Ltmp154, $3  }
0x5a0: {  	_ =	sdelay $0x1  }
0x5a1: {  	[tilespmem:s12], [sflag:$0x5] =	stream.linear.gather [hbm4b:s17+s3], $0x80, $0x38;
	[tilespmem:$0x18210] =	vst v63  }
0x5a2: {  	s10 =	sadd.s32 $0x1, s10  }
.LBB2_260:
0x5a3: {  	s7 =	sadd.s32 s6, s7;
	s12 =	simm.s32 $0x8400  }
0x5a4: {  	s14 =	simm.s32 $0x10;
	s24 =	simm.s32 $0x8800;
	s17 =	sadd.s32 $0x0, s7  }
.LBB2_261:
0x5a5: {  	[tilespmem:s12], [sflag:$0x5] =	stream.linear.gather [hbm4b:s17+s3], $0x80, $0x38;
	[tilespmem:$0x18210] =	vst v63  }
0x5a6: {  	s17 =	smov.u32 s14;
	s12 =	smov.u32 s24;
	p2 =	sne.s32 s14, $0x1F0  }
.Ltmp155:
0x5a7: {  	s14 =	sadd.s32 $0x10, s14;
	(pc) =	sbr.rel @p2 .LBB2_261-.Ltmp155, $2  }
0x5a8: {  	_ =	sdelay $0x2  }
0x5a9: {  	s24 =	sadd.s32 $0x400, s24;
	s17 =	sadd.s32 s17, s7  }
.Ltmp156:
0x5aa: {  	(pc) =	sbr.rel .LBB2_150-.Ltmp156, $3  }
0x5ab: {  	_ =	sdelay $0x1  }
0x5ac: {  	[tilespmem:s12], [sflag:$0x5] =	stream.linear.gather [hbm4b:s17+s3], $0x80, $0x38;
	[tilespmem:$0x18210] =	vst v63  }
0x5ad: {  	s10 =	sadd.s32 $0x1, s10  }
.LBB2_265:
0x5ae: {  	_ =	sfence.sel $0x180000  }
0x5af: {  	[bflag:$0x0] =	sbarrier.arrive $0xFFFF  }
0x5b0: {  	_ =	strace $0x9000004A  }
0x5b1: {  	s0 =	stileid.u32;
	[bflag:$0x2] =	sbarrier.arrive $0xFFFF  }
0x5b2: {  	p0 =	sne.s32 s0, $0x0;
	s0 =	rddreg [dreg:$0x3]  }
0x5b3: {  	s0 =	sadd.s32 @!p0 $0x100000, s0  }
0x5b4: {  	[sflag:s0] =	ssyncadd.tile.s32 @!p0 $0x1;
	_ =	shalt  }
.Lfunc_end2:
_tile_overlayer_lowered:
.L_overlay_start_2:
0x5b5: {  	(tag) =	ssettag $0x2  }
0x5b6: {  	s0 =	rddreg [dreg:$0x0];
	s2 =	stileid.u32  }
0x5b7: {  	s1 =	rddreg [dreg:$0x1];
	p0 =	sne.s32 s2, $0x0  }
0x5b8: {  	s3 =	rddreg [dreg:$0x2];
	[bflag:$0x3] =	sbarrier.arrive $0xFFFF;
	s2 =	simm.s32 @!p0 $0x1C09  }
0x5b9: {  	[timem:s3], [sflag:s2] =	dma.local @!p0 [hbm:s0], s1  }
0x5ba: {  	s0 =	simm.s32 @!p0 $0x9  }
0x5bb: {  	_ =	swait.ge @!p0 [sflag:s0], s1  }
0x5bc: {  	s1 =	ssub.s32 @!p0 $0x0, s1;
	[sflag:s0] =	ssyncset.done @!p0 $0x0  }
0x5bd: {  	[sflag:s0] =	ssyncadd.s32 @!p0 s1  }
0x5be: {  	[bflag:$0x3] =	sbarrier.arrive $0xFFFF  }
0x5bf: {  	_ =	shalt  }

// kernel: sparse-core-data-format-call.cloned.1.call-start
scs
called_computation_lowered:
.L_overlay_start_0:
0x0: {  	s2 =	sld [smem:$0x3FD9]  }
0x1: {  	s3 =	sld [smem:$0x3FFE];
	_ =	sdelay $0x1  }
0x2: {  	s1 =	srdreg.scid  }
0x3: {  	s0 =	sand.u32 $0x1, s1  }
0x4: {  	s18 =	sshll.u32 s0, $0xA;
	s2 =	sadd.s32 s3, s2  }
0x5: {  	s2 =	sadd.s32 s2, s18  }
0x6: {  	[smem:$0x3FC7] =	sst s2  }
0x7: {  	_ = 	snop  }
0x8: {  	s2 =	sld [smem:$0x3FC9];
	(tm) =	ssettm $0x1  }
0x9: {  	s19 =	sld [smem:$0x3FFB];
	_ =	sdelay $0x3  }
0xa: {  	_ =	strace s19  }
0xb: {  	s3 =	sld [smem:$0x3FFC];
	_ =	sdelay $0x3  }
0xc: {  	_ =	strace s3  }
0xd: {  	s3 =	sld [smem:$0x3FFD];
	_ =	sdelay $0x3  }
0xe: {  	_ =	strace s3  }
0xf: {  	_ =	strace $0x8FFFFFFF  }
0x10: {  	s20 =	sld [smem:$0x3FDB];
	_ =	sdelay $0x1  }
0x11: {  	s4 =	simm.s32 $_scs_section_size  }
0x12: {  	s5 =	simm.s32 $_size__tile_overlayer_lowered;
	s6 =	simm.s32 $_tile_overlayer_lowered  }
0x13: {  	s23 =	simm.s32 $0x1BFF;
	s22 =	sshll.u32 s6, $0x1;
	s3 =	sadd.s32 s4, s20  }
0x14: {  	s7 =	simm.s32 $0x0;
	s21 =	sshll.u32 s5, $0x1;
	s5 =	sadd.s32 s22, s3  }
0x15: {  	[timem:s7], [sflag:s23] =	dma.local [hbm:s5], s21  }
0x16: {  	_ =	swait.ge [sflag:s23], s21  }
0x17: {  	s4 =	ssub.s32 $0x0, s21;
	[sflag:s23] =	ssyncset.done $0x0  }
0x18: {  	[sflag:s23] =	ssyncadd.s32 s4;
	_ =	sdelay $0x1  }
0x19: {  	s24 =	simm.s32 $0x1B8B  }
0x1a: {  	_ =	swait.ge [sflag:s24], $0x1  }
0x1b: {  	[sflag:s24] =	ssyncset.done $0x0  }
0x1c: {  	s26 =	simm.s32 $0x1B8E;
	s25 =	sld [smem:$0x3FFE];
	[sflag:s24] =	ssyncadd.s32 $0xFFFFFFFF  }
0x1d: {  	s27 =	simm.s32 $execute0_lowered;
	[smem:$0x3FD2] =	sst s26  }
0x1e: {  	s5 =	sshll.u32 s27, $0x1;
	_ =	strace $0x80000046;
	[dreg:$0x1] =	wrdreg $0xFFFFFFFF  }
0x1f: {  	s28 =	simm.s32 $_size_execute0_lowered;
	s3 =	sadd.s32 s3, s5;
	[dreg:$0x0] =	wrdreg $0x0  }
0x20: {  	s5 =	sshll.u32 s28, $0x1;
	[dreg:$0x2] =	wrdreg s3  }
0x21: {  	[dreg:$0x3] =	wrdreg s5  }
0x22: {  	[dreg:$0x4] =	wrdreg $0xC0  }
0x23: {  	_ =	task [dreg:s7], $0x5FFFF  }
0x24: {  	[dreg:$0x1] =	wrdreg $0xFFFFFFFF  }
0x25: {  	[dreg:$0x0] =	wrdreg $0x60  }
0x26: {  	[dreg:$0x2] =	wrdreg s2  }
0x27: {  	[dreg:$0x3] =	wrdreg s25  }
0x28: {  	[dreg:$0x4] =	wrdreg $0x9  }
0x29: {  	_ =	task.clear_ibuf [dreg:s7], $0x5FFFF;
	_ =	strace $0x90000046  }
0x2a: {  	s29 =	simm.s32 $0x9;
	_ =	strace $0x80000048  }
0x2b: {  	_ =	swait.ge [sflag:s29], $0x1  }
0x2c: {  	[sflag:s29] =	ssyncadd.s32 $0xFFFFFFFF  }
0x2d: {  	_ =	strace $0x90000048  }
0x2e: {  	_ =	sfence  }
0x2f: {  	s30 =	sld [smem:$0x0];
	_ =	sdelay $0x2  }
0x30: {  	s31 =	sshll.u32 s1, $0xD;
	s1 =	sshrl.u32 s1, $0x2  }
0x31: {  	s3 =	sand.u32 $0x4000, s31;
	s1 =	sadd.s32 s1, s30  }
0x32: {  	s0 =	sor.u32 s3, s0;
	s1 =	sshll.u32 s1, $0x11  }
0x33: {  	s0 =	sor.u32 s1, s0  }
0x34: {  	s0 =	sadd.s32 $0x8F2B, s0  }
0x35: {  	[sflag:s0] =	ssyncadd.remote.s32 $0x1  }
0x36: {  	_ =	sfence.sel $0xFFFF  }
0x37: {  	[dreg:$0x0] =	wrdreg $0xFFFFFFFF;
	(pc) =	sbr.abs _section_cstart, $3  }
0x38: {  	[dreg:$0x1] =	wrdreg $0xFFFFFFFF  }
0x39: {  	_ =	task.clear_ibuf [dreg:s7], $0x2FFFF;
	_ =	strace $0x9FFFFFFF  }
0x3a: {  	(tm) =	ssettm $0x7FFFFFFF  }
0x3b: {  	_ =	shalt  }
tec
execute0_lowered:
.L_overlay_start_1:
0x0: {  	(tag) =	ssettag $0x1  }
0x1: {  	s0 =	srdreg.scid  }
0x2: {  	s1 =	sshll.u32 s0, $0x4  }
0x3: {  	s2 =	rddreg [dreg:$0x0];
	s0 =	stileid.u32;
	s1 =	sand.u32 $0x10, s1  }
0x4: {  	s4 =	rddreg [dreg:$0x1];
	s7 =	simm.s32 $0x1;
	s1 =	sor.u32 s0, s1  }
0x5: {  	s8 =	simm.s32 $0x2;
	s9 =	simm.s32 $0x0;
	s3 =	sshll.u32 s1, $0x2  }
0x6: {  	s12 =	simm.s32 $0x0;
	s11 =	simm.s32 $0x0;
	s6 =	ssub.s32 $0x1000, s3  }
.Ltmp0:
0x7: {  	s4 =	sadd.s32 $0xC00, s4;
	s5 =	sand.u32 $0x7C, s6;
	(pc) =	sbr.rel .LBB1_1-.Ltmp0, $4  }
0x8: {  	s1 =	rddreg [dreg:$0x2];
	_ =	strace $0x80000047;
	p0 =	sne.s32 s5, $0x0  }
0x9: {  	s6 =	sshrl.u32 s6, $0x7;
	s5 =	simm.s32 $0x1;
	s7 =	simm.s32 @!p0 $0x0  }
0xa: {  	s10 =	smov.u32 s3;
	[sflag:s5] =	ssyncpa.u1 $0x0;
	s6 =	sadd.s32 s7, s6  }
0xb: {  	[sflag:s8] =	ssyncpa.u1 $0x0;
	s8 =	simm.s32 $0x0;
	s7 =	sadd.s32 $0x1, s6  }
.LBB1_9:
0xc: {  	s14 =	sadd.s32 $0x80, s10  }
0xd: {  	p1 =	sgt.s32 s14, $0xFFF  }
0xe: {  	s14 =	smov.u32 @p1 s3;
	p1 =	sne.s32 s11, s7  }
.Ltmp1:
0xf: {  	p0 =	slt.u32 s11, $0x2;
	(pc) =	sbr.rel @!p1 .LBB1_10-.Ltmp1, $4  }
0x10: {  	s13 =	simm.s32 @!p0 $0x2  }
0x11: {  	s15 =	sadd.s32 $0x1, s11;
	_ =	swait.ge @!p0 [sflag:s13], $0x4000  }
0x12: {  	s12 =	smov.u32 s10;
	s9 =	sadd.s32 $0x4000, s9;
	[sflag:s13] =	ssyncset.done @!p0 $0x0  }
0x13: {  	s11 =	smov.u32 s15;
	s10 =	smov.u32 s14;
	[sflag:s13] =	ssyncadd.s32 @!p0 $0xFFFFC000  }
.LBB1_1:
0x14: {  	p0 =	sge.u32 s11, s6  }
0x15: {  	s13 =	sxor.u32 @!p0 $0xFFFFFFFF, s11  }
0x16: {  	s31 =	sadd.s32 $0xFFFFFFFF, s11;
	s14 =	sshll.u32 @!p0 s10, $0x9;
	s13 =	sshll.u32 @!p0 s13, $0xE  }
0x17: {  	s15 =	simm.s32 @!p0 $0x0;
	s14 =	sadd.s32 @!p0 s2, s14;
	s13 =	sand.u32 @!p0 $0x4000, s13  }
0x18: {  	[tilespmem:s13], [sflag:$0x1] =	stream.linear.gather @!p0 [hbm4b:s14+s15], $0x4000, $0x38;
	[tilespmem:$0x10000] =	vst v63  }
0x19: {  	p0 =	sge.u32 s31, s6  }
.Ltmp2:
0x1a: {  	_ = 	snop;
	(pc) =	sbr.rel @p0 .LBB1_9-.Ltmp2, $1  }
0x1b: {  	_ =	sdelay $0x3  }
0x1c: {  	s14 =	sand.u32 $0x4000, s9  }
0x1d: {  	_ =	swait.ge [sflag:s5], $0x4000;
	s15 =	sshll.u32 s11, $0xE;
	s16 =	simm.s32 $0x0  }
0x1e: {  	s13 =	sor.u32 $0x40, s14;
	[sflag:s5] =	ssyncset.done $0x0;
	s15 =	sand.u32 $0x4000, s15  }
0x1f: {  	s14 =	sor.u32 $0x8040, s14;
	[sflag:s5] =	ssyncadd.s32 $0xFFFFC000;
	s15 =	sor.u32 $0x8000, s15  }
.LBB1_3:
0x20: {  	s17 =	smov.u32 s14;
	s18 =	smov.u32 s13;
	s19 =	simm.s32 $0x0  }
.LBB1_4:
0x21: {  	v0 =	vmov s17;
	v2 =	vld [tilespmem:s18+$0x30]  }
0x22: {  	v4 =	vld [tilespmem:s18+$0xFFFFFFD0]  }
0x23: {  	v6 =	vld [tilespmem:s18+$0xFFFFFFE0]  }
0x24: {  	v7 =	vld [tilespmem:s18+$0xFFFFFFF0]  }
0x25: {  	s20 =	simm.s32 $0x0;
	v1 =	vld [tilespmem:s18+$0x0]  }
0x26: {  	v3 =	vld [tilespmem:s18+$0x10];
	[tilespmem:v0+s20+$0x30 ss:$0x1] =	vst.idx.msk $0xffff, v2  }
0x27: {  	v5 =	vld [tilespmem:s18+$0x20];
	[tilespmem:v0+s20+$0xFFFFFFD0 ss:$0x1] =	vst.idx.msk $0xffff, v4  }
0x28: {  	s21 =	sadd.s32 $0x80, s18;
	v2 =	vld [tilespmem:s18+$0xFFFFFFC0];
	[tilespmem:v0+s20+$0xFFFFFFE0 ss:$0x1] =	vst.idx.msk $0xffff, v6  }
0x29: {  	s22 =	simm.s32 $0x800;
	s23 =	simm.s32 $0x1000;
	v4 =	vld [tilespmem:s21+$0x30];
	[tilespmem:v0+s20+$0xFFFFFFF0 ss:$0x1] =	vst.idx.msk $0xffff, v7  }
.LBB1_5:
0x2a: {  	p0 =	sne.s32 s23, $0x3800;
	v6 =	vld [tilespmem:s21+$0xFFFFFFD0];
	[tilespmem:v0+s20+$0x0 ss:$0x1] =	vst.idx.msk $0xffff, v1  }
0x2b: {  	v7 =	vld [tilespmem:s21+$0xFFFFFFE0];
	[tilespmem:v0+s20+$0x10 ss:$0x1] =	vst.idx.msk $0xffff, v3  }
0x2c: {  	v8 =	vld [tilespmem:s21+$0xFFFFFFF0];
	[tilespmem:v0+s20+$0x20 ss:$0x1] =	vst.idx.msk $0xffff, v5  }
.Ltmp3:
0x2d: {  	v1 =	vld [tilespmem:s21+$0x0];
	[tilespmem:v0+s20+$0xFFFFFFC0 ss:$0x1] =	vst.idx.msk $0xffff, v2;
	s20 =	sshra.s32 s22, $0x2;
	s22 =	smov.u32 s23;
	(pc) =	sbr.rel @p0 .LBB1_5-.Ltmp3, $4  }
0x2e: {  	v3 =	vld [tilespmem:s21+$0x10];
	[tilespmem:v0+s20+$0x30 ss:$0x1] =	vst.idx.msk $0xffff, v4  }
0x2f: {  	[tilespmem:v0+s20+$0xFFFFFFD0 ss:$0x1] =	vst.idx.msk $0xffff, v6;
	v5 =	vld [tilespmem:s21+$0x20]  }
0x30: {  	v2 =	vld [tilespmem:s21+$0xFFFFFFC0];
	[tilespmem:v0+s20+$0xFFFFFFE0 ss:$0x1] =	vst.idx.msk $0xffff, v7;
	s21 =	sadd.s32 $0x80, s21  }
0x31: {  	s23 =	sadd.s32 $0x800, s23;
	v4 =	vld [tilespmem:s21+$0x30];
	[tilespmem:v0+s20+$0xFFFFFFF0 ss:$0x1] =	vst.idx.msk $0xffff, v8  }
0x32: {  	_ =	sdelay $0x3  }
0x33: {  	v6 =	vld [tilespmem:s21+$0xFFFFFFD0];
	[tilespmem:v0+s20+$0x0 ss:$0x1] =	vst.idx.msk $0xffff, v1  }
0x34: {  	v58 =	vld [tilespmem:s21+$0xFFFFFFE0];
	[tilespmem:v0+s20+$0x10 ss:$0x1] =	vst.idx.msk $0xffff, v3  }
0x35: {  	v59 =	vld [tilespmem:s21+$0xFFFFFFF0];
	[tilespmem:v0+s20+$0x20 ss:$0x1] =	vst.idx.msk $0xffff, v5  }
0x36: {  	s22 =	sshra.s32 s22, $0x2;
	v60 =	vld [tilespmem:s21+$0x0];
	[tilespmem:v0+s20+$0xFFFFFFC0 ss:$0x1] =	vst.idx.msk $0xffff, v2  }
0x37: {  	v61 =	vld [tilespmem:s21+$0x10];
	[tilespmem:v0+s22+$0x30 ss:$0x1] =	vst.idx.msk $0xffff, v4  }
0x38: {  	v62 =	vld [tilespmem:s21+$0x20];
	s19 =	sadd.s32 $0x1, s19;
	[tilespmem:v0+s22+$0xFFFFFFD0 ss:$0x1] =	vst.idx.msk $0xffff, v6  }
0x39: {  	v63 =	vld [tilespmem:s21+$0xFFFFFFC0];
	p0 =	sne.s32 s19, $0x4;
	[tilespmem:v0+s22+$0xFFFFFFE0 ss:$0x1] =	vst.idx.msk $0xffff, v58  }
.Ltmp4:
0x3a: {  	[tilespmem:v0+s22+$0xFFFFFFF0 ss:$0x1] =	vst.idx.msk $0xffff, v59;
	(pc) =	sbr.rel @p0 .LBB1_4-.Ltmp4, $4  }
0x3b: {  	[tilespmem:v0+s22+$0x0 ss:$0x1] =	vst.idx.msk $0xffff, v60  }
0x3c: {  	[tilespmem:v0+s22+$0x10 ss:$0x1] =	vst.idx.msk $0xffff, v61  }
0x3d: {  	[tilespmem:v0+s22+$0x20 ss:$0x1] =	vst.idx.msk $0xffff, v62  }
0x3e: {  	s18 =	sadd.s32 $0x400, s18;
	s17 =	sadd.s32 $0x80, s17;
	[tilespmem:v0+s22+$0xFFFFFFC0 ss:$0x1] =	vst.idx.msk $0xffff, v63  }
0x3f: {  	s16 =	sadd.s32 $0x1, s16  }
0x40: {  	p0 =	sne.s32 s16, $0x4  }
.Ltmp5:
0x41: {  	_ = 	snop;
	(pc) =	sbr.rel @p0 .LBB1_3-.Ltmp5, $2  }
0x42: {  	_ =	sdelay $0x2  }
0x43: {  	s13 =	sadd.s32 $0x1000, s13;
	s14 =	sadd.s32 $0x1000, s14  }
.Ltmp6:
0x44: {  	(pc) =	sbr.rel .LBB1_9-.Ltmp6, $4  }
0x45: {  	_ = 	snop  }
0x46: {  	s12 =	sshll.u32 s12, $0x9  }
0x47: {  	s12 =	sadd.s32 s4, s12  }
0x48: {  	[hbm4b:s12+s8] =	stream.linear.scatter [tilespmem:s15], [sflag:$0x2], $0x4000, $0x38;
	[tilespmem:$0x10000] =	vst v63  }
.LBB1_10:
0x49: {  	_ =	sfence.sel $0x180000  }
0x4a: {  	s2 =	simm.s32 $0x1;
	[bflag:$0x0] =	sbarrier.arrive $0xFFFF  }
0x4b: {  	s31 =	simm.s32 $0x2;
	[sflag:s2] =	ssyncpa.u1 $0x1  }
0x4c: {  	[sflag:s31] =	ssyncpa.u1 $0x1  }
0x4d: {  	p0 =	sne.s32 s0, $0x0;
	_ =	strace $0x90000047  }
0x4e: {  	s0 =	sadd.s32 @!p0 $0x100000, s1;
	[bflag:$0x2] =	sbarrier.arrive $0xFFFF  }
0x4f: {  	[sflag:s0] =	ssyncadd.tile.s32 @!p0 $0x1;
	_ =	shalt  }
.Lfunc_end1:
_tile_overlayer_lowered:
.L_overlay_start_2:
0x50: {  	(tag) =	ssettag $0x2  }
0x51: {  	s0 =	rddreg [dreg:$0x0];
	s2 =	stileid.u32  }
0x52: {  	s1 =	rddreg [dreg:$0x1];
	p0 =	sne.s32 s2, $0x0  }
0x53: {  	s3 =	rddreg [dreg:$0x2];
	[bflag:$0x3] =	sbarrier.arrive $0xFFFF;
	s2 =	simm.s32 @!p0 $0x1C01  }
0x54: {  	[timem:s3], [sflag:s2] =	dma.local @!p0 [hbm:s0], s1  }
0x55: {  	s0 =	simm.s32 @!p0 $0x1  }
0x56: {  	_ =	swait.ge @!p0 [sflag:s0], s1  }
0x57: {  	s1 =	ssub.s32 @!p0 $0x0, s1;
	[sflag:s0] =	ssyncset.done @!p0 $0x0  }
0x58: {  	[sflag:s0] =	ssyncadd.s32 @!p0 s1  }
0x59: {  	[bflag:$0x3] =	sbarrier.arrive $0xFFFF  }
0x5a: {  	_ =	shalt  }

</sc_bundles>
